<compile_context>
chip_gen: v7x
topology: tpu7x:2x2x1
jax: 0.10.2.dev20260603
libtpu: 0.0.44.dev20260713+nightly
codegen_flags: <defaults>
</compile_context>

<pallas_src>
import functools

import jax
import jax.numpy as jnp
from jax import lax
from jax.experimental import pallas as pl
from jax.experimental.pallas import tpu as pltpu
from jax.experimental.pallas import tpu_sc as plsc

N = 10000
D = 128
E = 320000
NC = 2
NS = 16
NW = NC * NS
DH = 64
NP = 2
CHUNK = 128
RPW = 80
EP = NW * RPW * CHUNK
ROWS = EP // CHUNK
ACC_ROWS = 10240
CNT_ROWS = 10240
CNT_PW = CNT_ROWS // NS
APW = ACC_ROWS // NS
XPW = N // NS


def _agg_body(x0_hbm, x1_hbm, idx_hbm, sum_out, cnt_out,
              ibuf, rows0, rows1, ones_b, cnt_buf,
              xs, acc, cnts,
              isem0, isem1, isem2, isem3, gsem0, gsem1, csem0, csem1):
    c = lax.axis_index("c")
    s = lax.axis_index("s")
    wid = s * NC + c
    r0 = wid * RPW
    isems = (isem0, isem1, isem2, isem3)
    gbufs = ((rows0, gsem0), (rows1, gsem1))
    csems = (csem0, csem1)
    base = s * APW
    xbase = s * XPW

    z16 = jnp.zeros((16,), jnp.float32)
    o16 = jnp.ones((16,), jnp.float32)
    for k in range(CHUNK // 16):
        ones_b[pl.ds(k * 16, 16)] = o16

    def zcnt(i, _):
        cnt_buf[pl.ds(i * 16, 16)] = z16
        return _
    lax.fori_loop(0, CNT_PW // 16, zcnt, None)
    pltpu.sync_copy(cnt_buf, cnts.at[pl.ds(s * CNT_PW, CNT_PW)])

    def zero_rows0():
        def zrow(r, _):
            for k in range(DH // 16):
                rows0[r, pl.ds(k * 16, 16)] = z16
            return _
        lax.fori_loop(0, CHUNK, zrow, None)

    def zero_acc():
        for k in range(APW // CHUNK):
            pltpu.sync_copy(rows0, acc.at[pl.ds(base + k * CHUNK, CHUNK)])

    def stage_x(xh):
        for k in range(5):
            off = xbase + k * 125
            pltpu.sync_copy(xh.at[pl.ds(off, 125)], rows1.at[pl.ds(0, 125)])
            pltpu.sync_copy(rows1.at[pl.ds(0, 125)], xs.at[pl.ds(off, 125)])

    def idesc(r, b):
        return pltpu.make_async_copy(idx_hbm.at[r0 + r], ibuf.at[b], isems[b])

    def gdesc(b, gb):
        rows, sem = gbufs[gb]
        return pltpu.make_async_copy(xs.at[ibuf.at[b, 0]], rows, sem)

    def cdesc(b, gb):
        return pltpu.make_async_copy(ones_b, cnts.at[ibuf.at[b, 1]], csems[gb])

    for p, xh in enumerate((x0_hbm, x1_hbm)):
        zero_rows0()
        zero_acc()
        stage_x(xh)
        plsc.subcore_barrier()

        idesc(0, 0).start()
        idesc(1, 1).start()
        idesc(0, 0).wait()
        gdesc(0, 0).start()

        def outer(m, _):
            for b in range(4):
                r = m * 4 + b
                bp1 = (b + 1) % 4
                gb, gbn = b % 2, (b + 1) % 2

                @pl.when(r + 2 < RPW)
                def _pf_idx():
                    idesc(r + 2, (b + 2) % 4).start()

                @pl.when(r + 1 < RPW)
                def _next_gather():
                    idesc(r + 1, bp1).wait()
                    gdesc(bp1, gbn).start()

                gdesc(b, gb).wait()
                if p == 0:
                    @pl.when(r >= 1)
                    def _drain_cnt():
                        cdesc((b - 1) % 4, gbn).wait()
                rows = gbufs[gb][0]
                didx = ibuf.at[b, 1]
                pltpu.sync_copy(rows, acc.at[didx], add=True)
                if p == 0:
                    pltpu.async_copy(ones_b, cnts.at[didx], csems[gb], add=True)
            return _
        lax.fori_loop(0, RPW // 4, outer, None)
        if p == 0:
            cdesc(3, 1).wait()

        plsc.subcore_barrier()

        for k in range(APW // CHUNK):
            off = base + k * CHUNK
            pltpu.sync_copy(acc.at[pl.ds(off, CHUNK)], rows0)
            pltpu.sync_copy(rows0, sum_out.at[p].at[c].at[pl.ds(off, CHUNK)])
        if p == 0:
            pltpu.sync_copy(cnts.at[pl.ds(s * CNT_PW, CNT_PW)], cnt_buf)
            pltpu.sync_copy(cnt_buf, cnt_out.at[c].at[pl.ds(s * CNT_PW, CNT_PW)])
            plsc.subcore_barrier()


@jax.jit
def _aggregate(x0, x1, idx2):
    mesh = plsc.VectorSubcoreMesh(core_axis_name="c", subcore_axis_name="s")
    f = pl.kernel(
        _agg_body,
        out_type=[
            jax.ShapeDtypeStruct((NP, NC, ACC_ROWS, DH), jnp.float32),
            jax.ShapeDtypeStruct((NC, CNT_ROWS), jnp.float32),
        ],
        mesh=mesh,
        scratch_types=[
            pltpu.VMEM((4, 2, CHUNK), jnp.int32),
            pltpu.VMEM((CHUNK, DH), jnp.float32),
            pltpu.VMEM((CHUNK, DH), jnp.float32),
            pltpu.VMEM((CHUNK,), jnp.float32),
            pltpu.VMEM((CNT_PW,), jnp.float32),
            pltpu.VMEM_SHARED((N, DH), jnp.float32),
            pltpu.VMEM_SHARED((ACC_ROWS, DH), jnp.float32),
            pltpu.VMEM_SHARED((CNT_ROWS,), jnp.float32),
        ] + [pltpu.SemaphoreType.DMA] * 8,
        compiler_params=pltpu.CompilerParams(use_tc_tiling_on_sc=False),
    )
    return f(x0, x1, idx2)


def _tc_body(sum_ref, cnt_ref, x_ref, wlt0_ref, wlt1_ref, wrt_ref, b_ref, o_ref):
    t0 = sum_ref[0, 0] + sum_ref[0, 1]
    t1 = sum_ref[1, 0] + sum_ref[1, 1]
    cnt = cnt_ref[0] + cnt_ref[1]
    rec = 1.0 / jnp.maximum(cnt, 1.0)
    o_ref[...] = (
        jnp.dot(t0 * rec, wlt0_ref[...], preferred_element_type=jnp.float32)
        + jnp.dot(t1 * rec, wlt1_ref[...], preferred_element_type=jnp.float32)
        + jnp.dot(x_ref[...], wrt_ref[...], preferred_element_type=jnp.float32)
        + b_ref[...]
    )


@jax.jit
def _combine(summed, cnt, x, wlt0, wlt1, wrt, b):
    blk = 1000
    grid = N // blk
    return pl.pallas_call(
        _tc_body,
        grid=(grid,),
        in_specs=[
            pl.BlockSpec((NP, NC, blk, DH), lambda i: (0, 0, i, 0)),
            pl.BlockSpec((NC, blk, 1), lambda i: (0, i, 0)),
            pl.BlockSpec((blk, D), lambda i: (i, 0)),
            pl.BlockSpec((DH, D), lambda i: (0, 0)),
            pl.BlockSpec((DH, D), lambda i: (0, 0)),
            pl.BlockSpec((D, D), lambda i: (0, 0)),
            pl.BlockSpec((1, D), lambda i: (0, 0)),
        ],
        out_specs=pl.BlockSpec((blk, D), lambda i: (i, 0)),
        out_shape=jax.ShapeDtypeStruct((N, D), jnp.float32),
    )(summed, cnt, x, wlt0, wlt1, wrt, b)


def kernel(x, edge_index, W_l, b_l, W_r):
    src = edge_index[0].astype(jnp.int32)
    dst = edge_index[1].astype(jnp.int32)
    pad = EP - E
    src2 = jnp.concatenate([src, jnp.zeros((pad,), jnp.int32)]).reshape(ROWS, CHUNK)
    dst2 = jnp.concatenate([dst, jnp.full((pad,), N, jnp.int32)]).reshape(ROWS, CHUNK)
    idx2 = jnp.stack([src2, dst2], axis=1)
    wlt = W_l.T
    summed, cnts = _aggregate(x[:, :DH], x[:, DH:], idx2)
    cnt = cnts[:, :N, None]
    return _combine(summed, cnt, x, wlt[:DH], wlt[DH:], W_r.T, b_l.reshape(1, D))

# --- scband reference (transcript-rebuilt; emitter-appended) ---
"""Pipeline reference for scband-gnn-24249385353613 (READ-ONLY COPY).

The authoritative reference and input builder live on the scoring server;
editing this copy changes nothing except your own understanding.
"""

import jax, jax.numpy as jnp
import numpy as np

N = 10000
E = 320000
D_IN = 128
D_OUT = 128


def setup_inputs(seed: int = 0) -> dict:
    key = jax.random.key(seed)
    k_x, k_ei, k_wl, k_bl, k_wr = jax.random.split(key, 5)
    x = jax.random.normal(k_x, (N, D_IN), dtype=jnp.float32)
    edge_index = jax.random.randint(k_ei, (2, E), 0, N, dtype=jnp.int64)
    # SAGEConv parameters: lin_l (applied to aggregated neighbors, with bias),
    # lin_r (root/self weight, no bias) -- matches PyG SAGEConv defaults.
    W_l = jax.random.normal(k_wl, (D_OUT, D_IN), dtype=jnp.float32) * 0.05
    b_l = jax.random.normal(k_bl, (D_OUT,), dtype=jnp.float32) * 0.05
    W_r = jax.random.normal(k_wr, (D_OUT, D_IN), dtype=jnp.float32) * 0.05
    return {"x": x, "edge_index": edge_index, "W_l": W_l, "b_l": b_l, "W_r": W_r}


def reference(x, edge_index, W_l, b_l, W_r):
    src = edge_index[0]
    dst = edge_index[1]
    # gather messages from source nodes
    msgs = jnp.take(x, src, axis=0)
    # mean aggregation at destination nodes (scatter-add + count)
    summed = jax.ops.segment_sum(msgs, dst, num_segments=N)
    counts = jax.ops.segment_sum(jnp.ones((E,), dtype=jnp.float32), dst, num_segments=N)
    mean = summed / jnp.clip(counts, 1.0)[:, None]
    # SAGEConv: out = lin_l(mean_aggr) + lin_r(x)
    out = mean @ W_l.T + b_l + x @ W_r.T
    return out

if __name__ == "__main__":
    import jax
    _d = setup_inputs()
    print(jax.jit(kernel)(*tuple(_d.values())))

</pallas_src>

<mosaic_0001>
#map = affine_map<(d0, d1) -> (0, 0)>
#map1 = affine_map<(d0, d1) -> (0, 0, 0)>
#map2 = affine_map<(d0, d1) -> (0, 0, 0, 0)>
module attributes {stable_mosaic.version = 14 : i64} {
  func.func @_agg_body(%arg0: i32, %arg1: i32, %arg2: memref<10000x64xf32, #tpu.memory_space<hbm>>, %arg3: memref<10000x64xf32, #tpu.memory_space<hbm>>, %arg4: memref<2560x2x128xi32, #tpu.memory_space<hbm>>, %arg5: memref<2x2x10240x64xf32, #tpu.memory_space<hbm>>, %arg6: memref<2x10240xf32, #tpu.memory_space<hbm>>, %arg7: memref<4x2x128xi32, #tpu.memory_space<vmem>>, %arg8: memref<128x64xf32, #tpu.memory_space<vmem>>, %arg9: memref<128x64xf32, #tpu.memory_space<vmem>>, %arg10: memref<128xf32, #tpu.memory_space<vmem>>, %arg11: memref<640xf32, #tpu.memory_space<vmem>>, %arg12: memref<10000x64xf32, #tpu.memory_space<vmem_shared>>, %arg13: memref<10240x64xf32, #tpu.memory_space<vmem_shared>>, %arg14: memref<10240xf32, #tpu.memory_space<vmem_shared>>, %arg15: memref<!tpu.dma_semaphore, #tpu.memory_space<semaphore_mem>>, %arg16: memref<!tpu.dma_semaphore, #tpu.memory_space<semaphore_mem>>, %arg17: memref<!tpu.dma_semaphore, #tpu.memory_space<semaphore_mem>>, %arg18: memref<!tpu.dma_semaphore, #tpu.memory_space<semaphore_mem>>, %arg19: memref<!tpu.dma_semaphore, #tpu.memory_space<semaphore_mem>>, %arg20: memref<!tpu.dma_semaphore, #tpu.memory_space<semaphore_mem>>, %arg21: memref<!tpu.dma_semaphore, #tpu.memory_space<semaphore_mem>>, %arg22: memref<!tpu.dma_semaphore, #tpu.memory_space<semaphore_mem>>) attributes {dimension_semantics = [#tpu.dimension_semantics<core_parallel>, #tpu.dimension_semantics<subcore_parallel>], iteration_bounds = array<i64: 2, 16>, scalar_prefetch = 0 : i64, scratch_operands = 16 : i64, tpu.core_type = #tpu.core_type<sc_vector_subcore>, window_params = [{transform_indices = #map}, {transform_indices = #map}, {transform_indices = #map1}, {transform_indices = #map2}, {transform_indices = #map}]} {
    %mul3A = arith.constant 2 : i32
    %mul3A_0 = arith.muli %arg1, %mul3A : i32
    %add3A = arith.addi %mul3A_0, %arg0 : i32
    %mul3A_1 = arith.constant 80 : i32
    %mul3A_2 = arith.muli %add3A, %mul3A_1 : i32
    %mul3A_3 = arith.constant 640 : i32
    %mul3A_4 = arith.muli %arg1, %mul3A_3 : i32
    %mul3A_5 = arith.constant 625 : i32
    %mul3A_6 = arith.muli %arg1, %mul3A_5 : i32
    %broadcast_in_dim3A = arith.constant 0.000000e+00 : f32
    %broadcast_in_dim3A_7 = vector.broadcast %broadcast_in_dim3A : f32 to vector<16xf32>
    %broadcast_in_dim3A_8 = arith.constant 1.000000e+00 : f32
    %broadcast_in_dim3A_9 = vector.broadcast %broadcast_in_dim3A_8 : f32 to vector<16xf32>
    %swap3A = arith.constant 0 : index
    %swap3A_10 = tpu.vector_load %arg10[%swap3A] {strides = array<i32>} : memref<128xf32, #tpu.memory_space<vmem>>, vector<16xf32>,
    %swap3A_11 = vector.shape_cast %swap3A_10 : vector<16xf32> to vector<16xf32>
    %swap3A_12 = vector.shape_cast %broadcast_in_dim3A_9 : vector<16xf32> to vector<16xf32>
    tpu.vector_store %arg10[%swap3A], %swap3A_12 {strides = array<i32>} : memref<128xf32, #tpu.memory_space<vmem>>, vector<16xf32>,
    %swap3A_13 = arith.constant 16 : index
    %swap3A_14 = tpu.vector_load %arg10[%swap3A_13] {strides = array<i32>} : memref<128xf32, #tpu.memory_space<vmem>>, vector<16xf32>,
    %swap3A_15 = vector.shape_cast %swap3A_14 : vector<16xf32> to vector<16xf32>
    %swap3A_16 = vector.shape_cast %broadcast_in_dim3A_9 : vector<16xf32> to vector<16xf32>
    tpu.vector_store %arg10[%swap3A_13], %swap3A_16 {strides = array<i32>} : memref<128xf32, #tpu.memory_space<vmem>>, vector<16xf32>,
    %swap3A_17 = arith.constant 32 : index
    %swap3A_18 = tpu.vector_load %arg10[%swap3A_17] {strides = array<i32>} : memref<128xf32, #tpu.memory_space<vmem>>, vector<16xf32>,
    %swap3A_19 = vector.shape_cast %swap3A_18 : vector<16xf32> to vector<16xf32>
    %swap3A_20 = vector.shape_cast %broadcast_in_dim3A_9 : vector<16xf32> to vector<16xf32>
    tpu.vector_store %arg10[%swap3A_17], %swap3A_20 {strides = array<i32>} : memref<128xf32, #tpu.memory_space<vmem>>, vector<16xf32>,
    %swap3A_21 = arith.constant 48 : index
    %swap3A_22 = tpu.vector_load %arg10[%swap3A_21] {strides = array<i32>} : memref<128xf32, #tpu.memory_space<vmem>>, vector<16xf32>,
    %swap3A_23 = vector.shape_cast %swap3A_22 : vector<16xf32> to vector<16xf32>
    %swap3A_24 = vector.shape_cast %broadcast_in_dim3A_9 : vector<16xf32> to vector<16xf32>
    tpu.vector_store %arg10[%swap3A_21], %swap3A_24 {strides = array<i32>} : memref<128xf32, #tpu.memory_space<vmem>>, vector<16xf32>,
    %swap3A_25 = arith.constant 64 : index
    %swap3A_26 = tpu.vector_load %arg10[%swap3A_25] {strides = array<i32>} : memref<128xf32, #tpu.memory_space<vmem>>, vector<16xf32>,
    %swap3A_27 = vector.shape_cast %swap3A_26 : vector<16xf32> to vector<16xf32>
    %swap3A_28 = vector.shape_cast %broadcast_in_dim3A_9 : vector<16xf32> to vector<16xf32>
    tpu.vector_store %arg10[%swap3A_25], %swap3A_28 {strides = array<i32>} : memref<128xf32, #tpu.memory_space<vmem>>, vector<16xf32>,
    %swap3A_29 = arith.constant 80 : index
    %swap3A_30 = tpu.vector_load %arg10[%swap3A_29] {strides = array<i32>} : memref<128xf32, #tpu.memory_space<vmem>>, vector<16xf32>,
    %swap3A_31 = vector.shape_cast %swap3A_30 : vector<16xf32> to vector<16xf32>
    %swap3A_32 = vector.shape_cast %broadcast_in_dim3A_9 : vector<16xf32> to vector<16xf32>
    tpu.vector_store %arg10[%swap3A_29], %swap3A_32 {strides = array<i32>} : memref<128xf32, #tpu.memory_space<vmem>>, vector<16xf32>,
    %swap3A_33 = arith.constant 96 : index
    %swap3A_34 = tpu.vector_load %arg10[%swap3A_33] {strides = array<i32>} : memref<128xf32, #tpu.memory_space<vmem>>, vector<16xf32>,
    %swap3A_35 = vector.shape_cast %swap3A_34 : vector<16xf32> to vector<16xf32>
    %swap3A_36 = vector.shape_cast %broadcast_in_dim3A_9 : vector<16xf32> to vector<16xf32>
    tpu.vector_store %arg10[%swap3A_33], %swap3A_36 {strides = array<i32>} : memref<128xf32, #tpu.memory_space<vmem>>, vector<16xf32>,
    %swap3A_37 = arith.constant 112 : index
    %swap3A_38 = tpu.vector_load %arg10[%swap3A_37] {strides = array<i32>} : memref<128xf32, #tpu.memory_space<vmem>>, vector<16xf32>,
    %swap3A_39 = vector.shape_cast %swap3A_38 : vector<16xf32> to vector<16xf32>
    %swap3A_40 = vector.shape_cast %broadcast_in_dim3A_9 : vector<16xf32> to vector<16xf32>
    tpu.vector_store %arg10[%swap3A_37], %swap3A_40 {strides = array<i32>} : memref<128xf32, #tpu.memory_space<vmem>>, vector<16xf32>,
    %scan3A = arith.constant 0 : i32
    %scan3A_41 = arith.constant 40 : i32
    %scan3A_42 = arith.addi %scan3A, %scan3A_41 : i32
    %scan3A_43 = arith.constant 1 : i32
    scf.for %scan3A_279 = %scan3A to %scan3A_42 step %scan3A_43  : i32 {
      %mul3A_280 = arith.constant 16 : i32
      %mul3A_281 = arith.muli %scan3A_279, %mul3A_280 : i32
      %swap3A_282 = arith.index_cast %mul3A_281 : i32 to index
      %swap3A_283 = tpu.vector_load %arg11[%swap3A_282] {strides = array<i32>} : memref<640xf32, #tpu.memory_space<vmem>>, vector<16xf32>,
      %swap3A_284 = vector.shape_cast %swap3A_283 : vector<16xf32> to vector<16xf32>
      %swap3A_285 = vector.shape_cast %broadcast_in_dim3A_7 : vector<16xf32> to vector<16xf32>
      tpu.vector_store %arg11[%swap3A_282], %swap3A_285 {strides = array<i32>} : memref<640xf32, #tpu.memory_space<vmem>>, vector<16xf32>,
    }
    %scan3A_44 = arith.constant 40 : i32
    %mul3A_45 = arith.constant 640 : i32
    %mul3A_46 = arith.muli %arg1, %mul3A_45 : i32
    "tpu.region"() ({
      %run_scoped3A_279 = tpu.sem_alloc : memref<!tpu.dma_semaphore, #tpu.memory_space<semaphore_mem>>
      %dma_start3A_280 = tpu.memref_slice %arg14[%mul3A_46] : memref<10240xf32, #tpu.memory_space<vmem_shared>> -> memref<640xf32, #tpu.memory_space<vmem_shared>>
      %dma_start3A_281 = tpu.memref_slice %arg14[%mul3A_46] : memref<10240xf32, #tpu.memory_space<vmem_shared>> -> memref<640xf32, #tpu.memory_space<vmem_shared>>
      tpu.enqueue_dma source(%arg11 : memref<640xf32, #tpu.memory_space<vmem>>) target(%dma_start3A_281 : memref<640xf32, #tpu.memory_space<vmem_shared>>) target_semaphore(%run_scoped3A_279 : memref<!tpu.dma_semaphore, #tpu.memory_space<semaphore_mem>>)
      %dma_wait3A_282 = tpu.memref_slice %arg14[%mul3A_46] : memref<10240xf32, #tpu.memory_space<vmem_shared>> -> memref<640xf32, #tpu.memory_space<vmem_shared>>
      %dma_wait3A_283 = tpu.memref_slice %arg14[%mul3A_46] : memref<10240xf32, #tpu.memory_space<vmem_shared>> -> memref<640xf32, #tpu.memory_space<vmem_shared>>
      tpu.wait_dma2 semaphore(%run_scoped3A_279 : memref<!tpu.dma_semaphore, #tpu.memory_space<semaphore_mem>>) src(%arg11 : memref<640xf32, #tpu.memory_space<vmem>>) dst(%dma_wait3A_283 : memref<640xf32, #tpu.memory_space<vmem_shared>>)
      tpu.yield
    }) : () -> ()
    %scan3A_47 = arith.constant 0 : i32
    %scan3A_48 = arith.constant 128 : i32
    %scan3A_49 = arith.addi %scan3A_47, %scan3A_48 : i32
    %scan3A_50 = arith.constant 1 : i32
    scf.for %scan3A_279 = %scan3A_47 to %scan3A_49 step %scan3A_50  : i32 {
      %swap3A_280 = arith.index_cast %scan3A_279 : i32 to index
      %swap3A_281 = arith.constant 0 : index
      %swap3A_282 = tpu.vector_load %arg8[%swap3A_280, %swap3A_281] {strides = array<i32>} : memref<128x64xf32, #tpu.memory_space<vmem>>, vector<1x16xf32>,
      %swap3A_283 = vector.shape_cast %swap3A_282 : vector<1x16xf32> to vector<16xf32>
      %swap3A_284 = vector.shape_cast %broadcast_in_dim3A_7 : vector<16xf32> to vector<1x16xf32>
      tpu.vector_store %arg8[%swap3A_280, %swap3A_281], %swap3A_284 {strides = array<i32>} : memref<128x64xf32, #tpu.memory_space<vmem>>, vector<1x16xf32>,
      %swap3A_285 = arith.index_cast %scan3A_279 : i32 to index
      %swap3A_286 = arith.constant 16 : index
      %swap3A_287 = tpu.vector_load %arg8[%swap3A_285, %swap3A_286] {strides = array<i32>} : memref<128x64xf32, #tpu.memory_space<vmem>>, vector<1x16xf32>,
      %swap3A_288 = vector.shape_cast %swap3A_287 : vector<1x16xf32> to vector<16xf32>
      %swap3A_289 = vector.shape_cast %broadcast_in_dim3A_7 : vector<16xf32> to vector<1x16xf32>
      tpu.vector_store %arg8[%swap3A_285, %swap3A_286], %swap3A_289 {strides = array<i32>} : memref<128x64xf32, #tpu.memory_space<vmem>>, vector<1x16xf32>,
      %swap3A_290 = arith.index_cast %scan3A_279 : i32 to index
      %swap3A_291 = arith.constant 32 : index
      %swap3A_292 = tpu.vector_load %arg8[%swap3A_290, %swap3A_291] {strides = array<i32>} : memref<128x64xf32, #tpu.memory_space<vmem>>, vector<1x16xf32>,
      %swap3A_293 = vector.shape_cast %swap3A_292 : vector<1x16xf32> to vector<16xf32>
      %swap3A_294 = vector.shape_cast %broadcast_in_dim3A_7 : vector<16xf32> to vector<1x16xf32>
      tpu.vector_store %arg8[%swap3A_290, %swap3A_291], %swap3A_294 {strides = array<i32>} : memref<128x64xf32, #tpu.memory_space<vmem>>, vector<1x16xf32>,
      %swap3A_295 = arith.index_cast %scan3A_279 : i32 to index
      %swap3A_296 = arith.constant 48 : index
      %swap3A_297 = tpu.vector_load %arg8[%swap3A_295, %swap3A_296] {strides = array<i32>} : memref<128x64xf32, #tpu.memory_space<vmem>>, vector<1x16xf32>,
      %swap3A_298 = vector.shape_cast %swap3A_297 : vector<1x16xf32> to vector<16xf32>
      %swap3A_299 = vector.shape_cast %broadcast_in_dim3A_7 : vector<16xf32> to vector<1x16xf32>
      tpu.vector_store %arg8[%swap3A_295, %swap3A_296], %swap3A_299 {strides = array<i32>} : memref<128x64xf32, #tpu.memory_space<vmem>>, vector<1x16xf32>,
    }
    %scan3A_51 = arith.constant 128 : i32
    %add3A_52 = arith.constant 0 : i32
    %add3A_53 = arith.addi %mul3A_4, %add3A_52 : i32
    "tpu.region"() ({
      %run_scoped3A_279 = tpu.sem_alloc : memref<!tpu.dma_semaphore, #tpu.memory_space<semaphore_mem>>
      %dma_start3A_280 = arith.constant 0 : i32
      %dma_start3A_281 = tpu.memref_slice %arg13[%add3A_53, %dma_start3A_280] : memref<10240x64xf32, #tpu.memory_space<vmem_shared>> -> memref<128x64xf32, #tpu.memory_space<vmem_shared>>
      %dma_start3A_282 = arith.constant 0 : i32
      %dma_start3A_283 = tpu.memref_slice %arg13[%add3A_53, %dma_start3A_282] : memref<10240x64xf32, #tpu.memory_space<vmem_shared>> -> memref<128x64xf32, #tpu.memory_space<vmem_shared>>
      tpu.enqueue_dma source(%arg8 : memref<128x64xf32, #tpu.memory_space<vmem>>) target(%dma_start3A_283 : memref<128x64xf32, #tpu.memory_space<vmem_shared>>) target_semaphore(%run_scoped3A_279 : memref<!tpu.dma_semaphore, #tpu.memory_space<semaphore_mem>>)
      %dma_wait3A_284 = arith.constant 0 : i32
      %dma_wait3A_285 = tpu.memref_slice %arg13[%add3A_53, %dma_wait3A_284] : memref<10240x64xf32, #tpu.memory_space<vmem_shared>> -> memref<128x64xf32, #tpu.memory_space<vmem_shared>>
      %dma_wait3A_286 = arith.constant 0 : i32
      %dma_wait3A_287 = tpu.memref_slice %arg13[%add3A_53, %dma_wait3A_286] : memref<10240x64xf32, #tpu.memory_space<vmem_shared>> -> memref<128x64xf32, #tpu.memory_space<vmem_shared>>
      tpu.wait_dma2 semaphore(%run_scoped3A_279 : memref<!tpu.dma_semaphore, #tpu.memory_space<semaphore_mem>>) src(%arg8 : memref<128x64xf32, #tpu.memory_space<vmem>>) dst(%dma_wait3A_287 : memref<128x64xf32, #tpu.memory_space<vmem_shared>>)
      tpu.yield
    }) : () -> ()
    %add3A_54 = arith.constant 128 : i32
    %add3A_55 = arith.addi %mul3A_4, %add3A_54 : i32
    "tpu.region"() ({
      %run_scoped3A_279 = tpu.sem_alloc : memref<!tpu.dma_semaphore, #tpu.memory_space<semaphore_mem>>
      %dma_start3A_280 = arith.constant 0 : i32
      %dma_start3A_281 = tpu.memref_slice %arg13[%add3A_55, %dma_start3A_280] : memref<10240x64xf32, #tpu.memory_space<vmem_shared>> -> memref<128x64xf32, #tpu.memory_space<vmem_shared>>
      %dma_start3A_282 = arith.constant 0 : i32
      %dma_start3A_283 = tpu.memref_slice %arg13[%add3A_55, %dma_start3A_282] : memref<10240x64xf32, #tpu.memory_space<vmem_shared>> -> memref<128x64xf32, #tpu.memory_space<vmem_shared>>
      tpu.enqueue_dma source(%arg8 : memref<128x64xf32, #tpu.memory_space<vmem>>) target(%dma_start3A_283 : memref<128x64xf32, #tpu.memory_space<vmem_shared>>) target_semaphore(%run_scoped3A_279 : memref<!tpu.dma_semaphore, #tpu.memory_space<semaphore_mem>>)
      %dma_wait3A_284 = arith.constant 0 : i32
      %dma_wait3A_285 = tpu.memref_slice %arg13[%add3A_55, %dma_wait3A_284] : memref<10240x64xf32, #tpu.memory_space<vmem_shared>> -> memref<128x64xf32, #tpu.memory_space<vmem_shared>>
      %dma_wait3A_286 = arith.constant 0 : i32
      %dma_wait3A_287 = tpu.memref_slice %arg13[%add3A_55, %dma_wait3A_286] : memref<10240x64xf32, #tpu.memory_space<vmem_shared>> -> memref<128x64xf32, #tpu.memory_space<vmem_shared>>
      tpu.wait_dma2 semaphore(%run_scoped3A_279 : memref<!tpu.dma_semaphore, #tpu.memory_space<semaphore_mem>>) src(%arg8 : memref<128x64xf32, #tpu.memory_space<vmem>>) dst(%dma_wait3A_287 : memref<128x64xf32, #tpu.memory_space<vmem_shared>>)
      tpu.yield
    }) : () -> ()
    %add3A_56 = arith.constant 256 : i32
    %add3A_57 = arith.addi %mul3A_4, %add3A_56 : i32
    "tpu.region"() ({
      %run_scoped3A_279 = tpu.sem_alloc : memref<!tpu.dma_semaphore, #tpu.memory_space<semaphore_mem>>
      %dma_start3A_280 = arith.constant 0 : i32
      %dma_start3A_281 = tpu.memref_slice %arg13[%add3A_57, %dma_start3A_280] : memref<10240x64xf32, #tpu.memory_space<vmem_shared>> -> memref<128x64xf32, #tpu.memory_space<vmem_shared>>
      %dma_start3A_282 = arith.constant 0 : i32
      %dma_start3A_283 = tpu.memref_slice %arg13[%add3A_57, %dma_start3A_282] : memref<10240x64xf32, #tpu.memory_space<vmem_shared>> -> memref<128x64xf32, #tpu.memory_space<vmem_shared>>
      tpu.enqueue_dma source(%arg8 : memref<128x64xf32, #tpu.memory_space<vmem>>) target(%dma_start3A_283 : memref<128x64xf32, #tpu.memory_space<vmem_shared>>) target_semaphore(%run_scoped3A_279 : memref<!tpu.dma_semaphore, #tpu.memory_space<semaphore_mem>>)
      %dma_wait3A_284 = arith.constant 0 : i32
      %dma_wait3A_285 = tpu.memref_slice %arg13[%add3A_57, %dma_wait3A_284] : memref<10240x64xf32, #tpu.memory_space<vmem_shared>> -> memref<128x64xf32, #tpu.memory_space<vmem_shared>>
      %dma_wait3A_286 = arith.constant 0 : i32
      %dma_wait3A_287 = tpu.memref_slice %arg13[%add3A_57, %dma_wait3A_286] : memref<10240x64xf32, #tpu.memory_space<vmem_shared>> -> memref<128x64xf32, #tpu.memory_space<vmem_shared>>
      tpu.wait_dma2 semaphore(%run_scoped3A_279 : memref<!tpu.dma_semaphore, #tpu.memory_space<semaphore_mem>>) src(%arg8 : memref<128x64xf32, #tpu.memory_space<vmem>>) dst(%dma_wait3A_287 : memref<128x64xf32, #tpu.memory_space<vmem_shared>>)
      tpu.yield
    }) : () -> ()
    %add3A_58 = arith.constant 384 : i32
    %add3A_59 = arith.addi %mul3A_4, %add3A_58 : i32
    "tpu.region"() ({
      %run_scoped3A_279 = tpu.sem_alloc : memref<!tpu.dma_semaphore, #tpu.memory_space<semaphore_mem>>
      %dma_start3A_280 = arith.constant 0 : i32
      %dma_start3A_281 = tpu.memref_slice %arg13[%add3A_59, %dma_start3A_280] : memref<10240x64xf32, #tpu.memory_space<vmem_shared>> -> memref<128x64xf32, #tpu.memory_space<vmem_shared>>
      %dma_start3A_282 = arith.constant 0 : i32
      %dma_start3A_283 = tpu.memref_slice %arg13[%add3A_59, %dma_start3A_282] : memref<10240x64xf32, #tpu.memory_space<vmem_shared>> -> memref<128x64xf32, #tpu.memory_space<vmem_shared>>
      tpu.enqueue_dma source(%arg8 : memref<128x64xf32, #tpu.memory_space<vmem>>) target(%dma_start3A_283 : memref<128x64xf32, #tpu.memory_space<vmem_shared>>) target_semaphore(%run_scoped3A_279 : memref<!tpu.dma_semaphore, #tpu.memory_space<semaphore_mem>>)
      %dma_wait3A_284 = arith.constant 0 : i32
      %dma_wait3A_285 = tpu.memref_slice %arg13[%add3A_59, %dma_wait3A_284] : memref<10240x64xf32, #tpu.memory_space<vmem_shared>> -> memref<128x64xf32, #tpu.memory_space<vmem_shared>>
      %dma_wait3A_286 = arith.constant 0 : i32
      %dma_wait3A_287 = tpu.memref_slice %arg13[%add3A_59, %dma_wait3A_286] : memref<10240x64xf32, #tpu.memory_space<vmem_shared>> -> memref<128x64xf32, #tpu.memory_space<vmem_shared>>
      tpu.wait_dma2 semaphore(%run_scoped3A_279 : memref<!tpu.dma_semaphore, #tpu.memory_space<semaphore_mem>>) src(%arg8 : memref<128x64xf32, #tpu.memory_space<vmem>>) dst(%dma_wait3A_287 : memref<128x64xf32, #tpu.memory_space<vmem_shared>>)
      tpu.yield
    }) : () -> ()
    %add3A_60 = arith.constant 512 : i32
    %add3A_61 = arith.addi %mul3A_4, %add3A_60 : i32
    "tpu.region"() ({
      %run_scoped3A_279 = tpu.sem_alloc : memref<!tpu.dma_semaphore, #tpu.memory_space<semaphore_mem>>
      %dma_start3A_280 = arith.constant 0 : i32
      %dma_start3A_281 = tpu.memref_slice %arg13[%add3A_61, %dma_start3A_280] : memref<10240x64xf32, #tpu.memory_space<vmem_shared>> -> memref<128x64xf32, #tpu.memory_space<vmem_shared>>
      %dma_start3A_282 = arith.constant 0 : i32
      %dma_start3A_283 = tpu.memref_slice %arg13[%add3A_61, %dma_start3A_282] : memref<10240x64xf32, #tpu.memory_space<vmem_shared>> -> memref<128x64xf32, #tpu.memory_space<vmem_shared>>
      tpu.enqueue_dma source(%arg8 : memref<128x64xf32, #tpu.memory_space<vmem>>) target(%dma_start3A_283 : memref<128x64xf32, #tpu.memory_space<vmem_shared>>) target_semaphore(%run_scoped3A_279 : memref<!tpu.dma_semaphore, #tpu.memory_space<semaphore_mem>>)
      %dma_wait3A_284 = arith.constant 0 : i32
      %dma_wait3A_285 = tpu.memref_slice %arg13[%add3A_61, %dma_wait3A_284] : memref<10240x64xf32, #tpu.memory_space<vmem_shared>> -> memref<128x64xf32, #tpu.memory_space<vmem_shared>>
      %dma_wait3A_286 = arith.constant 0 : i32
      %dma_wait3A_287 = tpu.memref_slice %arg13[%add3A_61, %dma_wait3A_286] : memref<10240x64xf32, #tpu.memory_space<vmem_shared>> -> memref<128x64xf32, #tpu.memory_space<vmem_shared>>
      tpu.wait_dma2 semaphore(%run_scoped3A_279 : memref<!tpu.dma_semaphore, #tpu.memory_space<semaphore_mem>>) src(%arg8 : memref<128x64xf32, #tpu.memory_space<vmem>>) dst(%dma_wait3A_287 : memref<128x64xf32, #tpu.memory_space<vmem_shared>>)
      tpu.yield
    }) : () -> ()
    %add3A_62 = arith.constant 0 : i32
    %add3A_63 = arith.addi %mul3A_6, %add3A_62 : i32
    "tpu.region"() ({
      %run_scoped3A_279 = tpu.sem_alloc : memref<!tpu.dma_semaphore, #tpu.memory_space<semaphore_mem>>
      %dma_start3A_280 = arith.constant 0 : i32
      %dma_start3A_281 = arith.constant 0 : i32
      %dma_start3A_282 = tpu.memref_slice %arg9[%dma_start3A_280, %dma_start3A_281] : memref<128x64xf32, #tpu.memory_space<vmem>> -> memref<125x64xf32, #tpu.memory_space<vmem>>
      %dma_start3A_283 = arith.constant 0 : i32
      %dma_start3A_284 = tpu.memref_slice %arg2[%add3A_63, %dma_start3A_283] : memref<10000x64xf32, #tpu.memory_space<hbm>> -> memref<125x64xf32, #tpu.memory_space<hbm>>
      %dma_start3A_285 = arith.constant 0 : i32
      %dma_start3A_286 = arith.constant 0 : i32
      %dma_start3A_287 = tpu.memref_slice %arg9[%dma_start3A_285, %dma_start3A_286] : memref<128x64xf32, #tpu.memory_space<vmem>> -> memref<125x64xf32, #tpu.memory_space<vmem>>
      %dma_start3A_288 = arith.constant 0 : i32
      %dma_start3A_289 = tpu.memref_slice %arg2[%add3A_63, %dma_start3A_288] : memref<10000x64xf32, #tpu.memory_space<hbm>> -> memref<125x64xf32, #tpu.memory_space<hbm>>
      tpu.enqueue_dma source(%dma_start3A_289 : memref<125x64xf32, #tpu.memory_space<hbm>>) target(%dma_start3A_287 : memref<125x64xf32, #tpu.memory_space<vmem>>) target_semaphore(%run_scoped3A_279 : memref<!tpu.dma_semaphore, #tpu.memory_space<semaphore_mem>>)
      %dma_wait3A_290 = arith.constant 0 : i32
      %dma_wait3A_291 = arith.constant 0 : i32
      %dma_wait3A_292 = tpu.memref_slice %arg9[%dma_wait3A_290, %dma_wait3A_291] : memref<128x64xf32, #tpu.memory_space<vmem>> -> memref<125x64xf32, #tpu.memory_space<vmem>>
      %dma_wait3A_293 = arith.constant 0 : i32
      %dma_wait3A_294 = tpu.memref_slice %arg2[%add3A_63, %dma_wait3A_293] : memref<10000x64xf32, #tpu.memory_space<hbm>> -> memref<125x64xf32, #tpu.memory_space<hbm>>
      %dma_wait3A_295 = arith.constant 0 : i32
      %dma_wait3A_296 = arith.constant 0 : i32
      %dma_wait3A_297 = tpu.memref_slice %arg9[%dma_wait3A_295, %dma_wait3A_296] : memref<128x64xf32, #tpu.memory_space<vmem>> -> memref<125x64xf32, #tpu.memory_space<vmem>>
      %dma_wait3A_298 = arith.constant 0 : i32
      %dma_wait3A_299 = tpu.memref_slice %arg2[%add3A_63, %dma_wait3A_298] : memref<10000x64xf32, #tpu.memory_space<hbm>> -> memref<125x64xf32, #tpu.memory_space<hbm>>
      tpu.wait_dma2 semaphore(%run_scoped3A_279 : memref<!tpu.dma_semaphore, #tpu.memory_space<semaphore_mem>>) src(%dma_wait3A_299 : memref<125x64xf32, #tpu.memory_space<hbm>>) dst(%dma_wait3A_297 : memref<125x64xf32, #tpu.memory_space<vmem>>)
      tpu.yield
    }) : () -> ()
    "tpu.region"() ({
      %run_scoped3A_279 = tpu.sem_alloc : memref<!tpu.dma_semaphore, #tpu.memory_space<semaphore_mem>>
      %dma_start3A_280 = arith.constant 0 : i32
      %dma_start3A_281 = arith.constant 0 : i32
      %dma_start3A_282 = tpu.memref_slice %arg9[%dma_start3A_280, %dma_start3A_281] : memref<128x64xf32, #tpu.memory_space<vmem>> -> memref<125x64xf32, #tpu.memory_space<vmem>>
      %dma_start3A_283 = arith.constant 0 : i32
      %dma_start3A_284 = tpu.memref_slice %arg12[%add3A_63, %dma_start3A_283] : memref<10000x64xf32, #tpu.memory_space<vmem_shared>> -> memref<125x64xf32, #tpu.memory_space<vmem_shared>>
      %dma_start3A_285 = arith.constant 0 : i32
      %dma_start3A_286 = tpu.memref_slice %arg12[%add3A_63, %dma_start3A_285] : memref<10000x64xf32, #tpu.memory_space<vmem_shared>> -> memref<125x64xf32, #tpu.memory_space<vmem_shared>>
      %dma_start3A_287 = arith.constant 0 : i32
      %dma_start3A_288 = arith.constant 0 : i32
      %dma_start3A_289 = tpu.memref_slice %arg9[%dma_start3A_287, %dma_start3A_288] : memref<128x64xf32, #tpu.memory_space<vmem>> -> memref<125x64xf32, #tpu.memory_space<vmem>>
      tpu.enqueue_dma source(%dma_start3A_289 : memref<125x64xf32, #tpu.memory_space<vmem>>) target(%dma_start3A_286 : memref<125x64xf32, #tpu.memory_space<vmem_shared>>) target_semaphore(%run_scoped3A_279 : memref<!tpu.dma_semaphore, #tpu.memory_space<semaphore_mem>>)
      %dma_wait3A_290 = arith.constant 0 : i32
      %dma_wait3A_291 = arith.constant 0 : i32
      %dma_wait3A_292 = tpu.memref_slice %arg9[%dma_wait3A_290, %dma_wait3A_291] : memref<128x64xf32, #tpu.memory_space<vmem>> -> memref<125x64xf32, #tpu.memory_space<vmem>>
      %dma_wait3A_293 = arith.constant 0 : i32
      %dma_wait3A_294 = tpu.memref_slice %arg12[%add3A_63, %dma_wait3A_293] : memref<10000x64xf32, #tpu.memory_space<vmem_shared>> -> memref<125x64xf32, #tpu.memory_space<vmem_shared>>
      %dma_wait3A_295 = arith.constant 0 : i32
      %dma_wait3A_296 = tpu.memref_slice %arg12[%add3A_63, %dma_wait3A_295] : memref<10000x64xf32, #tpu.memory_space<vmem_shared>> -> memref<125x64xf32, #tpu.memory_space<vmem_shared>>
      %dma_wait3A_297 = arith.constant 0 : i32
      %dma_wait3A_298 = arith.constant 0 : i32
      %dma_wait3A_299 = tpu.memref_slice %arg9[%dma_wait3A_297, %dma_wait3A_298] : memref<128x64xf32, #tpu.memory_space<vmem>> -> memref<125x64xf32, #tpu.memory_space<vmem>>
      tpu.wait_dma2 semaphore(%run_scoped3A_279 : memref<!tpu.dma_semaphore, #tpu.memory_space<semaphore_mem>>) src(%dma_wait3A_299 : memref<125x64xf32, #tpu.memory_space<vmem>>) dst(%dma_wait3A_296 : memref<125x64xf32, #tpu.memory_space<vmem_shared>>)
      tpu.yield
    }) : () -> ()
    %add3A_64 = arith.constant 125 : i32
    %add3A_65 = arith.addi %mul3A_6, %add3A_64 : i32
    "tpu.region"() ({
      %run_scoped3A_279 = tpu.sem_alloc : memref<!tpu.dma_semaphore, #tpu.memory_space<semaphore_mem>>
      %dma_start3A_280 = arith.constant 0 : i32
      %dma_start3A_281 = arith.constant 0 : i32
      %dma_start3A_282 = tpu.memref_slice %arg9[%dma_start3A_280, %dma_start3A_281] : memref<128x64xf32, #tpu.memory_space<vmem>> -> memref<125x64xf32, #tpu.memory_space<vmem>>
      %dma_start3A_283 = arith.constant 0 : i32
      %dma_start3A_284 = tpu.memref_slice %arg2[%add3A_65, %dma_start3A_283] : memref<10000x64xf32, #tpu.memory_space<hbm>> -> memref<125x64xf32, #tpu.memory_space<hbm>>
      %dma_start3A_285 = arith.constant 0 : i32
      %dma_start3A_286 = arith.constant 0 : i32
      %dma_start3A_287 = tpu.memref_slice %arg9[%dma_start3A_285, %dma_start3A_286] : memref<128x64xf32, #tpu.memory_space<vmem>> -> memref<125x64xf32, #tpu.memory_space<vmem>>
      %dma_start3A_288 = arith.constant 0 : i32
      %dma_start3A_289 = tpu.memref_slice %arg2[%add3A_65, %dma_start3A_288] : memref<10000x64xf32, #tpu.memory_space<hbm>> -> memref<125x64xf32, #tpu.memory_space<hbm>>
      tpu.enqueue_dma source(%dma_start3A_289 : memref<125x64xf32, #tpu.memory_space<hbm>>) target(%dma_start3A_287 : memref<125x64xf32, #tpu.memory_space<vmem>>) target_semaphore(%run_scoped3A_279 : memref<!tpu.dma_semaphore, #tpu.memory_space<semaphore_mem>>)
      %dma_wait3A_290 = arith.constant 0 : i32
      %dma_wait3A_291 = arith.constant 0 : i32
      %dma_wait3A_292 = tpu.memref_slice %arg9[%dma_wait3A_290, %dma_wait3A_291] : memref<128x64xf32, #tpu.memory_space<vmem>> -> memref<125x64xf32, #tpu.memory_space<vmem>>
      %dma_wait3A_293 = arith.constant 0 : i32
      %dma_wait3A_294 = tpu.memref_slice %arg2[%add3A_65, %dma_wait3A_293] : memref<10000x64xf32, #tpu.memory_space<hbm>> -> memref<125x64xf32, #tpu.memory_space<hbm>>
      %dma_wait3A_295 = arith.constant 0 : i32
      %dma_wait3A_296 = arith.constant 0 : i32
      %dma_wait3A_297 = tpu.memref_slice %arg9[%dma_wait3A_295, %dma_wait3A_296] : memref<128x64xf32, #tpu.memory_space<vmem>> -> memref<125x64xf32, #tpu.memory_space<vmem>>
      %dma_wait3A_298 = arith.constant 0 : i32
      %dma_wait3A_299 = tpu.memref_slice %arg2[%add3A_65, %dma_wait3A_298] : memref<10000x64xf32, #tpu.memory_space<hbm>> -> memref<125x64xf32, #tpu.memory_space<hbm>>
      tpu.wait_dma2 semaphore(%run_scoped3A_279 : memref<!tpu.dma_semaphore, #tpu.memory_space<semaphore_mem>>) src(%dma_wait3A_299 : memref<125x64xf32, #tpu.memory_space<hbm>>) dst(%dma_wait3A_297 : memref<125x64xf32, #tpu.memory_space<vmem>>)
      tpu.yield
    }) : () -> ()
    "tpu.region"() ({
      %run_scoped3A_279 = tpu.sem_alloc : memref<!tpu.dma_semaphore, #tpu.memory_space<semaphore_mem>>
      %dma_start3A_280 = arith.constant 0 : i32
      %dma_start3A_281 = arith.constant 0 : i32
      %dma_start3A_282 = tpu.memref_slice %arg9[%dma_start3A_280, %dma_start3A_281] : memref<128x64xf32, #tpu.memory_space<vmem>> -> memref<125x64xf32, #tpu.memory_space<vmem>>
      %dma_start3A_283 = arith.constant 0 : i32
      %dma_start3A_284 = tpu.memref_slice %arg12[%add3A_65, %dma_start3A_283] : memref<10000x64xf32, #tpu.memory_space<vmem_shared>> -> memref<125x64xf32, #tpu.memory_space<vmem_shared>>
      %dma_start3A_285 = arith.constant 0 : i32
      %dma_start3A_286 = tpu.memref_slice %arg12[%add3A_65, %dma_start3A_285] : memref<10000x64xf32, #tpu.memory_space<vmem_shared>> -> memref<125x64xf32, #tpu.memory_space<vmem_shared>>
      %dma_start3A_287 = arith.constant 0 : i32
      %dma_start3A_288 = arith.constant 0 : i32
      %dma_start3A_289 = tpu.memref_slice %arg9[%dma_start3A_287, %dma_start3A_288] : memref<128x64xf32, #tpu.memory_space<vmem>> -> memref<125x64xf32, #tpu.memory_space<vmem>>
      tpu.enqueue_dma source(%dma_start3A_289 : memref<125x64xf32, #tpu.memory_space<vmem>>) target(%dma_start3A_286 : memref<125x64xf32, #tpu.memory_space<vmem_shared>>) target_semaphore(%run_scoped3A_279 : memref<!tpu.dma_semaphore, #tpu.memory_space<semaphore_mem>>)
      %dma_wait3A_290 = arith.constant 0 : i32
      %dma_wait3A_291 = arith.constant 0 : i32
      %dma_wait3A_292 = tpu.memref_slice %arg9[%dma_wait3A_290, %dma_wait3A_291] : memref<128x64xf32, #tpu.memory_space<vmem>> -> memref<125x64xf32, #tpu.memory_space<vmem>>
      %dma_wait3A_293 = arith.constant 0 : i32
      %dma_wait3A_294 = tpu.memref_slice %arg12[%add3A_65, %dma_wait3A_293] : memref<10000x64xf32, #tpu.memory_space<vmem_shared>> -> memref<125x64xf32, #tpu.memory_space<vmem_shared>>
      %dma_wait3A_295 = arith.constant 0 : i32
      %dma_wait3A_296 = tpu.memref_slice %arg12[%add3A_65, %dma_wait3A_295] : memref<10000x64xf32, #tpu.memory_space<vmem_shared>> -> memref<125x64xf32, #tpu.memory_space<vmem_shared>>
      %dma_wait3A_297 = arith.constant 0 : i32
      %dma_wait3A_298 = arith.constant 0 : i32
      %dma_wait3A_299 = tpu.memref_slice %arg9[%dma_wait3A_297, %dma_wait3A_298] : memref<128x64xf32, #tpu.memory_space<vmem>> -> memref<125x64xf32, #tpu.memory_space<vmem>>
      tpu.wait_dma2 semaphore(%run_scoped3A_279 : memref<!tpu.dma_semaphore, #tpu.memory_space<semaphore_mem>>) src(%dma_wait3A_299 : memref<125x64xf32, #tpu.memory_space<vmem>>) dst(%dma_wait3A_296 : memref<125x64xf32, #tpu.memory_space<vmem_shared>>)
      tpu.yield
    }) : () -> ()
    %add3A_66 = arith.constant 250 : i32
    %add3A_67 = arith.addi %mul3A_6, %add3A_66 : i32
    "tpu.region"() ({
      %run_scoped3A_279 = tpu.sem_alloc : memref<!tpu.dma_semaphore, #tpu.memory_space<semaphore_mem>>
      %dma_start3A_280 = arith.constant 0 : i32
      %dma_start3A_281 = arith.constant 0 : i32
      %dma_start3A_282 = tpu.memref_slice %arg9[%dma_start3A_280, %dma_start3A_281] : memref<128x64xf32, #tpu.memory_space<vmem>> -> memref<125x64xf32, #tpu.memory_space<vmem>>
      %dma_start3A_283 = arith.constant 0 : i32
      %dma_start3A_284 = tpu.memref_slice %arg2[%add3A_67, %dma_start3A_283] : memref<10000x64xf32, #tpu.memory_space<hbm>> -> memref<125x64xf32, #tpu.memory_space<hbm>>
      %dma_start3A_285 = arith.constant 0 : i32
      %dma_start3A_286 = arith.constant 0 : i32
      %dma_start3A_287 = tpu.memref_slice %arg9[%dma_start3A_285, %dma_start3A_286] : memref<128x64xf32, #tpu.memory_space<vmem>> -> memref<125x64xf32, #tpu.memory_space<vmem>>
      %dma_start3A_288 = arith.constant 0 : i32
      %dma_start3A_289 = tpu.memref_slice %arg2[%add3A_67, %dma_start3A_288] : memref<10000x64xf32, #tpu.memory_space<hbm>> -> memref<125x64xf32, #tpu.memory_space<hbm>>
      tpu.enqueue_dma source(%dma_start3A_289 : memref<125x64xf32, #tpu.memory_space<hbm>>) target(%dma_start3A_287 : memref<125x64xf32, #tpu.memory_space<vmem>>) target_semaphore(%run_scoped3A_279 : memref<!tpu.dma_semaphore, #tpu.memory_space<semaphore_mem>>)
      %dma_wait3A_290 = arith.constant 0 : i32
      %dma_wait3A_291 = arith.constant 0 : i32
      %dma_wait3A_292 = tpu.memref_slice %arg9[%dma_wait3A_290, %dma_wait3A_291] : memref<128x64xf32, #tpu.memory_space<vmem>> -> memref<125x64xf32, #tpu.memory_space<vmem>>
      %dma_wait3A_293 = arith.constant 0 : i32
      %dma_wait3A_294 = tpu.memref_slice %arg2[%add3A_67, %dma_wait3A_293] : memref<10000x64xf32, #tpu.memory_space<hbm>> -> memref<125x64xf32, #tpu.memory_space<hbm>>
      %dma_wait3A_295 = arith.constant 0 : i32
      %dma_wait3A_296 = arith.constant 0 : i32
      %dma_wait3A_297 = tpu.memref_slice %arg9[%dma_wait3A_295, %dma_wait3A_296] : memref<128x64xf32, #tpu.memory_space<vmem>> -> memref<125x64xf32, #tpu.memory_space<vmem>>
      %dma_wait3A_298 = arith.constant 0 : i32
      %dma_wait3A_299 = tpu.memref_slice %arg2[%add3A_67, %dma_wait3A_298] : memref<10000x64xf32, #tpu.memory_space<hbm>> -> memref<125x64xf32, #tpu.memory_space<hbm>>
      tpu.wait_dma2 semaphore(%run_scoped3A_279 : memref<!tpu.dma_semaphore, #tpu.memory_space<semaphore_mem>>) src(%dma_wait3A_299 : memref<125x64xf32, #tpu.memory_space<hbm>>) dst(%dma_wait3A_297 : memref<125x64xf32, #tpu.memory_space<vmem>>)
      tpu.yield
    }) : () -> ()
    "tpu.region"() ({
      %run_scoped3A_279 = tpu.sem_alloc : memref<!tpu.dma_semaphore, #tpu.memory_space<semaphore_mem>>
      %dma_start3A_280 = arith.constant 0 : i32
      %dma_start3A_281 = arith.constant 0 : i32
      %dma_start3A_282 = tpu.memref_slice %arg9[%dma_start3A_280, %dma_start3A_281] : memref<128x64xf32, #tpu.memory_space<vmem>> -> memref<125x64xf32, #tpu.memory_space<vmem>>
      %dma_start3A_283 = arith.constant 0 : i32
      %dma_start3A_284 = tpu.memref_slice %arg12[%add3A_67, %dma_start3A_283] : memref<10000x64xf32, #tpu.memory_space<vmem_shared>> -> memref<125x64xf32, #tpu.memory_space<vmem_shared>>
      %dma_start3A_285 = arith.constant 0 : i32
      %dma_start3A_286 = tpu.memref_slice %arg12[%add3A_67, %dma_start3A_285] : memref<10000x64xf32, #tpu.memory_space<vmem_shared>> -> memref<125x64xf32, #tpu.memory_space<vmem_shared>>
      %dma_start3A_287 = arith.constant 0 : i32
      %dma_start3A_288 = arith.constant 0 : i32
      %dma_start3A_289 = tpu.memref_slice %arg9[%dma_start3A_287, %dma_start3A_288] : memref<128x64xf32, #tpu.memory_space<vmem>> -> memref<125x64xf32, #tpu.memory_space<vmem>>
      tpu.enqueue_dma source(%dma_start3A_289 : memref<125x64xf32, #tpu.memory_space<vmem>>) target(%dma_start3A_286 : memref<125x64xf32, #tpu.memory_space<vmem_shared>>) target_semaphore(%run_scoped3A_279 : memref<!tpu.dma_semaphore, #tpu.memory_space<semaphore_mem>>)
      %dma_wait3A_290 = arith.constant 0 : i32
      %dma_wait3A_291 = arith.constant 0 : i32
      %dma_wait3A_292 = tpu.memref_slice %arg9[%dma_wait3A_290, %dma_wait3A_291] : memref<128x64xf32, #tpu.memory_space<vmem>> -> memref<125x64xf32, #tpu.memory_space<vmem>>
      %dma_wait3A_293 = arith.constant 0 : i32
      %dma_wait3A_294 = tpu.memref_slice %arg12[%add3A_67, %dma_wait3A_293] : memref<10000x64xf32, #tpu.memory_space<vmem_shared>> -> memref<125x64xf32, #tpu.memory_space<vmem_shared>>
      %dma_wait3A_295 = arith.constant 0 : i32
      %dma_wait3A_296 = tpu.memref_slice %arg12[%add3A_67, %dma_wait3A_295] : memref<10000x64xf32, #tpu.memory_space<vmem_shared>> -> memref<125x64xf32, #tpu.memory_space<vmem_shared>>
      %dma_wait3A_297 = arith.constant 0 : i32
      %dma_wait3A_298 = arith.constant 0 : i32
      %dma_wait3A_299 = tpu.memref_slice %arg9[%dma_wait3A_297, %dma_wait3A_298] : memref<128x64xf32, #tpu.memory_space<vmem>> -> memref<125x64xf32, #tpu.memory_space<vmem>>
      tpu.wait_dma2 semaphore(%run_scoped3A_279 : memref<!tpu.dma_semaphore, #tpu.memory_space<semaphore_mem>>) src(%dma_wait3A_299 : memref<125x64xf32, #tpu.memory_space<vmem>>) dst(%dma_wait3A_296 : memref<125x64xf32, #tpu.memory_space<vmem_shared>>)
      tpu.yield
    }) : () -> ()
    %add3A_68 = arith.constant 375 : i32
    %add3A_69 = arith.addi %mul3A_6, %add3A_68 : i32
    "tpu.region"() ({
      %run_scoped3A_279 = tpu.sem_alloc : memref<!tpu.dma_semaphore, #tpu.memory_space<semaphore_mem>>
      %dma_start3A_280 = arith.constant 0 : i32
      %dma_start3A_281 = arith.constant 0 : i32
      %dma_start3A_282 = tpu.memref_slice %arg9[%dma_start3A_280, %dma_start3A_281] : memref<128x64xf32, #tpu.memory_space<vmem>> -> memref<125x64xf32, #tpu.memory_space<vmem>>
      %dma_start3A_283 = arith.constant 0 : i32
      %dma_start3A_284 = tpu.memref_slice %arg2[%add3A_69, %dma_start3A_283] : memref<10000x64xf32, #tpu.memory_space<hbm>> -> memref<125x64xf32, #tpu.memory_space<hbm>>
      %dma_start3A_285 = arith.constant 0 : i32
      %dma_start3A_286 = arith.constant 0 : i32
      %dma_start3A_287 = tpu.memref_slice %arg9[%dma_start3A_285, %dma_start3A_286] : memref<128x64xf32, #tpu.memory_space<vmem>> -> memref<125x64xf32, #tpu.memory_space<vmem>>
      %dma_start3A_288 = arith.constant 0 : i32
      %dma_start3A_289 = tpu.memref_slice %arg2[%add3A_69, %dma_start3A_288] : memref<10000x64xf32, #tpu.memory_space<hbm>> -> memref<125x64xf32, #tpu.memory_space<hbm>>
      tpu.enqueue_dma source(%dma_start3A_289 : memref<125x64xf32, #tpu.memory_space<hbm>>) target(%dma_start3A_287 : memref<125x64xf32, #tpu.memory_space<vmem>>) target_semaphore(%run_scoped3A_279 : memref<!tpu.dma_semaphore, #tpu.memory_space<semaphore_mem>>)
      %dma_wait3A_290 = arith.constant 0 : i32
      %dma_wait3A_291 = arith.constant 0 : i32
      %dma_wait3A_292 = tpu.memref_slice %arg9[%dma_wait3A_290, %dma_wait3A_291] : memref<128x64xf32, #tpu.memory_space<vmem>> -> memref<125x64xf32, #tpu.memory_space<vmem>>
      %dma_wait3A_293 = arith.constant 0 : i32
      %dma_wait3A_294 = tpu.memref_slice %arg2[%add3A_69, %dma_wait3A_293] : memref<10000x64xf32, #tpu.memory_space<hbm>> -> memref<125x64xf32, #tpu.memory_space<hbm>>
      %dma_wait3A_295 = arith.constant 0 : i32
      %dma_wait3A_296 = arith.constant 0 : i32
      %dma_wait3A_297 = tpu.memref_slice %arg9[%dma_wait3A_295, %dma_wait3A_296] : memref<128x64xf32, #tpu.memory_space<vmem>> -> memref<125x64xf32, #tpu.memory_space<vmem>>
      %dma_wait3A_298 = arith.constant 0 : i32
      %dma_wait3A_299 = tpu.memref_slice %arg2[%add3A_69, %dma_wait3A_298] : memref<10000x64xf32, #tpu.memory_space<hbm>> -> memref<125x64xf32, #tpu.memory_space<hbm>>
      tpu.wait_dma2 semaphore(%run_scoped3A_279 : memref<!tpu.dma_semaphore, #tpu.memory_space<semaphore_mem>>) src(%dma_wait3A_299 : memref<125x64xf32, #tpu.memory_space<hbm>>) dst(%dma_wait3A_297 : memref<125x64xf32, #tpu.memory_space<vmem>>)
      tpu.yield
    }) : () -> ()
    "tpu.region"() ({
      %run_scoped3A_279 = tpu.sem_alloc : memref<!tpu.dma_semaphore, #tpu.memory_space<semaphore_mem>>
      %dma_start3A_280 = arith.constant 0 : i32
      %dma_start3A_281 = arith.constant 0 : i32
      %dma_start3A_282 = tpu.memref_slice %arg9[%dma_start3A_280, %dma_start3A_281] : memref<128x64xf32, #tpu.memory_space<vmem>> -> memref<125x64xf32, #tpu.memory_space<vmem>>
      %dma_start3A_283 = arith.constant 0 : i32
      %dma_start3A_284 = tpu.memref_slice %arg12[%add3A_69, %dma_start3A_283] : memref<10000x64xf32, #tpu.memory_space<vmem_shared>> -> memref<125x64xf32, #tpu.memory_space<vmem_shared>>
      %dma_start3A_285 = arith.constant 0 : i32
      %dma_start3A_286 = tpu.memref_slice %arg12[%add3A_69, %dma_start3A_285] : memref<10000x64xf32, #tpu.memory_space<vmem_shared>> -> memref<125x64xf32, #tpu.memory_space<vmem_shared>>
      %dma_start3A_287 = arith.constant 0 : i32
      %dma_start3A_288 = arith.constant 0 : i32
      %dma_start3A_289 = tpu.memref_slice %arg9[%dma_start3A_287, %dma_start3A_288] : memref<128x64xf32, #tpu.memory_space<vmem>> -> memref<125x64xf32, #tpu.memory_space<vmem>>
      tpu.enqueue_dma source(%dma_start3A_289 : memref<125x64xf32, #tpu.memory_space<vmem>>) target(%dma_start3A_286 : memref<125x64xf32, #tpu.memory_space<vmem_shared>>) target_semaphore(%run_scoped3A_279 : memref<!tpu.dma_semaphore, #tpu.memory_space<semaphore_mem>>)
      %dma_wait3A_290 = arith.constant 0 : i32
      %dma_wait3A_291 = arith.constant 0 : i32
      %dma_wait3A_292 = tpu.memref_slice %arg9[%dma_wait3A_290, %dma_wait3A_291] : memref<128x64xf32, #tpu.memory_space<vmem>> -> memref<125x64xf32, #tpu.memory_space<vmem>>
      %dma_wait3A_293 = arith.constant 0 : i32
      %dma_wait3A_294 = tpu.memref_slice %arg12[%add3A_69, %dma_wait3A_293] : memref<10000x64xf32, #tpu.memory_space<vmem_shared>> -> memref<125x64xf32, #tpu.memory_space<vmem_shared>>
      %dma_wait3A_295 = arith.constant 0 : i32
      %dma_wait3A_296 = tpu.memref_slice %arg12[%add3A_69, %dma_wait3A_295] : memref<10000x64xf32, #tpu.memory_space<vmem_shared>> -> memref<125x64xf32, #tpu.memory_space<vmem_shared>>
      %dma_wait3A_297 = arith.constant 0 : i32
      %dma_wait3A_298 = arith.constant 0 : i32
      %dma_wait3A_299 = tpu.memref_slice %arg9[%dma_wait3A_297, %dma_wait3A_298] : memref<128x64xf32, #tpu.memory_space<vmem>> -> memref<125x64xf32, #tpu.memory_space<vmem>>
      tpu.wait_dma2 semaphore(%run_scoped3A_279 : memref<!tpu.dma_semaphore, #tpu.memory_space<semaphore_mem>>) src(%dma_wait3A_299 : memref<125x64xf32, #tpu.memory_space<vmem>>) dst(%dma_wait3A_296 : memref<125x64xf32, #tpu.memory_space<vmem_shared>>)
      tpu.yield
    }) : () -> ()
    %add3A_70 = arith.constant 500 : i32
    %add3A_71 = arith.addi %mul3A_6, %add3A_70 : i32
    "tpu.region"() ({
      %run_scoped3A_279 = tpu.sem_alloc : memref<!tpu.dma_semaphore, #tpu.memory_space<semaphore_mem>>
      %dma_start3A_280 = arith.constant 0 : i32
      %dma_start3A_281 = arith.constant 0 : i32
      %dma_start3A_282 = tpu.memref_slice %arg9[%dma_start3A_280, %dma_start3A_281] : memref<128x64xf32, #tpu.memory_space<vmem>> -> memref<125x64xf32, #tpu.memory_space<vmem>>
      %dma_start3A_283 = arith.constant 0 : i32
      %dma_start3A_284 = tpu.memref_slice %arg2[%add3A_71, %dma_start3A_283] : memref<10000x64xf32, #tpu.memory_space<hbm>> -> memref<125x64xf32, #tpu.memory_space<hbm>>
      %dma_start3A_285 = arith.constant 0 : i32
      %dma_start3A_286 = arith.constant 0 : i32
      %dma_start3A_287 = tpu.memref_slice %arg9[%dma_start3A_285, %dma_start3A_286] : memref<128x64xf32, #tpu.memory_space<vmem>> -> memref<125x64xf32, #tpu.memory_space<vmem>>
      %dma_start3A_288 = arith.constant 0 : i32
      %dma_start3A_289 = tpu.memref_slice %arg2[%add3A_71, %dma_start3A_288] : memref<10000x64xf32, #tpu.memory_space<hbm>> -> memref<125x64xf32, #tpu.memory_space<hbm>>
      tpu.enqueue_dma source(%dma_start3A_289 : memref<125x64xf32, #tpu.memory_space<hbm>>) target(%dma_start3A_287 : memref<125x64xf32, #tpu.memory_space<vmem>>) target_semaphore(%run_scoped3A_279 : memref<!tpu.dma_semaphore, #tpu.memory_space<semaphore_mem>>)
      %dma_wait3A_290 = arith.constant 0 : i32
      %dma_wait3A_291 = arith.constant 0 : i32
      %dma_wait3A_292 = tpu.memref_slice %arg9[%dma_wait3A_290, %dma_wait3A_291] : memref<128x64xf32, #tpu.memory_space<vmem>> -> memref<125x64xf32, #tpu.memory_space<vmem>>
      %dma_wait3A_293 = arith.constant 0 : i32
      %dma_wait3A_294 = tpu.memref_slice %arg2[%add3A_71, %dma_wait3A_293] : memref<10000x64xf32, #tpu.memory_space<hbm>> -> memref<125x64xf32, #tpu.memory_space<hbm>>
      %dma_wait3A_295 = arith.constant 0 : i32
      %dma_wait3A_296 = arith.constant 0 : i32
      %dma_wait3A_297 = tpu.memref_slice %arg9[%dma_wait3A_295, %dma_wait3A_296] : memref<128x64xf32, #tpu.memory_space<vmem>> -> memref<125x64xf32, #tpu.memory_space<vmem>>
      %dma_wait3A_298 = arith.constant 0 : i32
      %dma_wait3A_299 = tpu.memref_slice %arg2[%add3A_71, %dma_wait3A_298] : memref<10000x64xf32, #tpu.memory_space<hbm>> -> memref<125x64xf32, #tpu.memory_space<hbm>>
      tpu.wait_dma2 semaphore(%run_scoped3A_279 : memref<!tpu.dma_semaphore, #tpu.memory_space<semaphore_mem>>) src(%dma_wait3A_299 : memref<125x64xf32, #tpu.memory_space<hbm>>) dst(%dma_wait3A_297 : memref<125x64xf32, #tpu.memory_space<vmem>>)
      tpu.yield
    }) : () -> ()
    "tpu.region"() ({
      %run_scoped3A_279 = tpu.sem_alloc : memref<!tpu.dma_semaphore, #tpu.memory_space<semaphore_mem>>
      %dma_start3A_280 = arith.constant 0 : i32
      %dma_start3A_281 = arith.constant 0 : i32
      %dma_start3A_282 = tpu.memref_slice %arg9[%dma_start3A_280, %dma_start3A_281] : memref<128x64xf32, #tpu.memory_space<vmem>> -> memref<125x64xf32, #tpu.memory_space<vmem>>
      %dma_start3A_283 = arith.constant 0 : i32
      %dma_start3A_284 = tpu.memref_slice %arg12[%add3A_71, %dma_start3A_283] : memref<10000x64xf32, #tpu.memory_space<vmem_shared>> -> memref<125x64xf32, #tpu.memory_space<vmem_shared>>
      %dma_start3A_285 = arith.constant 0 : i32
      %dma_start3A_286 = tpu.memref_slice %arg12[%add3A_71, %dma_start3A_285] : memref<10000x64xf32, #tpu.memory_space<vmem_shared>> -> memref<125x64xf32, #tpu.memory_space<vmem_shared>>
      %dma_start3A_287 = arith.constant 0 : i32
      %dma_start3A_288 = arith.constant 0 : i32
      %dma_start3A_289 = tpu.memref_slice %arg9[%dma_start3A_287, %dma_start3A_288] : memref<128x64xf32, #tpu.memory_space<vmem>> -> memref<125x64xf32, #tpu.memory_space<vmem>>
      tpu.enqueue_dma source(%dma_start3A_289 : memref<125x64xf32, #tpu.memory_space<vmem>>) target(%dma_start3A_286 : memref<125x64xf32, #tpu.memory_space<vmem_shared>>) target_semaphore(%run_scoped3A_279 : memref<!tpu.dma_semaphore, #tpu.memory_space<semaphore_mem>>)
      %dma_wait3A_290 = arith.constant 0 : i32
      %dma_wait3A_291 = arith.constant 0 : i32
      %dma_wait3A_292 = tpu.memref_slice %arg9[%dma_wait3A_290, %dma_wait3A_291] : memref<128x64xf32, #tpu.memory_space<vmem>> -> memref<125x64xf32, #tpu.memory_space<vmem>>
      %dma_wait3A_293 = arith.constant 0 : i32
      %dma_wait3A_294 = tpu.memref_slice %arg12[%add3A_71, %dma_wait3A_293] : memref<10000x64xf32, #tpu.memory_space<vmem_shared>> -> memref<125x64xf32, #tpu.memory_space<vmem_shared>>
      %dma_wait3A_295 = arith.constant 0 : i32
      %dma_wait3A_296 = tpu.memref_slice %arg12[%add3A_71, %dma_wait3A_295] : memref<10000x64xf32, #tpu.memory_space<vmem_shared>> -> memref<125x64xf32, #tpu.memory_space<vmem_shared>>
      %dma_wait3A_297 = arith.constant 0 : i32
      %dma_wait3A_298 = arith.constant 0 : i32
      %dma_wait3A_299 = tpu.memref_slice %arg9[%dma_wait3A_297, %dma_wait3A_298] : memref<128x64xf32, #tpu.memory_space<vmem>> -> memref<125x64xf32, #tpu.memory_space<vmem>>
      tpu.wait_dma2 semaphore(%run_scoped3A_279 : memref<!tpu.dma_semaphore, #tpu.memory_space<semaphore_mem>>) src(%dma_wait3A_299 : memref<125x64xf32, #tpu.memory_space<vmem>>) dst(%dma_wait3A_296 : memref<125x64xf32, #tpu.memory_space<vmem_shared>>)
      tpu.yield
    }) : () -> ()
    %barrier3A = arith.constant 0 : index
    tpu.barrier barrier_id(%barrier3A)
    %add3A_72 = arith.constant 0 : i32
    %add3A_73 = arith.addi %mul3A_2, %add3A_72 : i32
    %dma_start3A = arith.constant 0 : i32
    %dma_start3A_74 = arith.constant 0 : i32
    %dma_start3A_75 = arith.constant 0 : i32
    %dma_start3A_76 = tpu.memref_slice %arg7[%dma_start3A, %dma_start3A_74, %dma_start3A_75] : memref<4x2x128xi32, #tpu.memory_space<vmem>> -> memref<1x2x128xi32, #tpu.memory_space<vmem>>
    %dma_start3A_77 = tpu.memref_squeeze %dma_start3A_76 : memref<1x2x128xi32, #tpu.memory_space<vmem>> -> memref<2x128xi32, #tpu.memory_space<vmem>>
    %dma_start3A_78 = arith.constant 0 : i32
    %dma_start3A_79 = arith.constant 0 : i32
    %dma_start3A_80 = tpu.memref_slice %arg4[%add3A_73, %dma_start3A_78, %dma_start3A_79] : memref<2560x2x128xi32, #tpu.memory_space<hbm>> -> memref<1x2x128xi32, #tpu.memory_space<hbm>>
    %dma_start3A_81 = tpu.memref_squeeze %dma_start3A_80 : memref<1x2x128xi32, #tpu.memory_space<hbm>> -> memref<2x128xi32, #tpu.memory_space<hbm>>
    %dma_start3A_82 = arith.constant 0 : i32
    %dma_start3A_83 = arith.constant 0 : i32
    %dma_start3A_84 = tpu.memref_slice %arg7[%dma_start3A, %dma_start3A_82, %dma_start3A_83] : memref<4x2x128xi32, #tpu.memory_space<vmem>> -> memref<1x2x128xi32, #tpu.memory_space<vmem>>
    %dma_start3A_85 = tpu.memref_squeeze %dma_start3A_84 : memref<1x2x128xi32, #tpu.memory_space<vmem>> -> memref<2x128xi32, #tpu.memory_space<vmem>>
    %dma_start3A_86 = arith.constant 0 : i32
    %dma_start3A_87 = arith.constant 0 : i32
    %dma_start3A_88 = tpu.memref_slice %arg4[%add3A_73, %dma_start3A_86, %dma_start3A_87] : memref<2560x2x128xi32, #tpu.memory_space<hbm>> -> memref<1x2x128xi32, #tpu.memory_space<hbm>>
    %dma_start3A_89 = tpu.memref_squeeze %dma_start3A_88 : memref<1x2x128xi32, #tpu.memory_space<hbm>> -> memref<2x128xi32, #tpu.memory_space<hbm>>
    tpu.enqueue_dma source(%dma_start3A_89 : memref<2x128xi32, #tpu.memory_space<hbm>>) target(%dma_start3A_85 : memref<2x128xi32, #tpu.memory_space<vmem>>) target_semaphore(%arg15 : memref<!tpu.dma_semaphore, #tpu.memory_space<semaphore_mem>>)
    %add3A_90 = arith.constant 1 : i32
    %add3A_91 = arith.addi %mul3A_2, %add3A_90 : i32
    %dma_start3A_92 = arith.constant 1 : i32
    %dma_start3A_93 = arith.constant 0 : i32
    %dma_start3A_94 = arith.constant 0 : i32
    %dma_start3A_95 = tpu.memref_slice %arg7[%dma_start3A_92, %dma_start3A_93, %dma_start3A_94] : memref<4x2x128xi32, #tpu.memory_space<vmem>> -> memref<1x2x128xi32, #tpu.memory_space<vmem>>
    %dma_start3A_96 = tpu.memref_squeeze %dma_start3A_95 : memref<1x2x128xi32, #tpu.memory_space<vmem>> -> memref<2x128xi32, #tpu.memory_space<vmem>>
    %dma_start3A_97 = arith.constant 0 : i32
    %dma_start3A_98 = arith.constant 0 : i32
    %dma_start3A_99 = tpu.memref_slice %arg4[%add3A_91, %dma_start3A_97, %dma_start3A_98] : memref<2560x2x128xi32, #tpu.memory_space<hbm>> -> memref<1x2x128xi32, #tpu.memory_space<hbm>>
    %dma_start3A_100 = tpu.memref_squeeze %dma_start3A_99 : memref<1x2x128xi32, #tpu.memory_space<hbm>> -> memref<2x128xi32, #tpu.memory_space<hbm>>
    %dma_start3A_101 = arith.constant 0 : i32
    %dma_start3A_102 = arith.constant 0 : i32
    %dma_start3A_103 = tpu.memref_slice %arg7[%dma_start3A_92, %dma_start3A_101, %dma_start3A_102] : memref<4x2x128xi32, #tpu.memory_space<vmem>> -> memref<1x2x128xi32, #tpu.memory_space<vmem>>
    %dma_start3A_104 = tpu.memref_squeeze %dma_start3A_103 : memref<1x2x128xi32, #tpu.memory_space<vmem>> -> memref<2x128xi32, #tpu.memory_space<vmem>>
    %dma_start3A_105 = arith.constant 0 : i32
    %dma_start3A_106 = arith.constant 0 : i32
    %dma_start3A_107 = tpu.memref_slice %arg4[%add3A_91, %dma_start3A_105, %dma_start3A_106] : memref<2560x2x128xi32, #tpu.memory_space<hbm>> -> memref<1x2x128xi32, #tpu.memory_space<hbm>>
    %dma_start3A_108 = tpu.memref_squeeze %dma_start3A_107 : memref<1x2x128xi32, #tpu.memory_space<hbm>> -> memref<2x128xi32, #tpu.memory_space<hbm>>
    tpu.enqueue_dma source(%dma_start3A_108 : memref<2x128xi32, #tpu.memory_space<hbm>>) target(%dma_start3A_104 : memref<2x128xi32, #tpu.memory_space<vmem>>) target_semaphore(%arg16 : memref<!tpu.dma_semaphore, #tpu.memory_space<semaphore_mem>>)
    %add3A_109 = arith.constant 0 : i32
    %add3A_110 = arith.addi %mul3A_2, %add3A_109 : i32
    %dma_wait3A = arith.constant 0 : i32
    %dma_wait3A_111 = arith.constant 0 : i32
    %dma_wait3A_112 = arith.constant 0 : i32
    %dma_wait3A_113 = tpu.memref_slice %arg7[%dma_wait3A, %dma_wait3A_111, %dma_wait3A_112] : memref<4x2x128xi32, #tpu.memory_space<vmem>> -> memref<1x2x128xi32, #tpu.memory_space<vmem>>
    %dma_wait3A_114 = tpu.memref_squeeze %dma_wait3A_113 : memref<1x2x128xi32, #tpu.memory_space<vmem>> -> memref<2x128xi32, #tpu.memory_space<vmem>>
    %dma_wait3A_115 = arith.constant 0 : i32
    %dma_wait3A_116 = arith.constant 0 : i32
    %dma_wait3A_117 = tpu.memref_slice %arg4[%add3A_110, %dma_wait3A_115, %dma_wait3A_116] : memref<2560x2x128xi32, #tpu.memory_space<hbm>> -> memref<1x2x128xi32, #tpu.memory_space<hbm>>
    %dma_wait3A_118 = tpu.memref_squeeze %dma_wait3A_117 : memref<1x2x128xi32, #tpu.memory_space<hbm>> -> memref<2x128xi32, #tpu.memory_space<hbm>>
    %dma_wait3A_119 = arith.constant 0 : i32
    %dma_wait3A_120 = arith.constant 0 : i32
    %dma_wait3A_121 = tpu.memref_slice %arg7[%dma_wait3A, %dma_wait3A_119, %dma_wait3A_120] : memref<4x2x128xi32, #tpu.memory_space<vmem>> -> memref<1x2x128xi32, #tpu.memory_space<vmem>>
    %dma_wait3A_122 = tpu.memref_squeeze %dma_wait3A_121 : memref<1x2x128xi32, #tpu.memory_space<vmem>> -> memref<2x128xi32, #tpu.memory_space<vmem>>
    %dma_wait3A_123 = arith.constant 0 : i32
    %dma_wait3A_124 = arith.constant 0 : i32
    %dma_wait3A_125 = tpu.memref_slice %arg4[%add3A_110, %dma_wait3A_123, %dma_wait3A_124] : memref<2560x2x128xi32, #tpu.memory_space<hbm>> -> memref<1x2x128xi32, #tpu.memory_space<hbm>>
    %dma_wait3A_126 = tpu.memref_squeeze %dma_wait3A_125 : memref<1x2x128xi32, #tpu.memory_space<hbm>> -> memref<2x128xi32, #tpu.memory_space<hbm>>
    tpu.wait_dma2 semaphore(%arg15 : memref<!tpu.dma_semaphore, #tpu.memory_space<semaphore_mem>>) src(%dma_wait3A_126 : memref<2x128xi32, #tpu.memory_space<hbm>>) dst(%dma_wait3A_122 : memref<2x128xi32, #tpu.memory_space<vmem>>)
    %dma_start3A_127 = arith.constant 0 : i32
    %dma_start3A_128 = arith.constant 0 : i32
    %dma_start3A_129 = arith.constant 0 : i32
    %dma_start3A_130 = tpu.memref_slice %arg7[%dma_start3A_127, %dma_start3A_128, %dma_start3A_129] : memref<4x2x128xi32, #tpu.memory_space<vmem>> -> memref<1x1x128xi32, #tpu.memory_space<vmem>>
    %dma_start3A_131 = tpu.memref_squeeze %dma_start3A_130 : memref<1x1x128xi32, #tpu.memory_space<vmem>> -> memref<128xi32, #tpu.memory_space<vmem>>
    %dma_start3A_132 = arith.constant 0 : i32
    %dma_start3A_133 = arith.constant 0 : i32
    %dma_start3A_134 = tpu.memref_slice %arg12[%dma_start3A_132, %dma_start3A_133] : memref<10000x64xf32, #tpu.memory_space<vmem_shared>> -> memref<10000x64xf32, #tpu.memory_space<vmem_shared>>
    tpu.enqueue_indirect_dma source(%dma_start3A_134 : memref<10000x64xf32, #tpu.memory_space<vmem_shared>>) target(%arg8 : memref<128x64xf32, #tpu.memory_space<vmem>>) offsets(%dma_start3A_131 : memref<128xi32, #tpu.memory_space<vmem>>) semaphore(%arg19 : memref<!tpu.dma_semaphore, #tpu.memory_space<semaphore_mem>>)
    %scan3A_135 = arith.constant 0 : i32
    %scan3A_136 = arith.constant 20 : i32
    %scan3A_137 = arith.addi %scan3A_135, %scan3A_136 : i32
    %scan3A_138 = arith.constant 1 : i32
    scf.for %scan3A_279 = %scan3A_135 to %scan3A_137 step %scan3A_138  : i32 {
      %mul3A_280 = arith.constant 4 : i32
      %mul3A_281 = arith.muli %scan3A_279, %mul3A_280 : i32
      %add3A_282 = arith.constant 0 : i32
      %add3A_283 = arith.addi %mul3A_281, %add3A_282 : i32
      %add3A_284 = arith.constant 2 : i32
      %add3A_285 = arith.addi %add3A_283, %add3A_284 : i32
      %lt3A = arith.constant 80 : i32
      %lt3A_286 = arith.cmpi slt, %add3A_285, %lt3A : i32
      %convert_element_type3A = arith.extui %lt3A_286 : i1 to i32
      %cond3A = arith.constant 0 : i32
      %cond3A_287 = arith.cmpi ne, %convert_element_type3A, %cond3A : i32
      scf.if %cond3A_287 {
        %add3A_436 = arith.constant 2 : i32
        %add3A_437 = arith.addi %add3A_283, %add3A_436 : i32
        %add3A_438 = arith.addi %mul3A_2, %add3A_437 : i32
        %dma_start3A_439 = arith.constant 2 : i32
        %dma_start3A_440 = arith.constant 0 : i32
        %dma_start3A_441 = arith.constant 0 : i32
        %dma_start3A_442 = tpu.memref_slice %arg7[%dma_start3A_439, %dma_start3A_440, %dma_start3A_441] : memref<4x2x128xi32, #tpu.memory_space<vmem>> -> memref<1x2x128xi32, #tpu.memory_space<vmem>>
        %dma_start3A_443 = tpu.memref_squeeze %dma_start3A_442 : memref<1x2x128xi32, #tpu.memory_space<vmem>> -> memref<2x128xi32, #tpu.memory_space<vmem>>
        %dma_start3A_444 = arith.constant 0 : i32
        %dma_start3A_445 = arith.constant 0 : i32
        %dma_start3A_446 = tpu.memref_slice %arg4[%add3A_438, %dma_start3A_444, %dma_start3A_445] : memref<2560x2x128xi32, #tpu.memory_space<hbm>> -> memref<1x2x128xi32, #tpu.memory_space<hbm>>
        %dma_start3A_447 = tpu.memref_squeeze %dma_start3A_446 : memref<1x2x128xi32, #tpu.memory_space<hbm>> -> memref<2x128xi32, #tpu.memory_space<hbm>>
        %dma_start3A_448 = arith.constant 0 : i32
        %dma_start3A_449 = arith.constant 0 : i32
        %dma_start3A_450 = tpu.memref_slice %arg7[%dma_start3A_439, %dma_start3A_448, %dma_start3A_449] : memref<4x2x128xi32, #tpu.memory_space<vmem>> -> memref<1x2x128xi32, #tpu.memory_space<vmem>>
        %dma_start3A_451 = tpu.memref_squeeze %dma_start3A_450 : memref<1x2x128xi32, #tpu.memory_space<vmem>> -> memref<2x128xi32, #tpu.memory_space<vmem>>
        %dma_start3A_452 = arith.constant 0 : i32
        %dma_start3A_453 = arith.constant 0 : i32
        %dma_start3A_454 = tpu.memref_slice %arg4[%add3A_438, %dma_start3A_452, %dma_start3A_453] : memref<2560x2x128xi32, #tpu.memory_space<hbm>> -> memref<1x2x128xi32, #tpu.memory_space<hbm>>
        %dma_start3A_455 = tpu.memref_squeeze %dma_start3A_454 : memref<1x2x128xi32, #tpu.memory_space<hbm>> -> memref<2x128xi32, #tpu.memory_space<hbm>>
        tpu.enqueue_dma source(%dma_start3A_455 : memref<2x128xi32, #tpu.memory_space<hbm>>) target(%dma_start3A_451 : memref<2x128xi32, #tpu.memory_space<vmem>>) target_semaphore(%arg17 : memref<!tpu.dma_semaphore, #tpu.memory_space<semaphore_mem>>)
      } else {
      }
      %add3A_288 = arith.constant 1 : i32
      %add3A_289 = arith.addi %add3A_283, %add3A_288 : i32
      %lt3A_290 = arith.constant 80 : i32
      %lt3A_291 = arith.cmpi slt, %add3A_289, %lt3A_290 : i32
      %convert_element_type3A_292 = arith.extui %lt3A_291 : i1 to i32
      %cond3A_293 = arith.constant 0 : i32
      %cond3A_294 = arith.cmpi ne, %convert_element_type3A_292, %cond3A_293 : i32
      scf.if %cond3A_294 {
        %add3A_436 = arith.constant 1 : i32
        %add3A_437 = arith.addi %add3A_283, %add3A_436 : i32
        %add3A_438 = arith.addi %mul3A_2, %add3A_437 : i32
        %dma_wait3A_439 = arith.constant 1 : i32
        %dma_wait3A_440 = arith.constant 0 : i32
        %dma_wait3A_441 = arith.constant 0 : i32
        %dma_wait3A_442 = tpu.memref_slice %arg7[%dma_wait3A_439, %dma_wait3A_440, %dma_wait3A_441] : memref<4x2x128xi32, #tpu.memory_space<vmem>> -> memref<1x2x128xi32, #tpu.memory_space<vmem>>
        %dma_wait3A_443 = tpu.memref_squeeze %dma_wait3A_442 : memref<1x2x128xi32, #tpu.memory_space<vmem>> -> memref<2x128xi32, #tpu.memory_space<vmem>>
        %dma_wait3A_444 = arith.constant 0 : i32
        %dma_wait3A_445 = arith.constant 0 : i32
        %dma_wait3A_446 = tpu.memref_slice %arg4[%add3A_438, %dma_wait3A_444, %dma_wait3A_445] : memref<2560x2x128xi32, #tpu.memory_space<hbm>> -> memref<1x2x128xi32, #tpu.memory_space<hbm>>
        %dma_wait3A_447 = tpu.memref_squeeze %dma_wait3A_446 : memref<1x2x128xi32, #tpu.memory_space<hbm>> -> memref<2x128xi32, #tpu.memory_space<hbm>>
        %dma_wait3A_448 = arith.constant 0 : i32
        %dma_wait3A_449 = arith.constant 0 : i32
        %dma_wait3A_450 = tpu.memref_slice %arg7[%dma_wait3A_439, %dma_wait3A_448, %dma_wait3A_449] : memref<4x2x128xi32, #tpu.memory_space<vmem>> -> memref<1x2x128xi32, #tpu.memory_space<vmem>>
        %dma_wait3A_451 = tpu.memref_squeeze %dma_wait3A_450 : memref<1x2x128xi32, #tpu.memory_space<vmem>> -> memref<2x128xi32, #tpu.memory_space<vmem>>
        %dma_wait3A_452 = arith.constant 0 : i32
        %dma_wait3A_453 = arith.constant 0 : i32
        %dma_wait3A_454 = tpu.memref_slice %arg4[%add3A_438, %dma_wait3A_452, %dma_wait3A_453] : memref<2560x2x128xi32, #tpu.memory_space<hbm>> -> memref<1x2x128xi32, #tpu.memory_space<hbm>>
        %dma_wait3A_455 = tpu.memref_squeeze %dma_wait3A_454 : memref<1x2x128xi32, #tpu.memory_space<hbm>> -> memref<2x128xi32, #tpu.memory_space<hbm>>
        tpu.wait_dma2 semaphore(%arg16 : memref<!tpu.dma_semaphore, #tpu.memory_space<semaphore_mem>>) src(%dma_wait3A_455 : memref<2x128xi32, #tpu.memory_space<hbm>>) dst(%dma_wait3A_451 : memref<2x128xi32, #tpu.memory_space<vmem>>)
        %dma_start3A_456 = arith.constant 1 : i32
        %dma_start3A_457 = arith.constant 0 : i32
        %dma_start3A_458 = arith.constant 0 : i32
        %dma_start3A_459 = tpu.memref_slice %arg7[%dma_start3A_456, %dma_start3A_457, %dma_start3A_458] : memref<4x2x128xi32, #tpu.memory_space<vmem>> -> memref<1x1x128xi32, #tpu.memory_space<vmem>>
        %dma_start3A_460 = tpu.memref_squeeze %dma_start3A_459 : memref<1x1x128xi32, #tpu.memory_space<vmem>> -> memref<128xi32, #tpu.memory_space<vmem>>
        %dma_start3A_461 = arith.constant 0 : i32
        %dma_start3A_462 = arith.constant 0 : i32
        %dma_start3A_463 = tpu.memref_slice %arg12[%dma_start3A_461, %dma_start3A_462] : memref<10000x64xf32, #tpu.memory_space<vmem_shared>> -> memref<10000x64xf32, #tpu.memory_space<vmem_shared>>
        tpu.enqueue_indirect_dma source(%dma_start3A_463 : memref<10000x64xf32, #tpu.memory_space<vmem_shared>>) target(%arg9 : memref<128x64xf32, #tpu.memory_space<vmem>>) offsets(%dma_start3A_460 : memref<128xi32, #tpu.memory_space<vmem>>) semaphore(%arg20 : memref<!tpu.dma_semaphore, #tpu.memory_space<semaphore_mem>>)
      } else {
      }
      %dma_wait3A_295 = arith.constant 0 : i32
      %dma_wait3A_296 = arith.constant 0 : i32
      %dma_wait3A_297 = arith.constant 0 : i32
      %dma_wait3A_298 = tpu.memref_slice %arg7[%dma_wait3A_295, %dma_wait3A_296, %dma_wait3A_297] : memref<4x2x128xi32, #tpu.memory_space<vmem>> -> memref<1x1x128xi32, #tpu.memory_space<vmem>>
      %dma_wait3A_299 = tpu.memref_squeeze %dma_wait3A_298 : memref<1x1x128xi32, #tpu.memory_space<vmem>> -> memref<128xi32, #tpu.memory_space<vmem>>
      %dma_wait3A_300 = arith.constant 0 : i32
      %dma_wait3A_301 = arith.constant 0 : i32
      %dma_wait3A_302 = tpu.memref_slice %arg12[%dma_wait3A_300, %dma_wait3A_301] : memref<10000x64xf32, #tpu.memory_space<vmem_shared>> -> memref<10000x64xf32, #tpu.memory_space<vmem_shared>>
      tpu.wait_indirect_dma semaphore(%arg19 : memref<!tpu.dma_semaphore, #tpu.memory_space<semaphore_mem>>) src(%dma_wait3A_302 : memref<10000x64xf32, #tpu.memory_space<vmem_shared>>) dst(%arg8 : memref<128x64xf32, #tpu.memory_space<vmem>>)
      %ge3A = arith.constant 1 : i32
      %ge3A_303 = arith.cmpi sge, %add3A_283, %ge3A : i32
      %convert_element_type3A_304 = arith.extui %ge3A_303 : i1 to i32
      %cond3A_305 = arith.constant 0 : i32
      %cond3A_306 = arith.cmpi ne, %convert_element_type3A_304, %cond3A_305 : i32
      scf.if %cond3A_306 {
        %dma_wait3A_436 = arith.constant 3 : i32
        %dma_wait3A_437 = arith.constant 1 : i32
        %dma_wait3A_438 = arith.constant 0 : i32
        %dma_wait3A_439 = tpu.memref_slice %arg7[%dma_wait3A_436, %dma_wait3A_437, %dma_wait3A_438] : memref<4x2x128xi32, #tpu.memory_space<vmem>> -> memref<1x1x128xi32, #tpu.memory_space<vmem>>
        %dma_wait3A_440 = tpu.memref_squeeze %dma_wait3A_439 : memref<1x1x128xi32, #tpu.memory_space<vmem>> -> memref<128xi32, #tpu.memory_space<vmem>>
        %dma_wait3A_441 = arith.constant 0 : i32
        %dma_wait3A_442 = tpu.memref_slice %arg14[%dma_wait3A_441] : memref<10240xf32, #tpu.memory_space<vmem_shared>> -> memref<10240xf32, #tpu.memory_space<vmem_shared>>
        tpu.wait_indirect_dma semaphore(%arg22 : memref<!tpu.dma_semaphore, #tpu.memory_space<semaphore_mem>>) src(%arg10 : memref<128xf32, #tpu.memory_space<vmem>>) dst(%dma_wait3A_442 : memref<10240xf32, #tpu.memory_space<vmem_shared>>)
      } else {
      }
      %run_scoped3A_307 = arith.constant 0 : i32
      %run_scoped3A_308 = arith.constant 1 : i32
      "tpu.region"() ({
        %run_scoped3A_436 = tpu.sem_alloc : memref<!tpu.dma_semaphore, #tpu.memory_space<semaphore_mem>>
        %dma_start3A_437 = arith.constant 0 : i32
        %dma_start3A_438 = tpu.memref_slice %arg7[%run_scoped3A_307, %run_scoped3A_308, %dma_start3A_437] : memref<4x2x128xi32, #tpu.memory_space<vmem>> -> memref<1x1x128xi32, #tpu.memory_space<vmem>>
        %dma_start3A_439 = tpu.memref_squeeze %dma_start3A_438 : memref<1x1x128xi32, #tpu.memory_space<vmem>> -> memref<128xi32, #tpu.memory_space<vmem>>
        %dma_start3A_440 = arith.constant 0 : i32
        %dma_start3A_441 = arith.constant 0 : i32
        %dma_start3A_442 = tpu.memref_slice %arg13[%dma_start3A_440, %dma_start3A_441] : memref<10240x64xf32, #tpu.memory_space<vmem_shared>> -> memref<10240x64xf32, #tpu.memory_space<vmem_shared>>
        tpu.enqueue_indirect_dma source(%arg8 : memref<128x64xf32, #tpu.memory_space<vmem>>) target(%dma_start3A_442 : memref<10240x64xf32, #tpu.memory_space<vmem_shared>>) offsets(%dma_start3A_439 : memref<128xi32, #tpu.memory_space<vmem>>) semaphore(%run_scoped3A_436 : memref<!tpu.dma_semaphore, #tpu.memory_space<semaphore_mem>>) {add = true}
        %dma_wait3A_443 = arith.constant 0 : i32
        %dma_wait3A_444 = tpu.memref_slice %arg7[%run_scoped3A_307, %run_scoped3A_308, %dma_wait3A_443] : memref<4x2x128xi32, #tpu.memory_space<vmem>> -> memref<1x1x128xi32, #tpu.memory_space<vmem>>
        %dma_wait3A_445 = tpu.memref_squeeze %dma_wait3A_444 : memref<1x1x128xi32, #tpu.memory_space<vmem>> -> memref<128xi32, #tpu.memory_space<vmem>>
        %dma_wait3A_446 = arith.constant 0 : i32
        %dma_wait3A_447 = arith.constant 0 : i32
        %dma_wait3A_448 = tpu.memref_slice %arg13[%dma_wait3A_446, %dma_wait3A_447] : memref<10240x64xf32, #tpu.memory_space<vmem_shared>> -> memref<10240x64xf32, #tpu.memory_space<vmem_shared>>
        tpu.wait_indirect_dma semaphore(%run_scoped3A_436 : memref<!tpu.dma_semaphore, #tpu.memory_space<semaphore_mem>>) src(%arg8 : memref<128x64xf32, #tpu.memory_space<vmem>>) dst(%dma_wait3A_448 : memref<10240x64xf32, #tpu.memory_space<vmem_shared>>)
        tpu.yield
      }) : () -> ()
      %dma_start3A_309 = arith.constant 0 : i32
      %dma_start3A_310 = arith.constant 1 : i32
      %dma_start3A_311 = arith.constant 0 : i32
      %dma_start3A_312 = tpu.memref_slice %arg7[%dma_start3A_309, %dma_start3A_310, %dma_start3A_311] : memref<4x2x128xi32, #tpu.memory_space<vmem>> -> memref<1x1x128xi32, #tpu.memory_space<vmem>>
      %dma_start3A_313 = tpu.memref_squeeze %dma_start3A_312 : memref<1x1x128xi32, #tpu.memory_space<vmem>> -> memref<128xi32, #tpu.memory_space<vmem>>
      %dma_start3A_314 = arith.constant 0 : i32
      %dma_start3A_315 = tpu.memref_slice %arg14[%dma_start3A_314] : memref<10240xf32, #tpu.memory_space<vmem_shared>> -> memref<10240xf32, #tpu.memory_space<vmem_shared>>
      tpu.enqueue_indirect_dma source(%arg10 : memref<128xf32, #tpu.memory_space<vmem>>) target(%dma_start3A_315 : memref<10240xf32, #tpu.memory_space<vmem_shared>>) offsets(%dma_start3A_313 : memref<128xi32, #tpu.memory_space<vmem>>) semaphore(%arg21 : memref<!tpu.dma_semaphore, #tpu.memory_space<semaphore_mem>>) {add = true}
      %mul3A_316 = arith.constant 4 : i32
      %mul3A_317 = arith.muli %scan3A_279, %mul3A_316 : i32
      %add3A_318 = arith.constant 1 : i32
      %add3A_319 = arith.addi %mul3A_317, %add3A_318 : i32
      %add3A_320 = arith.constant 2 : i32
      %add3A_321 = arith.addi %add3A_319, %add3A_320 : i32
      %lt3A_322 = arith.constant 80 : i32
      %lt3A_323 = arith.cmpi slt, %add3A_321, %lt3A_322 : i32
      %convert_element_type3A_324 = arith.extui %lt3A_323 : i1 to i32
      %cond3A_325 = arith.constant 0 : i32
      %cond3A_326 = arith.cmpi ne, %convert_element_type3A_324, %cond3A_325 : i32
      scf.if %cond3A_326 {
        %add3A_436 = arith.constant 2 : i32
        %add3A_437 = arith.addi %add3A_319, %add3A_436 : i32
        %add3A_438 = arith.addi %mul3A_2, %add3A_437 : i32
        %dma_start3A_439 = arith.constant 3 : i32
        %dma_start3A_440 = arith.constant 0 : i32
        %dma_start3A_441 = arith.constant 0 : i32
        %dma_start3A_442 = tpu.memref_slice %arg7[%dma_start3A_439, %dma_start3A_440, %dma_start3A_441] : memref<4x2x128xi32, #tpu.memory_space<vmem>> -> memref<1x2x128xi32, #tpu.memory_space<vmem>>
        %dma_start3A_443 = tpu.memref_squeeze %dma_start3A_442 : memref<1x2x128xi32, #tpu.memory_space<vmem>> -> memref<2x128xi32, #tpu.memory_space<vmem>>
        %dma_start3A_444 = arith.constant 0 : i32
        %dma_start3A_445 = arith.constant 0 : i32
        %dma_start3A_446 = tpu.memref_slice %arg4[%add3A_438, %dma_start3A_444, %dma_start3A_445] : memref<2560x2x128xi32, #tpu.memory_space<hbm>> -> memref<1x2x128xi32, #tpu.memory_space<hbm>>
        %dma_start3A_447 = tpu.memref_squeeze %dma_start3A_446 : memref<1x2x128xi32, #tpu.memory_space<hbm>> -> memref<2x128xi32, #tpu.memory_space<hbm>>
        %dma_start3A_448 = arith.constant 0 : i32
        %dma_start3A_449 = arith.constant 0 : i32
        %dma_start3A_450 = tpu.memref_slice %arg7[%dma_start3A_439, %dma_start3A_448, %dma_start3A_449] : memref<4x2x128xi32, #tpu.memory_space<vmem>> -> memref<1x2x128xi32, #tpu.memory_space<vmem>>
        %dma_start3A_451 = tpu.memref_squeeze %dma_start3A_450 : memref<1x2x128xi32, #tpu.memory_space<vmem>> -> memref<2x128xi32, #tpu.memory_space<vmem>>
        %dma_start3A_452 = arith.constant 0 : i32
        %dma_start3A_453 = arith.constant 0 : i32
        %dma_start3A_454 = tpu.memref_slice %arg4[%add3A_438, %dma_start3A_452, %dma_start3A_453] : memref<2560x2x128xi32, #tpu.memory_space<hbm>> -> memref<1x2x128xi32, #tpu.memory_space<hbm>>
        %dma_start3A_455 = tpu.memref_squeeze %dma_start3A_454 : memref<1x2x128xi32, #tpu.memory_space<hbm>> -> memref<2x128xi32, #tpu.memory_space<hbm>>
        tpu.enqueue_dma source(%dma_start3A_455 : memref<2x128xi32, #tpu.memory_space<hbm>>) target(%dma_start3A_451 : memref<2x128xi32, #tpu.memory_space<vmem>>) target_semaphore(%arg18 : memref<!tpu.dma_semaphore, #tpu.memory_space<semaphore_mem>>)
      } else {
      }
      %add3A_327 = arith.constant 1 : i32
      %add3A_328 = arith.addi %add3A_319, %add3A_327 : i32
      %lt3A_329 = arith.constant 80 : i32
      %lt3A_330 = arith.cmpi slt, %add3A_328, %lt3A_329 : i32
      %convert_element_type3A_331 = arith.extui %lt3A_330 : i1 to i32
      %cond3A_332 = arith.constant 0 : i32
      %cond3A_333 = arith.cmpi ne, %convert_element_type3A_331, %cond3A_332 : i32
      scf.if %cond3A_333 {
        %add3A_436 = arith.constant 1 : i32
        %add3A_437 = arith.addi %add3A_319, %add3A_436 : i32
        %add3A_438 = arith.addi %mul3A_2, %add3A_437 : i32
        %dma_wait3A_439 = arith.constant 2 : i32
        %dma_wait3A_440 = arith.constant 0 : i32
        %dma_wait3A_441 = arith.constant 0 : i32
        %dma_wait3A_442 = tpu.memref_slice %arg7[%dma_wait3A_439, %dma_wait3A_440, %dma_wait3A_441] : memref<4x2x128xi32, #tpu.memory_space<vmem>> -> memref<1x2x128xi32, #tpu.memory_space<vmem>>
        %dma_wait3A_443 = tpu.memref_squeeze %dma_wait3A_442 : memref<1x2x128xi32, #tpu.memory_space<vmem>> -> memref<2x128xi32, #tpu.memory_space<vmem>>
        %dma_wait3A_444 = arith.constant 0 : i32
        %dma_wait3A_445 = arith.constant 0 : i32
        %dma_wait3A_446 = tpu.memref_slice %arg4[%add3A_438, %dma_wait3A_444, %dma_wait3A_445] : memref<2560x2x128xi32, #tpu.memory_space<hbm>> -> memref<1x2x128xi32, #tpu.memory_space<hbm>>
        %dma_wait3A_447 = tpu.memref_squeeze %dma_wait3A_446 : memref<1x2x128xi32, #tpu.memory_space<hbm>> -> memref<2x128xi32, #tpu.memory_space<hbm>>
        %dma_wait3A_448 = arith.constant 0 : i32
        %dma_wait3A_449 = arith.constant 0 : i32
        %dma_wait3A_450 = tpu.memref_slice %arg7[%dma_wait3A_439, %dma_wait3A_448, %dma_wait3A_449] : memref<4x2x128xi32, #tpu.memory_space<vmem>> -> memref<1x2x128xi32, #tpu.memory_space<vmem>>
        %dma_wait3A_451 = tpu.memref_squeeze %dma_wait3A_450 : memref<1x2x128xi32, #tpu.memory_space<vmem>> -> memref<2x128xi32, #tpu.memory_space<vmem>>
        %dma_wait3A_452 = arith.constant 0 : i32
        %dma_wait3A_453 = arith.constant 0 : i32
        %dma_wait3A_454 = tpu.memref_slice %arg4[%add3A_438, %dma_wait3A_452, %dma_wait3A_453] : memref<2560x2x128xi32, #tpu.memory_space<hbm>> -> memref<1x2x128xi32, #tpu.memory_space<hbm>>
        %dma_wait3A_455 = tpu.memref_squeeze %dma_wait3A_454 : memref<1x2x128xi32, #tpu.memory_space<hbm>> -> memref<2x128xi32, #tpu.memory_space<hbm>>
        tpu.wait_dma2 semaphore(%arg17 : memref<!tpu.dma_semaphore, #tpu.memory_space<semaphore_mem>>) src(%dma_wait3A_455 : memref<2x128xi32, #tpu.memory_space<hbm>>) dst(%dma_wait3A_451 : memref<2x128xi32, #tpu.memory_space<vmem>>)
        %dma_start3A_456 = arith.constant 2 : i32
        %dma_start3A_457 = arith.constant 0 : i32
        %dma_start3A_458 = arith.constant 0 : i32
        %dma_start3A_459 = tpu.memref_slice %arg7[%dma_start3A_456, %dma_start3A_457, %dma_start3A_458] : memref<4x2x128xi32, #tpu.memory_space<vmem>> -> memref<1x1x128xi32, #tpu.memory_space<vmem>>
        %dma_start3A_460 = tpu.memref_squeeze %dma_start3A_459 : memref<1x1x128xi32, #tpu.memory_space<vmem>> -> memref<128xi32, #tpu.memory_space<vmem>>
        %dma_start3A_461 = arith.constant 0 : i32
        %dma_start3A_462 = arith.constant 0 : i32
        %dma_start3A_463 = tpu.memref_slice %arg12[%dma_start3A_461, %dma_start3A_462] : memref<10000x64xf32, #tpu.memory_space<vmem_shared>> -> memref<10000x64xf32, #tpu.memory_space<vmem_shared>>
        tpu.enqueue_indirect_dma source(%dma_start3A_463 : memref<10000x64xf32, #tpu.memory_space<vmem_shared>>) target(%arg8 : memref<128x64xf32, #tpu.memory_space<vmem>>) offsets(%dma_start3A_460 : memref<128xi32, #tpu.memory_space<vmem>>) semaphore(%arg19 : memref<!tpu.dma_semaphore, #tpu.memory_space<semaphore_mem>>)
      } else {
      }
      %dma_wait3A_334 = arith.constant 1 : i32
      %dma_wait3A_335 = arith.constant 0 : i32
      %dma_wait3A_336 = arith.constant 0 : i32
      %dma_wait3A_337 = tpu.memref_slice %arg7[%dma_wait3A_334, %dma_wait3A_335, %dma_wait3A_336] : memref<4x2x128xi32, #tpu.memory_space<vmem>> -> memref<1x1x128xi32, #tpu.memory_space<vmem>>
      %dma_wait3A_338 = tpu.memref_squeeze %dma_wait3A_337 : memref<1x1x128xi32, #tpu.memory_space<vmem>> -> memref<128xi32, #tpu.memory_space<vmem>>
      %dma_wait3A_339 = arith.constant 0 : i32
      %dma_wait3A_340 = arith.constant 0 : i32
      %dma_wait3A_341 = tpu.memref_slice %arg12[%dma_wait3A_339, %dma_wait3A_340] : memref<10000x64xf32, #tpu.memory_space<vmem_shared>> -> memref<10000x64xf32, #tpu.memory_space<vmem_shared>>
      tpu.wait_indirect_dma semaphore(%arg20 : memref<!tpu.dma_semaphore, #tpu.memory_space<semaphore_mem>>) src(%dma_wait3A_341 : memref<10000x64xf32, #tpu.memory_space<vmem_shared>>) dst(%arg9 : memref<128x64xf32, #tpu.memory_space<vmem>>)
      %ge3A_342 = arith.constant 1 : i32
      %ge3A_343 = arith.cmpi sge, %add3A_319, %ge3A_342 : i32
      %convert_element_type3A_344 = arith.extui %ge3A_343 : i1 to i32
      %cond3A_345 = arith.constant 0 : i32
      %cond3A_346 = arith.cmpi ne, %convert_element_type3A_344, %cond3A_345 : i32
      scf.if %cond3A_346 {
        %dma_wait3A_436 = arith.constant 0 : i32
        %dma_wait3A_437 = arith.constant 1 : i32
        %dma_wait3A_438 = arith.constant 0 : i32
        %dma_wait3A_439 = tpu.memref_slice %arg7[%dma_wait3A_436, %dma_wait3A_437, %dma_wait3A_438] : memref<4x2x128xi32, #tpu.memory_space<vmem>> -> memref<1x1x128xi32, #tpu.memory_space<vmem>>
        %dma_wait3A_440 = tpu.memref_squeeze %dma_wait3A_439 : memref<1x1x128xi32, #tpu.memory_space<vmem>> -> memref<128xi32, #tpu.memory_space<vmem>>
        %dma_wait3A_441 = arith.constant 0 : i32
        %dma_wait3A_442 = tpu.memref_slice %arg14[%dma_wait3A_441] : memref<10240xf32, #tpu.memory_space<vmem_shared>> -> memref<10240xf32, #tpu.memory_space<vmem_shared>>
        tpu.wait_indirect_dma semaphore(%arg21 : memref<!tpu.dma_semaphore, #tpu.memory_space<semaphore_mem>>) src(%arg10 : memref<128xf32, #tpu.memory_space<vmem>>) dst(%dma_wait3A_442 : memref<10240xf32, #tpu.memory_space<vmem_shared>>)
      } else {
      }
      %run_scoped3A_347 = arith.constant 1 : i32
      %run_scoped3A_348 = arith.constant 1 : i32
      "tpu.region"() ({
        %run_scoped3A_436 = tpu.sem_alloc : memref<!tpu.dma_semaphore, #tpu.memory_space<semaphore_mem>>
        %dma_start3A_437 = arith.constant 0 : i32
        %dma_start3A_438 = tpu.memref_slice %arg7[%run_scoped3A_347, %run_scoped3A_348, %dma_start3A_437] : memref<4x2x128xi32, #tpu.memory_space<vmem>> -> memref<1x1x128xi32, #tpu.memory_space<vmem>>
        %dma_start3A_439 = tpu.memref_squeeze %dma_start3A_438 : memref<1x1x128xi32, #tpu.memory_space<vmem>> -> memref<128xi32, #tpu.memory_space<vmem>>
        %dma_start3A_440 = arith.constant 0 : i32
        %dma_start3A_441 = arith.constant 0 : i32
        %dma_start3A_442 = tpu.memref_slice %arg13[%dma_start3A_440, %dma_start3A_441] : memref<10240x64xf32, #tpu.memory_space<vmem_shared>> -> memref<10240x64xf32, #tpu.memory_space<vmem_shared>>
        tpu.enqueue_indirect_dma source(%arg9 : memref<128x64xf32, #tpu.memory_space<vmem>>) target(%dma_start3A_442 : memref<10240x64xf32, #tpu.memory_space<vmem_shared>>) offsets(%dma_start3A_439 : memref<128xi32, #tpu.memory_space<vmem>>) semaphore(%run_scoped3A_436 : memref<!tpu.dma_semaphore, #tpu.memory_space<semaphore_mem>>) {add = true}
        %dma_wait3A_443 = arith.constant 0 : i32
        %dma_wait3A_444 = tpu.memref_slice %arg7[%run_scoped3A_347, %run_scoped3A_348, %dma_wait3A_443] : memref<4x2x128xi32, #tpu.memory_space<vmem>> -> memref<1x1x128xi32, #tpu.memory_space<vmem>>
        %dma_wait3A_445 = tpu.memref_squeeze %dma_wait3A_444 : memref<1x1x128xi32, #tpu.memory_space<vmem>> -> memref<128xi32, #tpu.memory_space<vmem>>
        %dma_wait3A_446 = arith.constant 0 : i32
        %dma_wait3A_447 = arith.constant 0 : i32
        %dma_wait3A_448 = tpu.memref_slice %arg13[%dma_wait3A_446, %dma_wait3A_447] : memref<10240x64xf32, #tpu.memory_space<vmem_shared>> -> memref<10240x64xf32, #tpu.memory_space<vmem_shared>>
        tpu.wait_indirect_dma semaphore(%run_scoped3A_436 : memref<!tpu.dma_semaphore, #tpu.memory_space<semaphore_mem>>) src(%arg9 : memref<128x64xf32, #tpu.memory_space<vmem>>) dst(%dma_wait3A_448 : memref<10240x64xf32, #tpu.memory_space<vmem_shared>>)
        tpu.yield
      }) : () -> ()
      %dma_start3A_349 = arith.constant 1 : i32
      %dma_start3A_350 = arith.constant 1 : i32
      %dma_start3A_351 = arith.constant 0 : i32
      %dma_start3A_352 = tpu.memref_slice %arg7[%dma_start3A_349, %dma_start3A_350, %dma_start3A_351] : memref<4x2x128xi32, #tpu.memory_space<vmem>> -> memref<1x1x128xi32, #tpu.memory_space<vmem>>
      %dma_start3A_353 = tpu.memref_squeeze %dma_start3A_352 : memref<1x1x128xi32, #tpu.memory_space<vmem>> -> memref<128xi32, #tpu.memory_space<vmem>>
      %dma_start3A_354 = arith.constant 0 : i32
      %dma_start3A_355 = tpu.memref_slice %arg14[%dma_start3A_354] : memref<10240xf32, #tpu.memory_space<vmem_shared>> -> memref<10240xf32, #tpu.memory_space<vmem_shared>>
      tpu.enqueue_indirect_dma source(%arg10 : memref<128xf32, #tpu.memory_space<vmem>>) target(%dma_start3A_355 : memref<10240xf32, #tpu.memory_space<vmem_shared>>) offsets(%dma_start3A_353 : memref<128xi32, #tpu.memory_space<vmem>>) semaphore(%arg22 : memref<!tpu.dma_semaphore, #tpu.memory_space<semaphore_mem>>) {add = true}
      %mul3A_356 = arith.constant 4 : i32
      %mul3A_357 = arith.muli %scan3A_279, %mul3A_356 : i32
      %add3A_358 = arith.constant 2 : i32
      %add3A_359 = arith.addi %mul3A_357, %add3A_358 : i32
      %add3A_360 = arith.constant 2 : i32
      %add3A_361 = arith.addi %add3A_359, %add3A_360 : i32
      %lt3A_362 = arith.constant 80 : i32
      %lt3A_363 = arith.cmpi slt, %add3A_361, %lt3A_362 : i32
      %convert_element_type3A_364 = arith.extui %lt3A_363 : i1 to i32
      %cond3A_365 = arith.constant 0 : i32
      %cond3A_366 = arith.cmpi ne, %convert_element_type3A_364, %cond3A_365 : i32
      scf.if %cond3A_366 {
        %add3A_436 = arith.constant 2 : i32
        %add3A_437 = arith.addi %add3A_359, %add3A_436 : i32
        %add3A_438 = arith.addi %mul3A_2, %add3A_437 : i32
        %dma_start3A_439 = arith.constant 0 : i32
        %dma_start3A_440 = arith.constant 0 : i32
        %dma_start3A_441 = arith.constant 0 : i32
        %dma_start3A_442 = tpu.memref_slice %arg7[%dma_start3A_439, %dma_start3A_440, %dma_start3A_441] : memref<4x2x128xi32, #tpu.memory_space<vmem>> -> memref<1x2x128xi32, #tpu.memory_space<vmem>>
        %dma_start3A_443 = tpu.memref_squeeze %dma_start3A_442 : memref<1x2x128xi32, #tpu.memory_space<vmem>> -> memref<2x128xi32, #tpu.memory_space<vmem>>
        %dma_start3A_444 = arith.constant 0 : i32
        %dma_start3A_445 = arith.constant 0 : i32
        %dma_start3A_446 = tpu.memref_slice %arg4[%add3A_438, %dma_start3A_444, %dma_start3A_445] : memref<2560x2x128xi32, #tpu.memory_space<hbm>> -> memref<1x2x128xi32, #tpu.memory_space<hbm>>
        %dma_start3A_447 = tpu.memref_squeeze %dma_start3A_446 : memref<1x2x128xi32, #tpu.memory_space<hbm>> -> memref<2x128xi32, #tpu.memory_space<hbm>>
        %dma_start3A_448 = arith.constant 0 : i32
        %dma_start3A_449 = arith.constant 0 : i32
        %dma_start3A_450 = tpu.memref_slice %arg7[%dma_start3A_439, %dma_start3A_448, %dma_start3A_449] : memref<4x2x128xi32, #tpu.memory_space<vmem>> -> memref<1x2x128xi32, #tpu.memory_space<vmem>>
        %dma_start3A_451 = tpu.memref_squeeze %dma_start3A_450 : memref<1x2x128xi32, #tpu.memory_space<vmem>> -> memref<2x128xi32, #tpu.memory_space<vmem>>
        %dma_start3A_452 = arith.constant 0 : i32
        %dma_start3A_453 = arith.constant 0 : i32
        %dma_start3A_454 = tpu.memref_slice %arg4[%add3A_438, %dma_start3A_452, %dma_start3A_453] : memref<2560x2x128xi32, #tpu.memory_space<hbm>> -> memref<1x2x128xi32, #tpu.memory_space<hbm>>
        %dma_start3A_455 = tpu.memref_squeeze %dma_start3A_454 : memref<1x2x128xi32, #tpu.memory_space<hbm>> -> memref<2x128xi32, #tpu.memory_space<hbm>>
        tpu.enqueue_dma source(%dma_start3A_455 : memref<2x128xi32, #tpu.memory_space<hbm>>) target(%dma_start3A_451 : memref<2x128xi32, #tpu.memory_space<vmem>>) target_semaphore(%arg15 : memref<!tpu.dma_semaphore, #tpu.memory_space<semaphore_mem>>)
      } else {
      }
      %add3A_367 = arith.constant 1 : i32
      %add3A_368 = arith.addi %add3A_359, %add3A_367 : i32
      %lt3A_369 = arith.constant 80 : i32
      %lt3A_370 = arith.cmpi slt, %add3A_368, %lt3A_369 : i32
      %convert_element_type3A_371 = arith.extui %lt3A_370 : i1 to i32
      %cond3A_372 = arith.constant 0 : i32
      %cond3A_373 = arith.cmpi ne, %convert_element_type3A_371, %cond3A_372 : i32
      scf.if %cond3A_373 {
        %add3A_436 = arith.constant 1 : i32
        %add3A_437 = arith.addi %add3A_359, %add3A_436 : i32
        %add3A_438 = arith.addi %mul3A_2, %add3A_437 : i32
        %dma_wait3A_439 = arith.constant 3 : i32
        %dma_wait3A_440 = arith.constant 0 : i32
        %dma_wait3A_441 = arith.constant 0 : i32
        %dma_wait3A_442 = tpu.memref_slice %arg7[%dma_wait3A_439, %dma_wait3A_440, %dma_wait3A_441] : memref<4x2x128xi32, #tpu.memory_space<vmem>> -> memref<1x2x128xi32, #tpu.memory_space<vmem>>
        %dma_wait3A_443 = tpu.memref_squeeze %dma_wait3A_442 : memref<1x2x128xi32, #tpu.memory_space<vmem>> -> memref<2x128xi32, #tpu.memory_space<vmem>>
        %dma_wait3A_444 = arith.constant 0 : i32
        %dma_wait3A_445 = arith.constant 0 : i32
        %dma_wait3A_446 = tpu.memref_slice %arg4[%add3A_438, %dma_wait3A_444, %dma_wait3A_445] : memref<2560x2x128xi32, #tpu.memory_space<hbm>> -> memref<1x2x128xi32, #tpu.memory_space<hbm>>
        %dma_wait3A_447 = tpu.memref_squeeze %dma_wait3A_446 : memref<1x2x128xi32, #tpu.memory_space<hbm>> -> memref<2x128xi32, #tpu.memory_space<hbm>>
        %dma_wait3A_448 = arith.constant 0 : i32
        %dma_wait3A_449 = arith.constant 0 : i32
        %dma_wait3A_450 = tpu.memref_slice %arg7[%dma_wait3A_439, %dma_wait3A_448, %dma_wait3A_449] : memref<4x2x128xi32, #tpu.memory_space<vmem>> -> memref<1x2x128xi32, #tpu.memory_space<vmem>>
        %dma_wait3A_451 = tpu.memref_squeeze %dma_wait3A_450 : memref<1x2x128xi32, #tpu.memory_space<vmem>> -> memref<2x128xi32, #tpu.memory_space<vmem>>
        %dma_wait3A_452 = arith.constant 0 : i32
        %dma_wait3A_453 = arith.constant 0 : i32
        %dma_wait3A_454 = tpu.memref_slice %arg4[%add3A_438, %dma_wait3A_452, %dma_wait3A_453] : memref<2560x2x128xi32, #tpu.memory_space<hbm>> -> memref<1x2x128xi32, #tpu.memory_space<hbm>>
        %dma_wait3A_455 = tpu.memref_squeeze %dma_wait3A_454 : memref<1x2x128xi32, #tpu.memory_space<hbm>> -> memref<2x128xi32, #tpu.memory_space<hbm>>
        tpu.wait_dma2 semaphore(%arg18 : memref<!tpu.dma_semaphore, #tpu.memory_space<semaphore_mem>>) src(%dma_wait3A_455 : memref<2x128xi32, #tpu.memory_space<hbm>>) dst(%dma_wait3A_451 : memref<2x128xi32, #tpu.memory_space<vmem>>)
        %dma_start3A_456 = arith.constant 3 : i32
        %dma_start3A_457 = arith.constant 0 : i32
        %dma_start3A_458 = arith.constant 0 : i32
        %dma_start3A_459 = tpu.memref_slice %arg7[%dma_start3A_456, %dma_start3A_457, %dma_start3A_458] : memref<4x2x128xi32, #tpu.memory_space<vmem>> -> memref<1x1x128xi32, #tpu.memory_space<vmem>>
        %dma_start3A_460 = tpu.memref_squeeze %dma_start3A_459 : memref<1x1x128xi32, #tpu.memory_space<vmem>> -> memref<128xi32, #tpu.memory_space<vmem>>
        %dma_start3A_461 = arith.constant 0 : i32
        %dma_start3A_462 = arith.constant 0 : i32
        %dma_start3A_463 = tpu.memref_slice %arg12[%dma_start3A_461, %dma_start3A_462] : memref<10000x64xf32, #tpu.memory_space<vmem_shared>> -> memref<10000x64xf32, #tpu.memory_space<vmem_shared>>
        tpu.enqueue_indirect_dma source(%dma_start3A_463 : memref<10000x64xf32, #tpu.memory_space<vmem_shared>>) target(%arg9 : memref<128x64xf32, #tpu.memory_space<vmem>>) offsets(%dma_start3A_460 : memref<128xi32, #tpu.memory_space<vmem>>) semaphore(%arg20 : memref<!tpu.dma_semaphore, #tpu.memory_space<semaphore_mem>>)
      } else {
      }
      %dma_wait3A_374 = arith.constant 2 : i32
      %dma_wait3A_375 = arith.constant 0 : i32
      %dma_wait3A_376 = arith.constant 0 : i32
      %dma_wait3A_377 = tpu.memref_slice %arg7[%dma_wait3A_374, %dma_wait3A_375, %dma_wait3A_376] : memref<4x2x128xi32, #tpu.memory_space<vmem>> -> memref<1x1x128xi32, #tpu.memory_space<vmem>>
      %dma_wait3A_378 = tpu.memref_squeeze %dma_wait3A_377 : memref<1x1x128xi32, #tpu.memory_space<vmem>> -> memref<128xi32, #tpu.memory_space<vmem>>
      %dma_wait3A_379 = arith.constant 0 : i32
      %dma_wait3A_380 = arith.constant 0 : i32
      %dma_wait3A_381 = tpu.memref_slice %arg12[%dma_wait3A_379, %dma_wait3A_380] : memref<10000x64xf32, #tpu.memory_space<vmem_shared>> -> memref<10000x64xf32, #tpu.memory_space<vmem_shared>>
      tpu.wait_indirect_dma semaphore(%arg19 : memref<!tpu.dma_semaphore, #tpu.memory_space<semaphore_mem>>) src(%dma_wait3A_381 : memref<10000x64xf32, #tpu.memory_space<vmem_shared>>) dst(%arg8 : memref<128x64xf32, #tpu.memory_space<vmem>>)
      %ge3A_382 = arith.constant 1 : i32
      %ge3A_383 = arith.cmpi sge, %add3A_359, %ge3A_382 : i32
      %convert_element_type3A_384 = arith.extui %ge3A_383 : i1 to i32
      %cond3A_385 = arith.constant 0 : i32
      %cond3A_386 = arith.cmpi ne, %convert_element_type3A_384, %cond3A_385 : i32
      scf.if %cond3A_386 {
        %dma_wait3A_436 = arith.constant 1 : i32
        %dma_wait3A_437 = arith.constant 1 : i32
        %dma_wait3A_438 = arith.constant 0 : i32
        %dma_wait3A_439 = tpu.memref_slice %arg7[%dma_wait3A_436, %dma_wait3A_437, %dma_wait3A_438] : memref<4x2x128xi32, #tpu.memory_space<vmem>> -> memref<1x1x128xi32, #tpu.memory_space<vmem>>
        %dma_wait3A_440 = tpu.memref_squeeze %dma_wait3A_439 : memref<1x1x128xi32, #tpu.memory_space<vmem>> -> memref<128xi32, #tpu.memory_space<vmem>>
        %dma_wait3A_441 = arith.constant 0 : i32
        %dma_wait3A_442 = tpu.memref_slice %arg14[%dma_wait3A_441] : memref<10240xf32, #tpu.memory_space<vmem_shared>> -> memref<10240xf32, #tpu.memory_space<vmem_shared>>
        tpu.wait_indirect_dma semaphore(%arg22 : memref<!tpu.dma_semaphore, #tpu.memory_space<semaphore_mem>>) src(%arg10 : memref<128xf32, #tpu.memory_space<vmem>>) dst(%dma_wait3A_442 : memref<10240xf32, #tpu.memory_space<vmem_shared>>)
      } else {
      }
      %run_scoped3A_387 = arith.constant 2 : i32
      %run_scoped3A_388 = arith.constant 1 : i32
      "tpu.region"() ({
        %run_scoped3A_436 = tpu.sem_alloc : memref<!tpu.dma_semaphore, #tpu.memory_space<semaphore_mem>>
        %dma_start3A_437 = arith.constant 0 : i32
        %dma_start3A_438 = tpu.memref_slice %arg7[%run_scoped3A_387, %run_scoped3A_388, %dma_start3A_437] : memref<4x2x128xi32, #tpu.memory_space<vmem>> -> memref<1x1x128xi32, #tpu.memory_space<vmem>>
        %dma_start3A_439 = tpu.memref_squeeze %dma_start3A_438 : memref<1x1x128xi32, #tpu.memory_space<vmem>> -> memref<128xi32, #tpu.memory_space<vmem>>
        %dma_start3A_440 = arith.constant 0 : i32
        %dma_start3A_441 = arith.constant 0 : i32
        %dma_start3A_442 = tpu.memref_slice %arg13[%dma_start3A_440, %dma_start3A_441] : memref<10240x64xf32, #tpu.memory_space<vmem_shared>> -> memref<10240x64xf32, #tpu.memory_space<vmem_shared>>
        tpu.enqueue_indirect_dma source(%arg8 : memref<128x64xf32, #tpu.memory_space<vmem>>) target(%dma_start3A_442 : memref<10240x64xf32, #tpu.memory_space<vmem_shared>>) offsets(%dma_start3A_439 : memref<128xi32, #tpu.memory_space<vmem>>) semaphore(%run_scoped3A_436 : memref<!tpu.dma_semaphore, #tpu.memory_space<semaphore_mem>>) {add = true}
        %dma_wait3A_443 = arith.constant 0 : i32
        %dma_wait3A_444 = tpu.memref_slice %arg7[%run_scoped3A_387, %run_scoped3A_388, %dma_wait3A_443] : memref<4x2x128xi32, #tpu.memory_space<vmem>> -> memref<1x1x128xi32, #tpu.memory_space<vmem>>
        %dma_wait3A_445 = tpu.memref_squeeze %dma_wait3A_444 : memref<1x1x128xi32, #tpu.memory_space<vmem>> -> memref<128xi32, #tpu.memory_space<vmem>>
        %dma_wait3A_446 = arith.constant 0 : i32
        %dma_wait3A_447 = arith.constant 0 : i32
        %dma_wait3A_448 = tpu.memref_slice %arg13[%dma_wait3A_446, %dma_wait3A_447] : memref<10240x64xf32, #tpu.memory_space<vmem_shared>> -> memref<10240x64xf32, #tpu.memory_space<vmem_shared>>
        tpu.wait_indirect_dma semaphore(%run_scoped3A_436 : memref<!tpu.dma_semaphore, #tpu.memory_space<semaphore_mem>>) src(%arg8 : memref<128x64xf32, #tpu.memory_space<vmem>>) dst(%dma_wait3A_448 : memref<10240x64xf32, #tpu.memory_space<vmem_shared>>)
        tpu.yield
      }) : () -> ()
      %dma_start3A_389 = arith.constant 2 : i32
      %dma_start3A_390 = arith.constant 1 : i32
      %dma_start3A_391 = arith.constant 0 : i32
      %dma_start3A_392 = tpu.memref_slice %arg7[%dma_start3A_389, %dma_start3A_390, %dma_start3A_391] : memref<4x2x128xi32, #tpu.memory_space<vmem>> -> memref<1x1x128xi32, #tpu.memory_space<vmem>>
      %dma_start3A_393 = tpu.memref_squeeze %dma_start3A_392 : memref<1x1x128xi32, #tpu.memory_space<vmem>> -> memref<128xi32, #tpu.memory_space<vmem>>
      %dma_start3A_394 = arith.constant 0 : i32
      %dma_start3A_395 = tpu.memref_slice %arg14[%dma_start3A_394] : memref<10240xf32, #tpu.memory_space<vmem_shared>> -> memref<10240xf32, #tpu.memory_space<vmem_shared>>
      tpu.enqueue_indirect_dma source(%arg10 : memref<128xf32, #tpu.memory_space<vmem>>) target(%dma_start3A_395 : memref<10240xf32, #tpu.memory_space<vmem_shared>>) offsets(%dma_start3A_393 : memref<128xi32, #tpu.memory_space<vmem>>) semaphore(%arg21 : memref<!tpu.dma_semaphore, #tpu.memory_space<semaphore_mem>>) {add = true}
      %mul3A_396 = arith.constant 4 : i32
      %mul3A_397 = arith.muli %scan3A_279, %mul3A_396 : i32
      %add3A_398 = arith.constant 3 : i32
      %add3A_399 = arith.addi %mul3A_397, %add3A_398 : i32
      %add3A_400 = arith.constant 2 : i32
      %add3A_401 = arith.addi %add3A_399, %add3A_400 : i32
      %lt3A_402 = arith.constant 80 : i32
      %lt3A_403 = arith.cmpi slt, %add3A_401, %lt3A_402 : i32
      %convert_element_type3A_404 = arith.extui %lt3A_403 : i1 to i32
      %cond3A_405 = arith.constant 0 : i32
      %cond3A_406 = arith.cmpi ne, %convert_element_type3A_404, %cond3A_405 : i32
      scf.if %cond3A_406 {
        %add3A_436 = arith.constant 2 : i32
        %add3A_437 = arith.addi %add3A_399, %add3A_436 : i32
        %add3A_438 = arith.addi %mul3A_2, %add3A_437 : i32
        %dma_start3A_439 = arith.constant 1 : i32
        %dma_start3A_440 = arith.constant 0 : i32
        %dma_start3A_441 = arith.constant 0 : i32
        %dma_start3A_442 = tpu.memref_slice %arg7[%dma_start3A_439, %dma_start3A_440, %dma_start3A_441] : memref<4x2x128xi32, #tpu.memory_space<vmem>> -> memref<1x2x128xi32, #tpu.memory_space<vmem>>
        %dma_start3A_443 = tpu.memref_squeeze %dma_start3A_442 : memref<1x2x128xi32, #tpu.memory_space<vmem>> -> memref<2x128xi32, #tpu.memory_space<vmem>>
        %dma_start3A_444 = arith.constant 0 : i32
        %dma_start3A_445 = arith.constant 0 : i32
        %dma_start3A_446 = tpu.memref_slice %arg4[%add3A_438, %dma_start3A_444, %dma_start3A_445] : memref<2560x2x128xi32, #tpu.memory_space<hbm>> -> memref<1x2x128xi32, #tpu.memory_space<hbm>>
        %dma_start3A_447 = tpu.memref_squeeze %dma_start3A_446 : memref<1x2x128xi32, #tpu.memory_space<hbm>> -> memref<2x128xi32, #tpu.memory_space<hbm>>
        %dma_start3A_448 = arith.constant 0 : i32
        %dma_start3A_449 = arith.constant 0 : i32
        %dma_start3A_450 = tpu.memref_slice %arg7[%dma_start3A_439, %dma_start3A_448, %dma_start3A_449] : memref<4x2x128xi32, #tpu.memory_space<vmem>> -> memref<1x2x128xi32, #tpu.memory_space<vmem>>
        %dma_start3A_451 = tpu.memref_squeeze %dma_start3A_450 : memref<1x2x128xi32, #tpu.memory_space<vmem>> -> memref<2x128xi32, #tpu.memory_space<vmem>>
        %dma_start3A_452 = arith.constant 0 : i32
        %dma_start3A_453 = arith.constant 0 : i32
        %dma_start3A_454 = tpu.memref_slice %arg4[%add3A_438, %dma_start3A_452, %dma_start3A_453] : memref<2560x2x128xi32, #tpu.memory_space<hbm>> -> memref<1x2x128xi32, #tpu.memory_space<hbm>>
        %dma_start3A_455 = tpu.memref_squeeze %dma_start3A_454 : memref<1x2x128xi32, #tpu.memory_space<hbm>> -> memref<2x128xi32, #tpu.memory_space<hbm>>
        tpu.enqueue_dma source(%dma_start3A_455 : memref<2x128xi32, #tpu.memory_space<hbm>>) target(%dma_start3A_451 : memref<2x128xi32, #tpu.memory_space<vmem>>) target_semaphore(%arg16 : memref<!tpu.dma_semaphore, #tpu.memory_space<semaphore_mem>>)
      } else {
      }
      %add3A_407 = arith.constant 1 : i32
      %add3A_408 = arith.addi %add3A_399, %add3A_407 : i32
      %lt3A_409 = arith.constant 80 : i32
      %lt3A_410 = arith.cmpi slt, %add3A_408, %lt3A_409 : i32
      %convert_element_type3A_411 = arith.extui %lt3A_410 : i1 to i32
      %cond3A_412 = arith.constant 0 : i32
      %cond3A_413 = arith.cmpi ne, %convert_element_type3A_411, %cond3A_412 : i32
      scf.if %cond3A_413 {
        %add3A_436 = arith.constant 1 : i32
        %add3A_437 = arith.addi %add3A_399, %add3A_436 : i32
        %add3A_438 = arith.addi %mul3A_2, %add3A_437 : i32
        %dma_wait3A_439 = arith.constant 0 : i32
        %dma_wait3A_440 = arith.constant 0 : i32
        %dma_wait3A_441 = arith.constant 0 : i32
        %dma_wait3A_442 = tpu.memref_slice %arg7[%dma_wait3A_439, %dma_wait3A_440, %dma_wait3A_441] : memref<4x2x128xi32, #tpu.memory_space<vmem>> -> memref<1x2x128xi32, #tpu.memory_space<vmem>>
        %dma_wait3A_443 = tpu.memref_squeeze %dma_wait3A_442 : memref<1x2x128xi32, #tpu.memory_space<vmem>> -> memref<2x128xi32, #tpu.memory_space<vmem>>
        %dma_wait3A_444 = arith.constant 0 : i32
        %dma_wait3A_445 = arith.constant 0 : i32
        %dma_wait3A_446 = tpu.memref_slice %arg4[%add3A_438, %dma_wait3A_444, %dma_wait3A_445] : memref<2560x2x128xi32, #tpu.memory_space<hbm>> -> memref<1x2x128xi32, #tpu.memory_space<hbm>>
        %dma_wait3A_447 = tpu.memref_squeeze %dma_wait3A_446 : memref<1x2x128xi32, #tpu.memory_space<hbm>> -> memref<2x128xi32, #tpu.memory_space<hbm>>
        %dma_wait3A_448 = arith.constant 0 : i32
        %dma_wait3A_449 = arith.constant 0 : i32
        %dma_wait3A_450 = tpu.memref_slice %arg7[%dma_wait3A_439, %dma_wait3A_448, %dma_wait3A_449] : memref<4x2x128xi32, #tpu.memory_space<vmem>> -> memref<1x2x128xi32, #tpu.memory_space<vmem>>
        %dma_wait3A_451 = tpu.memref_squeeze %dma_wait3A_450 : memref<1x2x128xi32, #tpu.memory_space<vmem>> -> memref<2x128xi32, #tpu.memory_space<vmem>>
        %dma_wait3A_452 = arith.constant 0 : i32
        %dma_wait3A_453 = arith.constant 0 : i32
        %dma_wait3A_454 = tpu.memref_slice %arg4[%add3A_438, %dma_wait3A_452, %dma_wait3A_453] : memref<2560x2x128xi32, #tpu.memory_space<hbm>> -> memref<1x2x128xi32, #tpu.memory_space<hbm>>
        %dma_wait3A_455 = tpu.memref_squeeze %dma_wait3A_454 : memref<1x2x128xi32, #tpu.memory_space<hbm>> -> memref<2x128xi32, #tpu.memory_space<hbm>>
        tpu.wait_dma2 semaphore(%arg15 : memref<!tpu.dma_semaphore, #tpu.memory_space<semaphore_mem>>) src(%dma_wait3A_455 : memref<2x128xi32, #tpu.memory_space<hbm>>) dst(%dma_wait3A_451 : memref<2x128xi32, #tpu.memory_space<vmem>>)
        %dma_start3A_456 = arith.constant 0 : i32
        %dma_start3A_457 = arith.constant 0 : i32
        %dma_start3A_458 = arith.constant 0 : i32
        %dma_start3A_459 = tpu.memref_slice %arg7[%dma_start3A_456, %dma_start3A_457, %dma_start3A_458] : memref<4x2x128xi32, #tpu.memory_space<vmem>> -> memref<1x1x128xi32, #tpu.memory_space<vmem>>
        %dma_start3A_460 = tpu.memref_squeeze %dma_start3A_459 : memref<1x1x128xi32, #tpu.memory_space<vmem>> -> memref<128xi32, #tpu.memory_space<vmem>>
        %dma_start3A_461 = arith.constant 0 : i32
        %dma_start3A_462 = arith.constant 0 : i32
        %dma_start3A_463 = tpu.memref_slice %arg12[%dma_start3A_461, %dma_start3A_462] : memref<10000x64xf32, #tpu.memory_space<vmem_shared>> -> memref<10000x64xf32, #tpu.memory_space<vmem_shared>>
        tpu.enqueue_indirect_dma source(%dma_start3A_463 : memref<10000x64xf32, #tpu.memory_space<vmem_shared>>) target(%arg8 : memref<128x64xf32, #tpu.memory_space<vmem>>) offsets(%dma_start3A_460 : memref<128xi32, #tpu.memory_space<vmem>>) semaphore(%arg19 : memref<!tpu.dma_semaphore, #tpu.memory_space<semaphore_mem>>)
      } else {
      }
      %dma_wait3A_414 = arith.constant 3 : i32
      %dma_wait3A_415 = arith.constant 0 : i32
      %dma_wait3A_416 = arith.constant 0 : i32
      %dma_wait3A_417 = tpu.memref_slice %arg7[%dma_wait3A_414, %dma_wait3A_415, %dma_wait3A_416] : memref<4x2x128xi32, #tpu.memory_space<vmem>> -> memref<1x1x128xi32, #tpu.memory_space<vmem>>
      %dma_wait3A_418 = tpu.memref_squeeze %dma_wait3A_417 : memref<1x1x128xi32, #tpu.memory_space<vmem>> -> memref<128xi32, #tpu.memory_space<vmem>>
      %dma_wait3A_419 = arith.constant 0 : i32
      %dma_wait3A_420 = arith.constant 0 : i32
      %dma_wait3A_421 = tpu.memref_slice %arg12[%dma_wait3A_419, %dma_wait3A_420] : memref<10000x64xf32, #tpu.memory_space<vmem_shared>> -> memref<10000x64xf32, #tpu.memory_space<vmem_shared>>
      tpu.wait_indirect_dma semaphore(%arg20 : memref<!tpu.dma_semaphore, #tpu.memory_space<semaphore_mem>>) src(%dma_wait3A_421 : memref<10000x64xf32, #tpu.memory_space<vmem_shared>>) dst(%arg9 : memref<128x64xf32, #tpu.memory_space<vmem>>)
      %ge3A_422 = arith.constant 1 : i32
      %ge3A_423 = arith.cmpi sge, %add3A_399, %ge3A_422 : i32
      %convert_element_type3A_424 = arith.extui %ge3A_423 : i1 to i32
      %cond3A_425 = arith.constant 0 : i32
      %cond3A_426 = arith.cmpi ne, %convert_element_type3A_424, %cond3A_425 : i32
      scf.if %cond3A_426 {
        %dma_wait3A_436 = arith.constant 2 : i32
        %dma_wait3A_437 = arith.constant 1 : i32
        %dma_wait3A_438 = arith.constant 0 : i32
        %dma_wait3A_439 = tpu.memref_slice %arg7[%dma_wait3A_436, %dma_wait3A_437, %dma_wait3A_438] : memref<4x2x128xi32, #tpu.memory_space<vmem>> -> memref<1x1x128xi32, #tpu.memory_space<vmem>>
        %dma_wait3A_440 = tpu.memref_squeeze %dma_wait3A_439 : memref<1x1x128xi32, #tpu.memory_space<vmem>> -> memref<128xi32, #tpu.memory_space<vmem>>
        %dma_wait3A_441 = arith.constant 0 : i32
        %dma_wait3A_442 = tpu.memref_slice %arg14[%dma_wait3A_441] : memref<10240xf32, #tpu.memory_space<vmem_shared>> -> memref<10240xf32, #tpu.memory_space<vmem_shared>>
        tpu.wait_indirect_dma semaphore(%arg21 : memref<!tpu.dma_semaphore, #tpu.memory_space<semaphore_mem>>) src(%arg10 : memref<128xf32, #tpu.memory_space<vmem>>) dst(%dma_wait3A_442 : memref<10240xf32, #tpu.memory_space<vmem_shared>>)
      } else {
      }
      %run_scoped3A_427 = arith.constant 3 : i32
      %run_scoped3A_428 = arith.constant 1 : i32
      "tpu.region"() ({
        %run_scoped3A_436 = tpu.sem_alloc : memref<!tpu.dma_semaphore, #tpu.memory_space<semaphore_mem>>
        %dma_start3A_437 = arith.constant 0 : i32
        %dma_start3A_438 = tpu.memref_slice %arg7[%run_scoped3A_427, %run_scoped3A_428, %dma_start3A_437] : memref<4x2x128xi32, #tpu.memory_space<vmem>> -> memref<1x1x128xi32, #tpu.memory_space<vmem>>
        %dma_start3A_439 = tpu.memref_squeeze %dma_start3A_438 : memref<1x1x128xi32, #tpu.memory_space<vmem>> -> memref<128xi32, #tpu.memory_space<vmem>>
        %dma_start3A_440 = arith.constant 0 : i32
        %dma_start3A_441 = arith.constant 0 : i32
        %dma_start3A_442 = tpu.memref_slice %arg13[%dma_start3A_440, %dma_start3A_441] : memref<10240x64xf32, #tpu.memory_space<vmem_shared>> -> memref<10240x64xf32, #tpu.memory_space<vmem_shared>>
        tpu.enqueue_indirect_dma source(%arg9 : memref<128x64xf32, #tpu.memory_space<vmem>>) target(%dma_start3A_442 : memref<10240x64xf32, #tpu.memory_space<vmem_shared>>) offsets(%dma_start3A_439 : memref<128xi32, #tpu.memory_space<vmem>>) semaphore(%run_scoped3A_436 : memref<!tpu.dma_semaphore, #tpu.memory_space<semaphore_mem>>) {add = true}
        %dma_wait3A_443 = arith.constant 0 : i32
        %dma_wait3A_444 = tpu.memref_slice %arg7[%run_scoped3A_427, %run_scoped3A_428, %dma_wait3A_443] : memref<4x2x128xi32, #tpu.memory_space<vmem>> -> memref<1x1x128xi32, #tpu.memory_space<vmem>>
        %dma_wait3A_445 = tpu.memref_squeeze %dma_wait3A_444 : memref<1x1x128xi32, #tpu.memory_space<vmem>> -> memref<128xi32, #tpu.memory_space<vmem>>
        %dma_wait3A_446 = arith.constant 0 : i32
        %dma_wait3A_447 = arith.constant 0 : i32
        %dma_wait3A_448 = tpu.memref_slice %arg13[%dma_wait3A_446, %dma_wait3A_447] : memref<10240x64xf32, #tpu.memory_space<vmem_shared>> -> memref<10240x64xf32, #tpu.memory_space<vmem_shared>>
        tpu.wait_indirect_dma semaphore(%run_scoped3A_436 : memref<!tpu.dma_semaphore, #tpu.memory_space<semaphore_mem>>) src(%arg9 : memref<128x64xf32, #tpu.memory_space<vmem>>) dst(%dma_wait3A_448 : memref<10240x64xf32, #tpu.memory_space<vmem_shared>>)
        tpu.yield
      }) : () -> ()
      %dma_start3A_429 = arith.constant 3 : i32
      %dma_start3A_430 = arith.constant 1 : i32
      %dma_start3A_431 = arith.constant 0 : i32
      %dma_start3A_432 = tpu.memref_slice %arg7[%dma_start3A_429, %dma_start3A_430, %dma_start3A_431] : memref<4x2x128xi32, #tpu.memory_space<vmem>> -> memref<1x1x128xi32, #tpu.memory_space<vmem>>
      %dma_start3A_433 = tpu.memref_squeeze %dma_start3A_432 : memref<1x1x128xi32, #tpu.memory_space<vmem>> -> memref<128xi32, #tpu.memory_space<vmem>>
      %dma_start3A_434 = arith.constant 0 : i32
      %dma_start3A_435 = tpu.memref_slice %arg14[%dma_start3A_434] : memref<10240xf32, #tpu.memory_space<vmem_shared>> -> memref<10240xf32, #tpu.memory_space<vmem_shared>>
      tpu.enqueue_indirect_dma source(%arg10 : memref<128xf32, #tpu.memory_space<vmem>>) target(%dma_start3A_435 : memref<10240xf32, #tpu.memory_space<vmem_shared>>) offsets(%dma_start3A_433 : memref<128xi32, #tpu.memory_space<vmem>>) semaphore(%arg22 : memref<!tpu.dma_semaphore, #tpu.memory_space<semaphore_mem>>) {add = true}
    }
    %scan3A_139 = arith.constant 20 : i32
    %dma_wait3A_140 = arith.constant 3 : i32
    %dma_wait3A_141 = arith.constant 1 : i32
    %dma_wait3A_142 = arith.constant 0 : i32
    %dma_wait3A_143 = tpu.memref_slice %arg7[%dma_wait3A_140, %dma_wait3A_141, %dma_wait3A_142] : memref<4x2x128xi32, #tpu.memory_space<vmem>> -> memref<1x1x128xi32, #tpu.memory_space<vmem>>
    %dma_wait3A_144 = tpu.memref_squeeze %dma_wait3A_143 : memref<1x1x128xi32, #tpu.memory_space<vmem>> -> memref<128xi32, #tpu.memory_space<vmem>>
    %dma_wait3A_145 = arith.constant 0 : i32
    %dma_wait3A_146 = tpu.memref_slice %arg14[%dma_wait3A_145] : memref<10240xf32, #tpu.memory_space<vmem_shared>> -> memref<10240xf32, #tpu.memory_space<vmem_shared>>
    tpu.wait_indirect_dma semaphore(%arg22 : memref<!tpu.dma_semaphore, #tpu.memory_space<semaphore_mem>>) src(%arg10 : memref<128xf32, #tpu.memory_space<vmem>>) dst(%dma_wait3A_146 : memref<10240xf32, #tpu.memory_space<vmem_shared>>)
    %barrier3A_147 = arith.constant 0 : index
    tpu.barrier barrier_id(%barrier3A_147)
    %add3A_148 = arith.constant 0 : i32
    %add3A_149 = arith.addi %mul3A_4, %add3A_148 : i32
    "tpu.region"() ({
      %run_scoped3A_279 = tpu.sem_alloc : memref<!tpu.dma_semaphore, #tpu.memory_space<semaphore_mem>>
      %dma_start3A_280 = arith.constant 0 : i32
      %dma_start3A_281 = tpu.memref_slice %arg13[%add3A_149, %dma_start3A_280] : memref<10240x64xf32, #tpu.memory_space<vmem_shared>> -> memref<128x64xf32, #tpu.memory_space<vmem_shared>>
      %dma_start3A_282 = arith.constant 0 : i32
      %dma_start3A_283 = tpu.memref_slice %arg13[%add3A_149, %dma_start3A_282] : memref<10240x64xf32, #tpu.memory_space<vmem_shared>> -> memref<128x64xf32, #tpu.memory_space<vmem_shared>>
      tpu.enqueue_dma source(%dma_start3A_283 : memref<128x64xf32, #tpu.memory_space<vmem_shared>>) target(%arg8 : memref<128x64xf32, #tpu.memory_space<vmem>>) target_semaphore(%run_scoped3A_279 : memref<!tpu.dma_semaphore, #tpu.memory_space<semaphore_mem>>)
      %dma_wait3A_284 = arith.constant 0 : i32
      %dma_wait3A_285 = tpu.memref_slice %arg13[%add3A_149, %dma_wait3A_284] : memref<10240x64xf32, #tpu.memory_space<vmem_shared>> -> memref<128x64xf32, #tpu.memory_space<vmem_shared>>
      %dma_wait3A_286 = arith.constant 0 : i32
      %dma_wait3A_287 = tpu.memref_slice %arg13[%add3A_149, %dma_wait3A_286] : memref<10240x64xf32, #tpu.memory_space<vmem_shared>> -> memref<128x64xf32, #tpu.memory_space<vmem_shared>>
      tpu.wait_dma2 semaphore(%run_scoped3A_279 : memref<!tpu.dma_semaphore, #tpu.memory_space<semaphore_mem>>) src(%dma_wait3A_287 : memref<128x64xf32, #tpu.memory_space<vmem_shared>>) dst(%arg8 : memref<128x64xf32, #tpu.memory_space<vmem>>)
      tpu.yield
    }) : () -> ()
    %run_scoped3A = arith.constant 0 : i32
    "tpu.region"() ({
      %run_scoped3A_279 = tpu.sem_alloc : memref<!tpu.dma_semaphore, #tpu.memory_space<semaphore_mem>>
      %dma_start3A_280 = arith.constant 0 : i32
      %dma_start3A_281 = arith.constant 0 : i32
      %dma_start3A_282 = arith.constant 0 : i32
      %dma_start3A_283 = tpu.memref_slice %arg5[%run_scoped3A, %dma_start3A_280, %dma_start3A_281, %dma_start3A_282] : memref<2x2x10240x64xf32, #tpu.memory_space<hbm>> -> memref<1x2x10240x64xf32, #tpu.memory_space<hbm>>
      %dma_start3A_284 = tpu.memref_squeeze %dma_start3A_283 : memref<1x2x10240x64xf32, #tpu.memory_space<hbm>> -> memref<2x10240x64xf32, #tpu.memory_space<hbm>>
      %dma_start3A_285 = arith.constant 0 : i32
      %dma_start3A_286 = arith.constant 0 : i32
      %dma_start3A_287 = tpu.memref_slice %dma_start3A_284[%arg0, %dma_start3A_285, %dma_start3A_286] : memref<2x10240x64xf32, #tpu.memory_space<hbm>> -> memref<1x10240x64xf32, #tpu.memory_space<hbm>>
      %dma_start3A_288 = tpu.memref_squeeze %dma_start3A_287 : memref<1x10240x64xf32, #tpu.memory_space<hbm>> -> memref<10240x64xf32, #tpu.memory_space<hbm>>
      %dma_start3A_289 = arith.constant 0 : i32
      %dma_start3A_290 = tpu.memref_slice %dma_start3A_288[%add3A_149, %dma_start3A_289] : memref<10240x64xf32, #tpu.memory_space<hbm>> -> memref<128x64xf32, #tpu.memory_space<hbm>>
      %dma_start3A_291 = arith.constant 0 : i32
      %dma_start3A_292 = arith.constant 0 : i32
      %dma_start3A_293 = arith.constant 0 : i32
      %dma_start3A_294 = tpu.memref_slice %arg5[%run_scoped3A, %dma_start3A_291, %dma_start3A_292, %dma_start3A_293] : memref<2x2x10240x64xf32, #tpu.memory_space<hbm>> -> memref<1x2x10240x64xf32, #tpu.memory_space<hbm>>
      %dma_start3A_295 = tpu.memref_squeeze %dma_start3A_294 : memref<1x2x10240x64xf32, #tpu.memory_space<hbm>> -> memref<2x10240x64xf32, #tpu.memory_space<hbm>>
      %dma_start3A_296 = arith.constant 0 : i32
      %dma_start3A_297 = arith.constant 0 : i32
      %dma_start3A_298 = tpu.memref_slice %dma_start3A_295[%arg0, %dma_start3A_296, %dma_start3A_297] : memref<2x10240x64xf32, #tpu.memory_space<hbm>> -> memref<1x10240x64xf32, #tpu.memory_space<hbm>>
      %dma_start3A_299 = tpu.memref_squeeze %dma_start3A_298 : memref<1x10240x64xf32, #tpu.memory_space<hbm>> -> memref<10240x64xf32, #tpu.memory_space<hbm>>
      %dma_start3A_300 = arith.constant 0 : i32
      %dma_start3A_301 = tpu.memref_slice %dma_start3A_299[%add3A_149, %dma_start3A_300] : memref<10240x64xf32, #tpu.memory_space<hbm>> -> memref<128x64xf32, #tpu.memory_space<hbm>>
      tpu.enqueue_dma source(%arg8 : memref<128x64xf32, #tpu.memory_space<vmem>>) target(%dma_start3A_301 : memref<128x64xf32, #tpu.memory_space<hbm>>) target_semaphore(%run_scoped3A_279 : memref<!tpu.dma_semaphore, #tpu.memory_space<semaphore_mem>>)
      %dma_wait3A_302 = arith.constant 0 : i32
      %dma_wait3A_303 = arith.constant 0 : i32
      %dma_wait3A_304 = arith.constant 0 : i32
      %dma_wait3A_305 = tpu.memref_slice %arg5[%run_scoped3A, %dma_wait3A_302, %dma_wait3A_303, %dma_wait3A_304] : memref<2x2x10240x64xf32, #tpu.memory_space<hbm>> -> memref<1x2x10240x64xf32, #tpu.memory_space<hbm>>
      %dma_wait3A_306 = tpu.memref_squeeze %dma_wait3A_305 : memref<1x2x10240x64xf32, #tpu.memory_space<hbm>> -> memref<2x10240x64xf32, #tpu.memory_space<hbm>>
      %dma_wait3A_307 = arith.constant 0 : i32
      %dma_wait3A_308 = arith.constant 0 : i32
      %dma_wait3A_309 = tpu.memref_slice %dma_wait3A_306[%arg0, %dma_wait3A_307, %dma_wait3A_308] : memref<2x10240x64xf32, #tpu.memory_space<hbm>> -> memref<1x10240x64xf32, #tpu.memory_space<hbm>>
      %dma_wait3A_310 = tpu.memref_squeeze %dma_wait3A_309 : memref<1x10240x64xf32, #tpu.memory_space<hbm>> -> memref<10240x64xf32, #tpu.memory_space<hbm>>
      %dma_wait3A_311 = arith.constant 0 : i32
      %dma_wait3A_312 = tpu.memref_slice %dma_wait3A_310[%add3A_149, %dma_wait3A_311] : memref<10240x64xf32, #tpu.memory_space<hbm>> -> memref<128x64xf32, #tpu.memory_space<hbm>>
      %dma_wait3A_313 = arith.constant 0 : i32
      %dma_wait3A_314 = arith.constant 0 : i32
      %dma_wait3A_315 = arith.constant 0 : i32
      %dma_wait3A_316 = tpu.memref_slice %arg5[%run_scoped3A, %dma_wait3A_313, %dma_wait3A_314, %dma_wait3A_315] : memref<2x2x10240x64xf32, #tpu.memory_space<hbm>> -> memref<1x2x10240x64xf32, #tpu.memory_space<hbm>>
      %dma_wait3A_317 = tpu.memref_squeeze %dma_wait3A_316 : memref<1x2x10240x64xf32, #tpu.memory_space<hbm>> -> memref<2x10240x64xf32, #tpu.memory_space<hbm>>
      %dma_wait3A_318 = arith.constant 0 : i32
      %dma_wait3A_319 = arith.constant 0 : i32
      %dma_wait3A_320 = tpu.memref_slice %dma_wait3A_317[%arg0, %dma_wait3A_318, %dma_wait3A_319] : memref<2x10240x64xf32, #tpu.memory_space<hbm>> -> memref<1x10240x64xf32, #tpu.memory_space<hbm>>
      %dma_wait3A_321 = tpu.memref_squeeze %dma_wait3A_320 : memref<1x10240x64xf32, #tpu.memory_space<hbm>> -> memref<10240x64xf32, #tpu.memory_space<hbm>>
      %dma_wait3A_322 = arith.constant 0 : i32
      %dma_wait3A_323 = tpu.memref_slice %dma_wait3A_321[%add3A_149, %dma_wait3A_322] : memref<10240x64xf32, #tpu.memory_space<hbm>> -> memref<128x64xf32, #tpu.memory_space<hbm>>
      tpu.wait_dma2 semaphore(%run_scoped3A_279 : memref<!tpu.dma_semaphore, #tpu.memory_space<semaphore_mem>>) src(%arg8 : memref<128x64xf32, #tpu.memory_space<vmem>>) dst(%dma_wait3A_323 : memref<128x64xf32, #tpu.memory_space<hbm>>)
      tpu.yield
    }) : () -> ()
    %add3A_150 = arith.constant 128 : i32
    %add3A_151 = arith.addi %mul3A_4, %add3A_150 : i32
    "tpu.region"() ({
      %run_scoped3A_279 = tpu.sem_alloc : memref<!tpu.dma_semaphore, #tpu.memory_space<semaphore_mem>>
      %dma_start3A_280 = arith.constant 0 : i32
      %dma_start3A_281 = tpu.memref_slice %arg13[%add3A_151, %dma_start3A_280] : memref<10240x64xf32, #tpu.memory_space<vmem_shared>> -> memref<128x64xf32, #tpu.memory_space<vmem_shared>>
      %dma_start3A_282 = arith.constant 0 : i32
      %dma_start3A_283 = tpu.memref_slice %arg13[%add3A_151, %dma_start3A_282] : memref<10240x64xf32, #tpu.memory_space<vmem_shared>> -> memref<128x64xf32, #tpu.memory_space<vmem_shared>>
      tpu.enqueue_dma source(%dma_start3A_283 : memref<128x64xf32, #tpu.memory_space<vmem_shared>>) target(%arg8 : memref<128x64xf32, #tpu.memory_space<vmem>>) target_semaphore(%run_scoped3A_279 : memref<!tpu.dma_semaphore, #tpu.memory_space<semaphore_mem>>)
      %dma_wait3A_284 = arith.constant 0 : i32
      %dma_wait3A_285 = tpu.memref_slice %arg13[%add3A_151, %dma_wait3A_284] : memref<10240x64xf32, #tpu.memory_space<vmem_shared>> -> memref<128x64xf32, #tpu.memory_space<vmem_shared>>
      %dma_wait3A_286 = arith.constant 0 : i32
      %dma_wait3A_287 = tpu.memref_slice %arg13[%add3A_151, %dma_wait3A_286] : memref<10240x64xf32, #tpu.memory_space<vmem_shared>> -> memref<128x64xf32, #tpu.memory_space<vmem_shared>>
      tpu.wait_dma2 semaphore(%run_scoped3A_279 : memref<!tpu.dma_semaphore, #tpu.memory_space<semaphore_mem>>) src(%dma_wait3A_287 : memref<128x64xf32, #tpu.memory_space<vmem_shared>>) dst(%arg8 : memref<128x64xf32, #tpu.memory_space<vmem>>)
      tpu.yield
    }) : () -> ()
    %run_scoped3A_152 = arith.constant 0 : i32
    "tpu.region"() ({
      %run_scoped3A_279 = tpu.sem_alloc : memref<!tpu.dma_semaphore, #tpu.memory_space<semaphore_mem>>
      %dma_start3A_280 = arith.constant 0 : i32
      %dma_start3A_281 = arith.constant 0 : i32
      %dma_start3A_282 = arith.constant 0 : i32
      %dma_start3A_283 = tpu.memref_slice %arg5[%run_scoped3A_152, %dma_start3A_280, %dma_start3A_281, %dma_start3A_282] : memref<2x2x10240x64xf32, #tpu.memory_space<hbm>> -> memref<1x2x10240x64xf32, #tpu.memory_space<hbm>>
      %dma_start3A_284 = tpu.memref_squeeze %dma_start3A_283 : memref<1x2x10240x64xf32, #tpu.memory_space<hbm>> -> memref<2x10240x64xf32, #tpu.memory_space<hbm>>
      %dma_start3A_285 = arith.constant 0 : i32
      %dma_start3A_286 = arith.constant 0 : i32
      %dma_start3A_287 = tpu.memref_slice %dma_start3A_284[%arg0, %dma_start3A_285, %dma_start3A_286] : memref<2x10240x64xf32, #tpu.memory_space<hbm>> -> memref<1x10240x64xf32, #tpu.memory_space<hbm>>
      %dma_start3A_288 = tpu.memref_squeeze %dma_start3A_287 : memref<1x10240x64xf32, #tpu.memory_space<hbm>> -> memref<10240x64xf32, #tpu.memory_space<hbm>>
      %dma_start3A_289 = arith.constant 0 : i32
      %dma_start3A_290 = tpu.memref_slice %dma_start3A_288[%add3A_151, %dma_start3A_289] : memref<10240x64xf32, #tpu.memory_space<hbm>> -> memref<128x64xf32, #tpu.memory_space<hbm>>
      %dma_start3A_291 = arith.constant 0 : i32
      %dma_start3A_292 = arith.constant 0 : i32
      %dma_start3A_293 = arith.constant 0 : i32
      %dma_start3A_294 = tpu.memref_slice %arg5[%run_scoped3A_152, %dma_start3A_291, %dma_start3A_292, %dma_start3A_293] : memref<2x2x10240x64xf32, #tpu.memory_space<hbm>> -> memref<1x2x10240x64xf32, #tpu.memory_space<hbm>>
      %dma_start3A_295 = tpu.memref_squeeze %dma_start3A_294 : memref<1x2x10240x64xf32, #tpu.memory_space<hbm>> -> memref<2x10240x64xf32, #tpu.memory_space<hbm>>
      %dma_start3A_296 = arith.constant 0 : i32
      %dma_start3A_297 = arith.constant 0 : i32
      %dma_start3A_298 = tpu.memref_slice %dma_start3A_295[%arg0, %dma_start3A_296, %dma_start3A_297] : memref<2x10240x64xf32, #tpu.memory_space<hbm>> -> memref<1x10240x64xf32, #tpu.memory_space<hbm>>
      %dma_start3A_299 = tpu.memref_squeeze %dma_start3A_298 : memref<1x10240x64xf32, #tpu.memory_space<hbm>> -> memref<10240x64xf32, #tpu.memory_space<hbm>>
      %dma_start3A_300 = arith.constant 0 : i32
      %dma_start3A_301 = tpu.memref_slice %dma_start3A_299[%add3A_151, %dma_start3A_300] : memref<10240x64xf32, #tpu.memory_space<hbm>> -> memref<128x64xf32, #tpu.memory_space<hbm>>
      tpu.enqueue_dma source(%arg8 : memref<128x64xf32, #tpu.memory_space<vmem>>) target(%dma_start3A_301 : memref<128x64xf32, #tpu.memory_space<hbm>>) target_semaphore(%run_scoped3A_279 : memref<!tpu.dma_semaphore, #tpu.memory_space<semaphore_mem>>)
      %dma_wait3A_302 = arith.constant 0 : i32
      %dma_wait3A_303 = arith.constant 0 : i32
      %dma_wait3A_304 = arith.constant 0 : i32
      %dma_wait3A_305 = tpu.memref_slice %arg5[%run_scoped3A_152, %dma_wait3A_302, %dma_wait3A_303, %dma_wait3A_304] : memref<2x2x10240x64xf32, #tpu.memory_space<hbm>> -> memref<1x2x10240x64xf32, #tpu.memory_space<hbm>>
      %dma_wait3A_306 = tpu.memref_squeeze %dma_wait3A_305 : memref<1x2x10240x64xf32, #tpu.memory_space<hbm>> -> memref<2x10240x64xf32, #tpu.memory_space<hbm>>
      %dma_wait3A_307 = arith.constant 0 : i32
      %dma_wait3A_308 = arith.constant 0 : i32
      %dma_wait3A_309 = tpu.memref_slice %dma_wait3A_306[%arg0, %dma_wait3A_307, %dma_wait3A_308] : memref<2x10240x64xf32, #tpu.memory_space<hbm>> -> memref<1x10240x64xf32, #tpu.memory_space<hbm>>
      %dma_wait3A_310 = tpu.memref_squeeze %dma_wait3A_309 : memref<1x10240x64xf32, #tpu.memory_space<hbm>> -> memref<10240x64xf32, #tpu.memory_space<hbm>>
      %dma_wait3A_311 = arith.constant 0 : i32
      %dma_wait3A_312 = tpu.memref_slice %dma_wait3A_310[%add3A_151, %dma_wait3A_311] : memref<10240x64xf32, #tpu.memory_space<hbm>> -> memref<128x64xf32, #tpu.memory_space<hbm>>
      %dma_wait3A_313 = arith.constant 0 : i32
      %dma_wait3A_314 = arith.constant 0 : i32
      %dma_wait3A_315 = arith.constant 0 : i32
      %dma_wait3A_316 = tpu.memref_slice %arg5[%run_scoped3A_152, %dma_wait3A_313, %dma_wait3A_314, %dma_wait3A_315] : memref<2x2x10240x64xf32, #tpu.memory_space<hbm>> -> memref<1x2x10240x64xf32, #tpu.memory_space<hbm>>
      %dma_wait3A_317 = tpu.memref_squeeze %dma_wait3A_316 : memref<1x2x10240x64xf32, #tpu.memory_space<hbm>> -> memref<2x10240x64xf32, #tpu.memory_space<hbm>>
      %dma_wait3A_318 = arith.constant 0 : i32
      %dma_wait3A_319 = arith.constant 0 : i32
      %dma_wait3A_320 = tpu.memref_slice %dma_wait3A_317[%arg0, %dma_wait3A_318, %dma_wait3A_319] : memref<2x10240x64xf32, #tpu.memory_space<hbm>> -> memref<1x10240x64xf32, #tpu.memory_space<hbm>>
      %dma_wait3A_321 = tpu.memref_squeeze %dma_wait3A_320 : memref<1x10240x64xf32, #tpu.memory_space<hbm>> -> memref<10240x64xf32, #tpu.memory_space<hbm>>
      %dma_wait3A_322 = arith.constant 0 : i32
      %dma_wait3A_323 = tpu.memref_slice %dma_wait3A_321[%add3A_151, %dma_wait3A_322] : memref<10240x64xf32, #tpu.memory_space<hbm>> -> memref<128x64xf32, #tpu.memory_space<hbm>>
      tpu.wait_dma2 semaphore(%run_scoped3A_279 : memref<!tpu.dma_semaphore, #tpu.memory_space<semaphore_mem>>) src(%arg8 : memref<128x64xf32, #tpu.memory_space<vmem>>) dst(%dma_wait3A_323 : memref<128x64xf32, #tpu.memory_space<hbm>>)
      tpu.yield
    }) : () -> ()
    %add3A_153 = arith.constant 256 : i32
    %add3A_154 = arith.addi %mul3A_4, %add3A_153 : i32
    "tpu.region"() ({
      %run_scoped3A_279 = tpu.sem_alloc : memref<!tpu.dma_semaphore, #tpu.memory_space<semaphore_mem>>
      %dma_start3A_280 = arith.constant 0 : i32
      %dma_start3A_281 = tpu.memref_slice %arg13[%add3A_154, %dma_start3A_280] : memref<10240x64xf32, #tpu.memory_space<vmem_shared>> -> memref<128x64xf32, #tpu.memory_space<vmem_shared>>
      %dma_start3A_282 = arith.constant 0 : i32
      %dma_start3A_283 = tpu.memref_slice %arg13[%add3A_154, %dma_start3A_282] : memref<10240x64xf32, #tpu.memory_space<vmem_shared>> -> memref<128x64xf32, #tpu.memory_space<vmem_shared>>
      tpu.enqueue_dma source(%dma_start3A_283 : memref<128x64xf32, #tpu.memory_space<vmem_shared>>) target(%arg8 : memref<128x64xf32, #tpu.memory_space<vmem>>) target_semaphore(%run_scoped3A_279 : memref<!tpu.dma_semaphore, #tpu.memory_space<semaphore_mem>>)
      %dma_wait3A_284 = arith.constant 0 : i32
      %dma_wait3A_285 = tpu.memref_slice %arg13[%add3A_154, %dma_wait3A_284] : memref<10240x64xf32, #tpu.memory_space<vmem_shared>> -> memref<128x64xf32, #tpu.memory_space<vmem_shared>>
      %dma_wait3A_286 = arith.constant 0 : i32
      %dma_wait3A_287 = tpu.memref_slice %arg13[%add3A_154, %dma_wait3A_286] : memref<10240x64xf32, #tpu.memory_space<vmem_shared>> -> memref<128x64xf32, #tpu.memory_space<vmem_shared>>
      tpu.wait_dma2 semaphore(%run_scoped3A_279 : memref<!tpu.dma_semaphore, #tpu.memory_space<semaphore_mem>>) src(%dma_wait3A_287 : memref<128x64xf32, #tpu.memory_space<vmem_shared>>) dst(%arg8 : memref<128x64xf32, #tpu.memory_space<vmem>>)
      tpu.yield
    }) : () -> ()
    %run_scoped3A_155 = arith.constant 0 : i32
    "tpu.region"() ({
      %run_scoped3A_279 = tpu.sem_alloc : memref<!tpu.dma_semaphore, #tpu.memory_space<semaphore_mem>>
      %dma_start3A_280 = arith.constant 0 : i32
      %dma_start3A_281 = arith.constant 0 : i32
      %dma_start3A_282 = arith.constant 0 : i32
      %dma_start3A_283 = tpu.memref_slice %arg5[%run_scoped3A_155, %dma_start3A_280, %dma_start3A_281, %dma_start3A_282] : memref<2x2x10240x64xf32, #tpu.memory_space<hbm>> -> memref<1x2x10240x64xf32, #tpu.memory_space<hbm>>
      %dma_start3A_284 = tpu.memref_squeeze %dma_start3A_283 : memref<1x2x10240x64xf32, #tpu.memory_space<hbm>> -> memref<2x10240x64xf32, #tpu.memory_space<hbm>>
      %dma_start3A_285 = arith.constant 0 : i32
      %dma_start3A_286 = arith.constant 0 : i32
      %dma_start3A_287 = tpu.memref_slice %dma_start3A_284[%arg0, %dma_start3A_285, %dma_start3A_286] : memref<2x10240x64xf32, #tpu.memory_space<hbm>> -> memref<1x10240x64xf32, #tpu.memory_space<hbm>>
      %dma_start3A_288 = tpu.memref_squeeze %dma_start3A_287 : memref<1x10240x64xf32, #tpu.memory_space<hbm>> -> memref<10240x64xf32, #tpu.memory_space<hbm>>
      %dma_start3A_289 = arith.constant 0 : i32
      %dma_start3A_290 = tpu.memref_slice %dma_start3A_288[%add3A_154, %dma_start3A_289] : memref<10240x64xf32, #tpu.memory_space<hbm>> -> memref<128x64xf32, #tpu.memory_space<hbm>>
      %dma_start3A_291 = arith.constant 0 : i32
      %dma_start3A_292 = arith.constant 0 : i32
      %dma_start3A_293 = arith.constant 0 : i32
      %dma_start3A_294 = tpu.memref_slice %arg5[%run_scoped3A_155, %dma_start3A_291, %dma_start3A_292, %dma_start3A_293] : memref<2x2x10240x64xf32, #tpu.memory_space<hbm>> -> memref<1x2x10240x64xf32, #tpu.memory_space<hbm>>
      %dma_start3A_295 = tpu.memref_squeeze %dma_start3A_294 : memref<1x2x10240x64xf32, #tpu.memory_space<hbm>> -> memref<2x10240x64xf32, #tpu.memory_space<hbm>>
      %dma_start3A_296 = arith.constant 0 : i32
      %dma_start3A_297 = arith.constant 0 : i32
      %dma_start3A_298 = tpu.memref_slice %dma_start3A_295[%arg0, %dma_start3A_296, %dma_start3A_297] : memref<2x10240x64xf32, #tpu.memory_space<hbm>> -> memref<1x10240x64xf32, #tpu.memory_space<hbm>>
      %dma_start3A_299 = tpu.memref_squeeze %dma_start3A_298 : memref<1x10240x64xf32, #tpu.memory_space<hbm>> -> memref<10240x64xf32, #tpu.memory_space<hbm>>
      %dma_start3A_300 = arith.constant 0 : i32
      %dma_start3A_301 = tpu.memref_slice %dma_start3A_299[%add3A_154, %dma_start3A_300] : memref<10240x64xf32, #tpu.memory_space<hbm>> -> memref<128x64xf32, #tpu.memory_space<hbm>>
      tpu.enqueue_dma source(%arg8 : memref<128x64xf32, #tpu.memory_space<vmem>>) target(%dma_start3A_301 : memref<128x64xf32, #tpu.memory_space<hbm>>) target_semaphore(%run_scoped3A_279 : memref<!tpu.dma_semaphore, #tpu.memory_space<semaphore_mem>>)
      %dma_wait3A_302 = arith.constant 0 : i32
      %dma_wait3A_303 = arith.constant 0 : i32
      %dma_wait3A_304 = arith.constant 0 : i32
      %dma_wait3A_305 = tpu.memref_slice %arg5[%run_scoped3A_155, %dma_wait3A_302, %dma_wait3A_303, %dma_wait3A_304] : memref<2x2x10240x64xf32, #tpu.memory_space<hbm>> -> memref<1x2x10240x64xf32, #tpu.memory_space<hbm>>
      %dma_wait3A_306 = tpu.memref_squeeze %dma_wait3A_305 : memref<1x2x10240x64xf32, #tpu.memory_space<hbm>> -> memref<2x10240x64xf32, #tpu.memory_space<hbm>>
      %dma_wait3A_307 = arith.constant 0 : i32
      %dma_wait3A_308 = arith.constant 0 : i32
      %dma_wait3A_309 = tpu.memref_slice %dma_wait3A_306[%arg0, %dma_wait3A_307, %dma_wait3A_308] : memref<2x10240x64xf32, #tpu.memory_space<hbm>> -> memref<1x10240x64xf32, #tpu.memory_space<hbm>>
      %dma_wait3A_310 = tpu.memref_squeeze %dma_wait3A_309 : memref<1x10240x64xf32, #tpu.memory_space<hbm>> -> memref<10240x64xf32, #tpu.memory_space<hbm>>
      %dma_wait3A_311 = arith.constant 0 : i32
      %dma_wait3A_312 = tpu.memref_slice %dma_wait3A_310[%add3A_154, %dma_wait3A_311] : memref<10240x64xf32, #tpu.memory_space<hbm>> -> memref<128x64xf32, #tpu.memory_space<hbm>>
      %dma_wait3A_313 = arith.constant 0 : i32
      %dma_wait3A_314 = arith.constant 0 : i32
      %dma_wait3A_315 = arith.constant 0 : i32
      %dma_wait3A_316 = tpu.memref_slice %arg5[%run_scoped3A_155, %dma_wait3A_313, %dma_wait3A_314, %dma_wait3A_315] : memref<2x2x10240x64xf32, #tpu.memory_space<hbm>> -> memref<1x2x10240x64xf32, #tpu.memory_space<hbm>>
      %dma_wait3A_317 = tpu.memref_squeeze %dma_wait3A_316 : memref<1x2x10240x64xf32, #tpu.memory_space<hbm>> -> memref<2x10240x64xf32, #tpu.memory_space<hbm>>
      %dma_wait3A_318 = arith.constant 0 : i32
      %dma_wait3A_319 = arith.constant 0 : i32
      %dma_wait3A_320 = tpu.memref_slice %dma_wait3A_317[%arg0, %dma_wait3A_318, %dma_wait3A_319] : memref<2x10240x64xf32, #tpu.memory_space<hbm>> -> memref<1x10240x64xf32, #tpu.memory_space<hbm>>
      %dma_wait3A_321 = tpu.memref_squeeze %dma_wait3A_320 : memref<1x10240x64xf32, #tpu.memory_space<hbm>> -> memref<10240x64xf32, #tpu.memory_space<hbm>>
      %dma_wait3A_322 = arith.constant 0 : i32
      %dma_wait3A_323 = tpu.memref_slice %dma_wait3A_321[%add3A_154, %dma_wait3A_322] : memref<10240x64xf32, #tpu.memory_space<hbm>> -> memref<128x64xf32, #tpu.memory_space<hbm>>
      tpu.wait_dma2 semaphore(%run_scoped3A_279 : memref<!tpu.dma_semaphore, #tpu.memory_space<semaphore_mem>>) src(%arg8 : memref<128x64xf32, #tpu.memory_space<vmem>>) dst(%dma_wait3A_323 : memref<128x64xf32, #tpu.memory_space<hbm>>)
      tpu.yield
    }) : () -> ()
    %add3A_156 = arith.constant 384 : i32
    %add3A_157 = arith.addi %mul3A_4, %add3A_156 : i32
    "tpu.region"() ({
      %run_scoped3A_279 = tpu.sem_alloc : memref<!tpu.dma_semaphore, #tpu.memory_space<semaphore_mem>>
      %dma_start3A_280 = arith.constant 0 : i32
      %dma_start3A_281 = tpu.memref_slice %arg13[%add3A_157, %dma_start3A_280] : memref<10240x64xf32, #tpu.memory_space<vmem_shared>> -> memref<128x64xf32, #tpu.memory_space<vmem_shared>>
      %dma_start3A_282 = arith.constant 0 : i32
      %dma_start3A_283 = tpu.memref_slice %arg13[%add3A_157, %dma_start3A_282] : memref<10240x64xf32, #tpu.memory_space<vmem_shared>> -> memref<128x64xf32, #tpu.memory_space<vmem_shared>>
      tpu.enqueue_dma source(%dma_start3A_283 : memref<128x64xf32, #tpu.memory_space<vmem_shared>>) target(%arg8 : memref<128x64xf32, #tpu.memory_space<vmem>>) target_semaphore(%run_scoped3A_279 : memref<!tpu.dma_semaphore, #tpu.memory_space<semaphore_mem>>)
      %dma_wait3A_284 = arith.constant 0 : i32
      %dma_wait3A_285 = tpu.memref_slice %arg13[%add3A_157, %dma_wait3A_284] : memref<10240x64xf32, #tpu.memory_space<vmem_shared>> -> memref<128x64xf32, #tpu.memory_space<vmem_shared>>
      %dma_wait3A_286 = arith.constant 0 : i32
      %dma_wait3A_287 = tpu.memref_slice %arg13[%add3A_157, %dma_wait3A_286] : memref<10240x64xf32, #tpu.memory_space<vmem_shared>> -> memref<128x64xf32, #tpu.memory_space<vmem_shared>>
      tpu.wait_dma2 semaphore(%run_scoped3A_279 : memref<!tpu.dma_semaphore, #tpu.memory_space<semaphore_mem>>) src(%dma_wait3A_287 : memref<128x64xf32, #tpu.memory_space<vmem_shared>>) dst(%arg8 : memref<128x64xf32, #tpu.memory_space<vmem>>)
      tpu.yield
    }) : () -> ()
    %run_scoped3A_158 = arith.constant 0 : i32
    "tpu.region"() ({
      %run_scoped3A_279 = tpu.sem_alloc : memref<!tpu.dma_semaphore, #tpu.memory_space<semaphore_mem>>
      %dma_start3A_280 = arith.constant 0 : i32
      %dma_start3A_281 = arith.constant 0 : i32
      %dma_start3A_282 = arith.constant 0 : i32
      %dma_start3A_283 = tpu.memref_slice %arg5[%run_scoped3A_158, %dma_start3A_280, %dma_start3A_281, %dma_start3A_282] : memref<2x2x10240x64xf32, #tpu.memory_space<hbm>> -> memref<1x2x10240x64xf32, #tpu.memory_space<hbm>>
      %dma_start3A_284 = tpu.memref_squeeze %dma_start3A_283 : memref<1x2x10240x64xf32, #tpu.memory_space<hbm>> -> memref<2x10240x64xf32, #tpu.memory_space<hbm>>
      %dma_start3A_285 = arith.constant 0 : i32
      %dma_start3A_286 = arith.constant 0 : i32
      %dma_start3A_287 = tpu.memref_slice %dma_start3A_284[%arg0, %dma_start3A_285, %dma_start3A_286] : memref<2x10240x64xf32, #tpu.memory_space<hbm>> -> memref<1x10240x64xf32, #tpu.memory_space<hbm>>
      %dma_start3A_288 = tpu.memref_squeeze %dma_start3A_287 : memref<1x10240x64xf32, #tpu.memory_space<hbm>> -> memref<10240x64xf32, #tpu.memory_space<hbm>>
      %dma_start3A_289 = arith.constant 0 : i32
      %dma_start3A_290 = tpu.memref_slice %dma_start3A_288[%add3A_157, %dma_start3A_289] : memref<10240x64xf32, #tpu.memory_space<hbm>> -> memref<128x64xf32, #tpu.memory_space<hbm>>
      %dma_start3A_291 = arith.constant 0 : i32
      %dma_start3A_292 = arith.constant 0 : i32
      %dma_start3A_293 = arith.constant 0 : i32
      %dma_start3A_294 = tpu.memref_slice %arg5[%run_scoped3A_158, %dma_start3A_291, %dma_start3A_292, %dma_start3A_293] : memref<2x2x10240x64xf32, #tpu.memory_space<hbm>> -> memref<1x2x10240x64xf32, #tpu.memory_space<hbm>>
      %dma_start3A_295 = tpu.memref_squeeze %dma_start3A_294 : memref<1x2x10240x64xf32, #tpu.memory_space<hbm>> -> memref<2x10240x64xf32, #tpu.memory_space<hbm>>
      %dma_start3A_296 = arith.constant 0 : i32
      %dma_start3A_297 = arith.constant 0 : i32
      %dma_start3A_298 = tpu.memref_slice %dma_start3A_295[%arg0, %dma_start3A_296, %dma_start3A_297] : memref<2x10240x64xf32, #tpu.memory_space<hbm>> -> memref<1x10240x64xf32, #tpu.memory_space<hbm>>
      %dma_start3A_299 = tpu.memref_squeeze %dma_start3A_298 : memref<1x10240x64xf32, #tpu.memory_space<hbm>> -> memref<10240x64xf32, #tpu.memory_space<hbm>>
      %dma_start3A_300 = arith.constant 0 : i32
      %dma_start3A_301 = tpu.memref_slice %dma_start3A_299[%add3A_157, %dma_start3A_300] : memref<10240x64xf32, #tpu.memory_space<hbm>> -> memref<128x64xf32, #tpu.memory_space<hbm>>
      tpu.enqueue_dma source(%arg8 : memref<128x64xf32, #tpu.memory_space<vmem>>) target(%dma_start3A_301 : memref<128x64xf32, #tpu.memory_space<hbm>>) target_semaphore(%run_scoped3A_279 : memref<!tpu.dma_semaphore, #tpu.memory_space<semaphore_mem>>)
      %dma_wait3A_302 = arith.constant 0 : i32
      %dma_wait3A_303 = arith.constant 0 : i32
      %dma_wait3A_304 = arith.constant 0 : i32
      %dma_wait3A_305 = tpu.memref_slice %arg5[%run_scoped3A_158, %dma_wait3A_302, %dma_wait3A_303, %dma_wait3A_304] : memref<2x2x10240x64xf32, #tpu.memory_space<hbm>> -> memref<1x2x10240x64xf32, #tpu.memory_space<hbm>>
      %dma_wait3A_306 = tpu.memref_squeeze %dma_wait3A_305 : memref<1x2x10240x64xf32, #tpu.memory_space<hbm>> -> memref<2x10240x64xf32, #tpu.memory_space<hbm>>
      %dma_wait3A_307 = arith.constant 0 : i32
      %dma_wait3A_308 = arith.constant 0 : i32
      %dma_wait3A_309 = tpu.memref_slice %dma_wait3A_306[%arg0, %dma_wait3A_307, %dma_wait3A_308] : memref<2x10240x64xf32, #tpu.memory_space<hbm>> -> memref<1x10240x64xf32, #tpu.memory_space<hbm>>
      %dma_wait3A_310 = tpu.memref_squeeze %dma_wait3A_309 : memref<1x10240x64xf32, #tpu.memory_space<hbm>> -> memref<10240x64xf32, #tpu.memory_space<hbm>>
      %dma_wait3A_311 = arith.constant 0 : i32
      %dma_wait3A_312 = tpu.memref_slice %dma_wait3A_310[%add3A_157, %dma_wait3A_311] : memref<10240x64xf32, #tpu.memory_space<hbm>> -> memref<128x64xf32, #tpu.memory_space<hbm>>
      %dma_wait3A_313 = arith.constant 0 : i32
      %dma_wait3A_314 = arith.constant 0 : i32
      %dma_wait3A_315 = arith.constant 0 : i32
      %dma_wait3A_316 = tpu.memref_slice %arg5[%run_scoped3A_158, %dma_wait3A_313, %dma_wait3A_314, %dma_wait3A_315] : memref<2x2x10240x64xf32, #tpu.memory_space<hbm>> -> memref<1x2x10240x64xf32, #tpu.memory_space<hbm>>
      %dma_wait3A_317 = tpu.memref_squeeze %dma_wait3A_316 : memref<1x2x10240x64xf32, #tpu.memory_space<hbm>> -> memref<2x10240x64xf32, #tpu.memory_space<hbm>>
      %dma_wait3A_318 = arith.constant 0 : i32
      %dma_wait3A_319 = arith.constant 0 : i32
      %dma_wait3A_320 = tpu.memref_slice %dma_wait3A_317[%arg0, %dma_wait3A_318, %dma_wait3A_319] : memref<2x10240x64xf32, #tpu.memory_space<hbm>> -> memref<1x10240x64xf32, #tpu.memory_space<hbm>>
      %dma_wait3A_321 = tpu.memref_squeeze %dma_wait3A_320 : memref<1x10240x64xf32, #tpu.memory_space<hbm>> -> memref<10240x64xf32, #tpu.memory_space<hbm>>
      %dma_wait3A_322 = arith.constant 0 : i32
      %dma_wait3A_323 = tpu.memref_slice %dma_wait3A_321[%add3A_157, %dma_wait3A_322] : memref<10240x64xf32, #tpu.memory_space<hbm>> -> memref<128x64xf32, #tpu.memory_space<hbm>>
      tpu.wait_dma2 semaphore(%run_scoped3A_279 : memref<!tpu.dma_semaphore, #tpu.memory_space<semaphore_mem>>) src(%arg8 : memref<128x64xf32, #tpu.memory_space<vmem>>) dst(%dma_wait3A_323 : memref<128x64xf32, #tpu.memory_space<hbm>>)
      tpu.yield
    }) : () -> ()
    %add3A_159 = arith.constant 512 : i32
    %add3A_160 = arith.addi %mul3A_4, %add3A_159 : i32
    "tpu.region"() ({
      %run_scoped3A_279 = tpu.sem_alloc : memref<!tpu.dma_semaphore, #tpu.memory_space<semaphore_mem>>
      %dma_start3A_280 = arith.constant 0 : i32
      %dma_start3A_281 = tpu.memref_slice %arg13[%add3A_160, %dma_start3A_280] : memref<10240x64xf32, #tpu.memory_space<vmem_shared>> -> memref<128x64xf32, #tpu.memory_space<vmem_shared>>
      %dma_start3A_282 = arith.constant 0 : i32
      %dma_start3A_283 = tpu.memref_slice %arg13[%add3A_160, %dma_start3A_282] : memref<10240x64xf32, #tpu.memory_space<vmem_shared>> -> memref<128x64xf32, #tpu.memory_space<vmem_shared>>
      tpu.enqueue_dma source(%dma_start3A_283 : memref<128x64xf32, #tpu.memory_space<vmem_shared>>) target(%arg8 : memref<128x64xf32, #tpu.memory_space<vmem>>) target_semaphore(%run_scoped3A_279 : memref<!tpu.dma_semaphore, #tpu.memory_space<semaphore_mem>>)
      %dma_wait3A_284 = arith.constant 0 : i32
      %dma_wait3A_285 = tpu.memref_slice %arg13[%add3A_160, %dma_wait3A_284] : memref<10240x64xf32, #tpu.memory_space<vmem_shared>> -> memref<128x64xf32, #tpu.memory_space<vmem_shared>>
      %dma_wait3A_286 = arith.constant 0 : i32
      %dma_wait3A_287 = tpu.memref_slice %arg13[%add3A_160, %dma_wait3A_286] : memref<10240x64xf32, #tpu.memory_space<vmem_shared>> -> memref<128x64xf32, #tpu.memory_space<vmem_shared>>
      tpu.wait_dma2 semaphore(%run_scoped3A_279 : memref<!tpu.dma_semaphore, #tpu.memory_space<semaphore_mem>>) src(%dma_wait3A_287 : memref<128x64xf32, #tpu.memory_space<vmem_shared>>) dst(%arg8 : memref<128x64xf32, #tpu.memory_space<vmem>>)
      tpu.yield
    }) : () -> ()
    %run_scoped3A_161 = arith.constant 0 : i32
    "tpu.region"() ({
      %run_scoped3A_279 = tpu.sem_alloc : memref<!tpu.dma_semaphore, #tpu.memory_space<semaphore_mem>>
      %dma_start3A_280 = arith.constant 0 : i32
      %dma_start3A_281 = arith.constant 0 : i32
      %dma_start3A_282 = arith.constant 0 : i32
      %dma_start3A_283 = tpu.memref_slice %arg5[%run_scoped3A_161, %dma_start3A_280, %dma_start3A_281, %dma_start3A_282] : memref<2x2x10240x64xf32, #tpu.memory_space<hbm>> -> memref<1x2x10240x64xf32, #tpu.memory_space<hbm>>
      %dma_start3A_284 = tpu.memref_squeeze %dma_start3A_283 : memref<1x2x10240x64xf32, #tpu.memory_space<hbm>> -> memref<2x10240x64xf32, #tpu.memory_space<hbm>>
      %dma_start3A_285 = arith.constant 0 : i32
      %dma_start3A_286 = arith.constant 0 : i32
      %dma_start3A_287 = tpu.memref_slice %dma_start3A_284[%arg0, %dma_start3A_285, %dma_start3A_286] : memref<2x10240x64xf32, #tpu.memory_space<hbm>> -> memref<1x10240x64xf32, #tpu.memory_space<hbm>>
      %dma_start3A_288 = tpu.memref_squeeze %dma_start3A_287 : memref<1x10240x64xf32, #tpu.memory_space<hbm>> -> memref<10240x64xf32, #tpu.memory_space<hbm>>
      %dma_start3A_289 = arith.constant 0 : i32
      %dma_start3A_290 = tpu.memref_slice %dma_start3A_288[%add3A_160, %dma_start3A_289] : memref<10240x64xf32, #tpu.memory_space<hbm>> -> memref<128x64xf32, #tpu.memory_space<hbm>>
      %dma_start3A_291 = arith.constant 0 : i32
      %dma_start3A_292 = arith.constant 0 : i32
      %dma_start3A_293 = arith.constant 0 : i32
      %dma_start3A_294 = tpu.memref_slice %arg5[%run_scoped3A_161, %dma_start3A_291, %dma_start3A_292, %dma_start3A_293] : memref<2x2x10240x64xf32, #tpu.memory_space<hbm>> -> memref<1x2x10240x64xf32, #tpu.memory_space<hbm>>
      %dma_start3A_295 = tpu.memref_squeeze %dma_start3A_294 : memref<1x2x10240x64xf32, #tpu.memory_space<hbm>> -> memref<2x10240x64xf32, #tpu.memory_space<hbm>>
      %dma_start3A_296 = arith.constant 0 : i32
      %dma_start3A_297 = arith.constant 0 : i32
      %dma_start3A_298 = tpu.memref_slice %dma_start3A_295[%arg0, %dma_start3A_296, %dma_start3A_297] : memref<2x10240x64xf32, #tpu.memory_space<hbm>> -> memref<1x10240x64xf32, #tpu.memory_space<hbm>>
      %dma_start3A_299 = tpu.memref_squeeze %dma_start3A_298 : memref<1x10240x64xf32, #tpu.memory_space<hbm>> -> memref<10240x64xf32, #tpu.memory_space<hbm>>
      %dma_start3A_300 = arith.constant 0 : i32
      %dma_start3A_301 = tpu.memref_slice %dma_start3A_299[%add3A_160, %dma_start3A_300] : memref<10240x64xf32, #tpu.memory_space<hbm>> -> memref<128x64xf32, #tpu.memory_space<hbm>>
      tpu.enqueue_dma source(%arg8 : memref<128x64xf32, #tpu.memory_space<vmem>>) target(%dma_start3A_301 : memref<128x64xf32, #tpu.memory_space<hbm>>) target_semaphore(%run_scoped3A_279 : memref<!tpu.dma_semaphore, #tpu.memory_space<semaphore_mem>>)
      %dma_wait3A_302 = arith.constant 0 : i32
      %dma_wait3A_303 = arith.constant 0 : i32
      %dma_wait3A_304 = arith.constant 0 : i32
      %dma_wait3A_305 = tpu.memref_slice %arg5[%run_scoped3A_161, %dma_wait3A_302, %dma_wait3A_303, %dma_wait3A_304] : memref<2x2x10240x64xf32, #tpu.memory_space<hbm>> -> memref<1x2x10240x64xf32, #tpu.memory_space<hbm>>
      %dma_wait3A_306 = tpu.memref_squeeze %dma_wait3A_305 : memref<1x2x10240x64xf32, #tpu.memory_space<hbm>> -> memref<2x10240x64xf32, #tpu.memory_space<hbm>>
      %dma_wait3A_307 = arith.constant 0 : i32
      %dma_wait3A_308 = arith.constant 0 : i32
      %dma_wait3A_309 = tpu.memref_slice %dma_wait3A_306[%arg0, %dma_wait3A_307, %dma_wait3A_308] : memref<2x10240x64xf32, #tpu.memory_space<hbm>> -> memref<1x10240x64xf32, #tpu.memory_space<hbm>>
      %dma_wait3A_310 = tpu.memref_squeeze %dma_wait3A_309 : memref<1x10240x64xf32, #tpu.memory_space<hbm>> -> memref<10240x64xf32, #tpu.memory_space<hbm>>
      %dma_wait3A_311 = arith.constant 0 : i32
      %dma_wait3A_312 = tpu.memref_slice %dma_wait3A_310[%add3A_160, %dma_wait3A_311] : memref<10240x64xf32, #tpu.memory_space<hbm>> -> memref<128x64xf32, #tpu.memory_space<hbm>>
      %dma_wait3A_313 = arith.constant 0 : i32
      %dma_wait3A_314 = arith.constant 0 : i32
      %dma_wait3A_315 = arith.constant 0 : i32
      %dma_wait3A_316 = tpu.memref_slice %arg5[%run_scoped3A_161, %dma_wait3A_313, %dma_wait3A_314, %dma_wait3A_315] : memref<2x2x10240x64xf32, #tpu.memory_space<hbm>> -> memref<1x2x10240x64xf32, #tpu.memory_space<hbm>>
      %dma_wait3A_317 = tpu.memref_squeeze %dma_wait3A_316 : memref<1x2x10240x64xf32, #tpu.memory_space<hbm>> -> memref<2x10240x64xf32, #tpu.memory_space<hbm>>
      %dma_wait3A_318 = arith.constant 0 : i32
      %dma_wait3A_319 = arith.constant 0 : i32
      %dma_wait3A_320 = tpu.memref_slice %dma_wait3A_317[%arg0, %dma_wait3A_318, %dma_wait3A_319] : memref<2x10240x64xf32, #tpu.memory_space<hbm>> -> memref<1x10240x64xf32, #tpu.memory_space<hbm>>
      %dma_wait3A_321 = tpu.memref_squeeze %dma_wait3A_320 : memref<1x10240x64xf32, #tpu.memory_space<hbm>> -> memref<10240x64xf32, #tpu.memory_space<hbm>>
      %dma_wait3A_322 = arith.constant 0 : i32
      %dma_wait3A_323 = tpu.memref_slice %dma_wait3A_321[%add3A_160, %dma_wait3A_322] : memref<10240x64xf32, #tpu.memory_space<hbm>> -> memref<128x64xf32, #tpu.memory_space<hbm>>
      tpu.wait_dma2 semaphore(%run_scoped3A_279 : memref<!tpu.dma_semaphore, #tpu.memory_space<semaphore_mem>>) src(%arg8 : memref<128x64xf32, #tpu.memory_space<vmem>>) dst(%dma_wait3A_323 : memref<128x64xf32, #tpu.memory_space<hbm>>)
      tpu.yield
    }) : () -> ()
    %mul3A_162 = arith.constant 640 : i32
    %mul3A_163 = arith.muli %arg1, %mul3A_162 : i32
    "tpu.region"() ({
      %run_scoped3A_279 = tpu.sem_alloc : memref<!tpu.dma_semaphore, #tpu.memory_space<semaphore_mem>>
      %dma_start3A_280 = tpu.memref_slice %arg14[%mul3A_163] : memref<10240xf32, #tpu.memory_space<vmem_shared>> -> memref<640xf32, #tpu.memory_space<vmem_shared>>
      %dma_start3A_281 = tpu.memref_slice %arg14[%mul3A_163] : memref<10240xf32, #tpu.memory_space<vmem_shared>> -> memref<640xf32, #tpu.memory_space<vmem_shared>>
      tpu.enqueue_dma source(%dma_start3A_281 : memref<640xf32, #tpu.memory_space<vmem_shared>>) target(%arg11 : memref<640xf32, #tpu.memory_space<vmem>>) target_semaphore(%run_scoped3A_279 : memref<!tpu.dma_semaphore, #tpu.memory_space<semaphore_mem>>)
      %dma_wait3A_282 = tpu.memref_slice %arg14[%mul3A_163] : memref<10240xf32, #tpu.memory_space<vmem_shared>> -> memref<640xf32, #tpu.memory_space<vmem_shared>>
      %dma_wait3A_283 = tpu.memref_slice %arg14[%mul3A_163] : memref<10240xf32, #tpu.memory_space<vmem_shared>> -> memref<640xf32, #tpu.memory_space<vmem_shared>>
      tpu.wait_dma2 semaphore(%run_scoped3A_279 : memref<!tpu.dma_semaphore, #tpu.memory_space<semaphore_mem>>) src(%dma_wait3A_283 : memref<640xf32, #tpu.memory_space<vmem_shared>>) dst(%arg11 : memref<640xf32, #tpu.memory_space<vmem>>)
      tpu.yield
    }) : () -> ()
    %mul3A_164 = arith.constant 640 : i32
    %mul3A_165 = arith.muli %arg1, %mul3A_164 : i32
    "tpu.region"() ({
      %run_scoped3A_279 = tpu.sem_alloc : memref<!tpu.dma_semaphore, #tpu.memory_space<semaphore_mem>>
      %dma_start3A_280 = arith.constant 0 : i32
      %dma_start3A_281 = tpu.memref_slice %arg6[%arg0, %dma_start3A_280] : memref<2x10240xf32, #tpu.memory_space<hbm>> -> memref<1x10240xf32, #tpu.memory_space<hbm>>
      %dma_start3A_282 = tpu.memref_squeeze %dma_start3A_281 : memref<1x10240xf32, #tpu.memory_space<hbm>> -> memref<10240xf32, #tpu.memory_space<hbm>>
      %dma_start3A_283 = tpu.memref_slice %dma_start3A_282[%mul3A_165] : memref<10240xf32, #tpu.memory_space<hbm>> -> memref<640xf32, #tpu.memory_space<hbm>>
      %dma_start3A_284 = arith.constant 0 : i32
      %dma_start3A_285 = tpu.memref_slice %arg6[%arg0, %dma_start3A_284] : memref<2x10240xf32, #tpu.memory_space<hbm>> -> memref<1x10240xf32, #tpu.memory_space<hbm>>
      %dma_start3A_286 = tpu.memref_squeeze %dma_start3A_285 : memref<1x10240xf32, #tpu.memory_space<hbm>> -> memref<10240xf32, #tpu.memory_space<hbm>>
      %dma_start3A_287 = tpu.memref_slice %dma_start3A_286[%mul3A_165] : memref<10240xf32, #tpu.memory_space<hbm>> -> memref<640xf32, #tpu.memory_space<hbm>>
      tpu.enqueue_dma source(%arg11 : memref<640xf32, #tpu.memory_space<vmem>>) target(%dma_start3A_287 : memref<640xf32, #tpu.memory_space<hbm>>) target_semaphore(%run_scoped3A_279 : memref<!tpu.dma_semaphore, #tpu.memory_space<semaphore_mem>>)
      %dma_wait3A_288 = arith.constant 0 : i32
      %dma_wait3A_289 = tpu.memref_slice %arg6[%arg0, %dma_wait3A_288] : memref<2x10240xf32, #tpu.memory_space<hbm>> -> memref<1x10240xf32, #tpu.memory_space<hbm>>
      %dma_wait3A_290 = tpu.memref_squeeze %dma_wait3A_289 : memref<1x10240xf32, #tpu.memory_space<hbm>> -> memref<10240xf32, #tpu.memory_space<hbm>>
      %dma_wait3A_291 = tpu.memref_slice %dma_wait3A_290[%mul3A_165] : memref<10240xf32, #tpu.memory_space<hbm>> -> memref<640xf32, #tpu.memory_space<hbm>>
      %dma_wait3A_292 = arith.constant 0 : i32
      %dma_wait3A_293 = tpu.memref_slice %arg6[%arg0, %dma_wait3A_292] : memref<2x10240xf32, #tpu.memory_space<hbm>> -> memref<1x10240xf32, #tpu.memory_space<hbm>>
      %dma_wait3A_294 = tpu.memref_squeeze %dma_wait3A_293 : memref<1x10240xf32, #tpu.memory_space<hbm>> -> memref<10240xf32, #tpu.memory_space<hbm>>
      %dma_wait3A_295 = tpu.memref_slice %dma_wait3A_294[%mul3A_165] : memref<10240xf32, #tpu.memory_space<hbm>> -> memref<640xf32, #tpu.memory_space<hbm>>
      tpu.wait_dma2 semaphore(%run_scoped3A_279 : memref<!tpu.dma_semaphore, #tpu.memory_space<semaphore_mem>>) src(%arg11 : memref<640xf32, #tpu.memory_space<vmem>>) dst(%dma_wait3A_295 : memref<640xf32, #tpu.memory_space<hbm>>)
      tpu.yield
    }) : () -> ()
    %barrier3A_166 = arith.constant 0 : index
    tpu.barrier barrier_id(%barrier3A_166)
    %scan3A_167 = arith.constant 0 : i32
    %scan3A_168 = arith.constant 128 : i32
    %scan3A_169 = arith.addi %scan3A_167, %scan3A_168 : i32
    %scan3A_170 = arith.constant 1 : i32
    scf.for %scan3A_279 = %scan3A_167 to %scan3A_169 step %scan3A_170  : i32 {
      %swap3A_280 = arith.index_cast %scan3A_279 : i32 to index
      %swap3A_281 = arith.constant 0 : index
      %swap3A_282 = tpu.vector_load %arg8[%swap3A_280, %swap3A_281] {strides = array<i32>} : memref<128x64xf32, #tpu.memory_space<vmem>>, vector<1x16xf32>,
      %swap3A_283 = vector.shape_cast %swap3A_282 : vector<1x16xf32> to vector<16xf32>
      %swap3A_284 = vector.shape_cast %broadcast_in_dim3A_7 : vector<16xf32> to vector<1x16xf32>
      tpu.vector_store %arg8[%swap3A_280, %swap3A_281], %swap3A_284 {strides = array<i32>} : memref<128x64xf32, #tpu.memory_space<vmem>>, vector<1x16xf32>,
      %swap3A_285 = arith.index_cast %scan3A_279 : i32 to index
      %swap3A_286 = arith.constant 16 : index
      %swap3A_287 = tpu.vector_load %arg8[%swap3A_285, %swap3A_286] {strides = array<i32>} : memref<128x64xf32, #tpu.memory_space<vmem>>, vector<1x16xf32>,
      %swap3A_288 = vector.shape_cast %swap3A_287 : vector<1x16xf32> to vector<16xf32>
      %swap3A_289 = vector.shape_cast %broadcast_in_dim3A_7 : vector<16xf32> to vector<1x16xf32>
      tpu.vector_store %arg8[%swap3A_285, %swap3A_286], %swap3A_289 {strides = array<i32>} : memref<128x64xf32, #tpu.memory_space<vmem>>, vector<1x16xf32>,
      %swap3A_290 = arith.index_cast %scan3A_279 : i32 to index
      %swap3A_291 = arith.constant 32 : index
      %swap3A_292 = tpu.vector_load %arg8[%swap3A_290, %swap3A_291] {strides = array<i32>} : memref<128x64xf32, #tpu.memory_space<vmem>>, vector<1x16xf32>,
      %swap3A_293 = vector.shape_cast %swap3A_292 : vector<1x16xf32> to vector<16xf32>
      %swap3A_294 = vector.shape_cast %broadcast_in_dim3A_7 : vector<16xf32> to vector<1x16xf32>
      tpu.vector_store %arg8[%swap3A_290, %swap3A_291], %swap3A_294 {strides = array<i32>} : memref<128x64xf32, #tpu.memory_space<vmem>>, vector<1x16xf32>,
      %swap3A_295 = arith.index_cast %scan3A_279 : i32 to index
      %swap3A_296 = arith.constant 48 : index
      %swap3A_297 = tpu.vector_load %arg8[%swap3A_295, %swap3A_296] {strides = array<i32>} : memref<128x64xf32, #tpu.memory_space<vmem>>, vector<1x16xf32>,
      %swap3A_298 = vector.shape_cast %swap3A_297 : vector<1x16xf32> to vector<16xf32>
      %swap3A_299 = vector.shape_cast %broadcast_in_dim3A_7 : vector<16xf32> to vector<1x16xf32>
      tpu.vector_store %arg8[%swap3A_295, %swap3A_296], %swap3A_299 {strides = array<i32>} : memref<128x64xf32, #tpu.memory_space<vmem>>, vector<1x16xf32>,
    }
    %scan3A_171 = arith.constant 128 : i32
    %add3A_172 = arith.constant 0 : i32
    %add3A_173 = arith.addi %mul3A_4, %add3A_172 : i32
    "tpu.region"() ({
      %run_scoped3A_279 = tpu.sem_alloc : memref<!tpu.dma_semaphore, #tpu.memory_space<semaphore_mem>>
      %dma_start3A_280 = arith.constant 0 : i32
      %dma_start3A_281 = tpu.memref_slice %arg13[%add3A_173, %dma_start3A_280] : memref<10240x64xf32, #tpu.memory_space<vmem_shared>> -> memref<128x64xf32, #tpu.memory_space<vmem_shared>>
      %dma_start3A_282 = arith.constant 0 : i32
      %dma_start3A_283 = tpu.memref_slice %arg13[%add3A_173, %dma_start3A_282] : memref<10240x64xf32, #tpu.memory_space<vmem_shared>> -> memref<128x64xf32, #tpu.memory_space<vmem_shared>>
      tpu.enqueue_dma source(%arg8 : memref<128x64xf32, #tpu.memory_space<vmem>>) target(%dma_start3A_283 : memref<128x64xf32, #tpu.memory_space<vmem_shared>>) target_semaphore(%run_scoped3A_279 : memref<!tpu.dma_semaphore, #tpu.memory_space<semaphore_mem>>)
      %dma_wait3A_284 = arith.constant 0 : i32
      %dma_wait3A_285 = tpu.memref_slice %arg13[%add3A_173, %dma_wait3A_284] : memref<10240x64xf32, #tpu.memory_space<vmem_shared>> -> memref<128x64xf32, #tpu.memory_space<vmem_shared>>
      %dma_wait3A_286 = arith.constant 0 : i32
      %dma_wait3A_287 = tpu.memref_slice %arg13[%add3A_173, %dma_wait3A_286] : memref<10240x64xf32, #tpu.memory_space<vmem_shared>> -> memref<128x64xf32, #tpu.memory_space<vmem_shared>>
      tpu.wait_dma2 semaphore(%run_scoped3A_279 : memref<!tpu.dma_semaphore, #tpu.memory_space<semaphore_mem>>) src(%arg8 : memref<128x64xf32, #tpu.memory_space<vmem>>) dst(%dma_wait3A_287 : memref<128x64xf32, #tpu.memory_space<vmem_shared>>)
      tpu.yield
    }) : () -> ()
    %add3A_174 = arith.constant 128 : i32
    %add3A_175 = arith.addi %mul3A_4, %add3A_174 : i32
    "tpu.region"() ({
      %run_scoped3A_279 = tpu.sem_alloc : memref<!tpu.dma_semaphore, #tpu.memory_space<semaphore_mem>>
      %dma_start3A_280 = arith.constant 0 : i32
      %dma_start3A_281 = tpu.memref_slice %arg13[%add3A_175, %dma_start3A_280] : memref<10240x64xf32, #tpu.memory_space<vmem_shared>> -> memref<128x64xf32, #tpu.memory_space<vmem_shared>>
      %dma_start3A_282 = arith.constant 0 : i32
      %dma_start3A_283 = tpu.memref_slice %arg13[%add3A_175, %dma_start3A_282] : memref<10240x64xf32, #tpu.memory_space<vmem_shared>> -> memref<128x64xf32, #tpu.memory_space<vmem_shared>>
      tpu.enqueue_dma source(%arg8 : memref<128x64xf32, #tpu.memory_space<vmem>>) target(%dma_start3A_283 : memref<128x64xf32, #tpu.memory_space<vmem_shared>>) target_semaphore(%run_scoped3A_279 : memref<!tpu.dma_semaphore, #tpu.memory_space<semaphore_mem>>)
      %dma_wait3A_284 = arith.constant 0 : i32
      %dma_wait3A_285 = tpu.memref_slice %arg13[%add3A_175, %dma_wait3A_284] : memref<10240x64xf32, #tpu.memory_space<vmem_shared>> -> memref<128x64xf32, #tpu.memory_space<vmem_shared>>
      %dma_wait3A_286 = arith.constant 0 : i32
      %dma_wait3A_287 = tpu.memref_slice %arg13[%add3A_175, %dma_wait3A_286] : memref<10240x64xf32, #tpu.memory_space<vmem_shared>> -> memref<128x64xf32, #tpu.memory_space<vmem_shared>>
      tpu.wait_dma2 semaphore(%run_scoped3A_279 : memref<!tpu.dma_semaphore, #tpu.memory_space<semaphore_mem>>) src(%arg8 : memref<128x64xf32, #tpu.memory_space<vmem>>) dst(%dma_wait3A_287 : memref<128x64xf32, #tpu.memory_space<vmem_shared>>)
      tpu.yield
    }) : () -> ()
    %add3A_176 = arith.constant 256 : i32
    %add3A_177 = arith.addi %mul3A_4, %add3A_176 : i32
    "tpu.region"() ({
      %run_scoped3A_279 = tpu.sem_alloc : memref<!tpu.dma_semaphore, #tpu.memory_space<semaphore_mem>>
      %dma_start3A_280 = arith.constant 0 : i32
      %dma_start3A_281 = tpu.memref_slice %arg13[%add3A_177, %dma_start3A_280] : memref<10240x64xf32, #tpu.memory_space<vmem_shared>> -> memref<128x64xf32, #tpu.memory_space<vmem_shared>>
      %dma_start3A_282 = arith.constant 0 : i32
      %dma_start3A_283 = tpu.memref_slice %arg13[%add3A_177, %dma_start3A_282] : memref<10240x64xf32, #tpu.memory_space<vmem_shared>> -> memref<128x64xf32, #tpu.memory_space<vmem_shared>>
      tpu.enqueue_dma source(%arg8 : memref<128x64xf32, #tpu.memory_space<vmem>>) target(%dma_start3A_283 : memref<128x64xf32, #tpu.memory_space<vmem_shared>>) target_semaphore(%run_scoped3A_279 : memref<!tpu.dma_semaphore, #tpu.memory_space<semaphore_mem>>)
      %dma_wait3A_284 = arith.constant 0 : i32
      %dma_wait3A_285 = tpu.memref_slice %arg13[%add3A_177, %dma_wait3A_284] : memref<10240x64xf32, #tpu.memory_space<vmem_shared>> -> memref<128x64xf32, #tpu.memory_space<vmem_shared>>
      %dma_wait3A_286 = arith.constant 0 : i32
      %dma_wait3A_287 = tpu.memref_slice %arg13[%add3A_177, %dma_wait3A_286] : memref<10240x64xf32, #tpu.memory_space<vmem_shared>> -> memref<128x64xf32, #tpu.memory_space<vmem_shared>>
      tpu.wait_dma2 semaphore(%run_scoped3A_279 : memref<!tpu.dma_semaphore, #tpu.memory_space<semaphore_mem>>) src(%arg8 : memref<128x64xf32, #tpu.memory_space<vmem>>) dst(%dma_wait3A_287 : memref<128x64xf32, #tpu.memory_space<vmem_shared>>)
      tpu.yield
    }) : () -> ()
    %add3A_178 = arith.constant 384 : i32
    %add3A_179 = arith.addi %mul3A_4, %add3A_178 : i32
    "tpu.region"() ({
      %run_scoped3A_279 = tpu.sem_alloc : memref<!tpu.dma_semaphore, #tpu.memory_space<semaphore_mem>>
      %dma_start3A_280 = arith.constant 0 : i32
      %dma_start3A_281 = tpu.memref_slice %arg13[%add3A_179, %dma_start3A_280] : memref<10240x64xf32, #tpu.memory_space<vmem_shared>> -> memref<128x64xf32, #tpu.memory_space<vmem_shared>>
      %dma_start3A_282 = arith.constant 0 : i32
      %dma_start3A_283 = tpu.memref_slice %arg13[%add3A_179, %dma_start3A_282] : memref<10240x64xf32, #tpu.memory_space<vmem_shared>> -> memref<128x64xf32, #tpu.memory_space<vmem_shared>>
      tpu.enqueue_dma source(%arg8 : memref<128x64xf32, #tpu.memory_space<vmem>>) target(%dma_start3A_283 : memref<128x64xf32, #tpu.memory_space<vmem_shared>>) target_semaphore(%run_scoped3A_279 : memref<!tpu.dma_semaphore, #tpu.memory_space<semaphore_mem>>)
      %dma_wait3A_284 = arith.constant 0 : i32
      %dma_wait3A_285 = tpu.memref_slice %arg13[%add3A_179, %dma_wait3A_284] : memref<10240x64xf32, #tpu.memory_space<vmem_shared>> -> memref<128x64xf32, #tpu.memory_space<vmem_shared>>
      %dma_wait3A_286 = arith.constant 0 : i32
      %dma_wait3A_287 = tpu.memref_slice %arg13[%add3A_179, %dma_wait3A_286] : memref<10240x64xf32, #tpu.memory_space<vmem_shared>> -> memref<128x64xf32, #tpu.memory_space<vmem_shared>>
      tpu.wait_dma2 semaphore(%run_scoped3A_279 : memref<!tpu.dma_semaphore, #tpu.memory_space<semaphore_mem>>) src(%arg8 : memref<128x64xf32, #tpu.memory_space<vmem>>) dst(%dma_wait3A_287 : memref<128x64xf32, #tpu.memory_space<vmem_shared>>)
      tpu.yield
    }) : () -> ()
    %add3A_180 = arith.constant 512 : i32
    %add3A_181 = arith.addi %mul3A_4, %add3A_180 : i32
    "tpu.region"() ({
      %run_scoped3A_279 = tpu.sem_alloc : memref<!tpu.dma_semaphore, #tpu.memory_space<semaphore_mem>>
      %dma_start3A_280 = arith.constant 0 : i32
      %dma_start3A_281 = tpu.memref_slice %arg13[%add3A_181, %dma_start3A_280] : memref<10240x64xf32, #tpu.memory_space<vmem_shared>> -> memref<128x64xf32, #tpu.memory_space<vmem_shared>>
      %dma_start3A_282 = arith.constant 0 : i32
      %dma_start3A_283 = tpu.memref_slice %arg13[%add3A_181, %dma_start3A_282] : memref<10240x64xf32, #tpu.memory_space<vmem_shared>> -> memref<128x64xf32, #tpu.memory_space<vmem_shared>>
      tpu.enqueue_dma source(%arg8 : memref<128x64xf32, #tpu.memory_space<vmem>>) target(%dma_start3A_283 : memref<128x64xf32, #tpu.memory_space<vmem_shared>>) target_semaphore(%run_scoped3A_279 : memref<!tpu.dma_semaphore, #tpu.memory_space<semaphore_mem>>)
      %dma_wait3A_284 = arith.constant 0 : i32
      %dma_wait3A_285 = tpu.memref_slice %arg13[%add3A_181, %dma_wait3A_284] : memref<10240x64xf32, #tpu.memory_space<vmem_shared>> -> memref<128x64xf32, #tpu.memory_space<vmem_shared>>
      %dma_wait3A_286 = arith.constant 0 : i32
      %dma_wait3A_287 = tpu.memref_slice %arg13[%add3A_181, %dma_wait3A_286] : memref<10240x64xf32, #tpu.memory_space<vmem_shared>> -> memref<128x64xf32, #tpu.memory_space<vmem_shared>>
      tpu.wait_dma2 semaphore(%run_scoped3A_279 : memref<!tpu.dma_semaphore, #tpu.memory_space<semaphore_mem>>) src(%arg8 : memref<128x64xf32, #tpu.memory_space<vmem>>) dst(%dma_wait3A_287 : memref<128x64xf32, #tpu.memory_space<vmem_shared>>)
      tpu.yield
    }) : () -> ()
    %add3A_182 = arith.constant 0 : i32
    %add3A_183 = arith.addi %mul3A_6, %add3A_182 : i32
    "tpu.region"() ({
      %run_scoped3A_279 = tpu.sem_alloc : memref<!tpu.dma_semaphore, #tpu.memory_space<semaphore_mem>>
      %dma_start3A_280 = arith.constant 0 : i32
      %dma_start3A_281 = arith.constant 0 : i32
      %dma_start3A_282 = tpu.memref_slice %arg9[%dma_start3A_280, %dma_start3A_281] : memref<128x64xf32, #tpu.memory_space<vmem>> -> memref<125x64xf32, #tpu.memory_space<vmem>>
      %dma_start3A_283 = arith.constant 0 : i32
      %dma_start3A_284 = tpu.memref_slice %arg3[%add3A_183, %dma_start3A_283] : memref<10000x64xf32, #tpu.memory_space<hbm>> -> memref<125x64xf32, #tpu.memory_space<hbm>>
      %dma_start3A_285 = arith.constant 0 : i32
      %dma_start3A_286 = arith.constant 0 : i32
      %dma_start3A_287 = tpu.memref_slice %arg9[%dma_start3A_285, %dma_start3A_286] : memref<128x64xf32, #tpu.memory_space<vmem>> -> memref<125x64xf32, #tpu.memory_space<vmem>>
      %dma_start3A_288 = arith.constant 0 : i32
      %dma_start3A_289 = tpu.memref_slice %arg3[%add3A_183, %dma_start3A_288] : memref<10000x64xf32, #tpu.memory_space<hbm>> -> memref<125x64xf32, #tpu.memory_space<hbm>>
      tpu.enqueue_dma source(%dma_start3A_289 : memref<125x64xf32, #tpu.memory_space<hbm>>) target(%dma_start3A_287 : memref<125x64xf32, #tpu.memory_space<vmem>>) target_semaphore(%run_scoped3A_279 : memref<!tpu.dma_semaphore, #tpu.memory_space<semaphore_mem>>)
      %dma_wait3A_290 = arith.constant 0 : i32
      %dma_wait3A_291 = arith.constant 0 : i32
      %dma_wait3A_292 = tpu.memref_slice %arg9[%dma_wait3A_290, %dma_wait3A_291] : memref<128x64xf32, #tpu.memory_space<vmem>> -> memref<125x64xf32, #tpu.memory_space<vmem>>
      %dma_wait3A_293 = arith.constant 0 : i32
      %dma_wait3A_294 = tpu.memref_slice %arg3[%add3A_183, %dma_wait3A_293] : memref<10000x64xf32, #tpu.memory_space<hbm>> -> memref<125x64xf32, #tpu.memory_space<hbm>>
      %dma_wait3A_295 = arith.constant 0 : i32
      %dma_wait3A_296 = arith.constant 0 : i32
      %dma_wait3A_297 = tpu.memref_slice %arg9[%dma_wait3A_295, %dma_wait3A_296] : memref<128x64xf32, #tpu.memory_space<vmem>> -> memref<125x64xf32, #tpu.memory_space<vmem>>
      %dma_wait3A_298 = arith.constant 0 : i32
      %dma_wait3A_299 = tpu.memref_slice %arg3[%add3A_183, %dma_wait3A_298] : memref<10000x64xf32, #tpu.memory_space<hbm>> -> memref<125x64xf32, #tpu.memory_space<hbm>>
      tpu.wait_dma2 semaphore(%run_scoped3A_279 : memref<!tpu.dma_semaphore, #tpu.memory_space<semaphore_mem>>) src(%dma_wait3A_299 : memref<125x64xf32, #tpu.memory_space<hbm>>) dst(%dma_wait3A_297 : memref<125x64xf32, #tpu.memory_space<vmem>>)
      tpu.yield
    }) : () -> ()
    "tpu.region"() ({
      %run_scoped3A_279 = tpu.sem_alloc : memref<!tpu.dma_semaphore, #tpu.memory_space<semaphore_mem>>
      %dma_start3A_280 = arith.constant 0 : i32
      %dma_start3A_281 = arith.constant 0 : i32
      %dma_start3A_282 = tpu.memref_slice %arg9[%dma_start3A_280, %dma_start3A_281] : memref<128x64xf32, #tpu.memory_space<vmem>> -> memref<125x64xf32, #tpu.memory_space<vmem>>
      %dma_start3A_283 = arith.constant 0 : i32
      %dma_start3A_284 = tpu.memref_slice %arg12[%add3A_183, %dma_start3A_283] : memref<10000x64xf32, #tpu.memory_space<vmem_shared>> -> memref<125x64xf32, #tpu.memory_space<vmem_shared>>
      %dma_start3A_285 = arith.constant 0 : i32
      %dma_start3A_286 = tpu.memref_slice %arg12[%add3A_183, %dma_start3A_285] : memref<10000x64xf32, #tpu.memory_space<vmem_shared>> -> memref<125x64xf32, #tpu.memory_space<vmem_shared>>
      %dma_start3A_287 = arith.constant 0 : i32
      %dma_start3A_288 = arith.constant 0 : i32
      %dma_start3A_289 = tpu.memref_slice %arg9[%dma_start3A_287, %dma_start3A_288] : memref<128x64xf32, #tpu.memory_space<vmem>> -> memref<125x64xf32, #tpu.memory_space<vmem>>
      tpu.enqueue_dma source(%dma_start3A_289 : memref<125x64xf32, #tpu.memory_space<vmem>>) target(%dma_start3A_286 : memref<125x64xf32, #tpu.memory_space<vmem_shared>>) target_semaphore(%run_scoped3A_279 : memref<!tpu.dma_semaphore, #tpu.memory_space<semaphore_mem>>)
      %dma_wait3A_290 = arith.constant 0 : i32
      %dma_wait3A_291 = arith.constant 0 : i32
      %dma_wait3A_292 = tpu.memref_slice %arg9[%dma_wait3A_290, %dma_wait3A_291] : memref<128x64xf32, #tpu.memory_space<vmem>> -> memref<125x64xf32, #tpu.memory_space<vmem>>
      %dma_wait3A_293 = arith.constant 0 : i32
      %dma_wait3A_294 = tpu.memref_slice %arg12[%add3A_183, %dma_wait3A_293] : memref<10000x64xf32, #tpu.memory_space<vmem_shared>> -> memref<125x64xf32, #tpu.memory_space<vmem_shared>>
      %dma_wait3A_295 = arith.constant 0 : i32
      %dma_wait3A_296 = tpu.memref_slice %arg12[%add3A_183, %dma_wait3A_295] : memref<10000x64xf32, #tpu.memory_space<vmem_shared>> -> memref<125x64xf32, #tpu.memory_space<vmem_shared>>
      %dma_wait3A_297 = arith.constant 0 : i32
      %dma_wait3A_298 = arith.constant 0 : i32
      %dma_wait3A_299 = tpu.memref_slice %arg9[%dma_wait3A_297, %dma_wait3A_298] : memref<128x64xf32, #tpu.memory_space<vmem>> -> memref<125x64xf32, #tpu.memory_space<vmem>>
      tpu.wait_dma2 semaphore(%run_scoped3A_279 : memref<!tpu.dma_semaphore, #tpu.memory_space<semaphore_mem>>) src(%dma_wait3A_299 : memref<125x64xf32, #tpu.memory_space<vmem>>) dst(%dma_wait3A_296 : memref<125x64xf32, #tpu.memory_space<vmem_shared>>)
      tpu.yield
    }) : () -> ()
    %add3A_184 = arith.constant 125 : i32
    %add3A_185 = arith.addi %mul3A_6, %add3A_184 : i32
    "tpu.region"() ({
      %run_scoped3A_279 = tpu.sem_alloc : memref<!tpu.dma_semaphore, #tpu.memory_space<semaphore_mem>>
      %dma_start3A_280 = arith.constant 0 : i32
      %dma_start3A_281 = arith.constant 0 : i32
      %dma_start3A_282 = tpu.memref_slice %arg9[%dma_start3A_280, %dma_start3A_281] : memref<128x64xf32, #tpu.memory_space<vmem>> -> memref<125x64xf32, #tpu.memory_space<vmem>>
      %dma_start3A_283 = arith.constant 0 : i32
      %dma_start3A_284 = tpu.memref_slice %arg3[%add3A_185, %dma_start3A_283] : memref<10000x64xf32, #tpu.memory_space<hbm>> -> memref<125x64xf32, #tpu.memory_space<hbm>>
      %dma_start3A_285 = arith.constant 0 : i32
      %dma_start3A_286 = arith.constant 0 : i32
      %dma_start3A_287 = tpu.memref_slice %arg9[%dma_start3A_285, %dma_start3A_286] : memref<128x64xf32, #tpu.memory_space<vmem>> -> memref<125x64xf32, #tpu.memory_space<vmem>>
      %dma_start3A_288 = arith.constant 0 : i32
      %dma_start3A_289 = tpu.memref_slice %arg3[%add3A_185, %dma_start3A_288] : memref<10000x64xf32, #tpu.memory_space<hbm>> -> memref<125x64xf32, #tpu.memory_space<hbm>>
      tpu.enqueue_dma source(%dma_start3A_289 : memref<125x64xf32, #tpu.memory_space<hbm>>) target(%dma_start3A_287 : memref<125x64xf32, #tpu.memory_space<vmem>>) target_semaphore(%run_scoped3A_279 : memref<!tpu.dma_semaphore, #tpu.memory_space<semaphore_mem>>)
      %dma_wait3A_290 = arith.constant 0 : i32
      %dma_wait3A_291 = arith.constant 0 : i32
      %dma_wait3A_292 = tpu.memref_slice %arg9[%dma_wait3A_290, %dma_wait3A_291] : memref<128x64xf32, #tpu.memory_space<vmem>> -> memref<125x64xf32, #tpu.memory_space<vmem>>
      %dma_wait3A_293 = arith.constant 0 : i32
      %dma_wait3A_294 = tpu.memref_slice %arg3[%add3A_185, %dma_wait3A_293] : memref<10000x64xf32, #tpu.memory_space<hbm>> -> memref<125x64xf32, #tpu.memory_space<hbm>>
      %dma_wait3A_295 = arith.constant 0 : i32
      %dma_wait3A_296 = arith.constant 0 : i32
      %dma_wait3A_297 = tpu.memref_slice %arg9[%dma_wait3A_295, %dma_wait3A_296] : memref<128x64xf32, #tpu.memory_space<vmem>> -> memref<125x64xf32, #tpu.memory_space<vmem>>
      %dma_wait3A_298 = arith.constant 0 : i32
      %dma_wait3A_299 = tpu.memref_slice %arg3[%add3A_185, %dma_wait3A_298] : memref<10000x64xf32, #tpu.memory_space<hbm>> -> memref<125x64xf32, #tpu.memory_space<hbm>>
      tpu.wait_dma2 semaphore(%run_scoped3A_279 : memref<!tpu.dma_semaphore, #tpu.memory_space<semaphore_mem>>) src(%dma_wait3A_299 : memref<125x64xf32, #tpu.memory_space<hbm>>) dst(%dma_wait3A_297 : memref<125x64xf32, #tpu.memory_space<vmem>>)
      tpu.yield
    }) : () -> ()
    "tpu.region"() ({
      %run_scoped3A_279 = tpu.sem_alloc : memref<!tpu.dma_semaphore, #tpu.memory_space<semaphore_mem>>
      %dma_start3A_280 = arith.constant 0 : i32
      %dma_start3A_281 = arith.constant 0 : i32
      %dma_start3A_282 = tpu.memref_slice %arg9[%dma_start3A_280, %dma_start3A_281] : memref<128x64xf32, #tpu.memory_space<vmem>> -> memref<125x64xf32, #tpu.memory_space<vmem>>
      %dma_start3A_283 = arith.constant 0 : i32
      %dma_start3A_284 = tpu.memref_slice %arg12[%add3A_185, %dma_start3A_283] : memref<10000x64xf32, #tpu.memory_space<vmem_shared>> -> memref<125x64xf32, #tpu.memory_space<vmem_shared>>
      %dma_start3A_285 = arith.constant 0 : i32
      %dma_start3A_286 = tpu.memref_slice %arg12[%add3A_185, %dma_start3A_285] : memref<10000x64xf32, #tpu.memory_space<vmem_shared>> -> memref<125x64xf32, #tpu.memory_space<vmem_shared>>
      %dma_start3A_287 = arith.constant 0 : i32
      %dma_start3A_288 = arith.constant 0 : i32
      %dma_start3A_289 = tpu.memref_slice %arg9[%dma_start3A_287, %dma_start3A_288] : memref<128x64xf32, #tpu.memory_space<vmem>> -> memref<125x64xf32, #tpu.memory_space<vmem>>
      tpu.enqueue_dma source(%dma_start3A_289 : memref<125x64xf32, #tpu.memory_space<vmem>>) target(%dma_start3A_286 : memref<125x64xf32, #tpu.memory_space<vmem_shared>>) target_semaphore(%run_scoped3A_279 : memref<!tpu.dma_semaphore, #tpu.memory_space<semaphore_mem>>)
      %dma_wait3A_290 = arith.constant 0 : i32
      %dma_wait3A_291 = arith.constant 0 : i32
      %dma_wait3A_292 = tpu.memref_slice %arg9[%dma_wait3A_290, %dma_wait3A_291] : memref<128x64xf32, #tpu.memory_space<vmem>> -> memref<125x64xf32, #tpu.memory_space<vmem>>
      %dma_wait3A_293 = arith.constant 0 : i32
      %dma_wait3A_294 = tpu.memref_slice %arg12[%add3A_185, %dma_wait3A_293] : memref<10000x64xf32, #tpu.memory_space<vmem_shared>> -> memref<125x64xf32, #tpu.memory_space<vmem_shared>>
      %dma_wait3A_295 = arith.constant 0 : i32
      %dma_wait3A_296 = tpu.memref_slice %arg12[%add3A_185, %dma_wait3A_295] : memref<10000x64xf32, #tpu.memory_space<vmem_shared>> -> memref<125x64xf32, #tpu.memory_space<vmem_shared>>
      %dma_wait3A_297 = arith.constant 0 : i32
      %dma_wait3A_298 = arith.constant 0 : i32
      %dma_wait3A_299 = tpu.memref_slice %arg9[%dma_wait3A_297, %dma_wait3A_298] : memref<128x64xf32, #tpu.memory_space<vmem>> -> memref<125x64xf32, #tpu.memory_space<vmem>>
      tpu.wait_dma2 semaphore(%run_scoped3A_279 : memref<!tpu.dma_semaphore, #tpu.memory_space<semaphore_mem>>) src(%dma_wait3A_299 : memref<125x64xf32, #tpu.memory_space<vmem>>) dst(%dma_wait3A_296 : memref<125x64xf32, #tpu.memory_space<vmem_shared>>)
      tpu.yield
    }) : () -> ()
    %add3A_186 = arith.constant 250 : i32
    %add3A_187 = arith.addi %mul3A_6, %add3A_186 : i32
    "tpu.region"() ({
      %run_scoped3A_279 = tpu.sem_alloc : memref<!tpu.dma_semaphore, #tpu.memory_space<semaphore_mem>>
      %dma_start3A_280 = arith.constant 0 : i32
      %dma_start3A_281 = arith.constant 0 : i32
      %dma_start3A_282 = tpu.memref_slice %arg9[%dma_start3A_280, %dma_start3A_281] : memref<128x64xf32, #tpu.memory_space<vmem>> -> memref<125x64xf32, #tpu.memory_space<vmem>>
      %dma_start3A_283 = arith.constant 0 : i32
      %dma_start3A_284 = tpu.memref_slice %arg3[%add3A_187, %dma_start3A_283] : memref<10000x64xf32, #tpu.memory_space<hbm>> -> memref<125x64xf32, #tpu.memory_space<hbm>>
      %dma_start3A_285 = arith.constant 0 : i32
      %dma_start3A_286 = arith.constant 0 : i32
      %dma_start3A_287 = tpu.memref_slice %arg9[%dma_start3A_285, %dma_start3A_286] : memref<128x64xf32, #tpu.memory_space<vmem>> -> memref<125x64xf32, #tpu.memory_space<vmem>>
      %dma_start3A_288 = arith.constant 0 : i32
      %dma_start3A_289 = tpu.memref_slice %arg3[%add3A_187, %dma_start3A_288] : memref<10000x64xf32, #tpu.memory_space<hbm>> -> memref<125x64xf32, #tpu.memory_space<hbm>>
      tpu.enqueue_dma source(%dma_start3A_289 : memref<125x64xf32, #tpu.memory_space<hbm>>) target(%dma_start3A_287 : memref<125x64xf32, #tpu.memory_space<vmem>>) target_semaphore(%run_scoped3A_279 : memref<!tpu.dma_semaphore, #tpu.memory_space<semaphore_mem>>)
      %dma_wait3A_290 = arith.constant 0 : i32
      %dma_wait3A_291 = arith.constant 0 : i32
      %dma_wait3A_292 = tpu.memref_slice %arg9[%dma_wait3A_290, %dma_wait3A_291] : memref<128x64xf32, #tpu.memory_space<vmem>> -> memref<125x64xf32, #tpu.memory_space<vmem>>
      %dma_wait3A_293 = arith.constant 0 : i32
      %dma_wait3A_294 = tpu.memref_slice %arg3[%add3A_187, %dma_wait3A_293] : memref<10000x64xf32, #tpu.memory_space<hbm>> -> memref<125x64xf32, #tpu.memory_space<hbm>>
      %dma_wait3A_295 = arith.constant 0 : i32
      %dma_wait3A_296 = arith.constant 0 : i32
      %dma_wait3A_297 = tpu.memref_slice %arg9[%dma_wait3A_295, %dma_wait3A_296] : memref<128x64xf32, #tpu.memory_space<vmem>> -> memref<125x64xf32, #tpu.memory_space<vmem>>
      %dma_wait3A_298 = arith.constant 0 : i32
      %dma_wait3A_299 = tpu.memref_slice %arg3[%add3A_187, %dma_wait3A_298] : memref<10000x64xf32, #tpu.memory_space<hbm>> -> memref<125x64xf32, #tpu.memory_space<hbm>>
      tpu.wait_dma2 semaphore(%run_scoped3A_279 : memref<!tpu.dma_semaphore, #tpu.memory_space<semaphore_mem>>) src(%dma_wait3A_299 : memref<125x64xf32, #tpu.memory_space<hbm>>) dst(%dma_wait3A_297 : memref<125x64xf32, #tpu.memory_space<vmem>>)
      tpu.yield
    }) : () -> ()
    "tpu.region"() ({
      %run_scoped3A_279 = tpu.sem_alloc : memref<!tpu.dma_semaphore, #tpu.memory_space<semaphore_mem>>
      %dma_start3A_280 = arith.constant 0 : i32
      %dma_start3A_281 = arith.constant 0 : i32
      %dma_start3A_282 = tpu.memref_slice %arg9[%dma_start3A_280, %dma_start3A_281] : memref<128x64xf32, #tpu.memory_space<vmem>> -> memref<125x64xf32, #tpu.memory_space<vmem>>
      %dma_start3A_283 = arith.constant 0 : i32
      %dma_start3A_284 = tpu.memref_slice %arg12[%add3A_187, %dma_start3A_283] : memref<10000x64xf32, #tpu.memory_space<vmem_shared>> -> memref<125x64xf32, #tpu.memory_space<vmem_shared>>
      %dma_start3A_285 = arith.constant 0 : i32
      %dma_start3A_286 = tpu.memref_slice %arg12[%add3A_187, %dma_start3A_285] : memref<10000x64xf32, #tpu.memory_space<vmem_shared>> -> memref<125x64xf32, #tpu.memory_space<vmem_shared>>
      %dma_start3A_287 = arith.constant 0 : i32
      %dma_start3A_288 = arith.constant 0 : i32
      %dma_start3A_289 = tpu.memref_slice %arg9[%dma_start3A_287, %dma_start3A_288] : memref<128x64xf32, #tpu.memory_space<vmem>> -> memref<125x64xf32, #tpu.memory_space<vmem>>
      tpu.enqueue_dma source(%dma_start3A_289 : memref<125x64xf32, #tpu.memory_space<vmem>>) target(%dma_start3A_286 : memref<125x64xf32, #tpu.memory_space<vmem_shared>>) target_semaphore(%run_scoped3A_279 : memref<!tpu.dma_semaphore, #tpu.memory_space<semaphore_mem>>)
      %dma_wait3A_290 = arith.constant 0 : i32
      %dma_wait3A_291 = arith.constant 0 : i32
      %dma_wait3A_292 = tpu.memref_slice %arg9[%dma_wait3A_290, %dma_wait3A_291] : memref<128x64xf32, #tpu.memory_space<vmem>> -> memref<125x64xf32, #tpu.memory_space<vmem>>
      %dma_wait3A_293 = arith.constant 0 : i32
      %dma_wait3A_294 = tpu.memref_slice %arg12[%add3A_187, %dma_wait3A_293] : memref<10000x64xf32, #tpu.memory_space<vmem_shared>> -> memref<125x64xf32, #tpu.memory_space<vmem_shared>>
      %dma_wait3A_295 = arith.constant 0 : i32
      %dma_wait3A_296 = tpu.memref_slice %arg12[%add3A_187, %dma_wait3A_295] : memref<10000x64xf32, #tpu.memory_space<vmem_shared>> -> memref<125x64xf32, #tpu.memory_space<vmem_shared>>
      %dma_wait3A_297 = arith.constant 0 : i32
      %dma_wait3A_298 = arith.constant 0 : i32
      %dma_wait3A_299 = tpu.memref_slice %arg9[%dma_wait3A_297, %dma_wait3A_298] : memref<128x64xf32, #tpu.memory_space<vmem>> -> memref<125x64xf32, #tpu.memory_space<vmem>>
      tpu.wait_dma2 semaphore(%run_scoped3A_279 : memref<!tpu.dma_semaphore, #tpu.memory_space<semaphore_mem>>) src(%dma_wait3A_299 : memref<125x64xf32, #tpu.memory_space<vmem>>) dst(%dma_wait3A_296 : memref<125x64xf32, #tpu.memory_space<vmem_shared>>)
      tpu.yield
    }) : () -> ()
    %add3A_188 = arith.constant 375 : i32
    %add3A_189 = arith.addi %mul3A_6, %add3A_188 : i32
    "tpu.region"() ({
      %run_scoped3A_279 = tpu.sem_alloc : memref<!tpu.dma_semaphore, #tpu.memory_space<semaphore_mem>>
      %dma_start3A_280 = arith.constant 0 : i32
      %dma_start3A_281 = arith.constant 0 : i32
      %dma_start3A_282 = tpu.memref_slice %arg9[%dma_start3A_280, %dma_start3A_281] : memref<128x64xf32, #tpu.memory_space<vmem>> -> memref<125x64xf32, #tpu.memory_space<vmem>>
      %dma_start3A_283 = arith.constant 0 : i32
      %dma_start3A_284 = tpu.memref_slice %arg3[%add3A_189, %dma_start3A_283] : memref<10000x64xf32, #tpu.memory_space<hbm>> -> memref<125x64xf32, #tpu.memory_space<hbm>>
      %dma_start3A_285 = arith.constant 0 : i32
      %dma_start3A_286 = arith.constant 0 : i32
      %dma_start3A_287 = tpu.memref_slice %arg9[%dma_start3A_285, %dma_start3A_286] : memref<128x64xf32, #tpu.memory_space<vmem>> -> memref<125x64xf32, #tpu.memory_space<vmem>>
      %dma_start3A_288 = arith.constant 0 : i32
      %dma_start3A_289 = tpu.memref_slice %arg3[%add3A_189, %dma_start3A_288] : memref<10000x64xf32, #tpu.memory_space<hbm>> -> memref<125x64xf32, #tpu.memory_space<hbm>>
      tpu.enqueue_dma source(%dma_start3A_289 : memref<125x64xf32, #tpu.memory_space<hbm>>) target(%dma_start3A_287 : memref<125x64xf32, #tpu.memory_space<vmem>>) target_semaphore(%run_scoped3A_279 : memref<!tpu.dma_semaphore, #tpu.memory_space<semaphore_mem>>)
      %dma_wait3A_290 = arith.constant 0 : i32
      %dma_wait3A_291 = arith.constant 0 : i32
      %dma_wait3A_292 = tpu.memref_slice %arg9[%dma_wait3A_290, %dma_wait3A_291] : memref<128x64xf32, #tpu.memory_space<vmem>> -> memref<125x64xf32, #tpu.memory_space<vmem>>
      %dma_wait3A_293 = arith.constant 0 : i32
      %dma_wait3A_294 = tpu.memref_slice %arg3[%add3A_189, %dma_wait3A_293] : memref<10000x64xf32, #tpu.memory_space<hbm>> -> memref<125x64xf32, #tpu.memory_space<hbm>>
      %dma_wait3A_295 = arith.constant 0 : i32
      %dma_wait3A_296 = arith.constant 0 : i32
      %dma_wait3A_297 = tpu.memref_slice %arg9[%dma_wait3A_295, %dma_wait3A_296] : memref<128x64xf32, #tpu.memory_space<vmem>> -> memref<125x64xf32, #tpu.memory_space<vmem>>
      %dma_wait3A_298 = arith.constant 0 : i32
      %dma_wait3A_299 = tpu.memref_slice %arg3[%add3A_189, %dma_wait3A_298] : memref<10000x64xf32, #tpu.memory_space<hbm>> -> memref<125x64xf32, #tpu.memory_space<hbm>>
      tpu.wait_dma2 semaphore(%run_scoped3A_279 : memref<!tpu.dma_semaphore, #tpu.memory_space<semaphore_mem>>) src(%dma_wait3A_299 : memref<125x64xf32, #tpu.memory_space<hbm>>) dst(%dma_wait3A_297 : memref<125x64xf32, #tpu.memory_space<vmem>>)
      tpu.yield
    }) : () -> ()
    "tpu.region"() ({
      %run_scoped3A_279 = tpu.sem_alloc : memref<!tpu.dma_semaphore, #tpu.memory_space<semaphore_mem>>
      %dma_start3A_280 = arith.constant 0 : i32
      %dma_start3A_281 = arith.constant 0 : i32
      %dma_start3A_282 = tpu.memref_slice %arg9[%dma_start3A_280, %dma_start3A_281] : memref<128x64xf32, #tpu.memory_space<vmem>> -> memref<125x64xf32, #tpu.memory_space<vmem>>
      %dma_start3A_283 = arith.constant 0 : i32
      %dma_start3A_284 = tpu.memref_slice %arg12[%add3A_189, %dma_start3A_283] : memref<10000x64xf32, #tpu.memory_space<vmem_shared>> -> memref<125x64xf32, #tpu.memory_space<vmem_shared>>
      %dma_start3A_285 = arith.constant 0 : i32
      %dma_start3A_286 = tpu.memref_slice %arg12[%add3A_189, %dma_start3A_285] : memref<10000x64xf32, #tpu.memory_space<vmem_shared>> -> memref<125x64xf32, #tpu.memory_space<vmem_shared>>
      %dma_start3A_287 = arith.constant 0 : i32
      %dma_start3A_288 = arith.constant 0 : i32
      %dma_start3A_289 = tpu.memref_slice %arg9[%dma_start3A_287, %dma_start3A_288] : memref<128x64xf32, #tpu.memory_space<vmem>> -> memref<125x64xf32, #tpu.memory_space<vmem>>
      tpu.enqueue_dma source(%dma_start3A_289 : memref<125x64xf32, #tpu.memory_space<vmem>>) target(%dma_start3A_286 : memref<125x64xf32, #tpu.memory_space<vmem_shared>>) target_semaphore(%run_scoped3A_279 : memref<!tpu.dma_semaphore, #tpu.memory_space<semaphore_mem>>)
      %dma_wait3A_290 = arith.constant 0 : i32
      %dma_wait3A_291 = arith.constant 0 : i32
      %dma_wait3A_292 = tpu.memref_slice %arg9[%dma_wait3A_290, %dma_wait3A_291] : memref<128x64xf32, #tpu.memory_space<vmem>> -> memref<125x64xf32, #tpu.memory_space<vmem>>
      %dma_wait3A_293 = arith.constant 0 : i32
      %dma_wait3A_294 = tpu.memref_slice %arg12[%add3A_189, %dma_wait3A_293] : memref<10000x64xf32, #tpu.memory_space<vmem_shared>> -> memref<125x64xf32, #tpu.memory_space<vmem_shared>>
      %dma_wait3A_295 = arith.constant 0 : i32
      %dma_wait3A_296 = tpu.memref_slice %arg12[%add3A_189, %dma_wait3A_295] : memref<10000x64xf32, #tpu.memory_space<vmem_shared>> -> memref<125x64xf32, #tpu.memory_space<vmem_shared>>
      %dma_wait3A_297 = arith.constant 0 : i32
      %dma_wait3A_298 = arith.constant 0 : i32
      %dma_wait3A_299 = tpu.memref_slice %arg9[%dma_wait3A_297, %dma_wait3A_298] : memref<128x64xf32, #tpu.memory_space<vmem>> -> memref<125x64xf32, #tpu.memory_space<vmem>>
      tpu.wait_dma2 semaphore(%run_scoped3A_279 : memref<!tpu.dma_semaphore, #tpu.memory_space<semaphore_mem>>) src(%dma_wait3A_299 : memref<125x64xf32, #tpu.memory_space<vmem>>) dst(%dma_wait3A_296 : memref<125x64xf32, #tpu.memory_space<vmem_shared>>)
      tpu.yield
    }) : () -> ()
    %add3A_190 = arith.constant 500 : i32
    %add3A_191 = arith.addi %mul3A_6, %add3A_190 : i32
    "tpu.region"() ({
      %run_scoped3A_279 = tpu.sem_alloc : memref<!tpu.dma_semaphore, #tpu.memory_space<semaphore_mem>>
      %dma_start3A_280 = arith.constant 0 : i32
      %dma_start3A_281 = arith.constant 0 : i32
      %dma_start3A_282 = tpu.memref_slice %arg9[%dma_start3A_280, %dma_start3A_281] : memref<128x64xf32, #tpu.memory_space<vmem>> -> memref<125x64xf32, #tpu.memory_space<vmem>>
      %dma_start3A_283 = arith.constant 0 : i32
      %dma_start3A_284 = tpu.memref_slice %arg3[%add3A_191, %dma_start3A_283] : memref<10000x64xf32, #tpu.memory_space<hbm>> -> memref<125x64xf32, #tpu.memory_space<hbm>>
      %dma_start3A_285 = arith.constant 0 : i32
      %dma_start3A_286 = arith.constant 0 : i32
      %dma_start3A_287 = tpu.memref_slice %arg9[%dma_start3A_285, %dma_start3A_286] : memref<128x64xf32, #tpu.memory_space<vmem>> -> memref<125x64xf32, #tpu.memory_space<vmem>>
      %dma_start3A_288 = arith.constant 0 : i32
      %dma_start3A_289 = tpu.memref_slice %arg3[%add3A_191, %dma_start3A_288] : memref<10000x64xf32, #tpu.memory_space<hbm>> -> memref<125x64xf32, #tpu.memory_space<hbm>>
      tpu.enqueue_dma source(%dma_start3A_289 : memref<125x64xf32, #tpu.memory_space<hbm>>) target(%dma_start3A_287 : memref<125x64xf32, #tpu.memory_space<vmem>>) target_semaphore(%run_scoped3A_279 : memref<!tpu.dma_semaphore, #tpu.memory_space<semaphore_mem>>)
      %dma_wait3A_290 = arith.constant 0 : i32
      %dma_wait3A_291 = arith.constant 0 : i32
      %dma_wait3A_292 = tpu.memref_slice %arg9[%dma_wait3A_290, %dma_wait3A_291] : memref<128x64xf32, #tpu.memory_space<vmem>> -> memref<125x64xf32, #tpu.memory_space<vmem>>
      %dma_wait3A_293 = arith.constant 0 : i32
      %dma_wait3A_294 = tpu.memref_slice %arg3[%add3A_191, %dma_wait3A_293] : memref<10000x64xf32, #tpu.memory_space<hbm>> -> memref<125x64xf32, #tpu.memory_space<hbm>>
      %dma_wait3A_295 = arith.constant 0 : i32
      %dma_wait3A_296 = arith.constant 0 : i32
      %dma_wait3A_297 = tpu.memref_slice %arg9[%dma_wait3A_295, %dma_wait3A_296] : memref<128x64xf32, #tpu.memory_space<vmem>> -> memref<125x64xf32, #tpu.memory_space<vmem>>
      %dma_wait3A_298 = arith.constant 0 : i32
      %dma_wait3A_299 = tpu.memref_slice %arg3[%add3A_191, %dma_wait3A_298] : memref<10000x64xf32, #tpu.memory_space<hbm>> -> memref<125x64xf32, #tpu.memory_space<hbm>>
      tpu.wait_dma2 semaphore(%run_scoped3A_279 : memref<!tpu.dma_semaphore, #tpu.memory_space<semaphore_mem>>) src(%dma_wait3A_299 : memref<125x64xf32, #tpu.memory_space<hbm>>) dst(%dma_wait3A_297 : memref<125x64xf32, #tpu.memory_space<vmem>>)
      tpu.yield
    }) : () -> ()
    "tpu.region"() ({
      %run_scoped3A_279 = tpu.sem_alloc : memref<!tpu.dma_semaphore, #tpu.memory_space<semaphore_mem>>
      %dma_start3A_280 = arith.constant 0 : i32
      %dma_start3A_281 = arith.constant 0 : i32
      %dma_start3A_282 = tpu.memref_slice %arg9[%dma_start3A_280, %dma_start3A_281] : memref<128x64xf32, #tpu.memory_space<vmem>> -> memref<125x64xf32, #tpu.memory_space<vmem>>
      %dma_start3A_283 = arith.constant 0 : i32
      %dma_start3A_284 = tpu.memref_slice %arg12[%add3A_191, %dma_start3A_283] : memref<10000x64xf32, #tpu.memory_space<vmem_shared>> -> memref<125x64xf32, #tpu.memory_space<vmem_shared>>
      %dma_start3A_285 = arith.constant 0 : i32
      %dma_start3A_286 = tpu.memref_slice %arg12[%add3A_191, %dma_start3A_285] : memref<10000x64xf32, #tpu.memory_space<vmem_shared>> -> memref<125x64xf32, #tpu.memory_space<vmem_shared>>
      %dma_start3A_287 = arith.constant 0 : i32
      %dma_start3A_288 = arith.constant 0 : i32
      %dma_start3A_289 = tpu.memref_slice %arg9[%dma_start3A_287, %dma_start3A_288] : memref<128x64xf32, #tpu.memory_space<vmem>> -> memref<125x64xf32, #tpu.memory_space<vmem>>
      tpu.enqueue_dma source(%dma_start3A_289 : memref<125x64xf32, #tpu.memory_space<vmem>>) target(%dma_start3A_286 : memref<125x64xf32, #tpu.memory_space<vmem_shared>>) target_semaphore(%run_scoped3A_279 : memref<!tpu.dma_semaphore, #tpu.memory_space<semaphore_mem>>)
      %dma_wait3A_290 = arith.constant 0 : i32
      %dma_wait3A_291 = arith.constant 0 : i32
      %dma_wait3A_292 = tpu.memref_slice %arg9[%dma_wait3A_290, %dma_wait3A_291] : memref<128x64xf32, #tpu.memory_space<vmem>> -> memref<125x64xf32, #tpu.memory_space<vmem>>
      %dma_wait3A_293 = arith.constant 0 : i32
      %dma_wait3A_294 = tpu.memref_slice %arg12[%add3A_191, %dma_wait3A_293] : memref<10000x64xf32, #tpu.memory_space<vmem_shared>> -> memref<125x64xf32, #tpu.memory_space<vmem_shared>>
      %dma_wait3A_295 = arith.constant 0 : i32
      %dma_wait3A_296 = tpu.memref_slice %arg12[%add3A_191, %dma_wait3A_295] : memref<10000x64xf32, #tpu.memory_space<vmem_shared>> -> memref<125x64xf32, #tpu.memory_space<vmem_shared>>
      %dma_wait3A_297 = arith.constant 0 : i32
      %dma_wait3A_298 = arith.constant 0 : i32
      %dma_wait3A_299 = tpu.memref_slice %arg9[%dma_wait3A_297, %dma_wait3A_298] : memref<128x64xf32, #tpu.memory_space<vmem>> -> memref<125x64xf32, #tpu.memory_space<vmem>>
      tpu.wait_dma2 semaphore(%run_scoped3A_279 : memref<!tpu.dma_semaphore, #tpu.memory_space<semaphore_mem>>) src(%dma_wait3A_299 : memref<125x64xf32, #tpu.memory_space<vmem>>) dst(%dma_wait3A_296 : memref<125x64xf32, #tpu.memory_space<vmem_shared>>)
      tpu.yield
    }) : () -> ()
    %barrier3A_192 = arith.constant 0 : index
    tpu.barrier barrier_id(%barrier3A_192)
    %add3A_193 = arith.constant 0 : i32
    %add3A_194 = arith.addi %mul3A_2, %add3A_193 : i32
    %dma_start3A_195 = arith.constant 0 : i32
    %dma_start3A_196 = arith.constant 0 : i32
    %dma_start3A_197 = arith.constant 0 : i32
    %dma_start3A_198 = tpu.memref_slice %arg7[%dma_start3A_195, %dma_start3A_196, %dma_start3A_197] : memref<4x2x128xi32, #tpu.memory_space<vmem>> -> memref<1x2x128xi32, #tpu.memory_space<vmem>>
    %dma_start3A_199 = tpu.memref_squeeze %dma_start3A_198 : memref<1x2x128xi32, #tpu.memory_space<vmem>> -> memref<2x128xi32, #tpu.memory_space<vmem>>
    %dma_start3A_200 = arith.constant 0 : i32
    %dma_start3A_201 = arith.constant 0 : i32
    %dma_start3A_202 = tpu.memref_slice %arg4[%add3A_194, %dma_start3A_200, %dma_start3A_201] : memref<2560x2x128xi32, #tpu.memory_space<hbm>> -> memref<1x2x128xi32, #tpu.memory_space<hbm>>
    %dma_start3A_203 = tpu.memref_squeeze %dma_start3A_202 : memref<1x2x128xi32, #tpu.memory_space<hbm>> -> memref<2x128xi32, #tpu.memory_space<hbm>>
    %dma_start3A_204 = arith.constant 0 : i32
    %dma_start3A_205 = arith.constant 0 : i32
    %dma_start3A_206 = tpu.memref_slice %arg7[%dma_start3A_195, %dma_start3A_204, %dma_start3A_205] : memref<4x2x128xi32, #tpu.memory_space<vmem>> -> memref<1x2x128xi32, #tpu.memory_space<vmem>>
    %dma_start3A_207 = tpu.memref_squeeze %dma_start3A_206 : memref<1x2x128xi32, #tpu.memory_space<vmem>> -> memref<2x128xi32, #tpu.memory_space<vmem>>
    %dma_start3A_208 = arith.constant 0 : i32
    %dma_start3A_209 = arith.constant 0 : i32
    %dma_start3A_210 = tpu.memref_slice %arg4[%add3A_194, %dma_start3A_208, %dma_start3A_209] : memref<2560x2x128xi32, #tpu.memory_space<hbm>> -> memref<1x2x128xi32, #tpu.memory_space<hbm>>
    %dma_start3A_211 = tpu.memref_squeeze %dma_start3A_210 : memref<1x2x128xi32, #tpu.memory_space<hbm>> -> memref<2x128xi32, #tpu.memory_space<hbm>>
    tpu.enqueue_dma source(%dma_start3A_211 : memref<2x128xi32, #tpu.memory_space<hbm>>) target(%dma_start3A_207 : memref<2x128xi32, #tpu.memory_space<vmem>>) target_semaphore(%arg15 : memref<!tpu.dma_semaphore, #tpu.memory_space<semaphore_mem>>)
    %add3A_212 = arith.constant 1 : i32
    %add3A_213 = arith.addi %mul3A_2, %add3A_212 : i32
    %dma_start3A_214 = arith.constant 1 : i32
    %dma_start3A_215 = arith.constant 0 : i32
    %dma_start3A_216 = arith.constant 0 : i32
    %dma_start3A_217 = tpu.memref_slice %arg7[%dma_start3A_214, %dma_start3A_215, %dma_start3A_216] : memref<4x2x128xi32, #tpu.memory_space<vmem>> -> memref<1x2x128xi32, #tpu.memory_space<vmem>>
    %dma_start3A_218 = tpu.memref_squeeze %dma_start3A_217 : memref<1x2x128xi32, #tpu.memory_space<vmem>> -> memref<2x128xi32, #tpu.memory_space<vmem>>
    %dma_start3A_219 = arith.constant 0 : i32
    %dma_start3A_220 = arith.constant 0 : i32
    %dma_start3A_221 = tpu.memref_slice %arg4[%add3A_213, %dma_start3A_219, %dma_start3A_220] : memref<2560x2x128xi32, #tpu.memory_space<hbm>> -> memref<1x2x128xi32, #tpu.memory_space<hbm>>
    %dma_start3A_222 = tpu.memref_squeeze %dma_start3A_221 : memref<1x2x128xi32, #tpu.memory_space<hbm>> -> memref<2x128xi32, #tpu.memory_space<hbm>>
    %dma_start3A_223 = arith.constant 0 : i32
    %dma_start3A_224 = arith.constant 0 : i32
    %dma_start3A_225 = tpu.memref_slice %arg7[%dma_start3A_214, %dma_start3A_223, %dma_start3A_224] : memref<4x2x128xi32, #tpu.memory_space<vmem>> -> memref<1x2x128xi32, #tpu.memory_space<vmem>>
    %dma_start3A_226 = tpu.memref_squeeze %dma_start3A_225 : memref<1x2x128xi32, #tpu.memory_space<vmem>> -> memref<2x128xi32, #tpu.memory_space<vmem>>
    %dma_start3A_227 = arith.constant 0 : i32
    %dma_start3A_228 = arith.constant 0 : i32
    %dma_start3A_229 = tpu.memref_slice %arg4[%add3A_213, %dma_start3A_227, %dma_start3A_228] : memref<2560x2x128xi32, #tpu.memory_space<hbm>> -> memref<1x2x128xi32, #tpu.memory_space<hbm>>
    %dma_start3A_230 = tpu.memref_squeeze %dma_start3A_229 : memref<1x2x128xi32, #tpu.memory_space<hbm>> -> memref<2x128xi32, #tpu.memory_space<hbm>>
    tpu.enqueue_dma source(%dma_start3A_230 : memref<2x128xi32, #tpu.memory_space<hbm>>) target(%dma_start3A_226 : memref<2x128xi32, #tpu.memory_space<vmem>>) target_semaphore(%arg16 : memref<!tpu.dma_semaphore, #tpu.memory_space<semaphore_mem>>)
    %add3A_231 = arith.constant 0 : i32
    %add3A_232 = arith.addi %mul3A_2, %add3A_231 : i32
    %dma_wait3A_233 = arith.constant 0 : i32
    %dma_wait3A_234 = arith.constant 0 : i32
    %dma_wait3A_235 = arith.constant 0 : i32
    %dma_wait3A_236 = tpu.memref_slice %arg7[%dma_wait3A_233, %dma_wait3A_234, %dma_wait3A_235] : memref<4x2x128xi32, #tpu.memory_space<vmem>> -> memref<1x2x128xi32, #tpu.memory_space<vmem>>
    %dma_wait3A_237 = tpu.memref_squeeze %dma_wait3A_236 : memref<1x2x128xi32, #tpu.memory_space<vmem>> -> memref<2x128xi32, #tpu.memory_space<vmem>>
    %dma_wait3A_238 = arith.constant 0 : i32
    %dma_wait3A_239 = arith.constant 0 : i32
    %dma_wait3A_240 = tpu.memref_slice %arg4[%add3A_232, %dma_wait3A_238, %dma_wait3A_239] : memref<2560x2x128xi32, #tpu.memory_space<hbm>> -> memref<1x2x128xi32, #tpu.memory_space<hbm>>
    %dma_wait3A_241 = tpu.memref_squeeze %dma_wait3A_240 : memref<1x2x128xi32, #tpu.memory_space<hbm>> -> memref<2x128xi32, #tpu.memory_space<hbm>>
    %dma_wait3A_242 = arith.constant 0 : i32
    %dma_wait3A_243 = arith.constant 0 : i32
    %dma_wait3A_244 = tpu.memref_slice %arg7[%dma_wait3A_233, %dma_wait3A_242, %dma_wait3A_243] : memref<4x2x128xi32, #tpu.memory_space<vmem>> -> memref<1x2x128xi32, #tpu.memory_space<vmem>>
    %dma_wait3A_245 = tpu.memref_squeeze %dma_wait3A_244 : memref<1x2x128xi32, #tpu.memory_space<vmem>> -> memref<2x128xi32, #tpu.memory_space<vmem>>
    %dma_wait3A_246 = arith.constant 0 : i32
    %dma_wait3A_247 = arith.constant 0 : i32
    %dma_wait3A_248 = tpu.memref_slice %arg4[%add3A_232, %dma_wait3A_246, %dma_wait3A_247] : memref<2560x2x128xi32, #tpu.memory_space<hbm>> -> memref<1x2x128xi32, #tpu.memory_space<hbm>>
    %dma_wait3A_249 = tpu.memref_squeeze %dma_wait3A_248 : memref<1x2x128xi32, #tpu.memory_space<hbm>> -> memref<2x128xi32, #tpu.memory_space<hbm>>
    tpu.wait_dma2 semaphore(%arg15 : memref<!tpu.dma_semaphore, #tpu.memory_space<semaphore_mem>>) src(%dma_wait3A_249 : memref<2x128xi32, #tpu.memory_space<hbm>>) dst(%dma_wait3A_245 : memref<2x128xi32, #tpu.memory_space<vmem>>)
    %dma_start3A_250 = arith.constant 0 : i32
    %dma_start3A_251 = arith.constant 0 : i32
    %dma_start3A_252 = arith.constant 0 : i32
    %dma_start3A_253 = tpu.memref_slice %arg7[%dma_start3A_250, %dma_start3A_251, %dma_start3A_252] : memref<4x2x128xi32, #tpu.memory_space<vmem>> -> memref<1x1x128xi32, #tpu.memory_space<vmem>>
    %dma_start3A_254 = tpu.memref_squeeze %dma_start3A_253 : memref<1x1x128xi32, #tpu.memory_space<vmem>> -> memref<128xi32, #tpu.memory_space<vmem>>
    %dma_start3A_255 = arith.constant 0 : i32
    %dma_start3A_256 = arith.constant 0 : i32
    %dma_start3A_257 = tpu.memref_slice %arg12[%dma_start3A_255, %dma_start3A_256] : memref<10000x64xf32, #tpu.memory_space<vmem_shared>> -> memref<10000x64xf32, #tpu.memory_space<vmem_shared>>
    tpu.enqueue_indirect_dma source(%dma_start3A_257 : memref<10000x64xf32, #tpu.memory_space<vmem_shared>>) target(%arg8 : memref<128x64xf32, #tpu.memory_space<vmem>>) offsets(%dma_start3A_254 : memref<128xi32, #tpu.memory_space<vmem>>) semaphore(%arg19 : memref<!tpu.dma_semaphore, #tpu.memory_space<semaphore_mem>>)
    %scan3A_258 = arith.constant 0 : i32
    %scan3A_259 = arith.constant 20 : i32
    %scan3A_260 = arith.addi %scan3A_258, %scan3A_259 : i32
    %scan3A_261 = arith.constant 1 : i32
    scf.for %scan3A_279 = %scan3A_258 to %scan3A_260 step %scan3A_261  : i32 {
      %mul3A_280 = arith.constant 4 : i32
      %mul3A_281 = arith.muli %scan3A_279, %mul3A_280 : i32
      %add3A_282 = arith.constant 0 : i32
      %add3A_283 = arith.addi %mul3A_281, %add3A_282 : i32
      %add3A_284 = arith.constant 2 : i32
      %add3A_285 = arith.addi %add3A_283, %add3A_284 : i32
      %lt3A = arith.constant 80 : i32
      %lt3A_286 = arith.cmpi slt, %add3A_285, %lt3A : i32
      %convert_element_type3A = arith.extui %lt3A_286 : i1 to i32
      %cond3A = arith.constant 0 : i32
      %cond3A_287 = arith.cmpi ne, %convert_element_type3A, %cond3A : i32
      scf.if %cond3A_287 {
        %add3A_389 = arith.constant 2 : i32
        %add3A_390 = arith.addi %add3A_283, %add3A_389 : i32
        %add3A_391 = arith.addi %mul3A_2, %add3A_390 : i32
        %dma_start3A_392 = arith.constant 2 : i32
        %dma_start3A_393 = arith.constant 0 : i32
        %dma_start3A_394 = arith.constant 0 : i32
        %dma_start3A_395 = tpu.memref_slice %arg7[%dma_start3A_392, %dma_start3A_393, %dma_start3A_394] : memref<4x2x128xi32, #tpu.memory_space<vmem>> -> memref<1x2x128xi32, #tpu.memory_space<vmem>>
        %dma_start3A_396 = tpu.memref_squeeze %dma_start3A_395 : memref<1x2x128xi32, #tpu.memory_space<vmem>> -> memref<2x128xi32, #tpu.memory_space<vmem>>
        %dma_start3A_397 = arith.constant 0 : i32
        %dma_start3A_398 = arith.constant 0 : i32
        %dma_start3A_399 = tpu.memref_slice %arg4[%add3A_391, %dma_start3A_397, %dma_start3A_398] : memref<2560x2x128xi32, #tpu.memory_space<hbm>> -> memref<1x2x128xi32, #tpu.memory_space<hbm>>
        %dma_start3A_400 = tpu.memref_squeeze %dma_start3A_399 : memref<1x2x128xi32, #tpu.memory_space<hbm>> -> memref<2x128xi32, #tpu.memory_space<hbm>>
        %dma_start3A_401 = arith.constant 0 : i32
        %dma_start3A_402 = arith.constant 0 : i32
        %dma_start3A_403 = tpu.memref_slice %arg7[%dma_start3A_392, %dma_start3A_401, %dma_start3A_402] : memref<4x2x128xi32, #tpu.memory_space<vmem>> -> memref<1x2x128xi32, #tpu.memory_space<vmem>>
        %dma_start3A_404 = tpu.memref_squeeze %dma_start3A_403 : memref<1x2x128xi32, #tpu.memory_space<vmem>> -> memref<2x128xi32, #tpu.memory_space<vmem>>
        %dma_start3A_405 = arith.constant 0 : i32
        %dma_start3A_406 = arith.constant 0 : i32
        %dma_start3A_407 = tpu.memref_slice %arg4[%add3A_391, %dma_start3A_405, %dma_start3A_406] : memref<2560x2x128xi32, #tpu.memory_space<hbm>> -> memref<1x2x128xi32, #tpu.memory_space<hbm>>
        %dma_start3A_408 = tpu.memref_squeeze %dma_start3A_407 : memref<1x2x128xi32, #tpu.memory_space<hbm>> -> memref<2x128xi32, #tpu.memory_space<hbm>>
        tpu.enqueue_dma source(%dma_start3A_408 : memref<2x128xi32, #tpu.memory_space<hbm>>) target(%dma_start3A_404 : memref<2x128xi32, #tpu.memory_space<vmem>>) target_semaphore(%arg17 : memref<!tpu.dma_semaphore, #tpu.memory_space<semaphore_mem>>)
      } else {
      }
      %add3A_288 = arith.constant 1 : i32
      %add3A_289 = arith.addi %add3A_283, %add3A_288 : i32
      %lt3A_290 = arith.constant 80 : i32
      %lt3A_291 = arith.cmpi slt, %add3A_289, %lt3A_290 : i32
      %convert_element_type3A_292 = arith.extui %lt3A_291 : i1 to i32
      %cond3A_293 = arith.constant 0 : i32
      %cond3A_294 = arith.cmpi ne, %convert_element_type3A_292, %cond3A_293 : i32
      scf.if %cond3A_294 {
        %add3A_389 = arith.constant 1 : i32
        %add3A_390 = arith.addi %add3A_283, %add3A_389 : i32
        %add3A_391 = arith.addi %mul3A_2, %add3A_390 : i32
        %dma_wait3A_392 = arith.constant 1 : i32
        %dma_wait3A_393 = arith.constant 0 : i32
        %dma_wait3A_394 = arith.constant 0 : i32
        %dma_wait3A_395 = tpu.memref_slice %arg7[%dma_wait3A_392, %dma_wait3A_393, %dma_wait3A_394] : memref<4x2x128xi32, #tpu.memory_space<vmem>> -> memref<1x2x128xi32, #tpu.memory_space<vmem>>
        %dma_wait3A_396 = tpu.memref_squeeze %dma_wait3A_395 : memref<1x2x128xi32, #tpu.memory_space<vmem>> -> memref<2x128xi32, #tpu.memory_space<vmem>>
        %dma_wait3A_397 = arith.constant 0 : i32
        %dma_wait3A_398 = arith.constant 0 : i32
        %dma_wait3A_399 = tpu.memref_slice %arg4[%add3A_391, %dma_wait3A_397, %dma_wait3A_398] : memref<2560x2x128xi32, #tpu.memory_space<hbm>> -> memref<1x2x128xi32, #tpu.memory_space<hbm>>
        %dma_wait3A_400 = tpu.memref_squeeze %dma_wait3A_399 : memref<1x2x128xi32, #tpu.memory_space<hbm>> -> memref<2x128xi32, #tpu.memory_space<hbm>>
        %dma_wait3A_401 = arith.constant 0 : i32
        %dma_wait3A_402 = arith.constant 0 : i32
        %dma_wait3A_403 = tpu.memref_slice %arg7[%dma_wait3A_392, %dma_wait3A_401, %dma_wait3A_402] : memref<4x2x128xi32, #tpu.memory_space<vmem>> -> memref<1x2x128xi32, #tpu.memory_space<vmem>>
        %dma_wait3A_404 = tpu.memref_squeeze %dma_wait3A_403 : memref<1x2x128xi32, #tpu.memory_space<vmem>> -> memref<2x128xi32, #tpu.memory_space<vmem>>
        %dma_wait3A_405 = arith.constant 0 : i32
        %dma_wait3A_406 = arith.constant 0 : i32
        %dma_wait3A_407 = tpu.memref_slice %arg4[%add3A_391, %dma_wait3A_405, %dma_wait3A_406] : memref<2560x2x128xi32, #tpu.memory_space<hbm>> -> memref<1x2x128xi32, #tpu.memory_space<hbm>>
        %dma_wait3A_408 = tpu.memref_squeeze %dma_wait3A_407 : memref<1x2x128xi32, #tpu.memory_space<hbm>> -> memref<2x128xi32, #tpu.memory_space<hbm>>
        tpu.wait_dma2 semaphore(%arg16 : memref<!tpu.dma_semaphore, #tpu.memory_space<semaphore_mem>>) src(%dma_wait3A_408 : memref<2x128xi32, #tpu.memory_space<hbm>>) dst(%dma_wait3A_404 : memref<2x128xi32, #tpu.memory_space<vmem>>)
        %dma_start3A_409 = arith.constant 1 : i32
        %dma_start3A_410 = arith.constant 0 : i32
        %dma_start3A_411 = arith.constant 0 : i32
        %dma_start3A_412 = tpu.memref_slice %arg7[%dma_start3A_409, %dma_start3A_410, %dma_start3A_411] : memref<4x2x128xi32, #tpu.memory_space<vmem>> -> memref<1x1x128xi32, #tpu.memory_space<vmem>>
        %dma_start3A_413 = tpu.memref_squeeze %dma_start3A_412 : memref<1x1x128xi32, #tpu.memory_space<vmem>> -> memref<128xi32, #tpu.memory_space<vmem>>
        %dma_start3A_414 = arith.constant 0 : i32
        %dma_start3A_415 = arith.constant 0 : i32
        %dma_start3A_416 = tpu.memref_slice %arg12[%dma_start3A_414, %dma_start3A_415] : memref<10000x64xf32, #tpu.memory_space<vmem_shared>> -> memref<10000x64xf32, #tpu.memory_space<vmem_shared>>
        tpu.enqueue_indirect_dma source(%dma_start3A_416 : memref<10000x64xf32, #tpu.memory_space<vmem_shared>>) target(%arg9 : memref<128x64xf32, #tpu.memory_space<vmem>>) offsets(%dma_start3A_413 : memref<128xi32, #tpu.memory_space<vmem>>) semaphore(%arg20 : memref<!tpu.dma_semaphore, #tpu.memory_space<semaphore_mem>>)
      } else {
      }
      %dma_wait3A_295 = arith.constant 0 : i32
      %dma_wait3A_296 = arith.constant 0 : i32
      %dma_wait3A_297 = arith.constant 0 : i32
      %dma_wait3A_298 = tpu.memref_slice %arg7[%dma_wait3A_295, %dma_wait3A_296, %dma_wait3A_297] : memref<4x2x128xi32, #tpu.memory_space<vmem>> -> memref<1x1x128xi32, #tpu.memory_space<vmem>>
      %dma_wait3A_299 = tpu.memref_squeeze %dma_wait3A_298 : memref<1x1x128xi32, #tpu.memory_space<vmem>> -> memref<128xi32, #tpu.memory_space<vmem>>
      %dma_wait3A_300 = arith.constant 0 : i32
      %dma_wait3A_301 = arith.constant 0 : i32
      %dma_wait3A_302 = tpu.memref_slice %arg12[%dma_wait3A_300, %dma_wait3A_301] : memref<10000x64xf32, #tpu.memory_space<vmem_shared>> -> memref<10000x64xf32, #tpu.memory_space<vmem_shared>>
      tpu.wait_indirect_dma semaphore(%arg19 : memref<!tpu.dma_semaphore, #tpu.memory_space<semaphore_mem>>) src(%dma_wait3A_302 : memref<10000x64xf32, #tpu.memory_space<vmem_shared>>) dst(%arg8 : memref<128x64xf32, #tpu.memory_space<vmem>>)
      %run_scoped3A_303 = arith.constant 0 : i32
      %run_scoped3A_304 = arith.constant 1 : i32
      "tpu.region"() ({
        %run_scoped3A_389 = tpu.sem_alloc : memref<!tpu.dma_semaphore, #tpu.memory_space<semaphore_mem>>
        %dma_start3A_390 = arith.constant 0 : i32
        %dma_start3A_391 = tpu.memref_slice %arg7[%run_scoped3A_303, %run_scoped3A_304, %dma_start3A_390] : memref<4x2x128xi32, #tpu.memory_space<vmem>> -> memref<1x1x128xi32, #tpu.memory_space<vmem>>
        %dma_start3A_392 = tpu.memref_squeeze %dma_start3A_391 : memref<1x1x128xi32, #tpu.memory_space<vmem>> -> memref<128xi32, #tpu.memory_space<vmem>>
        %dma_start3A_393 = arith.constant 0 : i32
        %dma_start3A_394 = arith.constant 0 : i32
        %dma_start3A_395 = tpu.memref_slice %arg13[%dma_start3A_393, %dma_start3A_394] : memref<10240x64xf32, #tpu.memory_space<vmem_shared>> -> memref<10240x64xf32, #tpu.memory_space<vmem_shared>>
        tpu.enqueue_indirect_dma source(%arg8 : memref<128x64xf32, #tpu.memory_space<vmem>>) target(%dma_start3A_395 : memref<10240x64xf32, #tpu.memory_space<vmem_shared>>) offsets(%dma_start3A_392 : memref<128xi32, #tpu.memory_space<vmem>>) semaphore(%run_scoped3A_389 : memref<!tpu.dma_semaphore, #tpu.memory_space<semaphore_mem>>) {add = true}
        %dma_wait3A_396 = arith.constant 0 : i32
        %dma_wait3A_397 = tpu.memref_slice %arg7[%run_scoped3A_303, %run_scoped3A_304, %dma_wait3A_396] : memref<4x2x128xi32, #tpu.memory_space<vmem>> -> memref<1x1x128xi32, #tpu.memory_space<vmem>>
        %dma_wait3A_398 = tpu.memref_squeeze %dma_wait3A_397 : memref<1x1x128xi32, #tpu.memory_space<vmem>> -> memref<128xi32, #tpu.memory_space<vmem>>
        %dma_wait3A_399 = arith.constant 0 : i32
        %dma_wait3A_400 = arith.constant 0 : i32
        %dma_wait3A_401 = tpu.memref_slice %arg13[%dma_wait3A_399, %dma_wait3A_400] : memref<10240x64xf32, #tpu.memory_space<vmem_shared>> -> memref<10240x64xf32, #tpu.memory_space<vmem_shared>>
        tpu.wait_indirect_dma semaphore(%run_scoped3A_389 : memref<!tpu.dma_semaphore, #tpu.memory_space<semaphore_mem>>) src(%arg8 : memref<128x64xf32, #tpu.memory_space<vmem>>) dst(%dma_wait3A_401 : memref<10240x64xf32, #tpu.memory_space<vmem_shared>>)
        tpu.yield
      }) : () -> ()
      %mul3A_305 = arith.constant 4 : i32
      %mul3A_306 = arith.muli %scan3A_279, %mul3A_305 : i32
      %add3A_307 = arith.constant 1 : i32
      %add3A_308 = arith.addi %mul3A_306, %add3A_307 : i32
      %add3A_309 = arith.constant 2 : i32
      %add3A_310 = arith.addi %add3A_308, %add3A_309 : i32
      %lt3A_311 = arith.constant 80 : i32
      %lt3A_312 = arith.cmpi slt, %add3A_310, %lt3A_311 : i32
      %convert_element_type3A_313 = arith.extui %lt3A_312 : i1 to i32
      %cond3A_314 = arith.constant 0 : i32
      %cond3A_315 = arith.cmpi ne, %convert_element_type3A_313, %cond3A_314 : i32
      scf.if %cond3A_315 {
        %add3A_389 = arith.constant 2 : i32
        %add3A_390 = arith.addi %add3A_308, %add3A_389 : i32
        %add3A_391 = arith.addi %mul3A_2, %add3A_390 : i32
        %dma_start3A_392 = arith.constant 3 : i32
        %dma_start3A_393 = arith.constant 0 : i32
        %dma_start3A_394 = arith.constant 0 : i32
        %dma_start3A_395 = tpu.memref_slice %arg7[%dma_start3A_392, %dma_start3A_393, %dma_start3A_394] : memref<4x2x128xi32, #tpu.memory_space<vmem>> -> memref<1x2x128xi32, #tpu.memory_space<vmem>>
        %dma_start3A_396 = tpu.memref_squeeze %dma_start3A_395 : memref<1x2x128xi32, #tpu.memory_space<vmem>> -> memref<2x128xi32, #tpu.memory_space<vmem>>
        %dma_start3A_397 = arith.constant 0 : i32
        %dma_start3A_398 = arith.constant 0 : i32
        %dma_start3A_399 = tpu.memref_slice %arg4[%add3A_391, %dma_start3A_397, %dma_start3A_398] : memref<2560x2x128xi32, #tpu.memory_space<hbm>> -> memref<1x2x128xi32, #tpu.memory_space<hbm>>
        %dma_start3A_400 = tpu.memref_squeeze %dma_start3A_399 : memref<1x2x128xi32, #tpu.memory_space<hbm>> -> memref<2x128xi32, #tpu.memory_space<hbm>>
        %dma_start3A_401 = arith.constant 0 : i32
        %dma_start3A_402 = arith.constant 0 : i32
        %dma_start3A_403 = tpu.memref_slice %arg7[%dma_start3A_392, %dma_start3A_401, %dma_start3A_402] : memref<4x2x128xi32, #tpu.memory_space<vmem>> -> memref<1x2x128xi32, #tpu.memory_space<vmem>>
        %dma_start3A_404 = tpu.memref_squeeze %dma_start3A_403 : memref<1x2x128xi32, #tpu.memory_space<vmem>> -> memref<2x128xi32, #tpu.memory_space<vmem>>
        %dma_start3A_405 = arith.constant 0 : i32
        %dma_start3A_406 = arith.constant 0 : i32
        %dma_start3A_407 = tpu.memref_slice %arg4[%add3A_391, %dma_start3A_405, %dma_start3A_406] : memref<2560x2x128xi32, #tpu.memory_space<hbm>> -> memref<1x2x128xi32, #tpu.memory_space<hbm>>
        %dma_start3A_408 = tpu.memref_squeeze %dma_start3A_407 : memref<1x2x128xi32, #tpu.memory_space<hbm>> -> memref<2x128xi32, #tpu.memory_space<hbm>>
        tpu.enqueue_dma source(%dma_start3A_408 : memref<2x128xi32, #tpu.memory_space<hbm>>) target(%dma_start3A_404 : memref<2x128xi32, #tpu.memory_space<vmem>>) target_semaphore(%arg18 : memref<!tpu.dma_semaphore, #tpu.memory_space<semaphore_mem>>)
      } else {
      }
      %add3A_316 = arith.constant 1 : i32
      %add3A_317 = arith.addi %add3A_308, %add3A_316 : i32
      %lt3A_318 = arith.constant 80 : i32
      %lt3A_319 = arith.cmpi slt, %add3A_317, %lt3A_318 : i32
      %convert_element_type3A_320 = arith.extui %lt3A_319 : i1 to i32
      %cond3A_321 = arith.constant 0 : i32
      %cond3A_322 = arith.cmpi ne, %convert_element_type3A_320, %cond3A_321 : i32
      scf.if %cond3A_322 {
        %add3A_389 = arith.constant 1 : i32
        %add3A_390 = arith.addi %add3A_308, %add3A_389 : i32
        %add3A_391 = arith.addi %mul3A_2, %add3A_390 : i32
        %dma_wait3A_392 = arith.constant 2 : i32
        %dma_wait3A_393 = arith.constant 0 : i32
        %dma_wait3A_394 = arith.constant 0 : i32
        %dma_wait3A_395 = tpu.memref_slice %arg7[%dma_wait3A_392, %dma_wait3A_393, %dma_wait3A_394] : memref<4x2x128xi32, #tpu.memory_space<vmem>> -> memref<1x2x128xi32, #tpu.memory_space<vmem>>
        %dma_wait3A_396 = tpu.memref_squeeze %dma_wait3A_395 : memref<1x2x128xi32, #tpu.memory_space<vmem>> -> memref<2x128xi32, #tpu.memory_space<vmem>>
        %dma_wait3A_397 = arith.constant 0 : i32
        %dma_wait3A_398 = arith.constant 0 : i32
        %dma_wait3A_399 = tpu.memref_slice %arg4[%add3A_391, %dma_wait3A_397, %dma_wait3A_398] : memref<2560x2x128xi32, #tpu.memory_space<hbm>> -> memref<1x2x128xi32, #tpu.memory_space<hbm>>
        %dma_wait3A_400 = tpu.memref_squeeze %dma_wait3A_399 : memref<1x2x128xi32, #tpu.memory_space<hbm>> -> memref<2x128xi32, #tpu.memory_space<hbm>>
        %dma_wait3A_401 = arith.constant 0 : i32
        %dma_wait3A_402 = arith.constant 0 : i32
        %dma_wait3A_403 = tpu.memref_slice %arg7[%dma_wait3A_392, %dma_wait3A_401, %dma_wait3A_402] : memref<4x2x128xi32, #tpu.memory_space<vmem>> -> memref<1x2x128xi32, #tpu.memory_space<vmem>>
        %dma_wait3A_404 = tpu.memref_squeeze %dma_wait3A_403 : memref<1x2x128xi32, #tpu.memory_space<vmem>> -> memref<2x128xi32, #tpu.memory_space<vmem>>
        %dma_wait3A_405 = arith.constant 0 : i32
        %dma_wait3A_406 = arith.constant 0 : i32
        %dma_wait3A_407 = tpu.memref_slice %arg4[%add3A_391, %dma_wait3A_405, %dma_wait3A_406] : memref<2560x2x128xi32, #tpu.memory_space<hbm>> -> memref<1x2x128xi32, #tpu.memory_space<hbm>>
        %dma_wait3A_408 = tpu.memref_squeeze %dma_wait3A_407 : memref<1x2x128xi32, #tpu.memory_space<hbm>> -> memref<2x128xi32, #tpu.memory_space<hbm>>
        tpu.wait_dma2 semaphore(%arg17 : memref<!tpu.dma_semaphore, #tpu.memory_space<semaphore_mem>>) src(%dma_wait3A_408 : memref<2x128xi32, #tpu.memory_space<hbm>>) dst(%dma_wait3A_404 : memref<2x128xi32, #tpu.memory_space<vmem>>)
        %dma_start3A_409 = arith.constant 2 : i32
        %dma_start3A_410 = arith.constant 0 : i32
        %dma_start3A_411 = arith.constant 0 : i32
        %dma_start3A_412 = tpu.memref_slice %arg7[%dma_start3A_409, %dma_start3A_410, %dma_start3A_411] : memref<4x2x128xi32, #tpu.memory_space<vmem>> -> memref<1x1x128xi32, #tpu.memory_space<vmem>>
        %dma_start3A_413 = tpu.memref_squeeze %dma_start3A_412 : memref<1x1x128xi32, #tpu.memory_space<vmem>> -> memref<128xi32, #tpu.memory_space<vmem>>
        %dma_start3A_414 = arith.constant 0 : i32
        %dma_start3A_415 = arith.constant 0 : i32
        %dma_start3A_416 = tpu.memref_slice %arg12[%dma_start3A_414, %dma_start3A_415] : memref<10000x64xf32, #tpu.memory_space<vmem_shared>> -> memref<10000x64xf32, #tpu.memory_space<vmem_shared>>
        tpu.enqueue_indirect_dma source(%dma_start3A_416 : memref<10000x64xf32, #tpu.memory_space<vmem_shared>>) target(%arg8 : memref<128x64xf32, #tpu.memory_space<vmem>>) offsets(%dma_start3A_413 : memref<128xi32, #tpu.memory_space<vmem>>) semaphore(%arg19 : memref<!tpu.dma_semaphore, #tpu.memory_space<semaphore_mem>>)
      } else {
      }
      %dma_wait3A_323 = arith.constant 1 : i32
      %dma_wait3A_324 = arith.constant 0 : i32
      %dma_wait3A_325 = arith.constant 0 : i32
      %dma_wait3A_326 = tpu.memref_slice %arg7[%dma_wait3A_323, %dma_wait3A_324, %dma_wait3A_325] : memref<4x2x128xi32, #tpu.memory_space<vmem>> -> memref<1x1x128xi32, #tpu.memory_space<vmem>>
      %dma_wait3A_327 = tpu.memref_squeeze %dma_wait3A_326 : memref<1x1x128xi32, #tpu.memory_space<vmem>> -> memref<128xi32, #tpu.memory_space<vmem>>
      %dma_wait3A_328 = arith.constant 0 : i32
      %dma_wait3A_329 = arith.constant 0 : i32
      %dma_wait3A_330 = tpu.memref_slice %arg12[%dma_wait3A_328, %dma_wait3A_329] : memref<10000x64xf32, #tpu.memory_space<vmem_shared>> -> memref<10000x64xf32, #tpu.memory_space<vmem_shared>>
      tpu.wait_indirect_dma semaphore(%arg20 : memref<!tpu.dma_semaphore, #tpu.memory_space<semaphore_mem>>) src(%dma_wait3A_330 : memref<10000x64xf32, #tpu.memory_space<vmem_shared>>) dst(%arg9 : memref<128x64xf32, #tpu.memory_space<vmem>>)
      %run_scoped3A_331 = arith.constant 1 : i32
      %run_scoped3A_332 = arith.constant 1 : i32
      "tpu.region"() ({
        %run_scoped3A_389 = tpu.sem_alloc : memref<!tpu.dma_semaphore, #tpu.memory_space<semaphore_mem>>
        %dma_start3A_390 = arith.constant 0 : i32
        %dma_start3A_391 = tpu.memref_slice %arg7[%run_scoped3A_331, %run_scoped3A_332, %dma_start3A_390] : memref<4x2x128xi32, #tpu.memory_space<vmem>> -> memref<1x1x128xi32, #tpu.memory_space<vmem>>
        %dma_start3A_392 = tpu.memref_squeeze %dma_start3A_391 : memref<1x1x128xi32, #tpu.memory_space<vmem>> -> memref<128xi32, #tpu.memory_space<vmem>>
        %dma_start3A_393 = arith.constant 0 : i32
        %dma_start3A_394 = arith.constant 0 : i32
        %dma_start3A_395 = tpu.memref_slice %arg13[%dma_start3A_393, %dma_start3A_394] : memref<10240x64xf32, #tpu.memory_space<vmem_shared>> -> memref<10240x64xf32, #tpu.memory_space<vmem_shared>>
        tpu.enqueue_indirect_dma source(%arg9 : memref<128x64xf32, #tpu.memory_space<vmem>>) target(%dma_start3A_395 : memref<10240x64xf32, #tpu.memory_space<vmem_shared>>) offsets(%dma_start3A_392 : memref<128xi32, #tpu.memory_space<vmem>>) semaphore(%run_scoped3A_389 : memref<!tpu.dma_semaphore, #tpu.memory_space<semaphore_mem>>) {add = true}
        %dma_wait3A_396 = arith.constant 0 : i32
        %dma_wait3A_397 = tpu.memref_slice %arg7[%run_scoped3A_331, %run_scoped3A_332, %dma_wait3A_396] : memref<4x2x128xi32, #tpu.memory_space<vmem>> -> memref<1x1x128xi32, #tpu.memory_space<vmem>>
        %dma_wait3A_398 = tpu.memref_squeeze %dma_wait3A_397 : memref<1x1x128xi32, #tpu.memory_space<vmem>> -> memref<128xi32, #tpu.memory_space<vmem>>
        %dma_wait3A_399 = arith.constant 0 : i32
        %dma_wait3A_400 = arith.constant 0 : i32
        %dma_wait3A_401 = tpu.memref_slice %arg13[%dma_wait3A_399, %dma_wait3A_400] : memref<10240x64xf32, #tpu.memory_space<vmem_shared>> -> memref<10240x64xf32, #tpu.memory_space<vmem_shared>>
        tpu.wait_indirect_dma semaphore(%run_scoped3A_389 : memref<!tpu.dma_semaphore, #tpu.memory_space<semaphore_mem>>) src(%arg9 : memref<128x64xf32, #tpu.memory_space<vmem>>) dst(%dma_wait3A_401 : memref<10240x64xf32, #tpu.memory_space<vmem_shared>>)
        tpu.yield
      }) : () -> ()
      %mul3A_333 = arith.constant 4 : i32
      %mul3A_334 = arith.muli %scan3A_279, %mul3A_333 : i32
      %add3A_335 = arith.constant 2 : i32
      %add3A_336 = arith.addi %mul3A_334, %add3A_335 : i32
      %add3A_337 = arith.constant 2 : i32
      %add3A_338 = arith.addi %add3A_336, %add3A_337 : i32
      %lt3A_339 = arith.constant 80 : i32
      %lt3A_340 = arith.cmpi slt, %add3A_338, %lt3A_339 : i32
      %convert_element_type3A_341 = arith.extui %lt3A_340 : i1 to i32
      %cond3A_342 = arith.constant 0 : i32
      %cond3A_343 = arith.cmpi ne, %convert_element_type3A_341, %cond3A_342 : i32
      scf.if %cond3A_343 {
        %add3A_389 = arith.constant 2 : i32
        %add3A_390 = arith.addi %add3A_336, %add3A_389 : i32
        %add3A_391 = arith.addi %mul3A_2, %add3A_390 : i32
        %dma_start3A_392 = arith.constant 0 : i32
        %dma_start3A_393 = arith.constant 0 : i32
        %dma_start3A_394 = arith.constant 0 : i32
        %dma_start3A_395 = tpu.memref_slice %arg7[%dma_start3A_392, %dma_start3A_393, %dma_start3A_394] : memref<4x2x128xi32, #tpu.memory_space<vmem>> -> memref<1x2x128xi32, #tpu.memory_space<vmem>>
        %dma_start3A_396 = tpu.memref_squeeze %dma_start3A_395 : memref<1x2x128xi32, #tpu.memory_space<vmem>> -> memref<2x128xi32, #tpu.memory_space<vmem>>
        %dma_start3A_397 = arith.constant 0 : i32
        %dma_start3A_398 = arith.constant 0 : i32
        %dma_start3A_399 = tpu.memref_slice %arg4[%add3A_391, %dma_start3A_397, %dma_start3A_398] : memref<2560x2x128xi32, #tpu.memory_space<hbm>> -> memref<1x2x128xi32, #tpu.memory_space<hbm>>
        %dma_start3A_400 = tpu.memref_squeeze %dma_start3A_399 : memref<1x2x128xi32, #tpu.memory_space<hbm>> -> memref<2x128xi32, #tpu.memory_space<hbm>>
        %dma_start3A_401 = arith.constant 0 : i32
        %dma_start3A_402 = arith.constant 0 : i32
        %dma_start3A_403 = tpu.memref_slice %arg7[%dma_start3A_392, %dma_start3A_401, %dma_start3A_402] : memref<4x2x128xi32, #tpu.memory_space<vmem>> -> memref<1x2x128xi32, #tpu.memory_space<vmem>>
        %dma_start3A_404 = tpu.memref_squeeze %dma_start3A_403 : memref<1x2x128xi32, #tpu.memory_space<vmem>> -> memref<2x128xi32, #tpu.memory_space<vmem>>
        %dma_start3A_405 = arith.constant 0 : i32
        %dma_start3A_406 = arith.constant 0 : i32
        %dma_start3A_407 = tpu.memref_slice %arg4[%add3A_391, %dma_start3A_405, %dma_start3A_406] : memref<2560x2x128xi32, #tpu.memory_space<hbm>> -> memref<1x2x128xi32, #tpu.memory_space<hbm>>
        %dma_start3A_408 = tpu.memref_squeeze %dma_start3A_407 : memref<1x2x128xi32, #tpu.memory_space<hbm>> -> memref<2x128xi32, #tpu.memory_space<hbm>>
        tpu.enqueue_dma source(%dma_start3A_408 : memref<2x128xi32, #tpu.memory_space<hbm>>) target(%dma_start3A_404 : memref<2x128xi32, #tpu.memory_space<vmem>>) target_semaphore(%arg15 : memref<!tpu.dma_semaphore, #tpu.memory_space<semaphore_mem>>)
      } else {
      }
      %add3A_344 = arith.constant 1 : i32
      %add3A_345 = arith.addi %add3A_336, %add3A_344 : i32
      %lt3A_346 = arith.constant 80 : i32
      %lt3A_347 = arith.cmpi slt, %add3A_345, %lt3A_346 : i32
      %convert_element_type3A_348 = arith.extui %lt3A_347 : i1 to i32
      %cond3A_349 = arith.constant 0 : i32
      %cond3A_350 = arith.cmpi ne, %convert_element_type3A_348, %cond3A_349 : i32
      scf.if %cond3A_350 {
        %add3A_389 = arith.constant 1 : i32
        %add3A_390 = arith.addi %add3A_336, %add3A_389 : i32
        %add3A_391 = arith.addi %mul3A_2, %add3A_390 : i32
        %dma_wait3A_392 = arith.constant 3 : i32
        %dma_wait3A_393 = arith.constant 0 : i32
        %dma_wait3A_394 = arith.constant 0 : i32
        %dma_wait3A_395 = tpu.memref_slice %arg7[%dma_wait3A_392, %dma_wait3A_393, %dma_wait3A_394] : memref<4x2x128xi32, #tpu.memory_space<vmem>> -> memref<1x2x128xi32, #tpu.memory_space<vmem>>
        %dma_wait3A_396 = tpu.memref_squeeze %dma_wait3A_395 : memref<1x2x128xi32, #tpu.memory_space<vmem>> -> memref<2x128xi32, #tpu.memory_space<vmem>>
        %dma_wait3A_397 = arith.constant 0 : i32
        %dma_wait3A_398 = arith.constant 0 : i32
        %dma_wait3A_399 = tpu.memref_slice %arg4[%add3A_391, %dma_wait3A_397, %dma_wait3A_398] : memref<2560x2x128xi32, #tpu.memory_space<hbm>> -> memref<1x2x128xi32, #tpu.memory_space<hbm>>
        %dma_wait3A_400 = tpu.memref_squeeze %dma_wait3A_399 : memref<1x2x128xi32, #tpu.memory_space<hbm>> -> memref<2x128xi32, #tpu.memory_space<hbm>>
        %dma_wait3A_401 = arith.constant 0 : i32
        %dma_wait3A_402 = arith.constant 0 : i32
        %dma_wait3A_403 = tpu.memref_slice %arg7[%dma_wait3A_392, %dma_wait3A_401, %dma_wait3A_402] : memref<4x2x128xi32, #tpu.memory_space<vmem>> -> memref<1x2x128xi32, #tpu.memory_space<vmem>>
        %dma_wait3A_404 = tpu.memref_squeeze %dma_wait3A_403 : memref<1x2x128xi32, #tpu.memory_space<vmem>> -> memref<2x128xi32, #tpu.memory_space<vmem>>
        %dma_wait3A_405 = arith.constant 0 : i32
        %dma_wait3A_406 = arith.constant 0 : i32
        %dma_wait3A_407 = tpu.memref_slice %arg4[%add3A_391, %dma_wait3A_405, %dma_wait3A_406] : memref<2560x2x128xi32, #tpu.memory_space<hbm>> -> memref<1x2x128xi32, #tpu.memory_space<hbm>>
        %dma_wait3A_408 = tpu.memref_squeeze %dma_wait3A_407 : memref<1x2x128xi32, #tpu.memory_space<hbm>> -> memref<2x128xi32, #tpu.memory_space<hbm>>
        tpu.wait_dma2 semaphore(%arg18 : memref<!tpu.dma_semaphore, #tpu.memory_space<semaphore_mem>>) src(%dma_wait3A_408 : memref<2x128xi32, #tpu.memory_space<hbm>>) dst(%dma_wait3A_404 : memref<2x128xi32, #tpu.memory_space<vmem>>)
        %dma_start3A_409 = arith.constant 3 : i32
        %dma_start3A_410 = arith.constant 0 : i32
        %dma_start3A_411 = arith.constant 0 : i32
        %dma_start3A_412 = tpu.memref_slice %arg7[%dma_start3A_409, %dma_start3A_410, %dma_start3A_411] : memref<4x2x128xi32, #tpu.memory_space<vmem>> -> memref<1x1x128xi32, #tpu.memory_space<vmem>>
        %dma_start3A_413 = tpu.memref_squeeze %dma_start3A_412 : memref<1x1x128xi32, #tpu.memory_space<vmem>> -> memref<128xi32, #tpu.memory_space<vmem>>
        %dma_start3A_414 = arith.constant 0 : i32
        %dma_start3A_415 = arith.constant 0 : i32
        %dma_start3A_416 = tpu.memref_slice %arg12[%dma_start3A_414, %dma_start3A_415] : memref<10000x64xf32, #tpu.memory_space<vmem_shared>> -> memref<10000x64xf32, #tpu.memory_space<vmem_shared>>
        tpu.enqueue_indirect_dma source(%dma_start3A_416 : memref<10000x64xf32, #tpu.memory_space<vmem_shared>>) target(%arg9 : memref<128x64xf32, #tpu.memory_space<vmem>>) offsets(%dma_start3A_413 : memref<128xi32, #tpu.memory_space<vmem>>) semaphore(%arg20 : memref<!tpu.dma_semaphore, #tpu.memory_space<semaphore_mem>>)
      } else {
      }
      %dma_wait3A_351 = arith.constant 2 : i32
      %dma_wait3A_352 = arith.constant 0 : i32
      %dma_wait3A_353 = arith.constant 0 : i32
      %dma_wait3A_354 = tpu.memref_slice %arg7[%dma_wait3A_351, %dma_wait3A_352, %dma_wait3A_353] : memref<4x2x128xi32, #tpu.memory_space<vmem>> -> memref<1x1x128xi32, #tpu.memory_space<vmem>>
      %dma_wait3A_355 = tpu.memref_squeeze %dma_wait3A_354 : memref<1x1x128xi32, #tpu.memory_space<vmem>> -> memref<128xi32, #tpu.memory_space<vmem>>
      %dma_wait3A_356 = arith.constant 0 : i32
      %dma_wait3A_357 = arith.constant 0 : i32
      %dma_wait3A_358 = tpu.memref_slice %arg12[%dma_wait3A_356, %dma_wait3A_357] : memref<10000x64xf32, #tpu.memory_space<vmem_shared>> -> memref<10000x64xf32, #tpu.memory_space<vmem_shared>>
      tpu.wait_indirect_dma semaphore(%arg19 : memref<!tpu.dma_semaphore, #tpu.memory_space<semaphore_mem>>) src(%dma_wait3A_358 : memref<10000x64xf32, #tpu.memory_space<vmem_shared>>) dst(%arg8 : memref<128x64xf32, #tpu.memory_space<vmem>>)
      %run_scoped3A_359 = arith.constant 2 : i32
      %run_scoped3A_360 = arith.constant 1 : i32
      "tpu.region"() ({
        %run_scoped3A_389 = tpu.sem_alloc : memref<!tpu.dma_semaphore, #tpu.memory_space<semaphore_mem>>
        %dma_start3A_390 = arith.constant 0 : i32
        %dma_start3A_391 = tpu.memref_slice %arg7[%run_scoped3A_359, %run_scoped3A_360, %dma_start3A_390] : memref<4x2x128xi32, #tpu.memory_space<vmem>> -> memref<1x1x128xi32, #tpu.memory_space<vmem>>
        %dma_start3A_392 = tpu.memref_squeeze %dma_start3A_391 : memref<1x1x128xi32, #tpu.memory_space<vmem>> -> memref<128xi32, #tpu.memory_space<vmem>>
        %dma_start3A_393 = arith.constant 0 : i32
        %dma_start3A_394 = arith.constant 0 : i32
        %dma_start3A_395 = tpu.memref_slice %arg13[%dma_start3A_393, %dma_start3A_394] : memref<10240x64xf32, #tpu.memory_space<vmem_shared>> -> memref<10240x64xf32, #tpu.memory_space<vmem_shared>>
        tpu.enqueue_indirect_dma source(%arg8 : memref<128x64xf32, #tpu.memory_space<vmem>>) target(%dma_start3A_395 : memref<10240x64xf32, #tpu.memory_space<vmem_shared>>) offsets(%dma_start3A_392 : memref<128xi32, #tpu.memory_space<vmem>>) semaphore(%run_scoped3A_389 : memref<!tpu.dma_semaphore, #tpu.memory_space<semaphore_mem>>) {add = true}
        %dma_wait3A_396 = arith.constant 0 : i32
        %dma_wait3A_397 = tpu.memref_slice %arg7[%run_scoped3A_359, %run_scoped3A_360, %dma_wait3A_396] : memref<4x2x128xi32, #tpu.memory_space<vmem>> -> memref<1x1x128xi32, #tpu.memory_space<vmem>>
        %dma_wait3A_398 = tpu.memref_squeeze %dma_wait3A_397 : memref<1x1x128xi32, #tpu.memory_space<vmem>> -> memref<128xi32, #tpu.memory_space<vmem>>
        %dma_wait3A_399 = arith.constant 0 : i32
        %dma_wait3A_400 = arith.constant 0 : i32
        %dma_wait3A_401 = tpu.memref_slice %arg13[%dma_wait3A_399, %dma_wait3A_400] : memref<10240x64xf32, #tpu.memory_space<vmem_shared>> -> memref<10240x64xf32, #tpu.memory_space<vmem_shared>>
        tpu.wait_indirect_dma semaphore(%run_scoped3A_389 : memref<!tpu.dma_semaphore, #tpu.memory_space<semaphore_mem>>) src(%arg8 : memref<128x64xf32, #tpu.memory_space<vmem>>) dst(%dma_wait3A_401 : memref<10240x64xf32, #tpu.memory_space<vmem_shared>>)
        tpu.yield
      }) : () -> ()
      %mul3A_361 = arith.constant 4 : i32
      %mul3A_362 = arith.muli %scan3A_279, %mul3A_361 : i32
      %add3A_363 = arith.constant 3 : i32
      %add3A_364 = arith.addi %mul3A_362, %add3A_363 : i32
      %add3A_365 = arith.constant 2 : i32
      %add3A_366 = arith.addi %add3A_364, %add3A_365 : i32
      %lt3A_367 = arith.constant 80 : i32
      %lt3A_368 = arith.cmpi slt, %add3A_366, %lt3A_367 : i32
      %convert_element_type3A_369 = arith.extui %lt3A_368 : i1 to i32
      %cond3A_370 = arith.constant 0 : i32
      %cond3A_371 = arith.cmpi ne, %convert_element_type3A_369, %cond3A_370 : i32
      scf.if %cond3A_371 {
        %add3A_389 = arith.constant 2 : i32
        %add3A_390 = arith.addi %add3A_364, %add3A_389 : i32
        %add3A_391 = arith.addi %mul3A_2, %add3A_390 : i32
        %dma_start3A_392 = arith.constant 1 : i32
        %dma_start3A_393 = arith.constant 0 : i32
        %dma_start3A_394 = arith.constant 0 : i32
        %dma_start3A_395 = tpu.memref_slice %arg7[%dma_start3A_392, %dma_start3A_393, %dma_start3A_394] : memref<4x2x128xi32, #tpu.memory_space<vmem>> -> memref<1x2x128xi32, #tpu.memory_space<vmem>>
        %dma_start3A_396 = tpu.memref_squeeze %dma_start3A_395 : memref<1x2x128xi32, #tpu.memory_space<vmem>> -> memref<2x128xi32, #tpu.memory_space<vmem>>
        %dma_start3A_397 = arith.constant 0 : i32
        %dma_start3A_398 = arith.constant 0 : i32
        %dma_start3A_399 = tpu.memref_slice %arg4[%add3A_391, %dma_start3A_397, %dma_start3A_398] : memref<2560x2x128xi32, #tpu.memory_space<hbm>> -> memref<1x2x128xi32, #tpu.memory_space<hbm>>
        %dma_start3A_400 = tpu.memref_squeeze %dma_start3A_399 : memref<1x2x128xi32, #tpu.memory_space<hbm>> -> memref<2x128xi32, #tpu.memory_space<hbm>>
        %dma_start3A_401 = arith.constant 0 : i32
        %dma_start3A_402 = arith.constant 0 : i32
        %dma_start3A_403 = tpu.memref_slice %arg7[%dma_start3A_392, %dma_start3A_401, %dma_start3A_402] : memref<4x2x128xi32, #tpu.memory_space<vmem>> -> memref<1x2x128xi32, #tpu.memory_space<vmem>>
        %dma_start3A_404 = tpu.memref_squeeze %dma_start3A_403 : memref<1x2x128xi32, #tpu.memory_space<vmem>> -> memref<2x128xi32, #tpu.memory_space<vmem>>
        %dma_start3A_405 = arith.constant 0 : i32
        %dma_start3A_406 = arith.constant 0 : i32
        %dma_start3A_407 = tpu.memref_slice %arg4[%add3A_391, %dma_start3A_405, %dma_start3A_406] : memref<2560x2x128xi32, #tpu.memory_space<hbm>> -> memref<1x2x128xi32, #tpu.memory_space<hbm>>
        %dma_start3A_408 = tpu.memref_squeeze %dma_start3A_407 : memref<1x2x128xi32, #tpu.memory_space<hbm>> -> memref<2x128xi32, #tpu.memory_space<hbm>>
        tpu.enqueue_dma source(%dma_start3A_408 : memref<2x128xi32, #tpu.memory_space<hbm>>) target(%dma_start3A_404 : memref<2x128xi32, #tpu.memory_space<vmem>>) target_semaphore(%arg16 : memref<!tpu.dma_semaphore, #tpu.memory_space<semaphore_mem>>)
      } else {
      }
      %add3A_372 = arith.constant 1 : i32
      %add3A_373 = arith.addi %add3A_364, %add3A_372 : i32
      %lt3A_374 = arith.constant 80 : i32
      %lt3A_375 = arith.cmpi slt, %add3A_373, %lt3A_374 : i32
      %convert_element_type3A_376 = arith.extui %lt3A_375 : i1 to i32
      %cond3A_377 = arith.constant 0 : i32
      %cond3A_378 = arith.cmpi ne, %convert_element_type3A_376, %cond3A_377 : i32
      scf.if %cond3A_378 {
        %add3A_389 = arith.constant 1 : i32
        %add3A_390 = arith.addi %add3A_364, %add3A_389 : i32
        %add3A_391 = arith.addi %mul3A_2, %add3A_390 : i32
        %dma_wait3A_392 = arith.constant 0 : i32
        %dma_wait3A_393 = arith.constant 0 : i32
        %dma_wait3A_394 = arith.constant 0 : i32
        %dma_wait3A_395 = tpu.memref_slice %arg7[%dma_wait3A_392, %dma_wait3A_393, %dma_wait3A_394] : memref<4x2x128xi32, #tpu.memory_space<vmem>> -> memref<1x2x128xi32, #tpu.memory_space<vmem>>
        %dma_wait3A_396 = tpu.memref_squeeze %dma_wait3A_395 : memref<1x2x128xi32, #tpu.memory_space<vmem>> -> memref<2x128xi32, #tpu.memory_space<vmem>>
        %dma_wait3A_397 = arith.constant 0 : i32
        %dma_wait3A_398 = arith.constant 0 : i32
        %dma_wait3A_399 = tpu.memref_slice %arg4[%add3A_391, %dma_wait3A_397, %dma_wait3A_398] : memref<2560x2x128xi32, #tpu.memory_space<hbm>> -> memref<1x2x128xi32, #tpu.memory_space<hbm>>
        %dma_wait3A_400 = tpu.memref_squeeze %dma_wait3A_399 : memref<1x2x128xi32, #tpu.memory_space<hbm>> -> memref<2x128xi32, #tpu.memory_space<hbm>>
        %dma_wait3A_401 = arith.constant 0 : i32
        %dma_wait3A_402 = arith.constant 0 : i32
        %dma_wait3A_403 = tpu.memref_slice %arg7[%dma_wait3A_392, %dma_wait3A_401, %dma_wait3A_402] : memref<4x2x128xi32, #tpu.memory_space<vmem>> -> memref<1x2x128xi32, #tpu.memory_space<vmem>>
        %dma_wait3A_404 = tpu.memref_squeeze %dma_wait3A_403 : memref<1x2x128xi32, #tpu.memory_space<vmem>> -> memref<2x128xi32, #tpu.memory_space<vmem>>
        %dma_wait3A_405 = arith.constant 0 : i32
        %dma_wait3A_406 = arith.constant 0 : i32
        %dma_wait3A_407 = tpu.memref_slice %arg4[%add3A_391, %dma_wait3A_405, %dma_wait3A_406] : memref<2560x2x128xi32, #tpu.memory_space<hbm>> -> memref<1x2x128xi32, #tpu.memory_space<hbm>>
        %dma_wait3A_408 = tpu.memref_squeeze %dma_wait3A_407 : memref<1x2x128xi32, #tpu.memory_space<hbm>> -> memref<2x128xi32, #tpu.memory_space<hbm>>
        tpu.wait_dma2 semaphore(%arg15 : memref<!tpu.dma_semaphore, #tpu.memory_space<semaphore_mem>>) src(%dma_wait3A_408 : memref<2x128xi32, #tpu.memory_space<hbm>>) dst(%dma_wait3A_404 : memref<2x128xi32, #tpu.memory_space<vmem>>)
        %dma_start3A_409 = arith.constant 0 : i32
        %dma_start3A_410 = arith.constant 0 : i32
        %dma_start3A_411 = arith.constant 0 : i32
        %dma_start3A_412 = tpu.memref_slice %arg7[%dma_start3A_409, %dma_start3A_410, %dma_start3A_411] : memref<4x2x128xi32, #tpu.memory_space<vmem>> -> memref<1x1x128xi32, #tpu.memory_space<vmem>>
        %dma_start3A_413 = tpu.memref_squeeze %dma_start3A_412 : memref<1x1x128xi32, #tpu.memory_space<vmem>> -> memref<128xi32, #tpu.memory_space<vmem>>
        %dma_start3A_414 = arith.constant 0 : i32
        %dma_start3A_415 = arith.constant 0 : i32
        %dma_start3A_416 = tpu.memref_slice %arg12[%dma_start3A_414, %dma_start3A_415] : memref<10000x64xf32, #tpu.memory_space<vmem_shared>> -> memref<10000x64xf32, #tpu.memory_space<vmem_shared>>
        tpu.enqueue_indirect_dma source(%dma_start3A_416 : memref<10000x64xf32, #tpu.memory_space<vmem_shared>>) target(%arg8 : memref<128x64xf32, #tpu.memory_space<vmem>>) offsets(%dma_start3A_413 : memref<128xi32, #tpu.memory_space<vmem>>) semaphore(%arg19 : memref<!tpu.dma_semaphore, #tpu.memory_space<semaphore_mem>>)
      } else {
      }
      %dma_wait3A_379 = arith.constant 3 : i32
      %dma_wait3A_380 = arith.constant 0 : i32
      %dma_wait3A_381 = arith.constant 0 : i32
      %dma_wait3A_382 = tpu.memref_slice %arg7[%dma_wait3A_379, %dma_wait3A_380, %dma_wait3A_381] : memref<4x2x128xi32, #tpu.memory_space<vmem>> -> memref<1x1x128xi32, #tpu.memory_space<vmem>>
      %dma_wait3A_383 = tpu.memref_squeeze %dma_wait3A_382 : memref<1x1x128xi32, #tpu.memory_space<vmem>> -> memref<128xi32, #tpu.memory_space<vmem>>
      %dma_wait3A_384 = arith.constant 0 : i32
      %dma_wait3A_385 = arith.constant 0 : i32
      %dma_wait3A_386 = tpu.memref_slice %arg12[%dma_wait3A_384, %dma_wait3A_385] : memref<10000x64xf32, #tpu.memory_space<vmem_shared>> -> memref<10000x64xf32, #tpu.memory_space<vmem_shared>>
      tpu.wait_indirect_dma semaphore(%arg20 : memref<!tpu.dma_semaphore, #tpu.memory_space<semaphore_mem>>) src(%dma_wait3A_386 : memref<10000x64xf32, #tpu.memory_space<vmem_shared>>) dst(%arg9 : memref<128x64xf32, #tpu.memory_space<vmem>>)
      %run_scoped3A_387 = arith.constant 3 : i32
      %run_scoped3A_388 = arith.constant 1 : i32
      "tpu.region"() ({
        %run_scoped3A_389 = tpu.sem_alloc : memref<!tpu.dma_semaphore, #tpu.memory_space<semaphore_mem>>
        %dma_start3A_390 = arith.constant 0 : i32
        %dma_start3A_391 = tpu.memref_slice %arg7[%run_scoped3A_387, %run_scoped3A_388, %dma_start3A_390] : memref<4x2x128xi32, #tpu.memory_space<vmem>> -> memref<1x1x128xi32, #tpu.memory_space<vmem>>
        %dma_start3A_392 = tpu.memref_squeeze %dma_start3A_391 : memref<1x1x128xi32, #tpu.memory_space<vmem>> -> memref<128xi32, #tpu.memory_space<vmem>>
        %dma_start3A_393 = arith.constant 0 : i32
        %dma_start3A_394 = arith.constant 0 : i32
        %dma_start3A_395 = tpu.memref_slice %arg13[%dma_start3A_393, %dma_start3A_394] : memref<10240x64xf32, #tpu.memory_space<vmem_shared>> -> memref<10240x64xf32, #tpu.memory_space<vmem_shared>>
        tpu.enqueue_indirect_dma source(%arg9 : memref<128x64xf32, #tpu.memory_space<vmem>>) target(%dma_start3A_395 : memref<10240x64xf32, #tpu.memory_space<vmem_shared>>) offsets(%dma_start3A_392 : memref<128xi32, #tpu.memory_space<vmem>>) semaphore(%run_scoped3A_389 : memref<!tpu.dma_semaphore, #tpu.memory_space<semaphore_mem>>) {add = true}
        %dma_wait3A_396 = arith.constant 0 : i32
        %dma_wait3A_397 = tpu.memref_slice %arg7[%run_scoped3A_387, %run_scoped3A_388, %dma_wait3A_396] : memref<4x2x128xi32, #tpu.memory_space<vmem>> -> memref<1x1x128xi32, #tpu.memory_space<vmem>>
        %dma_wait3A_398 = tpu.memref_squeeze %dma_wait3A_397 : memref<1x1x128xi32, #tpu.memory_space<vmem>> -> memref<128xi32, #tpu.memory_space<vmem>>
        %dma_wait3A_399 = arith.constant 0 : i32
        %dma_wait3A_400 = arith.constant 0 : i32
        %dma_wait3A_401 = tpu.memref_slice %arg13[%dma_wait3A_399, %dma_wait3A_400] : memref<10240x64xf32, #tpu.memory_space<vmem_shared>> -> memref<10240x64xf32, #tpu.memory_space<vmem_shared>>
        tpu.wait_indirect_dma semaphore(%run_scoped3A_389 : memref<!tpu.dma_semaphore, #tpu.memory_space<semaphore_mem>>) src(%arg9 : memref<128x64xf32, #tpu.memory_space<vmem>>) dst(%dma_wait3A_401 : memref<10240x64xf32, #tpu.memory_space<vmem_shared>>)
        tpu.yield
      }) : () -> ()
    }
    %scan3A_262 = arith.constant 20 : i32
    %barrier3A_263 = arith.constant 0 : index
    tpu.barrier barrier_id(%barrier3A_263)
    %add3A_264 = arith.constant 0 : i32
    %add3A_265 = arith.addi %mul3A_4, %add3A_264 : i32
    "tpu.region"() ({
      %run_scoped3A_279 = tpu.sem_alloc : memref<!tpu.dma_semaphore, #tpu.memory_space<semaphore_mem>>
      %dma_start3A_280 = arith.constant 0 : i32
      %dma_start3A_281 = tpu.memref_slice %arg13[%add3A_265, %dma_start3A_280] : memref<10240x64xf32, #tpu.memory_space<vmem_shared>> -> memref<128x64xf32, #tpu.memory_space<vmem_shared>>
      %dma_start3A_282 = arith.constant 0 : i32
      %dma_start3A_283 = tpu.memref_slice %arg13[%add3A_265, %dma_start3A_282] : memref<10240x64xf32, #tpu.memory_space<vmem_shared>> -> memref<128x64xf32, #tpu.memory_space<vmem_shared>>
      tpu.enqueue_dma source(%dma_start3A_283 : memref<128x64xf32, #tpu.memory_space<vmem_shared>>) target(%arg8 : memref<128x64xf32, #tpu.memory_space<vmem>>) target_semaphore(%run_scoped3A_279 : memref<!tpu.dma_semaphore, #tpu.memory_space<semaphore_mem>>)
      %dma_wait3A_284 = arith.constant 0 : i32
      %dma_wait3A_285 = tpu.memref_slice %arg13[%add3A_265, %dma_wait3A_284] : memref<10240x64xf32, #tpu.memory_space<vmem_shared>> -> memref<128x64xf32, #tpu.memory_space<vmem_shared>>
      %dma_wait3A_286 = arith.constant 0 : i32
      %dma_wait3A_287 = tpu.memref_slice %arg13[%add3A_265, %dma_wait3A_286] : memref<10240x64xf32, #tpu.memory_space<vmem_shared>> -> memref<128x64xf32, #tpu.memory_space<vmem_shared>>
      tpu.wait_dma2 semaphore(%run_scoped3A_279 : memref<!tpu.dma_semaphore, #tpu.memory_space<semaphore_mem>>) src(%dma_wait3A_287 : memref<128x64xf32, #tpu.memory_space<vmem_shared>>) dst(%arg8 : memref<128x64xf32, #tpu.memory_space<vmem>>)
      tpu.yield
    }) : () -> ()
    %run_scoped3A_266 = arith.constant 1 : i32
    "tpu.region"() ({
      %run_scoped3A_279 = tpu.sem_alloc : memref<!tpu.dma_semaphore, #tpu.memory_space<semaphore_mem>>
      %dma_start3A_280 = arith.constant 0 : i32
      %dma_start3A_281 = arith.constant 0 : i32
      %dma_start3A_282 = arith.constant 0 : i32
      %dma_start3A_283 = tpu.memref_slice %arg5[%run_scoped3A_266, %dma_start3A_280, %dma_start3A_281, %dma_start3A_282] : memref<2x2x10240x64xf32, #tpu.memory_space<hbm>> -> memref<1x2x10240x64xf32, #tpu.memory_space<hbm>>
      %dma_start3A_284 = tpu.memref_squeeze %dma_start3A_283 : memref<1x2x10240x64xf32, #tpu.memory_space<hbm>> -> memref<2x10240x64xf32, #tpu.memory_space<hbm>>
      %dma_start3A_285 = arith.constant 0 : i32
      %dma_start3A_286 = arith.constant 0 : i32
      %dma_start3A_287 = tpu.memref_slice %dma_start3A_284[%arg0, %dma_start3A_285, %dma_start3A_286] : memref<2x10240x64xf32, #tpu.memory_space<hbm>> -> memref<1x10240x64xf32, #tpu.memory_space<hbm>>
      %dma_start3A_288 = tpu.memref_squeeze %dma_start3A_287 : memref<1x10240x64xf32, #tpu.memory_space<hbm>> -> memref<10240x64xf32, #tpu.memory_space<hbm>>
      %dma_start3A_289 = arith.constant 0 : i32
      %dma_start3A_290 = tpu.memref_slice %dma_start3A_288[%add3A_265, %dma_start3A_289] : memref<10240x64xf32, #tpu.memory_space<hbm>> -> memref<128x64xf32, #tpu.memory_space<hbm>>
      %dma_start3A_291 = arith.constant 0 : i32
      %dma_start3A_292 = arith.constant 0 : i32
      %dma_start3A_293 = arith.constant 0 : i32
      %dma_start3A_294 = tpu.memref_slice %arg5[%run_scoped3A_266, %dma_start3A_291, %dma_start3A_292, %dma_start3A_293] : memref<2x2x10240x64xf32, #tpu.memory_space<hbm>> -> memref<1x2x10240x64xf32, #tpu.memory_space<hbm>>
      %dma_start3A_295 = tpu.memref_squeeze %dma_start3A_294 : memref<1x2x10240x64xf32, #tpu.memory_space<hbm>> -> memref<2x10240x64xf32, #tpu.memory_space<hbm>>
      %dma_start3A_296 = arith.constant 0 : i32
      %dma_start3A_297 = arith.constant 0 : i32
      %dma_start3A_298 = tpu.memref_slice %dma_start3A_295[%arg0, %dma_start3A_296, %dma_start3A_297] : memref<2x10240x64xf32, #tpu.memory_space<hbm>> -> memref<1x10240x64xf32, #tpu.memory_space<hbm>>
      %dma_start3A_299 = tpu.memref_squeeze %dma_start3A_298 : memref<1x10240x64xf32, #tpu.memory_space<hbm>> -> memref<10240x64xf32, #tpu.memory_space<hbm>>
      %dma_start3A_300 = arith.constant 0 : i32
      %dma_start3A_301 = tpu.memref_slice %dma_start3A_299[%add3A_265, %dma_start3A_300] : memref<10240x64xf32, #tpu.memory_space<hbm>> -> memref<128x64xf32, #tpu.memory_space<hbm>>
      tpu.enqueue_dma source(%arg8 : memref<128x64xf32, #tpu.memory_space<vmem>>) target(%dma_start3A_301 : memref<128x64xf32, #tpu.memory_space<hbm>>) target_semaphore(%run_scoped3A_279 : memref<!tpu.dma_semaphore, #tpu.memory_space<semaphore_mem>>)
      %dma_wait3A_302 = arith.constant 0 : i32
      %dma_wait3A_303 = arith.constant 0 : i32
      %dma_wait3A_304 = arith.constant 0 : i32
      %dma_wait3A_305 = tpu.memref_slice %arg5[%run_scoped3A_266, %dma_wait3A_302, %dma_wait3A_303, %dma_wait3A_304] : memref<2x2x10240x64xf32, #tpu.memory_space<hbm>> -> memref<1x2x10240x64xf32, #tpu.memory_space<hbm>>
      %dma_wait3A_306 = tpu.memref_squeeze %dma_wait3A_305 : memref<1x2x10240x64xf32, #tpu.memory_space<hbm>> -> memref<2x10240x64xf32, #tpu.memory_space<hbm>>
      %dma_wait3A_307 = arith.constant 0 : i32
      %dma_wait3A_308 = arith.constant 0 : i32
      %dma_wait3A_309 = tpu.memref_slice %dma_wait3A_306[%arg0, %dma_wait3A_307, %dma_wait3A_308] : memref<2x10240x64xf32, #tpu.memory_space<hbm>> -> memref<1x10240x64xf32, #tpu.memory_space<hbm>>
      %dma_wait3A_310 = tpu.memref_squeeze %dma_wait3A_309 : memref<1x10240x64xf32, #tpu.memory_space<hbm>> -> memref<10240x64xf32, #tpu.memory_space<hbm>>
      %dma_wait3A_311 = arith.constant 0 : i32
      %dma_wait3A_312 = tpu.memref_slice %dma_wait3A_310[%add3A_265, %dma_wait3A_311] : memref<10240x64xf32, #tpu.memory_space<hbm>> -> memref<128x64xf32, #tpu.memory_space<hbm>>
      %dma_wait3A_313 = arith.constant 0 : i32
      %dma_wait3A_314 = arith.constant 0 : i32
      %dma_wait3A_315 = arith.constant 0 : i32
      %dma_wait3A_316 = tpu.memref_slice %arg5[%run_scoped3A_266, %dma_wait3A_313, %dma_wait3A_314, %dma_wait3A_315] : memref<2x2x10240x64xf32, #tpu.memory_space<hbm>> -> memref<1x2x10240x64xf32, #tpu.memory_space<hbm>>
      %dma_wait3A_317 = tpu.memref_squeeze %dma_wait3A_316 : memref<1x2x10240x64xf32, #tpu.memory_space<hbm>> -> memref<2x10240x64xf32, #tpu.memory_space<hbm>>
      %dma_wait3A_318 = arith.constant 0 : i32
      %dma_wait3A_319 = arith.constant 0 : i32
      %dma_wait3A_320 = tpu.memref_slice %dma_wait3A_317[%arg0, %dma_wait3A_318, %dma_wait3A_319] : memref<2x10240x64xf32, #tpu.memory_space<hbm>> -> memref<1x10240x64xf32, #tpu.memory_space<hbm>>
      %dma_wait3A_321 = tpu.memref_squeeze %dma_wait3A_320 : memref<1x10240x64xf32, #tpu.memory_space<hbm>> -> memref<10240x64xf32, #tpu.memory_space<hbm>>
      %dma_wait3A_322 = arith.constant 0 : i32
      %dma_wait3A_323 = tpu.memref_slice %dma_wait3A_321[%add3A_265, %dma_wait3A_322] : memref<10240x64xf32, #tpu.memory_space<hbm>> -> memref<128x64xf32, #tpu.memory_space<hbm>>
      tpu.wait_dma2 semaphore(%run_scoped3A_279 : memref<!tpu.dma_semaphore, #tpu.memory_space<semaphore_mem>>) src(%arg8 : memref<128x64xf32, #tpu.memory_space<vmem>>) dst(%dma_wait3A_323 : memref<128x64xf32, #tpu.memory_space<hbm>>)
      tpu.yield
    }) : () -> ()
    %add3A_267 = arith.constant 128 : i32
    %add3A_268 = arith.addi %mul3A_4, %add3A_267 : i32
    "tpu.region"() ({
      %run_scoped3A_279 = tpu.sem_alloc : memref<!tpu.dma_semaphore, #tpu.memory_space<semaphore_mem>>
      %dma_start3A_280 = arith.constant 0 : i32
      %dma_start3A_281 = tpu.memref_slice %arg13[%add3A_268, %dma_start3A_280] : memref<10240x64xf32, #tpu.memory_space<vmem_shared>> -> memref<128x64xf32, #tpu.memory_space<vmem_shared>>
      %dma_start3A_282 = arith.constant 0 : i32
      %dma_start3A_283 = tpu.memref_slice %arg13[%add3A_268, %dma_start3A_282] : memref<10240x64xf32, #tpu.memory_space<vmem_shared>> -> memref<128x64xf32, #tpu.memory_space<vmem_shared>>
      tpu.enqueue_dma source(%dma_start3A_283 : memref<128x64xf32, #tpu.memory_space<vmem_shared>>) target(%arg8 : memref<128x64xf32, #tpu.memory_space<vmem>>) target_semaphore(%run_scoped3A_279 : memref<!tpu.dma_semaphore, #tpu.memory_space<semaphore_mem>>)
      %dma_wait3A_284 = arith.constant 0 : i32
      %dma_wait3A_285 = tpu.memref_slice %arg13[%add3A_268, %dma_wait3A_284] : memref<10240x64xf32, #tpu.memory_space<vmem_shared>> -> memref<128x64xf32, #tpu.memory_space<vmem_shared>>
      %dma_wait3A_286 = arith.constant 0 : i32
      %dma_wait3A_287 = tpu.memref_slice %arg13[%add3A_268, %dma_wait3A_286] : memref<10240x64xf32, #tpu.memory_space<vmem_shared>> -> memref<128x64xf32, #tpu.memory_space<vmem_shared>>
      tpu.wait_dma2 semaphore(%run_scoped3A_279 : memref<!tpu.dma_semaphore, #tpu.memory_space<semaphore_mem>>) src(%dma_wait3A_287 : memref<128x64xf32, #tpu.memory_space<vmem_shared>>) dst(%arg8 : memref<128x64xf32, #tpu.memory_space<vmem>>)
      tpu.yield
    }) : () -> ()
    %run_scoped3A_269 = arith.constant 1 : i32
    "tpu.region"() ({
      %run_scoped3A_279 = tpu.sem_alloc : memref<!tpu.dma_semaphore, #tpu.memory_space<semaphore_mem>>
      %dma_start3A_280 = arith.constant 0 : i32
      %dma_start3A_281 = arith.constant 0 : i32
      %dma_start3A_282 = arith.constant 0 : i32
      %dma_start3A_283 = tpu.memref_slice %arg5[%run_scoped3A_269, %dma_start3A_280, %dma_start3A_281, %dma_start3A_282] : memref<2x2x10240x64xf32, #tpu.memory_space<hbm>> -> memref<1x2x10240x64xf32, #tpu.memory_space<hbm>>
      %dma_start3A_284 = tpu.memref_squeeze %dma_start3A_283 : memref<1x2x10240x64xf32, #tpu.memory_space<hbm>> -> memref<2x10240x64xf32, #tpu.memory_space<hbm>>
      %dma_start3A_285 = arith.constant 0 : i32
      %dma_start3A_286 = arith.constant 0 : i32
      %dma_start3A_287 = tpu.memref_slice %dma_start3A_284[%arg0, %dma_start3A_285, %dma_start3A_286] : memref<2x10240x64xf32, #tpu.memory_space<hbm>> -> memref<1x10240x64xf32, #tpu.memory_space<hbm>>
      %dma_start3A_288 = tpu.memref_squeeze %dma_start3A_287 : memref<1x10240x64xf32, #tpu.memory_space<hbm>> -> memref<10240x64xf32, #tpu.memory_space<hbm>>
      %dma_start3A_289 = arith.constant 0 : i32
      %dma_start3A_290 = tpu.memref_slice %dma_start3A_288[%add3A_268, %dma_start3A_289] : memref<10240x64xf32, #tpu.memory_space<hbm>> -> memref<128x64xf32, #tpu.memory_space<hbm>>
      %dma_start3A_291 = arith.constant 0 : i32
      %dma_start3A_292 = arith.constant 0 : i32
      %dma_start3A_293 = arith.constant 0 : i32
      %dma_start3A_294 = tpu.memref_slice %arg5[%run_scoped3A_269, %dma_start3A_291, %dma_start3A_292, %dma_start3A_293] : memref<2x2x10240x64xf32, #tpu.memory_space<hbm>> -> memref<1x2x10240x64xf32, #tpu.memory_space<hbm>>
      %dma_start3A_295 = tpu.memref_squeeze %dma_start3A_294 : memref<1x2x10240x64xf32, #tpu.memory_space<hbm>> -> memref<2x10240x64xf32, #tpu.memory_space<hbm>>
      %dma_start3A_296 = arith.constant 0 : i32
      %dma_start3A_297 = arith.constant 0 : i32
      %dma_start3A_298 = tpu.memref_slice %dma_start3A_295[%arg0, %dma_start3A_296, %dma_start3A_297] : memref<2x10240x64xf32, #tpu.memory_space<hbm>> -> memref<1x10240x64xf32, #tpu.memory_space<hbm>>
      %dma_start3A_299 = tpu.memref_squeeze %dma_start3A_298 : memref<1x10240x64xf32, #tpu.memory_space<hbm>> -> memref<10240x64xf32, #tpu.memory_space<hbm>>
      %dma_start3A_300 = arith.constant 0 : i32
      %dma_start3A_301 = tpu.memref_slice %dma_start3A_299[%add3A_268, %dma_start3A_300] : memref<10240x64xf32, #tpu.memory_space<hbm>> -> memref<128x64xf32, #tpu.memory_space<hbm>>
      tpu.enqueue_dma source(%arg8 : memref<128x64xf32, #tpu.memory_space<vmem>>) target(%dma_start3A_301 : memref<128x64xf32, #tpu.memory_space<hbm>>) target_semaphore(%run_scoped3A_279 : memref<!tpu.dma_semaphore, #tpu.memory_space<semaphore_mem>>)
      %dma_wait3A_302 = arith.constant 0 : i32
      %dma_wait3A_303 = arith.constant 0 : i32
      %dma_wait3A_304 = arith.constant 0 : i32
      %dma_wait3A_305 = tpu.memref_slice %arg5[%run_scoped3A_269, %dma_wait3A_302, %dma_wait3A_303, %dma_wait3A_304] : memref<2x2x10240x64xf32, #tpu.memory_space<hbm>> -> memref<1x2x10240x64xf32, #tpu.memory_space<hbm>>
      %dma_wait3A_306 = tpu.memref_squeeze %dma_wait3A_305 : memref<1x2x10240x64xf32, #tpu.memory_space<hbm>> -> memref<2x10240x64xf32, #tpu.memory_space<hbm>>
      %dma_wait3A_307 = arith.constant 0 : i32
      %dma_wait3A_308 = arith.constant 0 : i32
      %dma_wait3A_309 = tpu.memref_slice %dma_wait3A_306[%arg0, %dma_wait3A_307, %dma_wait3A_308] : memref<2x10240x64xf32, #tpu.memory_space<hbm>> -> memref<1x10240x64xf32, #tpu.memory_space<hbm>>
      %dma_wait3A_310 = tpu.memref_squeeze %dma_wait3A_309 : memref<1x10240x64xf32, #tpu.memory_space<hbm>> -> memref<10240x64xf32, #tpu.memory_space<hbm>>
      %dma_wait3A_311 = arith.constant 0 : i32
      %dma_wait3A_312 = tpu.memref_slice %dma_wait3A_310[%add3A_268, %dma_wait3A_311] : memref<10240x64xf32, #tpu.memory_space<hbm>> -> memref<128x64xf32, #tpu.memory_space<hbm>>
      %dma_wait3A_313 = arith.constant 0 : i32
      %dma_wait3A_314 = arith.constant 0 : i32
      %dma_wait3A_315 = arith.constant 0 : i32
      %dma_wait3A_316 = tpu.memref_slice %arg5[%run_scoped3A_269, %dma_wait3A_313, %dma_wait3A_314, %dma_wait3A_315] : memref<2x2x10240x64xf32, #tpu.memory_space<hbm>> -> memref<1x2x10240x64xf32, #tpu.memory_space<hbm>>
      %dma_wait3A_317 = tpu.memref_squeeze %dma_wait3A_316 : memref<1x2x10240x64xf32, #tpu.memory_space<hbm>> -> memref<2x10240x64xf32, #tpu.memory_space<hbm>>
      %dma_wait3A_318 = arith.constant 0 : i32
      %dma_wait3A_319 = arith.constant 0 : i32
      %dma_wait3A_320 = tpu.memref_slice %dma_wait3A_317[%arg0, %dma_wait3A_318, %dma_wait3A_319] : memref<2x10240x64xf32, #tpu.memory_space<hbm>> -> memref<1x10240x64xf32, #tpu.memory_space<hbm>>
      %dma_wait3A_321 = tpu.memref_squeeze %dma_wait3A_320 : memref<1x10240x64xf32, #tpu.memory_space<hbm>> -> memref<10240x64xf32, #tpu.memory_space<hbm>>
      %dma_wait3A_322 = arith.constant 0 : i32
      %dma_wait3A_323 = tpu.memref_slice %dma_wait3A_321[%add3A_268, %dma_wait3A_322] : memref<10240x64xf32, #tpu.memory_space<hbm>> -> memref<128x64xf32, #tpu.memory_space<hbm>>
      tpu.wait_dma2 semaphore(%run_scoped3A_279 : memref<!tpu.dma_semaphore, #tpu.memory_space<semaphore_mem>>) src(%arg8 : memref<128x64xf32, #tpu.memory_space<vmem>>) dst(%dma_wait3A_323 : memref<128x64xf32, #tpu.memory_space<hbm>>)
      tpu.yield
    }) : () -> ()
    %add3A_270 = arith.constant 256 : i32
    %add3A_271 = arith.addi %mul3A_4, %add3A_270 : i32
    "tpu.region"() ({
      %run_scoped3A_279 = tpu.sem_alloc : memref<!tpu.dma_semaphore, #tpu.memory_space<semaphore_mem>>
      %dma_start3A_280 = arith.constant 0 : i32
      %dma_start3A_281 = tpu.memref_slice %arg13[%add3A_271, %dma_start3A_280] : memref<10240x64xf32, #tpu.memory_space<vmem_shared>> -> memref<128x64xf32, #tpu.memory_space<vmem_shared>>
      %dma_start3A_282 = arith.constant 0 : i32
      %dma_start3A_283 = tpu.memref_slice %arg13[%add3A_271, %dma_start3A_282] : memref<10240x64xf32, #tpu.memory_space<vmem_shared>> -> memref<128x64xf32, #tpu.memory_space<vmem_shared>>
      tpu.enqueue_dma source(%dma_start3A_283 : memref<128x64xf32, #tpu.memory_space<vmem_shared>>) target(%arg8 : memref<128x64xf32, #tpu.memory_space<vmem>>) target_semaphore(%run_scoped3A_279 : memref<!tpu.dma_semaphore, #tpu.memory_space<semaphore_mem>>)
      %dma_wait3A_284 = arith.constant 0 : i32
      %dma_wait3A_285 = tpu.memref_slice %arg13[%add3A_271, %dma_wait3A_284] : memref<10240x64xf32, #tpu.memory_space<vmem_shared>> -> memref<128x64xf32, #tpu.memory_space<vmem_shared>>
      %dma_wait3A_286 = arith.constant 0 : i32
      %dma_wait3A_287 = tpu.memref_slice %arg13[%add3A_271, %dma_wait3A_286] : memref<10240x64xf32, #tpu.memory_space<vmem_shared>> -> memref<128x64xf32, #tpu.memory_space<vmem_shared>>
      tpu.wait_dma2 semaphore(%run_scoped3A_279 : memref<!tpu.dma_semaphore, #tpu.memory_space<semaphore_mem>>) src(%dma_wait3A_287 : memref<128x64xf32, #tpu.memory_space<vmem_shared>>) dst(%arg8 : memref<128x64xf32, #tpu.memory_space<vmem>>)
      tpu.yield
    }) : () -> ()
    %run_scoped3A_272 = arith.constant 1 : i32
    "tpu.region"() ({
      %run_scoped3A_279 = tpu.sem_alloc : memref<!tpu.dma_semaphore, #tpu.memory_space<semaphore_mem>>
      %dma_start3A_280 = arith.constant 0 : i32
      %dma_start3A_281 = arith.constant 0 : i32
      %dma_start3A_282 = arith.constant 0 : i32
      %dma_start3A_283 = tpu.memref_slice %arg5[%run_scoped3A_272, %dma_start3A_280, %dma_start3A_281, %dma_start3A_282] : memref<2x2x10240x64xf32, #tpu.memory_space<hbm>> -> memref<1x2x10240x64xf32, #tpu.memory_space<hbm>>
      %dma_start3A_284 = tpu.memref_squeeze %dma_start3A_283 : memref<1x2x10240x64xf32, #tpu.memory_space<hbm>> -> memref<2x10240x64xf32, #tpu.memory_space<hbm>>
      %dma_start3A_285 = arith.constant 0 : i32
      %dma_start3A_286 = arith.constant 0 : i32
      %dma_start3A_287 = tpu.memref_slice %dma_start3A_284[%arg0, %dma_start3A_285, %dma_start3A_286] : memref<2x10240x64xf32, #tpu.memory_space<hbm>> -> memref<1x10240x64xf32, #tpu.memory_space<hbm>>
      %dma_start3A_288 = tpu.memref_squeeze %dma_start3A_287 : memref<1x10240x64xf32, #tpu.memory_space<hbm>> -> memref<10240x64xf32, #tpu.memory_space<hbm>>
      %dma_start3A_289 = arith.constant 0 : i32
      %dma_start3A_290 = tpu.memref_slice %dma_start3A_288[%add3A_271, %dma_start3A_289] : memref<10240x64xf32, #tpu.memory_space<hbm>> -> memref<128x64xf32, #tpu.memory_space<hbm>>
      %dma_start3A_291 = arith.constant 0 : i32
      %dma_start3A_292 = arith.constant 0 : i32
      %dma_start3A_293 = arith.constant 0 : i32
      %dma_start3A_294 = tpu.memref_slice %arg5[%run_scoped3A_272, %dma_start3A_291, %dma_start3A_292, %dma_start3A_293] : memref<2x2x10240x64xf32, #tpu.memory_space<hbm>> -> memref<1x2x10240x64xf32, #tpu.memory_space<hbm>>
      %dma_start3A_295 = tpu.memref_squeeze %dma_start3A_294 : memref<1x2x10240x64xf32, #tpu.memory_space<hbm>> -> memref<2x10240x64xf32, #tpu.memory_space<hbm>>
      %dma_start3A_296 = arith.constant 0 : i32
      %dma_start3A_297 = arith.constant 0 : i32
      %dma_start3A_298 = tpu.memref_slice %dma_start3A_295[%arg0, %dma_start3A_296, %dma_start3A_297] : memref<2x10240x64xf32, #tpu.memory_space<hbm>> -> memref<1x10240x64xf32, #tpu.memory_space<hbm>>
      %dma_start3A_299 = tpu.memref_squeeze %dma_start3A_298 : memref<1x10240x64xf32, #tpu.memory_space<hbm>> -> memref<10240x64xf32, #tpu.memory_space<hbm>>
      %dma_start3A_300 = arith.constant 0 : i32
      %dma_start3A_301 = tpu.memref_slice %dma_start3A_299[%add3A_271, %dma_start3A_300] : memref<10240x64xf32, #tpu.memory_space<hbm>> -> memref<128x64xf32, #tpu.memory_space<hbm>>
      tpu.enqueue_dma source(%arg8 : memref<128x64xf32, #tpu.memory_space<vmem>>) target(%dma_start3A_301 : memref<128x64xf32, #tpu.memory_space<hbm>>) target_semaphore(%run_scoped3A_279 : memref<!tpu.dma_semaphore, #tpu.memory_space<semaphore_mem>>)
      %dma_wait3A_302 = arith.constant 0 : i32
      %dma_wait3A_303 = arith.constant 0 : i32
      %dma_wait3A_304 = arith.constant 0 : i32
      %dma_wait3A_305 = tpu.memref_slice %arg5[%run_scoped3A_272, %dma_wait3A_302, %dma_wait3A_303, %dma_wait3A_304] : memref<2x2x10240x64xf32, #tpu.memory_space<hbm>> -> memref<1x2x10240x64xf32, #tpu.memory_space<hbm>>
      %dma_wait3A_306 = tpu.memref_squeeze %dma_wait3A_305 : memref<1x2x10240x64xf32, #tpu.memory_space<hbm>> -> memref<2x10240x64xf32, #tpu.memory_space<hbm>>
      %dma_wait3A_307 = arith.constant 0 : i32
      %dma_wait3A_308 = arith.constant 0 : i32
      %dma_wait3A_309 = tpu.memref_slice %dma_wait3A_306[%arg0, %dma_wait3A_307, %dma_wait3A_308] : memref<2x10240x64xf32, #tpu.memory_space<hbm>> -> memref<1x10240x64xf32, #tpu.memory_space<hbm>>
      %dma_wait3A_310 = tpu.memref_squeeze %dma_wait3A_309 : memref<1x10240x64xf32, #tpu.memory_space<hbm>> -> memref<10240x64xf32, #tpu.memory_space<hbm>>
      %dma_wait3A_311 = arith.constant 0 : i32
      %dma_wait3A_312 = tpu.memref_slice %dma_wait3A_310[%add3A_271, %dma_wait3A_311] : memref<10240x64xf32, #tpu.memory_space<hbm>> -> memref<128x64xf32, #tpu.memory_space<hbm>>
      %dma_wait3A_313 = arith.constant 0 : i32
      %dma_wait3A_314 = arith.constant 0 : i32
      %dma_wait3A_315 = arith.constant 0 : i32
      %dma_wait3A_316 = tpu.memref_slice %arg5[%run_scoped3A_272, %dma_wait3A_313, %dma_wait3A_314, %dma_wait3A_315] : memref<2x2x10240x64xf32, #tpu.memory_space<hbm>> -> memref<1x2x10240x64xf32, #tpu.memory_space<hbm>>
      %dma_wait3A_317 = tpu.memref_squeeze %dma_wait3A_316 : memref<1x2x10240x64xf32, #tpu.memory_space<hbm>> -> memref<2x10240x64xf32, #tpu.memory_space<hbm>>
      %dma_wait3A_318 = arith.constant 0 : i32
      %dma_wait3A_319 = arith.constant 0 : i32
      %dma_wait3A_320 = tpu.memref_slice %dma_wait3A_317[%arg0, %dma_wait3A_318, %dma_wait3A_319] : memref<2x10240x64xf32, #tpu.memory_space<hbm>> -> memref<1x10240x64xf32, #tpu.memory_space<hbm>>
      %dma_wait3A_321 = tpu.memref_squeeze %dma_wait3A_320 : memref<1x10240x64xf32, #tpu.memory_space<hbm>> -> memref<10240x64xf32, #tpu.memory_space<hbm>>
      %dma_wait3A_322 = arith.constant 0 : i32
      %dma_wait3A_323 = tpu.memref_slice %dma_wait3A_321[%add3A_271, %dma_wait3A_322] : memref<10240x64xf32, #tpu.memory_space<hbm>> -> memref<128x64xf32, #tpu.memory_space<hbm>>
      tpu.wait_dma2 semaphore(%run_scoped3A_279 : memref<!tpu.dma_semaphore, #tpu.memory_space<semaphore_mem>>) src(%arg8 : memref<128x64xf32, #tpu.memory_space<vmem>>) dst(%dma_wait3A_323 : memref<128x64xf32, #tpu.memory_space<hbm>>)
      tpu.yield
    }) : () -> ()
    %add3A_273 = arith.constant 384 : i32
    %add3A_274 = arith.addi %mul3A_4, %add3A_273 : i32
    "tpu.region"() ({
      %run_scoped3A_279 = tpu.sem_alloc : memref<!tpu.dma_semaphore, #tpu.memory_space<semaphore_mem>>
      %dma_start3A_280 = arith.constant 0 : i32
      %dma_start3A_281 = tpu.memref_slice %arg13[%add3A_274, %dma_start3A_280] : memref<10240x64xf32, #tpu.memory_space<vmem_shared>> -> memref<128x64xf32, #tpu.memory_space<vmem_shared>>
      %dma_start3A_282 = arith.constant 0 : i32
      %dma_start3A_283 = tpu.memref_slice %arg13[%add3A_274, %dma_start3A_282] : memref<10240x64xf32, #tpu.memory_space<vmem_shared>> -> memref<128x64xf32, #tpu.memory_space<vmem_shared>>
      tpu.enqueue_dma source(%dma_start3A_283 : memref<128x64xf32, #tpu.memory_space<vmem_shared>>) target(%arg8 : memref<128x64xf32, #tpu.memory_space<vmem>>) target_semaphore(%run_scoped3A_279 : memref<!tpu.dma_semaphore, #tpu.memory_space<semaphore_mem>>)
      %dma_wait3A_284 = arith.constant 0 : i32
      %dma_wait3A_285 = tpu.memref_slice %arg13[%add3A_274, %dma_wait3A_284] : memref<10240x64xf32, #tpu.memory_space<vmem_shared>> -> memref<128x64xf32, #tpu.memory_space<vmem_shared>>
      %dma_wait3A_286 = arith.constant 0 : i32
      %dma_wait3A_287 = tpu.memref_slice %arg13[%add3A_274, %dma_wait3A_286] : memref<10240x64xf32, #tpu.memory_space<vmem_shared>> -> memref<128x64xf32, #tpu.memory_space<vmem_shared>>
      tpu.wait_dma2 semaphore(%run_scoped3A_279 : memref<!tpu.dma_semaphore, #tpu.memory_space<semaphore_mem>>) src(%dma_wait3A_287 : memref<128x64xf32, #tpu.memory_space<vmem_shared>>) dst(%arg8 : memref<128x64xf32, #tpu.memory_space<vmem>>)
      tpu.yield
    }) : () -> ()
    %run_scoped3A_275 = arith.constant 1 : i32
    "tpu.region"() ({
      %run_scoped3A_279 = tpu.sem_alloc : memref<!tpu.dma_semaphore, #tpu.memory_space<semaphore_mem>>
      %dma_start3A_280 = arith.constant 0 : i32
      %dma_start3A_281 = arith.constant 0 : i32
      %dma_start3A_282 = arith.constant 0 : i32
      %dma_start3A_283 = tpu.memref_slice %arg5[%run_scoped3A_275, %dma_start3A_280, %dma_start3A_281, %dma_start3A_282] : memref<2x2x10240x64xf32, #tpu.memory_space<hbm>> -> memref<1x2x10240x64xf32, #tpu.memory_space<hbm>>
      %dma_start3A_284 = tpu.memref_squeeze %dma_start3A_283 : memref<1x2x10240x64xf32, #tpu.memory_space<hbm>> -> memref<2x10240x64xf32, #tpu.memory_space<hbm>>
      %dma_start3A_285 = arith.constant 0 : i32
      %dma_start3A_286 = arith.constant 0 : i32
      %dma_start3A_287 = tpu.memref_slice %dma_start3A_284[%arg0, %dma_start3A_285, %dma_start3A_286] : memref<2x10240x64xf32, #tpu.memory_space<hbm>> -> memref<1x10240x64xf32, #tpu.memory_space<hbm>>
      %dma_start3A_288 = tpu.memref_squeeze %dma_start3A_287 : memref<1x10240x64xf32, #tpu.memory_space<hbm>> -> memref<10240x64xf32, #tpu.memory_space<hbm>>
      %dma_start3A_289 = arith.constant 0 : i32
      %dma_start3A_290 = tpu.memref_slice %dma_start3A_288[%add3A_274, %dma_start3A_289] : memref<10240x64xf32, #tpu.memory_space<hbm>> -> memref<128x64xf32, #tpu.memory_space<hbm>>
      %dma_start3A_291 = arith.constant 0 : i32
      %dma_start3A_292 = arith.constant 0 : i32
      %dma_start3A_293 = arith.constant 0 : i32
      %dma_start3A_294 = tpu.memref_slice %arg5[%run_scoped3A_275, %dma_start3A_291, %dma_start3A_292, %dma_start3A_293] : memref<2x2x10240x64xf32, #tpu.memory_space<hbm>> -> memref<1x2x10240x64xf32, #tpu.memory_space<hbm>>
      %dma_start3A_295 = tpu.memref_squeeze %dma_start3A_294 : memref<1x2x10240x64xf32, #tpu.memory_space<hbm>> -> memref<2x10240x64xf32, #tpu.memory_space<hbm>>
      %dma_start3A_296 = arith.constant 0 : i32
      %dma_start3A_297 = arith.constant 0 : i32
      %dma_start3A_298 = tpu.memref_slice %dma_start3A_295[%arg0, %dma_start3A_296, %dma_start3A_297] : memref<2x10240x64xf32, #tpu.memory_space<hbm>> -> memref<1x10240x64xf32, #tpu.memory_space<hbm>>
      %dma_start3A_299 = tpu.memref_squeeze %dma_start3A_298 : memref<1x10240x64xf32, #tpu.memory_space<hbm>> -> memref<10240x64xf32, #tpu.memory_space<hbm>>
      %dma_start3A_300 = arith.constant 0 : i32
      %dma_start3A_301 = tpu.memref_slice %dma_start3A_299[%add3A_274, %dma_start3A_300] : memref<10240x64xf32, #tpu.memory_space<hbm>> -> memref<128x64xf32, #tpu.memory_space<hbm>>
      tpu.enqueue_dma source(%arg8 : memref<128x64xf32, #tpu.memory_space<vmem>>) target(%dma_start3A_301 : memref<128x64xf32, #tpu.memory_space<hbm>>) target_semaphore(%run_scoped3A_279 : memref<!tpu.dma_semaphore, #tpu.memory_space<semaphore_mem>>)
      %dma_wait3A_302 = arith.constant 0 : i32
      %dma_wait3A_303 = arith.constant 0 : i32
      %dma_wait3A_304 = arith.constant 0 : i32
      %dma_wait3A_305 = tpu.memref_slice %arg5[%run_scoped3A_275, %dma_wait3A_302, %dma_wait3A_303, %dma_wait3A_304] : memref<2x2x10240x64xf32, #tpu.memory_space<hbm>> -> memref<1x2x10240x64xf32, #tpu.memory_space<hbm>>
      %dma_wait3A_306 = tpu.memref_squeeze %dma_wait3A_305 : memref<1x2x10240x64xf32, #tpu.memory_space<hbm>> -> memref<2x10240x64xf32, #tpu.memory_space<hbm>>
      %dma_wait3A_307 = arith.constant 0 : i32
      %dma_wait3A_308 = arith.constant 0 : i32
      %dma_wait3A_309 = tpu.memref_slice %dma_wait3A_306[%arg0, %dma_wait3A_307, %dma_wait3A_308] : memref<2x10240x64xf32, #tpu.memory_space<hbm>> -> memref<1x10240x64xf32, #tpu.memory_space<hbm>>
      %dma_wait3A_310 = tpu.memref_squeeze %dma_wait3A_309 : memref<1x10240x64xf32, #tpu.memory_space<hbm>> -> memref<10240x64xf32, #tpu.memory_space<hbm>>
      %dma_wait3A_311 = arith.constant 0 : i32
      %dma_wait3A_312 = tpu.memref_slice %dma_wait3A_310[%add3A_274, %dma_wait3A_311] : memref<10240x64xf32, #tpu.memory_space<hbm>> -> memref<128x64xf32, #tpu.memory_space<hbm>>
      %dma_wait3A_313 = arith.constant 0 : i32
      %dma_wait3A_314 = arith.constant 0 : i32
      %dma_wait3A_315 = arith.constant 0 : i32
      %dma_wait3A_316 = tpu.memref_slice %arg5[%run_scoped3A_275, %dma_wait3A_313, %dma_wait3A_314, %dma_wait3A_315] : memref<2x2x10240x64xf32, #tpu.memory_space<hbm>> -> memref<1x2x10240x64xf32, #tpu.memory_space<hbm>>
      %dma_wait3A_317 = tpu.memref_squeeze %dma_wait3A_316 : memref<1x2x10240x64xf32, #tpu.memory_space<hbm>> -> memref<2x10240x64xf32, #tpu.memory_space<hbm>>
      %dma_wait3A_318 = arith.constant 0 : i32
      %dma_wait3A_319 = arith.constant 0 : i32
      %dma_wait3A_320 = tpu.memref_slice %dma_wait3A_317[%arg0, %dma_wait3A_318, %dma_wait3A_319] : memref<2x10240x64xf32, #tpu.memory_space<hbm>> -> memref<1x10240x64xf32, #tpu.memory_space<hbm>>
      %dma_wait3A_321 = tpu.memref_squeeze %dma_wait3A_320 : memref<1x10240x64xf32, #tpu.memory_space<hbm>> -> memref<10240x64xf32, #tpu.memory_space<hbm>>
      %dma_wait3A_322 = arith.constant 0 : i32
      %dma_wait3A_323 = tpu.memref_slice %dma_wait3A_321[%add3A_274, %dma_wait3A_322] : memref<10240x64xf32, #tpu.memory_space<hbm>> -> memref<128x64xf32, #tpu.memory_space<hbm>>
      tpu.wait_dma2 semaphore(%run_scoped3A_279 : memref<!tpu.dma_semaphore, #tpu.memory_space<semaphore_mem>>) src(%arg8 : memref<128x64xf32, #tpu.memory_space<vmem>>) dst(%dma_wait3A_323 : memref<128x64xf32, #tpu.memory_space<hbm>>)
      tpu.yield
    }) : () -> ()
    %add3A_276 = arith.constant 512 : i32
    %add3A_277 = arith.addi %mul3A_4, %add3A_276 : i32
    "tpu.region"() ({
      %run_scoped3A_279 = tpu.sem_alloc : memref<!tpu.dma_semaphore, #tpu.memory_space<semaphore_mem>>
      %dma_start3A_280 = arith.constant 0 : i32
      %dma_start3A_281 = tpu.memref_slice %arg13[%add3A_277, %dma_start3A_280] : memref<10240x64xf32, #tpu.memory_space<vmem_shared>> -> memref<128x64xf32, #tpu.memory_space<vmem_shared>>
      %dma_start3A_282 = arith.constant 0 : i32
      %dma_start3A_283 = tpu.memref_slice %arg13[%add3A_277, %dma_start3A_282] : memref<10240x64xf32, #tpu.memory_space<vmem_shared>> -> memref<128x64xf32, #tpu.memory_space<vmem_shared>>
      tpu.enqueue_dma source(%dma_start3A_283 : memref<128x64xf32, #tpu.memory_space<vmem_shared>>) target(%arg8 : memref<128x64xf32, #tpu.memory_space<vmem>>) target_semaphore(%run_scoped3A_279 : memref<!tpu.dma_semaphore, #tpu.memory_space<semaphore_mem>>)
      %dma_wait3A_284 = arith.constant 0 : i32
      %dma_wait3A_285 = tpu.memref_slice %arg13[%add3A_277, %dma_wait3A_284] : memref<10240x64xf32, #tpu.memory_space<vmem_shared>> -> memref<128x64xf32, #tpu.memory_space<vmem_shared>>
      %dma_wait3A_286 = arith.constant 0 : i32
      %dma_wait3A_287 = tpu.memref_slice %arg13[%add3A_277, %dma_wait3A_286] : memref<10240x64xf32, #tpu.memory_space<vmem_shared>> -> memref<128x64xf32, #tpu.memory_space<vmem_shared>>
      tpu.wait_dma2 semaphore(%run_scoped3A_279 : memref<!tpu.dma_semaphore, #tpu.memory_space<semaphore_mem>>) src(%dma_wait3A_287 : memref<128x64xf32, #tpu.memory_space<vmem_shared>>) dst(%arg8 : memref<128x64xf32, #tpu.memory_space<vmem>>)
      tpu.yield
    }) : () -> ()
    %run_scoped3A_278 = arith.constant 1 : i32
    "tpu.region"() ({
      %run_scoped3A_279 = tpu.sem_alloc : memref<!tpu.dma_semaphore, #tpu.memory_space<semaphore_mem>>
      %dma_start3A_280 = arith.constant 0 : i32
      %dma_start3A_281 = arith.constant 0 : i32
      %dma_start3A_282 = arith.constant 0 : i32
      %dma_start3A_283 = tpu.memref_slice %arg5[%run_scoped3A_278, %dma_start3A_280, %dma_start3A_281, %dma_start3A_282] : memref<2x2x10240x64xf32, #tpu.memory_space<hbm>> -> memref<1x2x10240x64xf32, #tpu.memory_space<hbm>>
      %dma_start3A_284 = tpu.memref_squeeze %dma_start3A_283 : memref<1x2x10240x64xf32, #tpu.memory_space<hbm>> -> memref<2x10240x64xf32, #tpu.memory_space<hbm>>
      %dma_start3A_285 = arith.constant 0 : i32
      %dma_start3A_286 = arith.constant 0 : i32
      %dma_start3A_287 = tpu.memref_slice %dma_start3A_284[%arg0, %dma_start3A_285, %dma_start3A_286] : memref<2x10240x64xf32, #tpu.memory_space<hbm>> -> memref<1x10240x64xf32, #tpu.memory_space<hbm>>
      %dma_start3A_288 = tpu.memref_squeeze %dma_start3A_287 : memref<1x10240x64xf32, #tpu.memory_space<hbm>> -> memref<10240x64xf32, #tpu.memory_space<hbm>>
      %dma_start3A_289 = arith.constant 0 : i32
      %dma_start3A_290 = tpu.memref_slice %dma_start3A_288[%add3A_277, %dma_start3A_289] : memref<10240x64xf32, #tpu.memory_space<hbm>> -> memref<128x64xf32, #tpu.memory_space<hbm>>
      %dma_start3A_291 = arith.constant 0 : i32
      %dma_start3A_292 = arith.constant 0 : i32
      %dma_start3A_293 = arith.constant 0 : i32
      %dma_start3A_294 = tpu.memref_slice %arg5[%run_scoped3A_278, %dma_start3A_291, %dma_start3A_292, %dma_start3A_293] : memref<2x2x10240x64xf32, #tpu.memory_space<hbm>> -> memref<1x2x10240x64xf32, #tpu.memory_space<hbm>>
      %dma_start3A_295 = tpu.memref_squeeze %dma_start3A_294 : memref<1x2x10240x64xf32, #tpu.memory_space<hbm>> -> memref<2x10240x64xf32, #tpu.memory_space<hbm>>
      %dma_start3A_296 = arith.constant 0 : i32
      %dma_start3A_297 = arith.constant 0 : i32
      %dma_start3A_298 = tpu.memref_slice %dma_start3A_295[%arg0, %dma_start3A_296, %dma_start3A_297] : memref<2x10240x64xf32, #tpu.memory_space<hbm>> -> memref<1x10240x64xf32, #tpu.memory_space<hbm>>
      %dma_start3A_299 = tpu.memref_squeeze %dma_start3A_298 : memref<1x10240x64xf32, #tpu.memory_space<hbm>> -> memref<10240x64xf32, #tpu.memory_space<hbm>>
      %dma_start3A_300 = arith.constant 0 : i32
      %dma_start3A_301 = tpu.memref_slice %dma_start3A_299[%add3A_277, %dma_start3A_300] : memref<10240x64xf32, #tpu.memory_space<hbm>> -> memref<128x64xf32, #tpu.memory_space<hbm>>
      tpu.enqueue_dma source(%arg8 : memref<128x64xf32, #tpu.memory_space<vmem>>) target(%dma_start3A_301 : memref<128x64xf32, #tpu.memory_space<hbm>>) target_semaphore(%run_scoped3A_279 : memref<!tpu.dma_semaphore, #tpu.memory_space<semaphore_mem>>)
      %dma_wait3A_302 = arith.constant 0 : i32
      %dma_wait3A_303 = arith.constant 0 : i32
      %dma_wait3A_304 = arith.constant 0 : i32
      %dma_wait3A_305 = tpu.memref_slice %arg5[%run_scoped3A_278, %dma_wait3A_302, %dma_wait3A_303, %dma_wait3A_304] : memref<2x2x10240x64xf32, #tpu.memory_space<hbm>> -> memref<1x2x10240x64xf32, #tpu.memory_space<hbm>>
      %dma_wait3A_306 = tpu.memref_squeeze %dma_wait3A_305 : memref<1x2x10240x64xf32, #tpu.memory_space<hbm>> -> memref<2x10240x64xf32, #tpu.memory_space<hbm>>
      %dma_wait3A_307 = arith.constant 0 : i32
      %dma_wait3A_308 = arith.constant 0 : i32
      %dma_wait3A_309 = tpu.memref_slice %dma_wait3A_306[%arg0, %dma_wait3A_307, %dma_wait3A_308] : memref<2x10240x64xf32, #tpu.memory_space<hbm>> -> memref<1x10240x64xf32, #tpu.memory_space<hbm>>
      %dma_wait3A_310 = tpu.memref_squeeze %dma_wait3A_309 : memref<1x10240x64xf32, #tpu.memory_space<hbm>> -> memref<10240x64xf32, #tpu.memory_space<hbm>>
      %dma_wait3A_311 = arith.constant 0 : i32
      %dma_wait3A_312 = tpu.memref_slice %dma_wait3A_310[%add3A_277, %dma_wait3A_311] : memref<10240x64xf32, #tpu.memory_space<hbm>> -> memref<128x64xf32, #tpu.memory_space<hbm>>
      %dma_wait3A_313 = arith.constant 0 : i32
      %dma_wait3A_314 = arith.constant 0 : i32
      %dma_wait3A_315 = arith.constant 0 : i32
      %dma_wait3A_316 = tpu.memref_slice %arg5[%run_scoped3A_278, %dma_wait3A_313, %dma_wait3A_314, %dma_wait3A_315] : memref<2x2x10240x64xf32, #tpu.memory_space<hbm>> -> memref<1x2x10240x64xf32, #tpu.memory_space<hbm>>
      %dma_wait3A_317 = tpu.memref_squeeze %dma_wait3A_316 : memref<1x2x10240x64xf32, #tpu.memory_space<hbm>> -> memref<2x10240x64xf32, #tpu.memory_space<hbm>>
      %dma_wait3A_318 = arith.constant 0 : i32
      %dma_wait3A_319 = arith.constant 0 : i32
      %dma_wait3A_320 = tpu.memref_slice %dma_wait3A_317[%arg0, %dma_wait3A_318, %dma_wait3A_319] : memref<2x10240x64xf32, #tpu.memory_space<hbm>> -> memref<1x10240x64xf32, #tpu.memory_space<hbm>>
      %dma_wait3A_321 = tpu.memref_squeeze %dma_wait3A_320 : memref<1x10240x64xf32, #tpu.memory_space<hbm>> -> memref<10240x64xf32, #tpu.memory_space<hbm>>
      %dma_wait3A_322 = arith.constant 0 : i32
      %dma_wait3A_323 = tpu.memref_slice %dma_wait3A_321[%add3A_277, %dma_wait3A_322] : memref<10240x64xf32, #tpu.memory_space<hbm>> -> memref<128x64xf32, #tpu.memory_space<hbm>>
      tpu.wait_dma2 semaphore(%run_scoped3A_279 : memref<!tpu.dma_semaphore, #tpu.memory_space<semaphore_mem>>) src(%arg8 : memref<128x64xf32, #tpu.memory_space<vmem>>) dst(%dma_wait3A_323 : memref<128x64xf32, #tpu.memory_space<hbm>>)
      tpu.yield
    }) : () -> ()
    return
  }
}

</mosaic_0001>

<sc_bundles>
// kernel: _aggregate.3.cloned.1.call-start
scs
__scs_entry_jumppad:
0x0: {  	(pc) =	sbr.rel $0x88, $3  }
0x1: {  	(tag) =	ssettag $0x0;
	lr =	simm.s32 $0x1  }
0x2: {  	[smem:$0x3F9E] =	sst lr;
	_ =	strace $0xD0000000  }
0x3: {  	_ = 	snop  }
0x4: {  	_ = 	snop  }
0x5: {  	_ = 	snop  }
0x6: {  	_ = 	snop  }
0x7: {  	_ = 	snop  }
__scs_overlays_trampoline_lowered:
0x8: {  	[smem:$0x3FAD] =	sst s0  }
0x9: {  	[smem:$0x3FAE] =	sst s1  }
0xa: {  	[smem:$0x3FAF] =	sst s2  }
0xb: {  	[smem:$0x3FB0] =	sst s3  }
0xc: {  	[smem:$0x3FB1] =	sst s4  }
0xd: {  	[smem:$0x3FB2] =	sst s5  }
0xe: {  	[smem:$0x3FB3] =	sst s6  }
0xf: {  	[smem:$0x3FB4] =	sst s7  }
0x10: {  	[smem:$0x3FB5] =	sst s8  }
0x11: {  	[smem:$0x3FB6] =	sst s9;
	s0 =	simm.s32 @!p0 $0x0  }
0x12: {  	s1 =	sld [smem:$0x3F9C];
	s0 =	simm.s32 @p0 $0x1  }
0x13: {  	[smem:$0x3FB7] =	sst s0;
	s0 =	simm.s32 @!p1 $0x0  }
0x14: {  	s2 =	sld [smem:$0x3F9B];
	s0 =	simm.s32 @p1 $0x1  }
0x15: {  	[smem:$0x3FB8] =	sst s0;
	s0 =	simm.s32 @!p2 $0x0  }
0x16: {  	s3 =	sld [smem:$0x3FDB];
	s0 =	simm.s32 @p2 $0x1  }
0x17: {  	s4 =	simm.s32 $0x1BF5;
	[smem:$0x3FBA] =	sst s0  }
0x18: {  	s0 =	sld [smem:$0x3F9D];
	_ =	swait.ge [sflag:s4], $0x0  }
0x19: {  	s7 =	sld [smem:$0x3F9E]  }
0x1a: {  	s8 =	sadd.s32 $0xFFFFE003, lr  }
0x1b: {  	s9 =	sadd.s32 $0xFFFFFEF7, lr;
	s5 =	simm.s32 $0xFFFFFFFF;
	p2 =	slt.u32 s8, $0xFFFFF086  }
0x1c: {  	p1 =	slt.u32 s9, $0xF7A;
	s5 =	simm.s32 @!p2 $0x0  }
0x1d: {  	s5 =	simm.s32 @p1 $0x1;
	p0 =	seq.s32 s7, s2  }
0x1e: {  	s7 =	smul.u32 @!p0 $0xF7A, s2;
	p2 =	seq.s32 @!p0 s5, $0x0  }
0x1f: {  	s9 =	smul.u32 $0xF7A, s1;
	s8 =	simm.s32 @!p0 $0x1BF5;
	p2 =	por !p2, p0  }
0x20: {  	[sflag:s8] =	ssyncset.s32 @!p0 $0xFFFFF086;
	s6 =	sadd.s32 @!p0 s3, s7;
	s7 =	simm.s32 @!p0 $0x108  }
0x21: {  	s3 =	sadd.s32 s3, s9;
	s6 =	sadd.s32 @!p0 $0x88, s6;
	s7 =	simm.s32 @p2 $0x1082  }
0x22: {  	[simem:s7], [sflag:s8] =	dma.local @!p0 [hbm:s6], $0xF7A  }
0x23: {  	s9 =	sor.u32 $0xD0000000, s2;
	s6 =	simm.s32 $0x108;
	_ =	swait.ge @!p0 [sflag:s8], $0x0  }
0x24: {  	s3 =	sadd.s32 $0x88, s3;
	s6 =	simm.s32 @!p1 $0x1082;
	[sflag:s4] =	ssyncset.s32 $0xFFFFF086  }
0x25: {  	[simem:s6], [sflag:s4] =	dma.local [hbm:s3], $0xF7A  }
0x26: {  	[smem:$0x3F9E] =	sst s1;
	(tag) =	ssettag s2;
	_ =	strace s9  }
0x27: {  	s1 =	sld [smem:$0x3FAE]  }
0x28: {  	s2 =	sld [smem:$0x3FAF]  }
0x29: {  	s4 =	sld [smem:$0x3FB1]  }
0x2a: {  	p0 =	seq.s32 s5, $0x0;
	s5 =	sld [smem:$0x3FB2]  }
0x2b: {  	s6 =	sld [smem:$0x3FB3]  }
0x2c: {  	s7 =	sld [smem:$0x3FB4]  }
0x2d: {  	s3 =	simm.s32 $0x108;
	s8 =	sld [smem:$0x3FB5]  }
0x2e: {  	s3 =	simm.s32 @!p0 $0x1082;
	s9 =	sld [smem:$0x3FB6]  }
0x2f: {  	lr =	sadd.s32 s0, s3;
	s0 =	sld [smem:$0x3FAD]  }
0x30: {  	s3 =	sld [smem:$0x3FB0]  }
0x31: {  	[smem:$0x3FB9] =	sst s10  }
0x32: {  	s10 =	sld [smem:$0x3FB7];
	_ =	sdelay $0x3  }
0x33: {  	p0 =	seq.s32 s10, $0x1;
	s10 =	sld [smem:$0x3FB9];
	_ =	sdelay $0x3  }
0x34: {  	[smem:$0x3FB9] =	sst s10  }
0x35: {  	s10 =	sld [smem:$0x3FB8];
	_ =	sdelay $0x3  }
0x36: {  	p1 =	seq.s32 s10, $0x1;
	s10 =	sld [smem:$0x3FB9];
	_ =	sdelay $0x3  }
0x37: {  	[smem:$0x3FB9] =	sst s10  }
0x38: {  	s10 =	sld [smem:$0x3FBA]  }
0x39: {  	_ = 	snop;
	(pc) =	sbr.ind lr, $3  }
0x3a: {  	_ = 	snop  }
0x3b: {  	_ = 	snop  }
0x3c: {  	p2 =	seq.s32 s10, $0x1;
	s10 =	sld [smem:$0x3FB9]  }
0x3d: {  	_ =	shalt  }
0x3e: {  	_ =	shalt  }
0x3f: {  	_ =	shalt  }
0x40: {  	_ =	shalt  }
0x41: {  	_ =	shalt  }
0x42: {  	_ =	shalt  }
0x43: {  	_ =	shalt  }
0x44: {  	_ =	shalt  }
0x45: {  	_ =	shalt  }
0x46: {  	_ =	shalt  }
0x47: {  	_ =	shalt  }
0x48: {  	_ =	shalt  }
0x49: {  	_ =	shalt  }
0x4a: {  	_ =	shalt  }
0x4b: {  	_ =	shalt  }
0x4c: {  	_ =	shalt  }
0x4d: {  	_ =	shalt  }
0x4e: {  	_ =	shalt  }
0x4f: {  	_ =	shalt  }
0x50: {  	_ =	shalt  }
0x51: {  	_ =	shalt  }
0x52: {  	_ =	shalt  }
0x53: {  	_ =	shalt  }
0x54: {  	_ =	shalt  }
0x55: {  	_ =	shalt  }
0x56: {  	_ =	shalt  }
0x57: {  	_ =	shalt  }
0x58: {  	_ =	shalt  }
0x59: {  	_ =	shalt  }
0x5a: {  	_ =	shalt  }
0x5b: {  	_ =	shalt  }
0x5c: {  	_ =	shalt  }
0x5d: {  	_ =	shalt  }
0x5e: {  	_ =	shalt  }
0x5f: {  	_ =	shalt  }
0x60: {  	_ =	shalt  }
0x61: {  	_ =	shalt  }
0x62: {  	_ =	shalt  }
0x63: {  	_ =	shalt  }
0x64: {  	_ =	shalt  }
0x65: {  	_ =	shalt  }
0x66: {  	_ =	shalt  }
0x67: {  	_ =	shalt  }
0x68: {  	_ =	shalt  }
0x69: {  	_ =	shalt  }
0x6a: {  	_ =	shalt  }
0x6b: {  	_ =	shalt  }
0x6c: {  	_ =	shalt  }
0x6d: {  	_ =	shalt  }
0x6e: {  	_ =	shalt  }
0x6f: {  	_ =	shalt  }
0x70: {  	_ =	shalt  }
0x71: {  	_ =	shalt  }
0x72: {  	_ =	shalt  }
0x73: {  	_ =	shalt  }
0x74: {  	_ =	shalt  }
0x75: {  	_ =	shalt  }
0x76: {  	_ =	shalt  }
0x77: {  	_ =	shalt  }
0x78: {  	_ =	shalt  }
0x79: {  	_ =	shalt  }
0x7a: {  	_ =	shalt  }
0x7b: {  	_ =	shalt  }
0x7c: {  	_ =	shalt  }
0x7d: {  	_ =	shalt  }
0x7e: {  	_ =	shalt  }
0x7f: {  	_ =	shalt  }
0x80: {  	_ =	shalt  }
0x81: {  	_ =	shalt  }
0x82: {  	_ =	shalt  }
0x83: {  	_ =	shalt  }
0x84: {  	_ =	shalt  }
0x85: {  	_ =	shalt  }
0x86: {  	_ =	shalt  }
0x87: {  	_ =	shalt  }
.Lfunc_end0:
.L_simem_size_0:
called_computation_lowered:
.L_overlay_start_0:
0x88: {  	s2 =	sld [smem:$0x3FD9]  }
0x89: {  	s3 =	sld [smem:$0x3FFE];
	_ =	sdelay $0x1  }
0x8a: {  	s1 =	srdreg.scid  }
0x8b: {  	s0 =	sand.u32 $0x1, s1  }
0x8c: {  	s14 =	sshll.u32 s0, $0xA;
	s2 =	sadd.s32 s3, s2  }
0x8d: {  	s2 =	sadd.s32 s2, s14  }
0x8e: {  	[smem:$0x3FC5] =	sst s2  }
0x8f: {  	_ = 	snop  }
0x90: {  	s2 =	sld [smem:$0x3FD0];
	_ =	sdelay $0x2  }
0x91: {  	s4 =	simm.s32 $0xA;
	s5 =	simm.s32 $0x10;
	s15 =	sld [smem:$0x3FC7]  }
0x92: {  	[smem:s5], [sflag:s4] =	dma.local [hbm:s2], $0x1  }
0x93: {  	_ =	swait.eq [sflag:s4], $0x1  }
0x94: {  	[sflag:s4] =	ssyncset.done $0x0  }
0x95: {  	[sflag:s4] =	ssyncadd.s32 $0xFFFFFFFF  }
0x96: {  	s16 =	sld [smem:$0x10];
	(tm) =	ssettm $0x1  }
0x97: {  	s17 =	sld [smem:$0x3FFB];
	_ =	sdelay $0x3  }
0x98: {  	_ =	strace s17  }
0x99: {  	s4 =	sld [smem:$0x3FFC];
	_ =	sdelay $0x3  }
0x9a: {  	_ =	strace s4  }
0x9b: {  	s4 =	sld [smem:$0x3FFD];
	_ =	sdelay $0x3  }
0x9c: {  	_ =	strace s4  }
0x9d: {  	_ =	strace $0x8FFFFFFF  }
0x9e: {  	s18 =	sld [smem:$0x3FDB];
	_ =	sdelay $0x1  }
0x9f: {  	s19 =	simm.s32 $_scs_section_size  }
0xa0: {  	s6 =	simm.s32 $_size__tile_overlayer_lowered;
	s7 =	simm.s32 $_tile_overlayer_lowered  }
0xa1: {  	s22 =	simm.s32 $0x1BFF;
	s21 =	sshll.u32 s7, $0x1;
	s4 =	sadd.s32 s19, s18  }
0xa2: {  	s8 =	simm.s32 $0x0;
	s20 =	sshll.u32 s6, $0x1;
	s6 =	sadd.s32 s21, s4  }
0xa3: {  	[timem:s8], [sflag:s22] =	dma.local [hbm:s6], s20  }
0xa4: {  	_ =	swait.ge [sflag:s22], s20  }
0xa5: {  	s5 =	ssub.s32 $0x0, s20;
	[sflag:s22] =	ssyncset.done $0x0  }
0xa6: {  	[sflag:s22] =	ssyncadd.s32 s5;
	_ =	sdelay $0x1  }
0xa7: {  	s23 =	simm.s32 $0x1B8B  }
0xa8: {  	_ =	swait.ge [sflag:s23], $0x1  }
0xa9: {  	[sflag:s23] =	ssyncset.done $0x0  }
0xaa: {  	s25 =	simm.s32 $0x1B8E;
	s24 =	sld [smem:$0x3FFE];
	[sflag:s23] =	ssyncadd.s32 $0xFFFFFFFF  }
0xab: {  	s26 =	simm.s32 $execute0_lowered;
	[smem:$0x3FD2] =	sst s25  }
0xac: {  	s6 =	sshll.u32 s26, $0x1;
	_ =	strace $0x80000046;
	[dreg:$0x1] =	wrdreg $0xFFFFFFFF  }
0xad: {  	s28 =	simm.s32 $_size_execute0_lowered;
	s4 =	sadd.s32 s4, s6;
	[dreg:$0x0] =	wrdreg $0x0  }
0xae: {  	s6 =	sshll.u32 s28, $0x1;
	[dreg:$0x2] =	wrdreg s4  }
0xaf: {  	[dreg:$0x3] =	wrdreg s6  }
0xb0: {  	[dreg:$0x4] =	wrdreg $0xC0  }
0xb1: {  	_ =	task [dreg:s8], $0x5FFFF  }
0xb2: {  	[dreg:$0x1] =	wrdreg $0xFFFFFFFF  }
0xb3: {  	[dreg:$0x0] =	wrdreg $0x60  }
0xb4: {  	[dreg:$0x2] =	wrdreg s24  }
0xb5: {  	[dreg:$0x3] =	wrdreg s15  }
0xb6: {  	[dreg:$0x4] =	wrdreg s16  }
0xb7: {  	[dreg:$0x5] =	wrdreg $0x183400  }
0xb8: {  	[dreg:$0x6] =	wrdreg $0xE3400  }
0xb9: {  	[dreg:$0x7] =	wrdreg $0x47000  }
0xba: {  	[dreg:$0x8] =	wrdreg $0x9  }
0xbb: {  	_ =	task.clear_ibuf [dreg:s8], $0x9FFFF;
	_ =	strace $0x90000046  }
0xbc: {  	s29 =	simm.s32 $0x9;
	_ =	strace $0x80000048  }
0xbd: {  	_ =	swait.ge [sflag:s29], $0x1  }
0xbe: {  	[sflag:s29] =	ssyncadd.s32 $0xFFFFFFFF  }
0xbf: {  	_ =	strace $0x90000048  }
0xc0: {  	_ =	sfence  }
0xc1: {  	s30 =	sld [smem:$0x0];
	_ =	sdelay $0x2  }
0xc2: {  	s31 =	sshll.u32 s1, $0xD;
	s1 =	sshrl.u32 s1, $0x2  }
0xc3: {  	s3 =	sand.u32 $0x4000, s31;
	s1 =	sadd.s32 s1, s30  }
0xc4: {  	s0 =	sor.u32 s3, s0;
	s1 =	sshll.u32 s1, $0x11  }
0xc5: {  	s0 =	sor.u32 s1, s0  }
0xc6: {  	s0 =	sadd.s32 $0x8F2B, s0  }
0xc7: {  	[sflag:s0] =	ssyncadd.remote.s32 $0x1  }
0xc8: {  	_ =	sfence.sel $0xFFFF  }
0xc9: {  	[dreg:$0x0] =	wrdreg $0xFFFFFFFF;
	(pc) =	sbr.abs _section_cstart, $3  }
0xca: {  	[dreg:$0x1] =	wrdreg $0xFFFFFFFF  }
0xcb: {  	_ =	task.clear_ibuf [dreg:s8], $0x2FFFF;
	_ =	strace $0x9FFFFFFF  }
0xcc: {  	(tm) =	ssettm $0x7FFFFFFF  }
0xcd: {  	_ =	shalt  }
tec
execute0_lowered:
.L_overlay_start_1:
0x0: {  	(tag) =	ssettag $0x1  }
0x1: {  	s0 =	rddreg [dreg:$0x0]  }
0x2: {  	s2 =	rddreg [dreg:$0x1]  }
0x3: {  	s1 =	srdreg.scid;
	s3 =	rddreg [dreg:$0x2]  }
0x4: {  	s19 =	stileid.u32;
	s4 =	sand.u32 $0x1, s1;
	s1 =	rddreg [dreg:$0x3]  }
0x5: {  	s7 =	smul.u32 $0x9C40, s19;
	s8 =	sadd.s32 $0xA00, s0;
	s6 =	ssub.s32 $0x2, s4  }
0x6: {  	s9 =	sadd.s32 $0x14400, s0;
	s5 =	smul.u32 $0x500, s4;
	s10 =	sshrl.u32 s6, $0x1  }
0x7: {  	s11 =	sshrl.u32 s7, $0x3;
	s15 =	sadd.s32 $0x5DC0, s7;
	s17 =	sadd.s32 $0x7D00, s7  }
0x8: {  	s5 =	sadd.s32 s5, s0;
	s0 =	ssub.s32 s6, s10;
	s6 =	sadd.s32 $0x1F40, s7  }
0x9: {  	s13 =	sadd.s32 s8, s11;
	s16 =	sshrl.u32 s15, $0x3;
	s18 =	sshrl.u32 s17, $0x3  }
0xa: {  	s24 =	sadd.s32 s9, s11;
	s12 =	sshrl.u32 s6, $0x3;
	[dreg:$0x7] =	wrdreg s13  }
0xb: {  	s13 =	sadd.s32 $0x3E80, s7;
	s23 =	sadd.s32 s8, s16;
	[dreg:$0xc] =	wrdreg s24  }
0xc: {  	s22 =	sadd.s32 s8, s12;
	s14 =	sshrl.u32 s13, $0x3;
	[dreg:$0xa] =	wrdreg s23  }
0xd: {  	s25 =	sadd.s32 s9, s12;
	[dreg:$0x8] =	wrdreg s22;
	s20 =	sadd.s32 s8, s14  }
0xe: {  	s8 =	sadd.s32 s8, s18;
	[dreg:$0xd] =	wrdreg s25;
	s12 =	sadd.s32 s9, s14  }
0xf: {  	s14 =	sadd.s32 s9, s16;
	s9 =	sadd.s32 s9, s18;
	s18 =	rddreg [dreg:$0x5]  }
0x10: {  	[dreg:$0x9] =	wrdreg s20  }
0x11: {  	s21 =	sshll.u32 s19, $0x1;
	s26 =	smul.u32 $0xA0, s19;
	[dreg:$0xb] =	wrdreg s8  }
0x12: {  	s10 =	sor.u32 s4, s21;
	s21 =	smul.u32 $0x280, s19;
	[dreg:$0xe] =	wrdreg s12  }
0x13: {  	s16 =	smul.u32 $0x50, s4;
	[dreg:$0xf] =	wrdreg s14  }
0x14: {  	s5 =	sadd.s32 $0x27E00, s5;
	s4 =	smul.u32 $0x14000, s4;
	[dreg:$0x10] =	wrdreg s9  }
0x15: {  	s22 =	sshrl.u32 s21, $0x3;
	s12 =	simm.s32 $0x0;
	s14 =	rddreg [dreg:$0x4]  }
0x16: {  	s20 =	smul.u32 $0xA00, s10;
	s23 =	sadd.s32 s22, s5;
	[smem:$0x7FF] =	sst s12  }
0x17: {  	s25 =	sadd.s32 $0x28000, s3;
	s8 =	sadd.s32 s16, s26;
	[dreg:$0x12] =	wrdreg s23  }
0x18: {  	s24 =	sadd.s32 s3, s4;
	s30 =	sadd.s32 s2, s20;
	s8 =	sshll.u32 s8, $0x5  }
0x19: {  	[dreg:$0x13] =	wrdreg s24;
	s16 =	sadd.s32 s8, s2;
	s2 =	sadd.s32 s4, s25  }
0x1a: {  	s26 =	sadd.s32 s21, s1;
	[dreg:$0x14] =	wrdreg s2  }
0x1b: {  	s3 =	sadd.s32 s7, s18;
	_ =	strace $0x80000047;
	[dreg:$0x15] =	wrdreg s26  }
0x1c: {  	s29 =	simm.s32 $0x3;
	s4 =	sadd.s32 s6, s18;
	[dreg:$0x16] =	wrdreg s3  }
0x1d: {  	s31 =	simm.s32 $0x6;
	s6 =	sadd.s32 s13, s18;
	[dreg:$0x17] =	wrdreg s4  }
0x1e: {  	s5 =	smul.u32 $0xA000, s19;
	s7 =	sadd.s32 s15, s18;
	[dreg:$0x18] =	wrdreg s6  }
0x1f: {  	s28 =	simm.s32 $0x380;
	s8 =	sadd.s32 s17, s18;
	[dreg:$0x19] =	wrdreg s7  }
0x20: {  	s9 =	sadd.s32 $0x2000, s5;
	s2 =	sshrl.u32 s5, $0x3;
	[dreg:$0x1a] =	wrdreg s8  }
0x21: {  	s10 =	sadd.s32 $0x4000, s5;
	s15 =	sshrl.u32 s9, $0x3;
	[dreg:$0x1c] =	wrdreg s2  }
0x22: {  	s0 =	smax.u32 s0, $0x1;
	s17 =	sadd.s32 s10, s14;
	[dreg:$0x1e] =	wrdreg s15  }
0x23: {  	s11 =	sadd.s32 $0x6000, s5;
	s21 =	sshrl.u32 s10, $0x3;
	[dreg:$0x1f] =	wrdreg s17  }
0x24: {  	s19 =	sadd.s32 s5, s14;
	s22 =	sadd.s32 s11, s14;
	[smem:$0x7F7] =	sst s21  }
0x25: {  	s13 =	sadd.s32 $0x8000, s5;
	s23 =	sshrl.u32 s11, $0x3;
	[smem:$0x7F8] =	sst s22  }
0x26: {  	s20 =	sadd.s32 s9, s14;
	s24 =	sadd.s32 s13, s14;
	[smem:$0x7F9] =	sst s23  }
0x27: {  	s11 =	simm.s32 $0x9;
	s25 =	sshrl.u32 s13, $0x3;
	[smem:$0x7FA] =	sst s24  }
0x28: {  	s10 =	simm.s32 $0x100;
	s9 =	sadd.s32 $0x40, s16;
	[smem:$0x7FB] =	sst s25  }
0x29: {  	s5 =	simm.s32 $0x4;
	s13 =	simm.s32 $0x280;
	[smem:$0x7FC] =	sst s0  }
0x2a: {  	s26 =	sadd.s32 $0x20, s30;
	s8 =	sadd.s32 $0x80, s16;
	s17 =	simm.s32 $0x400  }
0x2b: {  	s6 =	simm.s32 $0x2400;
	s21 =	simm.s32 $0x80;
	s22 =	simm.s32 $0x200  }
0x2c: {  	s23 =	simm.s32 $0x2;
	s24 =	simm.s32 $0x5;
	[dreg:$0x11] =	wrdreg s30  }
0x2d: {  	s25 =	simm.s32 $0x4400;
	s0 =	simm.s32 $0x7;
	[dreg:$0x1b] =	wrdreg s19  }
0x2e: {  	s3 =	simm.s32 $0x180;
	s7 =	simm.s32 $0x8;
	[dreg:$0x1d] =	wrdreg s20  }
0x2f: {  	v0 =	vimm.f32 $1.000000000e+00;
	v1 =	vimm.f32 $0.0e+00;
	s4 =	simm.s32 $0x0;
	[smem:$0x7FD] =	sst s26;
	s26 =	simm.s32 $0x300  }
.LBB2_1:
0x30: {  	[tilespmem:$0x4400] =	vst v0  }
0x31: {  	[tilespmem:$0x4410] =	vst v0  }
0x32: {  	[tilespmem:$0x4420] =	vst v0  }
0x33: {  	[tilespmem:$0x4430] =	vst v0  }
0x34: {  	[tilespmem:$0x4440] =	vst v0  }
0x35: {  	[tilespmem:$0x4450] =	vst v0  }
0x36: {  	[tilespmem:$0x4460] =	vst v0  }
0x37: {  	[tilespmem:$0x4470] =	vst v0  }
0x38: {  	[tilespmem:$0x4480] =	vst v1  }
0x39: {  	[tilespmem:$0x4490] =	vst v1  }
0x3a: {  	[tilespmem:$0x44A0] =	vst v1  }
0x3b: {  	[tilespmem:$0x44B0] =	vst v1  }
0x3c: {  	[tilespmem:$0x44C0] =	vst v1  }
0x3d: {  	[tilespmem:$0x44D0] =	vst v1  }
0x3e: {  	[tilespmem:$0x44E0] =	vst v1  }
0x3f: {  	[tilespmem:$0x44F0] =	vst v1  }
0x40: {  	[tilespmem:$0x4500] =	vst v1  }
0x41: {  	[tilespmem:$0x4510] =	vst v1  }
0x42: {  	[tilespmem:$0x4520] =	vst v1  }
0x43: {  	[tilespmem:$0x4530] =	vst v1  }
0x44: {  	[tilespmem:$0x4540] =	vst v1  }
0x45: {  	[tilespmem:$0x4550] =	vst v1  }
0x46: {  	[tilespmem:$0x4560] =	vst v1  }
0x47: {  	[tilespmem:$0x4570] =	vst v1  }
0x48: {  	[tilespmem:$0x4580] =	vst v1  }
0x49: {  	[tilespmem:$0x4590] =	vst v1  }
0x4a: {  	[tilespmem:$0x45A0] =	vst v1  }
0x4b: {  	[tilespmem:$0x45B0] =	vst v1  }
0x4c: {  	[tilespmem:$0x45C0] =	vst v1  }
0x4d: {  	[tilespmem:$0x45D0] =	vst v1  }
0x4e: {  	[tilespmem:$0x45E0] =	vst v1  }
0x4f: {  	[tilespmem:$0x45F0] =	vst v1  }
0x50: {  	[tilespmem:$0x4600] =	vst v1  }
0x51: {  	[tilespmem:$0x4610] =	vst v1  }
0x52: {  	[tilespmem:$0x4620] =	vst v1  }
0x53: {  	[tilespmem:$0x4630] =	vst v1  }
0x54: {  	[tilespmem:$0x4640] =	vst v1  }
0x55: {  	[tilespmem:$0x4650] =	vst v1  }
0x56: {  	[tilespmem:$0x4660] =	vst v1  }
0x57: {  	[tilespmem:$0x4670] =	vst v1  }
0x58: {  	[tilespmem:$0x4680] =	vst v1  }
0x59: {  	[tilespmem:$0x4690] =	vst v1  }
0x5a: {  	[tilespmem:$0x46A0] =	vst v1  }
0x5b: {  	[tilespmem:$0x46B0] =	vst v1  }
0x5c: {  	[tilespmem:$0x46C0] =	vst v1  }
0x5d: {  	[tilespmem:$0x46D0] =	vst v1  }
0x5e: {  	[smem:$0x7F6] =	sst s4;
	[tilespmem:$0x46E0] =	vst v1  }
0x5f: {  	[tilespmem:$0x46F0] =	vst v1;
	s2 =	rddreg [dreg:$0x15];
	s15 =	simm.s32 $0x4480  }
0x60: {  	[spmem:s2] =	stream.linear.scatter [tilespmem:s15], [sflag:$0x9], $0x280, $0x38;
	[tilespmem:$0x185C0] =	vst v63  }
0x61: {  	_ =	swait.ge [sflag:s11], $0x280  }
0x62: {  	[sflag:s11] =	ssyncset.done $0x0  }
0x63: {  	s15 =	simm.s32 $0x100;
	s2 =	simm.s32 $0x0;
	[sflag:s11] =	ssyncadd.s32 $0xFFFFFD80  }
.LBB2_2:
0x64: {  	p0 =	sne.s32 s15, $0x7F00;
	[tilespmem:s2+$0x430] =	vst v1;
	s4 =	smov.u32 s15;
	s15 =	sadd.s32 $0x100, s15  }
.Ltmp0:
0x65: {  	[tilespmem:s2+$0x420] =	vst v1;
	(pc) =	sbr.rel @p0 .LBB2_2-.Ltmp0, $3  }
0x66: {  	[tilespmem:s2+$0x400] =	vst v1  }
0x67: {  	[tilespmem:s2+$0x410] =	vst v1;
	_ =	sdelay $0x1  }
0x68: {  	s2 =	sshra.s32 s4, $0x2  }
0x69: {  	[tilespmem:s2+$0x430] =	vst v1  }
0x6a: {  	[tilespmem:s2+$0x420] =	vst v1  }
0x6b: {  	[tilespmem:s2+$0x400] =	vst v1  }
0x6c: {  	[tilespmem:s2+$0x410] =	vst v1  }
0x6d: {  	[spmem:s19] =	stream.linear.scatter [tilespmem:s17], [sflag:$0x9], $0x2000, $0x38;
	[tilespmem:$0x185C0] =	vst v63  }
0x6e: {  	_ =	swait.ge [sflag:s11], $0x2000  }
0x6f: {  	[sflag:s11] =	ssyncset.done $0x0  }
0x70: {  	[sflag:s11] =	ssyncadd.s32 $0xFFFFE000  }
0x71: {  	[spmem:s20] =	stream.linear.scatter [tilespmem:s17], [sflag:$0x9], $0x2000, $0x38;
	[tilespmem:$0x185C0] =	vst v63  }
0x72: {  	_ =	swait.ge [sflag:s11], $0x2000  }
0x73: {  	[sflag:s11] =	ssyncset.done $0x0  }
0x74: {  	s4 =	rddreg [dreg:$0x1f];
	[sflag:s11] =	ssyncadd.s32 $0xFFFFE000  }
0x75: {  	[spmem:s4] =	stream.linear.scatter [tilespmem:s17], [sflag:$0x9], $0x2000, $0x38;
	[tilespmem:$0x185C0] =	vst v63  }
0x76: {  	_ =	swait.ge [sflag:s11], $0x2000  }
0x77: {  	s15 =	sld [smem:$0x7F8]  }
0x78: {  	[sflag:s11] =	ssyncset.done $0x0  }
0x79: {  	[sflag:s11] =	ssyncadd.s32 $0xFFFFE000  }
0x7a: {  	[spmem:s15] =	stream.linear.scatter [tilespmem:s17], [sflag:$0x9], $0x2000, $0x38;
	[tilespmem:$0x185C0] =	vst v63  }
0x7b: {  	_ =	swait.ge [sflag:s11], $0x2000  }
0x7c: {  	s19 =	sld [smem:$0x7FA]  }
0x7d: {  	[sflag:s11] =	ssyncset.done $0x0  }
0x7e: {  	[sflag:s11] =	ssyncadd.s32 $0xFFFFE000  }
0x7f: {  	[spmem:s19] =	stream.linear.scatter [tilespmem:s17], [sflag:$0x9], $0x2000, $0x38;
	[tilespmem:$0x185C0] =	vst v63  }
0x80: {  	_ =	swait.ge [sflag:s11], $0x2000  }
0x81: {  	[sflag:s11] =	ssyncset.done $0x0  }
0x82: {  	s2 =	simm.s32 $0x0;
	s4 =	rddreg [dreg:$0x7];
	[sflag:s11] =	ssyncadd.s32 $0xFFFFE000  }
0x83: {  	[tilespmem:s6], [sflag:$0x9] =	stream.linear.gather [hbm4b:s4+s2], $0x1F40, $0x38;
	[tilespmem:$0x185C0] =	vst v63  }
0x84: {  	_ =	swait.ge [sflag:s11], $0x1F40  }
0x85: {  	[sflag:s11] =	ssyncset.done $0x0  }
0x86: {  	s20 =	rddreg [dreg:$0x16];
	[sflag:s11] =	ssyncadd.s32 $0xFFFFE0C0  }
0x87: {  	[spmem:s20] =	stream.linear.scatter [tilespmem:s6], [sflag:$0x9], $0x1F40, $0x38;
	[tilespmem:$0x185C0] =	vst v63  }
0x88: {  	_ =	swait.ge [sflag:s11], $0x1F40  }
0x89: {  	[sflag:s11] =	ssyncset.done $0x0  }
0x8a: {  	s15 =	rddreg [dreg:$0x8];
	[sflag:s11] =	ssyncadd.s32 $0xFFFFE0C0  }
0x8b: {  	[tilespmem:s6], [sflag:$0x9] =	stream.linear.gather [hbm4b:s15+s2], $0x1F40, $0x38;
	[tilespmem:$0x185C0] =	vst v63  }
0x8c: {  	_ =	swait.ge [sflag:s11], $0x1F40  }
0x8d: {  	[sflag:s11] =	ssyncset.done $0x0  }
0x8e: {  	s19 =	rddreg [dreg:$0x17];
	[sflag:s11] =	ssyncadd.s32 $0xFFFFE0C0  }
0x8f: {  	[spmem:s19] =	stream.linear.scatter [tilespmem:s6], [sflag:$0x9], $0x1F40, $0x38;
	[tilespmem:$0x185C0] =	vst v63  }
0x90: {  	_ =	swait.ge [sflag:s11], $0x1F40  }
0x91: {  	[sflag:s11] =	ssyncset.done $0x0  }
0x92: {  	s20 =	rddreg [dreg:$0x9];
	[sflag:s11] =	ssyncadd.s32 $0xFFFFE0C0  }
0x93: {  	[tilespmem:s6], [sflag:$0x9] =	stream.linear.gather [hbm4b:s20+s2], $0x1F40, $0x38;
	[tilespmem:$0x185C0] =	vst v63  }
0x94: {  	_ =	swait.ge [sflag:s11], $0x1F40  }
0x95: {  	[sflag:s11] =	ssyncset.done $0x0  }
0x96: {  	s15 =	rddreg [dreg:$0x18];
	[sflag:s11] =	ssyncadd.s32 $0xFFFFE0C0  }
0x97: {  	[spmem:s15] =	stream.linear.scatter [tilespmem:s6], [sflag:$0x9], $0x1F40, $0x38;
	[tilespmem:$0x185C0] =	vst v63  }
0x98: {  	_ =	swait.ge [sflag:s11], $0x1F40  }
0x99: {  	[sflag:s11] =	ssyncset.done $0x0  }
0x9a: {  	s19 =	rddreg [dreg:$0xa];
	[sflag:s11] =	ssyncadd.s32 $0xFFFFE0C0  }
0x9b: {  	[tilespmem:s6], [sflag:$0x9] =	stream.linear.gather [hbm4b:s19+s2], $0x1F40, $0x38;
	[tilespmem:$0x185C0] =	vst v63  }
0x9c: {  	_ =	swait.ge [sflag:s11], $0x1F40  }
0x9d: {  	[sflag:s11] =	ssyncset.done $0x0  }
0x9e: {  	s20 =	rddreg [dreg:$0x19];
	[sflag:s11] =	ssyncadd.s32 $0xFFFFE0C0  }
0x9f: {  	[spmem:s20] =	stream.linear.scatter [tilespmem:s6], [sflag:$0x9], $0x1F40, $0x38;
	[tilespmem:$0x185C0] =	vst v63  }
0xa0: {  	_ =	swait.ge [sflag:s11], $0x1F40  }
0xa1: {  	[sflag:s11] =	ssyncset.done $0x0  }
0xa2: {  	s15 =	rddreg [dreg:$0xb];
	[sflag:s11] =	ssyncadd.s32 $0xFFFFE0C0  }
0xa3: {  	[tilespmem:s6], [sflag:$0x9] =	stream.linear.gather [hbm4b:s15+s2], $0x1F40, $0x38;
	[tilespmem:$0x185C0] =	vst v63  }
0xa4: {  	_ =	swait.ge [sflag:s11], $0x1F40  }
0xa5: {  	[sflag:s11] =	ssyncset.done $0x0  }
0xa6: {  	s19 =	rddreg [dreg:$0x1a];
	[sflag:s11] =	ssyncadd.s32 $0xFFFFE0C0  }
0xa7: {  	[spmem:s19] =	stream.linear.scatter [tilespmem:s6], [sflag:$0x9], $0x1F40, $0x38;
	[tilespmem:$0x185C0] =	vst v63  }
0xa8: {  	_ =	swait.ge [sflag:s11], $0x1F40  }
0xa9: {  	[sflag:s11] =	ssyncset.done $0x0  }
0xaa: {  	[sflag:s11] =	ssyncadd.s32 $0xFFFFE0C0  }
0xab: {  	[bflag:$0x0] =	sbarrier.arrive $0xFFFF  }
0xac: {  	s20 =	sld [smem:$0x7FD]  }
0xad: {  	[tilespmem:s2], [sflag:$0x1] =	stream.linear.gather [hbm4b:s30+s2], $0x100, $0x38;
	[tilespmem:$0x185C0] =	vst v63  }
0xae: {  	s15 =	simm.s32 $0x1  }
0xaf: {  	[tilespmem:s10], [sflag:$0x2] =	stream.linear.gather [hbm4b:s20+s2], $0x100, $0x38;
	[tilespmem:$0x185C0] =	vst v63  }
0xb0: {  	_ =	swait.ge [sflag:s15], $0x100  }
0xb1: {  	[sflag:s15] =	ssyncset.done $0x0  }
0xb2: {  	[sflag:s15] =	ssyncadd.s32 $0xFFFFFF00  }
0xb3: {  	[tilespmem:s17], [sflag:$0x5] =	stream.indirect.gather [spmem:s18], $0x40, s2, s21, $0xb8;
	[tilespmem:$0x185C0] =	vst v63  }
0xb4: {  	s19 =	sadd.s32 $0x0, s9  }
0xb5: {  	[tilespmem:s22], [sflag:$0x3] =	stream.linear.gather [hbm4b:s19+s12], $0x100, $0x38;
	[tilespmem:$0x185C0] =	vst v63  }
0xb6: {  	_ =	swait.ge [sflag:s23], $0x100  }
0xb7: {  	[sflag:s23] =	ssyncset.done $0x0  }
0xb8: {  	[sflag:s23] =	ssyncadd.s32 $0xFFFFFF00  }
0xb9: {  	[tilespmem:s6], [sflag:$0x6] =	stream.indirect.gather [spmem:s18], $0x40, s10, s21, $0xb8;
	[tilespmem:$0x185C0] =	vst v63  }
0xba: {  	_ =	swait.ge [sflag:s24], $0x2000  }
0xbb: {  	p0 =	por $0x1, $0x1;
	[sflag:s24] =	ssyncset.done $0x0  }
0xbc: {  	s2 =	simm.s32 @!p0 $0x8;
	[sflag:s24] =	ssyncadd.s32 $0xFFFFE000  }
0xbd: {  	_ =	swait.ge @!p0 [sflag:s2], $0x80  }
0xbe: {  	[sflag:s2] =	ssyncset.done @!p0 $0x0  }
0xbf: {  	[sflag:s2] =	ssyncadd.s32 @!p0 $0xFFFFFF80  }
0xc0: {  	[spmem:s14] =	stream.indirect.scatter.add.f32 [tilespmem:s17], [sflag:$0x9], $0x40, s21, s21, $0xb8;
	[tilespmem:$0x185C0] =	vst v63  }
0xc1: {  	_ =	swait.ge [sflag:s11], $0x2000  }
0xc2: {  	[sflag:s11] =	ssyncset.done $0x0  }
0xc3: {  	s20 =	sadd.s32 $0x0, s16;
	[sflag:s11] =	ssyncadd.s32 $0xFFFFE000  }
0xc4: {  	[spmem:s1] =	stream.indirect.scatter.add.f32 [tilespmem:s25], [sflag:$0x7], $0x1, s21, s21, $0xb8;
	[tilespmem:$0x185C0] =	vst v63  }
0xc5: {  	s2 =	sadd.s32 $0x60, s20  }
0xc6: {  	[tilespmem:s26], [sflag:$0x4] =	stream.linear.gather [hbm4b:s2+s12], $0x100, $0x38;
	[tilespmem:$0x185C0] =	vst v63  }
0xc7: {  	_ =	swait.ge [sflag:s29], $0x100  }
0xc8: {  	[sflag:s29] =	ssyncset.done $0x0  }
0xc9: {  	[sflag:s29] =	ssyncadd.s32 $0xFFFFFF00  }
0xca: {  	[tilespmem:s17], [sflag:$0x5] =	stream.indirect.gather [spmem:s18], $0x40, s22, s21, $0xb8;
	[tilespmem:$0x185C0] =	vst v63  }
0xcb: {  	_ =	swait.ge [sflag:s31], $0x2000  }
0xcc: {  	[sflag:s31] =	ssyncset.done $0x0  }
0xcd: {  	[sflag:s31] =	ssyncadd.s32 $0xFFFFE000  }
0xce: {  	_ =	swait.ge [sflag:s0], $0x80  }
0xcf: {  	[sflag:s0] =	ssyncset.done $0x0  }
0xd0: {  	[sflag:s0] =	ssyncadd.s32 $0xFFFFFF80  }
0xd1: {  	[spmem:s14] =	stream.indirect.scatter.add.f32 [tilespmem:s6], [sflag:$0x9], $0x40, s3, s21, $0xb8;
	[tilespmem:$0x185C0] =	vst v63  }
0xd2: {  	_ =	swait.ge [sflag:s11], $0x2000  }
0xd3: {  	[sflag:s11] =	ssyncset.done $0x0  }
0xd4: {  	p0 =	por $0x0, $0x0;
	[sflag:s11] =	ssyncadd.s32 $0xFFFFE000  }
0xd5: {  	[spmem:s1] =	stream.indirect.scatter.add.f32 [tilespmem:s25], [sflag:$0x8], $0x1, s3, s21, $0xb8;
	[tilespmem:$0x185C0] =	vst v63  }
0xd6: {  	s4 =	simm.s32 @!p0 $0x0;
	s2 =	sadd.s32 @!p0 $0x0, s8  }
0xd7: {  	[tilespmem:s4], [sflag:$0x1] =	stream.linear.gather @!p0 [hbm4b:s2+s4], $0x100, $0x38;
	[tilespmem:$0x185C0] =	vst v63  }
0xd8: {  	_ =	swait.ge [sflag:s5], $0x100  }
0xd9: {  	[sflag:s5] =	ssyncset.done $0x0  }
0xda: {  	[sflag:s5] =	ssyncadd.s32 $0xFFFFFF00  }
0xdb: {  	[tilespmem:s6], [sflag:$0x6] =	stream.indirect.gather [spmem:s18], $0x40, s26, s21, $0xb8;
	[tilespmem:$0x185C0] =	vst v63  }
0xdc: {  	_ =	swait.ge [sflag:s24], $0x2000  }
0xdd: {  	[sflag:s24] =	ssyncset.done $0x0  }
0xde: {  	[sflag:s24] =	ssyncadd.s32 $0xFFFFE000  }
0xdf: {  	_ =	swait.ge [sflag:s7], $0x80  }
0xe0: {  	[sflag:s7] =	ssyncset.done $0x0  }
0xe1: {  	[sflag:s7] =	ssyncadd.s32 $0xFFFFFF80  }
0xe2: {  	[spmem:s14] =	stream.indirect.scatter.add.f32 [tilespmem:s17], [sflag:$0x9], $0x40, s13, s21, $0xb8;
	[tilespmem:$0x185C0] =	vst v63  }
0xe3: {  	_ =	swait.ge [sflag:s11], $0x2000  }
0xe4: {  	[sflag:s11] =	ssyncset.done $0x0  }
0xe5: {  	s2 =	sadd.s32 @!p0 $0x0, s16;
	[sflag:s11] =	ssyncadd.s32 $0xFFFFE000  }
0xe6: {  	[spmem:s1] =	stream.indirect.scatter.add.f32 [tilespmem:s25], [sflag:$0x7], $0x1, s13, s21, $0xb8;
	[tilespmem:$0x185C0] =	vst v63  }
0xe7: {  	s15 =	simm.s32 @!p0 $0x100;
	s2 =	sadd.s32 @!p0 $0xA0, s2  }
0xe8: {  	[tilespmem:s15], [sflag:$0x2] =	stream.linear.gather @!p0 [hbm4b:s2+s4], $0x100, $0x38;
	[tilespmem:$0x185C0] =	vst v63  }
0xe9: {  	s2 =	simm.s32 @!p0 $0x1  }
0xea: {  	_ =	swait.ge @!p0 [sflag:s2], $0x100  }
0xeb: {  	[sflag:s2] =	ssyncset.done @!p0 $0x0  }
0xec: {  	s15 =	simm.s32 @!p0 $0x400;
	[sflag:s2] =	ssyncadd.s32 @!p0 $0xFFFFFF00;
	s2 =	simm.s32 @!p0 $0x80  }
0xed: {  	[tilespmem:s15], [sflag:$0x5] =	stream.indirect.gather @!p0 [spmem:s18], $0x40, s4, s2, $0xb8;
	[tilespmem:$0x185C0] =	vst v63  }
0xee: {  	_ =	swait.ge [sflag:s31], $0x2000  }
0xef: {  	[sflag:s31] =	ssyncset.done $0x0  }
0xf0: {  	[sflag:s31] =	ssyncadd.s32 $0xFFFFE000  }
0xf1: {  	_ =	swait.ge [sflag:s0], $0x80  }
0xf2: {  	[sflag:s0] =	ssyncset.done $0x0  }
0xf3: {  	[sflag:s0] =	ssyncadd.s32 $0xFFFFFF80  }
0xf4: {  	[spmem:s14] =	stream.indirect.scatter.add.f32 [tilespmem:s6], [sflag:$0x9], $0x40, s28, s21, $0xb8;
	[tilespmem:$0x185C0] =	vst v63  }
0xf5: {  	_ =	swait.ge [sflag:s11], $0x2000  }
0xf6: {  	[sflag:s11] =	ssyncset.done $0x0  }
0xf7: {  	s15 =	simm.s32 $0x80;
	[sflag:s11] =	ssyncadd.s32 $0xFFFFE000  }
.LBB2_4:
0xf8: {  	[spmem:s1] =	stream.indirect.scatter.add.f32 [tilespmem:s25], [sflag:$0x8], $0x1, s28, s21, $0xb8;
	[tilespmem:$0x185C0] =	vst v63  }
0xf9: {  	s4 =	sadd.s32 s15, s9;
	s2 =	smov.u32 s15;
	s15 =	sadd.s32 $0x80, s15  }
0xfa: {  	[tilespmem:s22], [sflag:$0x3] =	stream.linear.gather [hbm4b:s4+s12], $0x100, $0x38;
	[tilespmem:$0x185C0] =	vst v63  }
0xfb: {  	p0 =	sne.s32 s15, $0xA00;
	_ =	swait.ge [sflag:s23], $0x100  }
0xfc: {  	[sflag:s23] =	ssyncset.done $0x0  }
0xfd: {  	[sflag:s23] =	ssyncadd.s32 $0xFFFFFF00  }
0xfe: {  	[tilespmem:s6], [sflag:$0x6] =	stream.indirect.gather [spmem:s18], $0x40, s10, s21, $0xb8;
	[tilespmem:$0x185C0] =	vst v63  }
0xff: {  	_ =	swait.ge [sflag:s24], $0x2000  }
0x100: {  	p1 =	seq.s32 s2, $0x0;
	[sflag:s24] =	ssyncset.done $0x0  }
0x101: {  	s4 =	simm.s32 @!p1 $0x8;
	[sflag:s24] =	ssyncadd.s32 $0xFFFFE000  }
0x102: {  	_ =	swait.ge @!p1 [sflag:s4], $0x80  }
0x103: {  	[sflag:s4] =	ssyncset.done @!p1 $0x0  }
0x104: {  	[sflag:s4] =	ssyncadd.s32 @!p1 $0xFFFFFF80  }
0x105: {  	[spmem:s14] =	stream.indirect.scatter.add.f32 [tilespmem:s17], [sflag:$0x9], $0x40, s21, s21, $0xb8;
	[tilespmem:$0x185C0] =	vst v63  }
0x106: {  	_ =	swait.ge [sflag:s11], $0x2000  }
0x107: {  	[sflag:s11] =	ssyncset.done $0x0  }
0x108: {  	s4 =	sadd.s32 s2, s16;
	[sflag:s11] =	ssyncadd.s32 $0xFFFFE000  }
0x109: {  	[spmem:s1] =	stream.indirect.scatter.add.f32 [tilespmem:s25], [sflag:$0x7], $0x1, s21, s21, $0xb8;
	[tilespmem:$0x185C0] =	vst v63  }
0x10a: {  	s4 =	sadd.s32 $0x60, s4  }
0x10b: {  	[tilespmem:s26], [sflag:$0x4] =	stream.linear.gather [hbm4b:s4+s12], $0x100, $0x38;
	[tilespmem:$0x185C0] =	vst v63  }
0x10c: {  	_ =	swait.ge [sflag:s29], $0x100  }
0x10d: {  	[sflag:s29] =	ssyncset.done $0x0  }
0x10e: {  	[sflag:s29] =	ssyncadd.s32 $0xFFFFFF00  }
0x10f: {  	[tilespmem:s17], [sflag:$0x5] =	stream.indirect.gather [spmem:s18], $0x40, s22, s21, $0xb8;
	[tilespmem:$0x185C0] =	vst v63  }
0x110: {  	_ =	swait.ge [sflag:s31], $0x2000  }
0x111: {  	[sflag:s31] =	ssyncset.done $0x0  }
0x112: {  	[sflag:s31] =	ssyncadd.s32 $0xFFFFE000  }
0x113: {  	_ =	swait.ge [sflag:s0], $0x80  }
0x114: {  	[sflag:s0] =	ssyncset.done $0x0  }
0x115: {  	[sflag:s0] =	ssyncadd.s32 $0xFFFFFF80  }
0x116: {  	[spmem:s14] =	stream.indirect.scatter.add.f32 [tilespmem:s6], [sflag:$0x9], $0x40, s3, s21, $0xb8;
	[tilespmem:$0x185C0] =	vst v63  }
0x117: {  	_ =	swait.ge [sflag:s11], $0x2000  }
0x118: {  	[sflag:s11] =	ssyncset.done $0x0  }
0x119: {  	p1 =	seq.s32 s2, $0x980;
	[sflag:s11] =	ssyncadd.s32 $0xFFFFE000  }
0x11a: {  	[spmem:s1] =	stream.indirect.scatter.add.f32 [tilespmem:s25], [sflag:$0x8], $0x1, s3, s21, $0xb8;
	[tilespmem:$0x185C0] =	vst v63  }
0x11b: {  	s19 =	simm.s32 @!p1 $0x0;
	s4 =	sadd.s32 @!p1 s2, s8;
	s2 =	sadd.s32 @!p1 s2, s16  }
0x11c: {  	[tilespmem:s19], [sflag:$0x1] =	stream.linear.gather @!p1 [hbm4b:s4+s19], $0x100, $0x38;
	[tilespmem:$0x185C0] =	vst v63  }
0x11d: {  	s2 =	sadd.s32 @!p1 $0xA0, s2;
	_ =	swait.ge [sflag:s5], $0x100  }
0x11e: {  	[sflag:s5] =	ssyncset.done $0x0  }
0x11f: {  	[sflag:s5] =	ssyncadd.s32 $0xFFFFFF00  }
0x120: {  	[tilespmem:s6], [sflag:$0x6] =	stream.indirect.gather [spmem:s18], $0x40, s26, s21, $0xb8;
	[tilespmem:$0x185C0] =	vst v63  }
0x121: {  	_ =	swait.ge [sflag:s24], $0x2000  }
0x122: {  	[sflag:s24] =	ssyncset.done $0x0  }
0x123: {  	[sflag:s24] =	ssyncadd.s32 $0xFFFFE000  }
0x124: {  	_ =	swait.ge [sflag:s7], $0x80  }
0x125: {  	[sflag:s7] =	ssyncset.done $0x0  }
0x126: {  	[sflag:s7] =	ssyncadd.s32 $0xFFFFFF80  }
0x127: {  	[spmem:s14] =	stream.indirect.scatter.add.f32 [tilespmem:s17], [sflag:$0x9], $0x40, s13, s21, $0xb8;
	[tilespmem:$0x185C0] =	vst v63  }
0x128: {  	_ =	swait.ge [sflag:s11], $0x2000  }
0x129: {  	[sflag:s11] =	ssyncset.done $0x0  }
0x12a: {  	[sflag:s11] =	ssyncadd.s32 $0xFFFFE000  }
0x12b: {  	[spmem:s1] =	stream.indirect.scatter.add.f32 [tilespmem:s25], [sflag:$0x7], $0x1, s13, s21, $0xb8;
	[tilespmem:$0x185C0] =	vst v63  }
0x12c: {  	s20 =	simm.s32 @!p1 $0x1;
	s4 =	simm.s32 @!p1 $0x100  }
0x12d: {  	[tilespmem:s4], [sflag:$0x2] =	stream.linear.gather @!p1 [hbm4b:s2+s19], $0x100, $0x38;
	[tilespmem:$0x185C0] =	vst v63  }
0x12e: {  	_ =	swait.ge @!p1 [sflag:s20], $0x100  }
0x12f: {  	[sflag:s20] =	ssyncset.done @!p1 $0x0  }
0x130: {  	s2 =	simm.s32 @!p1 $0x80;
	s4 =	simm.s32 @!p1 $0x400;
	[sflag:s20] =	ssyncadd.s32 @!p1 $0xFFFFFF00  }
0x131: {  	[tilespmem:s4], [sflag:$0x5] =	stream.indirect.gather @!p1 [spmem:s18], $0x40, s19, s2, $0xb8;
	[tilespmem:$0x185C0] =	vst v63  }
0x132: {  	_ =	swait.ge [sflag:s31], $0x2000  }
0x133: {  	[sflag:s31] =	ssyncset.done $0x0  }
0x134: {  	[sflag:s31] =	ssyncadd.s32 $0xFFFFE000  }
0x135: {  	_ =	swait.ge [sflag:s0], $0x80  }
0x136: {  	[sflag:s0] =	ssyncset.done $0x0  }
.Ltmp1:
0x137: {  	[sflag:s0] =	ssyncadd.s32 $0xFFFFFF80;
	(pc) =	sbr.rel @p0 .LBB2_4-.Ltmp1, $4  }
0x138: {  	[spmem:s14] =	stream.indirect.scatter.add.f32 [tilespmem:s6], [sflag:$0x9], $0x40, s28, s21, $0xb8;
	[tilespmem:$0x185C0] =	vst v63  }
0x139: {  	_ =	swait.ge [sflag:s11], $0x2000  }
0x13a: {  	[sflag:s11] =	ssyncset.done $0x0  }
0x13b: {  	[sflag:s11] =	ssyncadd.s32 $0xFFFFE000  }
0x13c: {  	[spmem:s1] =	stream.indirect.scatter.add.f32 [tilespmem:s25], [sflag:$0x8], $0x1, s28, s21, $0xb8;
	[tilespmem:$0x185C0] =	vst v63  }
0x13d: {  	_ =	swait.ge [sflag:s7], $0x80  }
0x13e: {  	[sflag:s7] =	ssyncset.done $0x0  }
0x13f: {  	[sflag:s7] =	ssyncadd.s32 $0xFFFFFF80  }
0x140: {  	[bflag:$0x0] =	sbarrier.arrive $0xFFFF  }
0x141: {  	s19 =	rddreg [dreg:$0x1b]  }
0x142: {  	[tilespmem:s17], [sflag:$0x9] =	stream.linear.gather [spmem:s19], $0x2000, $0x38;
	[tilespmem:$0x185C0] =	vst v63  }
0x143: {  	_ =	swait.ge [sflag:s11], $0x2000  }
0x144: {  	s15 =	rddreg [dreg:$0x13]  }
0x145: {  	[sflag:s11] =	ssyncset.done $0x0;
	s2 =	rddreg [dreg:$0x1c]  }
0x146: {  	s4 =	simm.s32 $0x0;
	[sflag:s11] =	ssyncadd.s32 $0xFFFFE000;
	s2 =	sadd.s32 s2, s15  }
0x147: {  	[hbm4b:s2+s4] =	stream.linear.scatter [tilespmem:s17], [sflag:$0x9], $0x2000, $0x38;
	[tilespmem:$0x185C0] =	vst v63  }
0x148: {  	_ =	swait.ge [sflag:s11], $0x2000  }
0x149: {  	[sflag:s11] =	ssyncset.done $0x0  }
0x14a: {  	s20 =	rddreg [dreg:$0x1d];
	[sflag:s11] =	ssyncadd.s32 $0xFFFFE000  }
0x14b: {  	[tilespmem:s17], [sflag:$0x9] =	stream.linear.gather [spmem:s20], $0x2000, $0x38;
	[tilespmem:$0x185C0] =	vst v63  }
0x14c: {  	_ =	swait.ge [sflag:s11], $0x2000  }
0x14d: {  	[sflag:s11] =	ssyncset.done $0x0;
	s2 =	rddreg [dreg:$0x1e]  }
0x14e: {  	[sflag:s11] =	ssyncadd.s32 $0xFFFFE000;
	s2 =	sadd.s32 s2, s15  }
0x14f: {  	[hbm4b:s2+s4] =	stream.linear.scatter [tilespmem:s17], [sflag:$0x9], $0x2000, $0x38;
	[tilespmem:$0x185C0] =	vst v63  }
0x150: {  	_ =	swait.ge [sflag:s11], $0x2000  }
0x151: {  	[sflag:s11] =	ssyncset.done $0x0  }
0x152: {  	s2 =	rddreg [dreg:$0x1f];
	[sflag:s11] =	ssyncadd.s32 $0xFFFFE000  }
0x153: {  	[tilespmem:s17], [sflag:$0x9] =	stream.linear.gather [spmem:s2], $0x2000, $0x38;
	[tilespmem:$0x185C0] =	vst v63  }
0x154: {  	_ =	swait.ge [sflag:s11], $0x2000  }
0x155: {  	s2 =	sld [smem:$0x7F7];
	_ =	sdelay $0x1  }
0x156: {  	[sflag:s11] =	ssyncset.done $0x0  }
0x157: {  	[sflag:s11] =	ssyncadd.s32 $0xFFFFE000;
	s2 =	sadd.s32 s2, s15  }
0x158: {  	[hbm4b:s2+s4] =	stream.linear.scatter [tilespmem:s17], [sflag:$0x9], $0x2000, $0x38;
	[tilespmem:$0x185C0] =	vst v63  }
0x159: {  	_ =	swait.ge [sflag:s11], $0x2000  }
0x15a: {  	s2 =	sld [smem:$0x7F8]  }
0x15b: {  	[sflag:s11] =	ssyncset.done $0x0  }
0x15c: {  	[sflag:s11] =	ssyncadd.s32 $0xFFFFE000  }
0x15d: {  	[tilespmem:s17], [sflag:$0x9] =	stream.linear.gather [spmem:s2], $0x2000, $0x38;
	[tilespmem:$0x185C0] =	vst v63  }
0x15e: {  	_ =	swait.ge [sflag:s11], $0x2000  }
0x15f: {  	s2 =	sld [smem:$0x7F9];
	_ =	sdelay $0x1  }
0x160: {  	[sflag:s11] =	ssyncset.done $0x0  }
0x161: {  	[sflag:s11] =	ssyncadd.s32 $0xFFFFE000;
	s2 =	sadd.s32 s2, s15  }
0x162: {  	[hbm4b:s2+s4] =	stream.linear.scatter [tilespmem:s17], [sflag:$0x9], $0x2000, $0x38;
	[tilespmem:$0x185C0] =	vst v63  }
0x163: {  	_ =	swait.ge [sflag:s11], $0x2000  }
0x164: {  	s2 =	sld [smem:$0x7FA]  }
0x165: {  	[sflag:s11] =	ssyncset.done $0x0  }
0x166: {  	[sflag:s11] =	ssyncadd.s32 $0xFFFFE000  }
0x167: {  	[tilespmem:s17], [sflag:$0x9] =	stream.linear.gather [spmem:s2], $0x2000, $0x38;
	[tilespmem:$0x185C0] =	vst v63  }
0x168: {  	_ =	swait.ge [sflag:s11], $0x2000  }
0x169: {  	s2 =	sld [smem:$0x7FB];
	_ =	sdelay $0x1  }
0x16a: {  	[sflag:s11] =	ssyncset.done $0x0  }
0x16b: {  	[sflag:s11] =	ssyncadd.s32 $0xFFFFE000;
	s2 =	sadd.s32 s2, s15  }
0x16c: {  	[hbm4b:s2+s4] =	stream.linear.scatter [tilespmem:s17], [sflag:$0x9], $0x2000, $0x38;
	[tilespmem:$0x185C0] =	vst v63  }
0x16d: {  	_ =	swait.ge [sflag:s11], $0x2000  }
0x16e: {  	[sflag:s11] =	ssyncset.done $0x0  }
0x16f: {  	s15 =	simm.s32 $0x4480;
	s2 =	rddreg [dreg:$0x15];
	[sflag:s11] =	ssyncadd.s32 $0xFFFFE000  }
0x170: {  	[tilespmem:s15], [sflag:$0x9] =	stream.linear.gather [spmem:s2], $0x280, $0x38;
	[tilespmem:$0x185C0] =	vst v63  }
0x171: {  	_ =	swait.ge [sflag:s11], $0x280  }
0x172: {  	[sflag:s11] =	ssyncset.done $0x0  }
0x173: {  	s2 =	rddreg [dreg:$0x12];
	[sflag:s11] =	ssyncadd.s32 $0xFFFFFD80  }
0x174: {  	[hbm4b:s2+s4] =	stream.linear.scatter [tilespmem:s15], [sflag:$0x9], $0x280, $0x38;
	[tilespmem:$0x185C0] =	vst v63  }
0x175: {  	_ =	swait.ge [sflag:s11], $0x280  }
0x176: {  	[sflag:s11] =	ssyncset.done $0x0  }
0x177: {  	[sflag:s11] =	ssyncadd.s32 $0xFFFFFD80  }
0x178: {  	s15 =	simm.s32 $0x100;
	s2 =	simm.s32 $0x0;
	[bflag:$0x0] =	sbarrier.arrive $0xFFFF  }
.LBB2_6:
0x179: {  	p0 =	sne.s32 s15, $0x7F00;
	[tilespmem:s2+$0x430] =	vst v1;
	s4 =	smov.u32 s15;
	s15 =	sadd.s32 $0x100, s15  }
.Ltmp2:
0x17a: {  	[tilespmem:s2+$0x420] =	vst v1;
	(pc) =	sbr.rel @p0 .LBB2_6-.Ltmp2, $3  }
0x17b: {  	[tilespmem:s2+$0x400] =	vst v1  }
0x17c: {  	[tilespmem:s2+$0x410] =	vst v1;
	_ =	sdelay $0x1  }
0x17d: {  	s2 =	sshra.s32 s4, $0x2  }
0x17e: {  	[tilespmem:s2+$0x430] =	vst v1  }
0x17f: {  	[tilespmem:s2+$0x420] =	vst v1  }
0x180: {  	[tilespmem:s2+$0x400] =	vst v1  }
0x181: {  	[tilespmem:s2+$0x410] =	vst v1  }
0x182: {  	[spmem:s19] =	stream.linear.scatter [tilespmem:s17], [sflag:$0x9], $0x2000, $0x38;
	[tilespmem:$0x185C0] =	vst v63  }
0x183: {  	_ =	swait.ge [sflag:s11], $0x2000  }
0x184: {  	[sflag:s11] =	ssyncset.done $0x0  }
0x185: {  	[sflag:s11] =	ssyncadd.s32 $0xFFFFE000  }
0x186: {  	[spmem:s20] =	stream.linear.scatter [tilespmem:s17], [sflag:$0x9], $0x2000, $0x38;
	[tilespmem:$0x185C0] =	vst v63  }
0x187: {  	_ =	swait.ge [sflag:s11], $0x2000  }
0x188: {  	[sflag:s11] =	ssyncset.done $0x0  }
0x189: {  	s19 =	rddreg [dreg:$0x1f];
	[sflag:s11] =	ssyncadd.s32 $0xFFFFE000  }
0x18a: {  	[spmem:s19] =	stream.linear.scatter [tilespmem:s17], [sflag:$0x9], $0x2000, $0x38;
	[tilespmem:$0x185C0] =	vst v63  }
0x18b: {  	_ =	swait.ge [sflag:s11], $0x2000  }
0x18c: {  	s20 =	sld [smem:$0x7F8]  }
0x18d: {  	[sflag:s11] =	ssyncset.done $0x0  }
0x18e: {  	[sflag:s11] =	ssyncadd.s32 $0xFFFFE000  }
0x18f: {  	[spmem:s20] =	stream.linear.scatter [tilespmem:s17], [sflag:$0x9], $0x2000, $0x38;
	[tilespmem:$0x185C0] =	vst v63  }
0x190: {  	_ =	swait.ge [sflag:s11], $0x2000  }
0x191: {  	s4 =	sld [smem:$0x7FA]  }
0x192: {  	[sflag:s11] =	ssyncset.done $0x0  }
0x193: {  	[sflag:s11] =	ssyncadd.s32 $0xFFFFE000  }
0x194: {  	[spmem:s4] =	stream.linear.scatter [tilespmem:s17], [sflag:$0x9], $0x2000, $0x38;
	[tilespmem:$0x185C0] =	vst v63  }
0x195: {  	_ =	swait.ge [sflag:s11], $0x2000  }
0x196: {  	[sflag:s11] =	ssyncset.done $0x0  }
0x197: {  	s2 =	simm.s32 $0x0;
	s4 =	rddreg [dreg:$0xc];
	[sflag:s11] =	ssyncadd.s32 $0xFFFFE000  }
0x198: {  	[tilespmem:s6], [sflag:$0x9] =	stream.linear.gather [hbm4b:s4+s2], $0x1F40, $0x38;
	[tilespmem:$0x185C0] =	vst v63  }
0x199: {  	_ =	swait.ge [sflag:s11], $0x1F40  }
0x19a: {  	[sflag:s11] =	ssyncset.done $0x0  }
0x19b: {  	s15 =	rddreg [dreg:$0x16];
	[sflag:s11] =	ssyncadd.s32 $0xFFFFE0C0  }
0x19c: {  	[spmem:s15] =	stream.linear.scatter [tilespmem:s6], [sflag:$0x9], $0x1F40, $0x38;
	[tilespmem:$0x185C0] =	vst v63  }
0x19d: {  	_ =	swait.ge [sflag:s11], $0x1F40  }
0x19e: {  	[sflag:s11] =	ssyncset.done $0x0  }
0x19f: {  	s19 =	rddreg [dreg:$0xd];
	[sflag:s11] =	ssyncadd.s32 $0xFFFFE0C0  }
0x1a0: {  	[tilespmem:s6], [sflag:$0x9] =	stream.linear.gather [hbm4b:s19+s2], $0x1F40, $0x38;
	[tilespmem:$0x185C0] =	vst v63  }
0x1a1: {  	_ =	swait.ge [sflag:s11], $0x1F40  }
0x1a2: {  	[sflag:s11] =	ssyncset.done $0x0  }
0x1a3: {  	s20 =	rddreg [dreg:$0x17];
	[sflag:s11] =	ssyncadd.s32 $0xFFFFE0C0  }
0x1a4: {  	[spmem:s20] =	stream.linear.scatter [tilespmem:s6], [sflag:$0x9], $0x1F40, $0x38;
	[tilespmem:$0x185C0] =	vst v63  }
0x1a5: {  	_ =	swait.ge [sflag:s11], $0x1F40  }
0x1a6: {  	[sflag:s11] =	ssyncset.done $0x0  }
0x1a7: {  	s15 =	rddreg [dreg:$0xe];
	[sflag:s11] =	ssyncadd.s32 $0xFFFFE0C0  }
0x1a8: {  	[tilespmem:s6], [sflag:$0x9] =	stream.linear.gather [hbm4b:s15+s2], $0x1F40, $0x38;
	[tilespmem:$0x185C0] =	vst v63  }
0x1a9: {  	_ =	swait.ge [sflag:s11], $0x1F40  }
0x1aa: {  	[sflag:s11] =	ssyncset.done $0x0  }
0x1ab: {  	s19 =	rddreg [dreg:$0x18];
	[sflag:s11] =	ssyncadd.s32 $0xFFFFE0C0  }
0x1ac: {  	[spmem:s19] =	stream.linear.scatter [tilespmem:s6], [sflag:$0x9], $0x1F40, $0x38;
	[tilespmem:$0x185C0] =	vst v63  }
0x1ad: {  	_ =	swait.ge [sflag:s11], $0x1F40  }
0x1ae: {  	[sflag:s11] =	ssyncset.done $0x0  }
0x1af: {  	s20 =	rddreg [dreg:$0xf];
	[sflag:s11] =	ssyncadd.s32 $0xFFFFE0C0  }
0x1b0: {  	[tilespmem:s6], [sflag:$0x9] =	stream.linear.gather [hbm4b:s20+s2], $0x1F40, $0x38;
	[tilespmem:$0x185C0] =	vst v63  }
0x1b1: {  	_ =	swait.ge [sflag:s11], $0x1F40  }
0x1b2: {  	[sflag:s11] =	ssyncset.done $0x0  }
0x1b3: {  	s15 =	rddreg [dreg:$0x19];
	[sflag:s11] =	ssyncadd.s32 $0xFFFFE0C0  }
0x1b4: {  	[spmem:s15] =	stream.linear.scatter [tilespmem:s6], [sflag:$0x9], $0x1F40, $0x38;
	[tilespmem:$0x185C0] =	vst v63  }
0x1b5: {  	_ =	swait.ge [sflag:s11], $0x1F40  }
0x1b6: {  	[sflag:s11] =	ssyncset.done $0x0  }
0x1b7: {  	s19 =	rddreg [dreg:$0x10];
	[sflag:s11] =	ssyncadd.s32 $0xFFFFE0C0  }
0x1b8: {  	[tilespmem:s6], [sflag:$0x9] =	stream.linear.gather [hbm4b:s19+s2], $0x1F40, $0x38;
	[tilespmem:$0x185C0] =	vst v63  }
0x1b9: {  	_ =	swait.ge [sflag:s11], $0x1F40  }
0x1ba: {  	[sflag:s11] =	ssyncset.done $0x0  }
0x1bb: {  	s20 =	rddreg [dreg:$0x1a];
	[sflag:s11] =	ssyncadd.s32 $0xFFFFE0C0  }
0x1bc: {  	[spmem:s20] =	stream.linear.scatter [tilespmem:s6], [sflag:$0x9], $0x1F40, $0x38;
	[tilespmem:$0x185C0] =	vst v63  }
0x1bd: {  	_ =	swait.ge [sflag:s11], $0x1F40  }
0x1be: {  	[sflag:s11] =	ssyncset.done $0x0  }
0x1bf: {  	[sflag:s11] =	ssyncadd.s32 $0xFFFFE0C0  }
0x1c0: {  	[bflag:$0x0] =	sbarrier.arrive $0xFFFF  }
0x1c1: {  	s15 =	sld [smem:$0x7FD]  }
0x1c2: {  	[tilespmem:s2], [sflag:$0x1] =	stream.linear.gather [hbm4b:s30+s2], $0x100, $0x38;
	[tilespmem:$0x185C0] =	vst v63  }
0x1c3: {  	s19 =	simm.s32 $0x1  }
0x1c4: {  	[tilespmem:s10], [sflag:$0x2] =	stream.linear.gather [hbm4b:s15+s2], $0x100, $0x38;
	[tilespmem:$0x185C0] =	vst v63  }
0x1c5: {  	_ =	swait.ge [sflag:s19], $0x100  }
0x1c6: {  	[sflag:s19] =	ssyncset.done $0x0  }
0x1c7: {  	[sflag:s19] =	ssyncadd.s32 $0xFFFFFF00  }
0x1c8: {  	[tilespmem:s17], [sflag:$0x5] =	stream.indirect.gather [spmem:s18], $0x40, s2, s21, $0xb8;
	[tilespmem:$0x185C0] =	vst v63  }
0x1c9: {  	s20 =	sadd.s32 $0x0, s9  }
0x1ca: {  	[tilespmem:s22], [sflag:$0x3] =	stream.linear.gather [hbm4b:s20+s12], $0x100, $0x38;
	[tilespmem:$0x185C0] =	vst v63  }
0x1cb: {  	_ =	swait.ge [sflag:s23], $0x100  }
0x1cc: {  	[sflag:s23] =	ssyncset.done $0x0  }
0x1cd: {  	[sflag:s23] =	ssyncadd.s32 $0xFFFFFF00  }
0x1ce: {  	[tilespmem:s6], [sflag:$0x6] =	stream.indirect.gather [spmem:s18], $0x40, s10, s21, $0xb8;
	[tilespmem:$0x185C0] =	vst v63  }
0x1cf: {  	_ =	swait.ge [sflag:s24], $0x2000  }
0x1d0: {  	[sflag:s24] =	ssyncset.done $0x0  }
0x1d1: {  	[sflag:s24] =	ssyncadd.s32 $0xFFFFE000  }
0x1d2: {  	[spmem:s14] =	stream.indirect.scatter.add.f32 [tilespmem:s17], [sflag:$0x9], $0x40, s21, s21, $0xb8;
	[tilespmem:$0x185C0] =	vst v63  }
0x1d3: {  	_ =	swait.ge [sflag:s11], $0x2000  }
0x1d4: {  	s30 =	sadd.s32 $0x0, s16;
	[sflag:s11] =	ssyncset.done $0x0  }
0x1d5: {  	s2 =	sadd.s32 $0x60, s30;
	[sflag:s11] =	ssyncadd.s32 $0xFFFFE000  }
0x1d6: {  	[tilespmem:s26], [sflag:$0x4] =	stream.linear.gather [hbm4b:s2+s12], $0x100, $0x38;
	[tilespmem:$0x185C0] =	vst v63  }
0x1d7: {  	_ =	swait.ge [sflag:s29], $0x100  }
0x1d8: {  	[sflag:s29] =	ssyncset.done $0x0  }
0x1d9: {  	[sflag:s29] =	ssyncadd.s32 $0xFFFFFF00  }
0x1da: {  	[tilespmem:s17], [sflag:$0x5] =	stream.indirect.gather [spmem:s18], $0x40, s22, s21, $0xb8;
	[tilespmem:$0x185C0] =	vst v63  }
0x1db: {  	_ =	swait.ge [sflag:s31], $0x2000  }
0x1dc: {  	[sflag:s31] =	ssyncset.done $0x0  }
0x1dd: {  	[sflag:s31] =	ssyncadd.s32 $0xFFFFE000  }
0x1de: {  	[spmem:s14] =	stream.indirect.scatter.add.f32 [tilespmem:s6], [sflag:$0x9], $0x40, s3, s21, $0xb8;
	[tilespmem:$0x185C0] =	vst v63  }
0x1df: {  	_ =	swait.ge [sflag:s11], $0x2000  }
0x1e0: {  	p0 =	por $0x0, $0x0;
	[sflag:s11] =	ssyncset.done $0x0  }
0x1e1: {  	s4 =	simm.s32 @!p0 $0x0;
	s2 =	sadd.s32 @!p0 $0x0, s8;
	[sflag:s11] =	ssyncadd.s32 $0xFFFFE000  }
0x1e2: {  	[tilespmem:s4], [sflag:$0x1] =	stream.linear.gather @!p0 [hbm4b:s2+s4], $0x100, $0x38;
	[tilespmem:$0x185C0] =	vst v63  }
0x1e3: {  	_ =	swait.ge [sflag:s5], $0x100  }
0x1e4: {  	[sflag:s5] =	ssyncset.done $0x0  }
0x1e5: {  	[sflag:s5] =	ssyncadd.s32 $0xFFFFFF00  }
0x1e6: {  	[tilespmem:s6], [sflag:$0x6] =	stream.indirect.gather [spmem:s18], $0x40, s26, s21, $0xb8;
	[tilespmem:$0x185C0] =	vst v63  }
0x1e7: {  	_ =	swait.ge [sflag:s24], $0x2000  }
0x1e8: {  	[sflag:s24] =	ssyncset.done $0x0  }
0x1e9: {  	[sflag:s24] =	ssyncadd.s32 $0xFFFFE000  }
0x1ea: {  	[spmem:s14] =	stream.indirect.scatter.add.f32 [tilespmem:s17], [sflag:$0x9], $0x40, s13, s21, $0xb8;
	[tilespmem:$0x185C0] =	vst v63  }
0x1eb: {  	_ =	swait.ge [sflag:s11], $0x2000  }
0x1ec: {  	s2 =	sadd.s32 @!p0 $0x0, s16;
	[sflag:s11] =	ssyncset.done $0x0  }
0x1ed: {  	s15 =	simm.s32 @!p0 $0x100;
	s2 =	sadd.s32 @!p0 $0xA0, s2;
	[sflag:s11] =	ssyncadd.s32 $0xFFFFE000  }
0x1ee: {  	[tilespmem:s15], [sflag:$0x2] =	stream.linear.gather @!p0 [hbm4b:s2+s4], $0x100, $0x38;
	[tilespmem:$0x185C0] =	vst v63  }
0x1ef: {  	s2 =	simm.s32 @!p0 $0x1  }
0x1f0: {  	_ =	swait.ge @!p0 [sflag:s2], $0x100  }
0x1f1: {  	[sflag:s2] =	ssyncset.done @!p0 $0x0  }
0x1f2: {  	s15 =	simm.s32 @!p0 $0x400;
	[sflag:s2] =	ssyncadd.s32 @!p0 $0xFFFFFF00;
	s2 =	simm.s32 @!p0 $0x80  }
0x1f3: {  	[tilespmem:s15], [sflag:$0x5] =	stream.indirect.gather @!p0 [spmem:s18], $0x40, s4, s2, $0xb8;
	[tilespmem:$0x185C0] =	vst v63  }
0x1f4: {  	_ =	swait.ge [sflag:s31], $0x2000  }
0x1f5: {  	[sflag:s31] =	ssyncset.done $0x0  }
0x1f6: {  	[sflag:s31] =	ssyncadd.s32 $0xFFFFE000  }
0x1f7: {  	[spmem:s14] =	stream.indirect.scatter.add.f32 [tilespmem:s6], [sflag:$0x9], $0x40, s28, s21, $0xb8;
	[tilespmem:$0x185C0] =	vst v63  }
0x1f8: {  	_ =	swait.ge [sflag:s11], $0x2000  }
0x1f9: {  	s15 =	simm.s32 $0x80;
	s2 =	simm.s32 $0x100;
	[sflag:s11] =	ssyncset.done $0x0  }
.LBB2_8:
0x1fa: {  	s4 =	sadd.s32 s15, s9  }
0x1fb: {  	[sflag:s11] =	ssyncadd.s32 $0xFFFFE000;
	s19 =	smov.u32 s2;
	s2 =	sadd.s32 $0x80, s2  }
0x1fc: {  	[tilespmem:s22], [sflag:$0x3] =	stream.linear.gather [hbm4b:s4+s12], $0x100, $0x38;
	[tilespmem:$0x185C0] =	vst v63  }
0x1fd: {  	p0 =	sne.s32 s2, $0xA00;
	_ =	swait.ge [sflag:s23], $0x100  }
0x1fe: {  	[sflag:s23] =	ssyncset.done $0x0  }
0x1ff: {  	[sflag:s23] =	ssyncadd.s32 $0xFFFFFF00  }
0x200: {  	[tilespmem:s6], [sflag:$0x6] =	stream.indirect.gather [spmem:s18], $0x40, s10, s21, $0xb8;
	[tilespmem:$0x185C0] =	vst v63  }
0x201: {  	_ =	swait.ge [sflag:s24], $0x2000  }
0x202: {  	[sflag:s24] =	ssyncset.done $0x0  }
0x203: {  	[sflag:s24] =	ssyncadd.s32 $0xFFFFE000  }
0x204: {  	[spmem:s14] =	stream.indirect.scatter.add.f32 [tilespmem:s17], [sflag:$0x9], $0x40, s21, s21, $0xb8;
	[tilespmem:$0x185C0] =	vst v63  }
0x205: {  	_ =	swait.ge [sflag:s11], $0x2000  }
0x206: {  	s4 =	sadd.s32 s15, s16;
	[sflag:s11] =	ssyncset.done $0x0  }
0x207: {  	s4 =	sadd.s32 $0x60, s4;
	[sflag:s11] =	ssyncadd.s32 $0xFFFFE000  }
0x208: {  	[tilespmem:s26], [sflag:$0x4] =	stream.linear.gather [hbm4b:s4+s12], $0x100, $0x38;
	[tilespmem:$0x185C0] =	vst v63  }
0x209: {  	_ =	swait.ge [sflag:s29], $0x100  }
0x20a: {  	[sflag:s29] =	ssyncset.done $0x0  }
0x20b: {  	[sflag:s29] =	ssyncadd.s32 $0xFFFFFF00  }
0x20c: {  	[tilespmem:s17], [sflag:$0x5] =	stream.indirect.gather [spmem:s18], $0x40, s22, s21, $0xb8;
	[tilespmem:$0x185C0] =	vst v63  }
0x20d: {  	_ =	swait.ge [sflag:s31], $0x2000  }
0x20e: {  	[sflag:s31] =	ssyncset.done $0x0  }
0x20f: {  	[sflag:s31] =	ssyncadd.s32 $0xFFFFE000  }
0x210: {  	[spmem:s14] =	stream.indirect.scatter.add.f32 [tilespmem:s6], [sflag:$0x9], $0x40, s3, s21, $0xb8;
	[tilespmem:$0x185C0] =	vst v63  }
0x211: {  	_ =	swait.ge [sflag:s11], $0x2000  }
0x212: {  	p1 =	seq.s32 s15, $0x980;
	[sflag:s11] =	ssyncset.done $0x0  }
0x213: {  	s20 =	simm.s32 @!p1 $0x0;
	s4 =	sadd.s32 @!p1 s15, s8;
	[sflag:s11] =	ssyncadd.s32 $0xFFFFE000  }
0x214: {  	[tilespmem:s20], [sflag:$0x1] =	stream.linear.gather @!p1 [hbm4b:s4+s20], $0x100, $0x38;
	[tilespmem:$0x185C0] =	vst v63  }
0x215: {  	s4 =	sadd.s32 @!p1 s15, s16;
	s15 =	smov.u32 s19;
	_ =	swait.ge [sflag:s5], $0x100  }
0x216: {  	s4 =	sadd.s32 @!p1 $0xA0, s4;
	[sflag:s5] =	ssyncset.done $0x0  }
0x217: {  	[sflag:s5] =	ssyncadd.s32 $0xFFFFFF00  }
0x218: {  	[tilespmem:s6], [sflag:$0x6] =	stream.indirect.gather [spmem:s18], $0x40, s26, s21, $0xb8;
	[tilespmem:$0x185C0] =	vst v63  }
0x219: {  	_ =	swait.ge [sflag:s24], $0x2000  }
0x21a: {  	[sflag:s24] =	ssyncset.done $0x0  }
0x21b: {  	[sflag:s24] =	ssyncadd.s32 $0xFFFFE000  }
0x21c: {  	[spmem:s14] =	stream.indirect.scatter.add.f32 [tilespmem:s17], [sflag:$0x9], $0x40, s13, s21, $0xb8;
	[tilespmem:$0x185C0] =	vst v63  }
0x21d: {  	_ =	swait.ge [sflag:s11], $0x2000  }
0x21e: {  	[sflag:s11] =	ssyncset.done $0x0  }
0x21f: {  	s30 =	simm.s32 @!p1 $0x1;
	s19 =	simm.s32 @!p1 $0x100;
	[sflag:s11] =	ssyncadd.s32 $0xFFFFE000  }
0x220: {  	[tilespmem:s19], [sflag:$0x2] =	stream.linear.gather @!p1 [hbm4b:s4+s20], $0x100, $0x38;
	[tilespmem:$0x185C0] =	vst v63  }
0x221: {  	_ =	swait.ge @!p1 [sflag:s30], $0x100  }
0x222: {  	[sflag:s30] =	ssyncset.done @!p1 $0x0  }
0x223: {  	s4 =	simm.s32 @!p1 $0x80;
	s19 =	simm.s32 @!p1 $0x400;
	[sflag:s30] =	ssyncadd.s32 @!p1 $0xFFFFFF00  }
0x224: {  	[tilespmem:s19], [sflag:$0x5] =	stream.indirect.gather @!p1 [spmem:s18], $0x40, s20, s4, $0xb8;
	[tilespmem:$0x185C0] =	vst v63  }
0x225: {  	_ =	swait.ge [sflag:s31], $0x2000  }
.Ltmp3:
0x226: {  	[sflag:s31] =	ssyncset.done $0x0;
	(pc) =	sbr.rel @p0 .LBB2_8-.Ltmp3, $4  }
0x227: {  	[sflag:s31] =	ssyncadd.s32 $0xFFFFE000  }
0x228: {  	[spmem:s14] =	stream.indirect.scatter.add.f32 [tilespmem:s6], [sflag:$0x9], $0x40, s28, s21, $0xb8;
	[tilespmem:$0x185C0] =	vst v63  }
0x229: {  	_ =	swait.ge [sflag:s11], $0x2000  }
0x22a: {  	[sflag:s11] =	ssyncset.done $0x0  }
0x22b: {  	s2 =	sadd.s32 s15, s9;
	[sflag:s11] =	ssyncadd.s32 $0xFFFFE000  }
0x22c: {  	[tilespmem:s22], [sflag:$0x3] =	stream.linear.gather [hbm4b:s2+s12], $0x100, $0x38;
	[tilespmem:$0x185C0] =	vst v63  }
0x22d: {  	_ =	swait.ge [sflag:s23], $0x100  }
0x22e: {  	[sflag:s23] =	ssyncset.done $0x0  }
0x22f: {  	[sflag:s23] =	ssyncadd.s32 $0xFFFFFF00  }
0x230: {  	[tilespmem:s6], [sflag:$0x6] =	stream.indirect.gather [spmem:s18], $0x40, s10, s21, $0xb8;
	[tilespmem:$0x185C0] =	vst v63  }
0x231: {  	_ =	swait.ge [sflag:s24], $0x2000  }
0x232: {  	[sflag:s24] =	ssyncset.done $0x0  }
0x233: {  	[sflag:s24] =	ssyncadd.s32 $0xFFFFE000  }
0x234: {  	[spmem:s14] =	stream.indirect.scatter.add.f32 [tilespmem:s17], [sflag:$0x9], $0x40, s21, s21, $0xb8;
	[tilespmem:$0x185C0] =	vst v63  }
0x235: {  	_ =	swait.ge [sflag:s11], $0x2000  }
0x236: {  	s19 =	sadd.s32 s15, s16;
	[sflag:s11] =	ssyncset.done $0x0  }
0x237: {  	s2 =	sadd.s32 $0x60, s19;
	[sflag:s11] =	ssyncadd.s32 $0xFFFFE000  }
0x238: {  	[tilespmem:s26], [sflag:$0x4] =	stream.linear.gather [hbm4b:s2+s12], $0x100, $0x38;
	[tilespmem:$0x185C0] =	vst v63  }
0x239: {  	_ =	swait.ge [sflag:s29], $0x100  }
0x23a: {  	[sflag:s29] =	ssyncset.done $0x0  }
0x23b: {  	[sflag:s29] =	ssyncadd.s32 $0xFFFFFF00  }
0x23c: {  	[tilespmem:s17], [sflag:$0x5] =	stream.indirect.gather [spmem:s18], $0x40, s22, s21, $0xb8;
	[tilespmem:$0x185C0] =	vst v63  }
0x23d: {  	_ =	swait.ge [sflag:s31], $0x2000  }
0x23e: {  	[sflag:s31] =	ssyncset.done $0x0  }
0x23f: {  	[sflag:s31] =	ssyncadd.s32 $0xFFFFE000  }
0x240: {  	[spmem:s14] =	stream.indirect.scatter.add.f32 [tilespmem:s6], [sflag:$0x9], $0x40, s3, s21, $0xb8;
	[tilespmem:$0x185C0] =	vst v63  }
0x241: {  	_ =	swait.ge [sflag:s11], $0x2000  }
0x242: {  	p0 =	seq.s32 s15, $0x980;
	[sflag:s11] =	ssyncset.done $0x0  }
0x243: {  	s4 =	simm.s32 @!p0 $0x0;
	s2 =	sadd.s32 @!p0 s15, s8;
	[sflag:s11] =	ssyncadd.s32 $0xFFFFE000  }
0x244: {  	[tilespmem:s4], [sflag:$0x1] =	stream.linear.gather @!p0 [hbm4b:s2+s4], $0x100, $0x38;
	[tilespmem:$0x185C0] =	vst v63  }
0x245: {  	_ =	swait.ge [sflag:s5], $0x100  }
0x246: {  	[sflag:s5] =	ssyncset.done $0x0  }
0x247: {  	[sflag:s5] =	ssyncadd.s32 $0xFFFFFF00  }
0x248: {  	[tilespmem:s6], [sflag:$0x6] =	stream.indirect.gather [spmem:s18], $0x40, s26, s21, $0xb8;
	[tilespmem:$0x185C0] =	vst v63  }
0x249: {  	_ =	swait.ge [sflag:s24], $0x2000  }
0x24a: {  	[sflag:s24] =	ssyncset.done $0x0  }
0x24b: {  	[sflag:s24] =	ssyncadd.s32 $0xFFFFE000  }
0x24c: {  	[spmem:s14] =	stream.indirect.scatter.add.f32 [tilespmem:s17], [sflag:$0x9], $0x40, s13, s21, $0xb8;
	[tilespmem:$0x185C0] =	vst v63  }
0x24d: {  	_ =	swait.ge [sflag:s11], $0x2000  }
0x24e: {  	s2 =	sadd.s32 @!p0 s15, s16;
	[sflag:s11] =	ssyncset.done $0x0  }
0x24f: {  	s15 =	simm.s32 @!p0 $0x100;
	s2 =	sadd.s32 @!p0 $0xA0, s2;
	[sflag:s11] =	ssyncadd.s32 $0xFFFFE000  }
0x250: {  	[tilespmem:s15], [sflag:$0x2] =	stream.linear.gather @!p0 [hbm4b:s2+s4], $0x100, $0x38;
	[tilespmem:$0x185C0] =	vst v63  }
0x251: {  	s2 =	simm.s32 @!p0 $0x1  }
0x252: {  	_ =	swait.ge @!p0 [sflag:s2], $0x100  }
0x253: {  	[sflag:s2] =	ssyncset.done @!p0 $0x0  }
0x254: {  	s15 =	simm.s32 @!p0 $0x400;
	[sflag:s2] =	ssyncadd.s32 @!p0 $0xFFFFFF00;
	s2 =	simm.s32 @!p0 $0x80  }
0x255: {  	[tilespmem:s15], [sflag:$0x5] =	stream.indirect.gather @!p0 [spmem:s18], $0x40, s4, s2, $0xb8;
	[tilespmem:$0x185C0] =	vst v63  }
0x256: {  	_ =	swait.ge [sflag:s31], $0x2000  }
0x257: {  	[sflag:s31] =	ssyncset.done $0x0  }
0x258: {  	[sflag:s31] =	ssyncadd.s32 $0xFFFFE000  }
0x259: {  	[spmem:s14] =	stream.indirect.scatter.add.f32 [tilespmem:s6], [sflag:$0x9], $0x40, s28, s21, $0xb8;
	[tilespmem:$0x185C0] =	vst v63  }
0x25a: {  	_ =	swait.ge [sflag:s11], $0x2000  }
0x25b: {  	[sflag:s11] =	ssyncset.done $0x0  }
0x25c: {  	[sflag:s11] =	ssyncadd.s32 $0xFFFFE000  }
0x25d: {  	[bflag:$0x0] =	sbarrier.arrive $0xFFFF  }
0x25e: {  	s19 =	rddreg [dreg:$0x1b]  }
0x25f: {  	[tilespmem:s17], [sflag:$0x9] =	stream.linear.gather [spmem:s19], $0x2000, $0x38;
	[tilespmem:$0x185C0] =	vst v63  }
0x260: {  	_ =	swait.ge [sflag:s11], $0x2000  }
0x261: {  	s4 =	rddreg [dreg:$0x14]  }
0x262: {  	[sflag:s11] =	ssyncset.done $0x0;
	s20 =	rddreg [dreg:$0x1c]  }
0x263: {  	[sflag:s11] =	ssyncadd.s32 $0xFFFFE000;
	s2 =	sadd.s32 s20, s4  }
0x264: {  	[hbm4b:s2+s12] =	stream.linear.scatter [tilespmem:s17], [sflag:$0x9], $0x2000, $0x38;
	[tilespmem:$0x185C0] =	vst v63  }
0x265: {  	_ =	swait.ge [sflag:s11], $0x2000  }
0x266: {  	[sflag:s11] =	ssyncset.done $0x0  }
0x267: {  	s20 =	rddreg [dreg:$0x1d];
	[sflag:s11] =	ssyncadd.s32 $0xFFFFE000  }
0x268: {  	[tilespmem:s17], [sflag:$0x9] =	stream.linear.gather [spmem:s20], $0x2000, $0x38;
	[tilespmem:$0x185C0] =	vst v63  }
0x269: {  	_ =	swait.ge [sflag:s11], $0x2000  }
0x26a: {  	[sflag:s11] =	ssyncset.done $0x0;
	s15 =	rddreg [dreg:$0x1e]  }
0x26b: {  	[sflag:s11] =	ssyncadd.s32 $0xFFFFE000;
	s2 =	sadd.s32 s15, s4  }
0x26c: {  	[hbm4b:s2+s12] =	stream.linear.scatter [tilespmem:s17], [sflag:$0x9], $0x2000, $0x38;
	[tilespmem:$0x185C0] =	vst v63  }
0x26d: {  	_ =	swait.ge [sflag:s11], $0x2000  }
0x26e: {  	[sflag:s11] =	ssyncset.done $0x0  }
0x26f: {  	s15 =	rddreg [dreg:$0x1f];
	[sflag:s11] =	ssyncadd.s32 $0xFFFFE000  }
0x270: {  	[tilespmem:s17], [sflag:$0x9] =	stream.linear.gather [spmem:s15], $0x2000, $0x38;
	[tilespmem:$0x185C0] =	vst v63  }
0x271: {  	_ =	swait.ge [sflag:s11], $0x2000  }
0x272: {  	s15 =	sld [smem:$0x7F7];
	_ =	sdelay $0x1  }
0x273: {  	[sflag:s11] =	ssyncset.done $0x0  }
0x274: {  	[sflag:s11] =	ssyncadd.s32 $0xFFFFE000;
	s2 =	sadd.s32 s15, s4  }
0x275: {  	[hbm4b:s2+s12] =	stream.linear.scatter [tilespmem:s17], [sflag:$0x9], $0x2000, $0x38;
	[tilespmem:$0x185C0] =	vst v63  }
0x276: {  	_ =	swait.ge [sflag:s11], $0x2000  }
0x277: {  	s15 =	sld [smem:$0x7F8]  }
0x278: {  	[sflag:s11] =	ssyncset.done $0x0  }
0x279: {  	[sflag:s11] =	ssyncadd.s32 $0xFFFFE000  }
0x27a: {  	[tilespmem:s17], [sflag:$0x9] =	stream.linear.gather [spmem:s15], $0x2000, $0x38;
	[tilespmem:$0x185C0] =	vst v63  }
0x27b: {  	_ =	swait.ge [sflag:s11], $0x2000  }
0x27c: {  	s15 =	sld [smem:$0x7F9];
	_ =	sdelay $0x1  }
0x27d: {  	[sflag:s11] =	ssyncset.done $0x0  }
0x27e: {  	[sflag:s11] =	ssyncadd.s32 $0xFFFFE000;
	s2 =	sadd.s32 s15, s4  }
0x27f: {  	[hbm4b:s2+s12] =	stream.linear.scatter [tilespmem:s17], [sflag:$0x9], $0x2000, $0x38;
	[tilespmem:$0x185C0] =	vst v63  }
0x280: {  	_ =	swait.ge [sflag:s11], $0x2000  }
0x281: {  	s15 =	sld [smem:$0x7FA]  }
0x282: {  	[sflag:s11] =	ssyncset.done $0x0  }
0x283: {  	[sflag:s11] =	ssyncadd.s32 $0xFFFFE000  }
0x284: {  	[tilespmem:s17], [sflag:$0x9] =	stream.linear.gather [spmem:s15], $0x2000, $0x38;
	[tilespmem:$0x185C0] =	vst v63  }
0x285: {  	_ =	swait.ge [sflag:s11], $0x2000  }
0x286: {  	s15 =	sld [smem:$0x7FB];
	_ =	sdelay $0x1  }
0x287: {  	[sflag:s11] =	ssyncset.done $0x0  }
0x288: {  	[sflag:s11] =	ssyncadd.s32 $0xFFFFE000;
	s2 =	sadd.s32 s15, s4  }
0x289: {  	[hbm4b:s2+s12] =	stream.linear.scatter [tilespmem:s17], [sflag:$0x9], $0x2000, $0x38;
	[tilespmem:$0x185C0] =	vst v63  }
0x28a: {  	_ =	swait.ge [sflag:s11], $0x2000  }
0x28b: {  	s2 =	sld [smem:$0x7F6]  }
0x28c: {  	s15 =	sld [smem:$0x7FC];
	_ =	sdelay $0x1  }
0x28d: {  	s4 =	sadd.s32 $0x1, s2  }
0x28e: {  	p0 =	sne.s32 s4, s15  }
.Ltmp4:
0x28f: {  	_ = 	snop;
	(pc) =	sbr.rel @p0 .LBB2_1-.Ltmp4, $3  }
0x290: {  	_ =	sdelay $0x1  }
0x291: {  	[sflag:s11] =	ssyncset.done $0x0  }
0x292: {  	s30 =	rddreg [dreg:$0x11];
	[sflag:s11] =	ssyncadd.s32 $0xFFFFE000  }
0x293: {  	_ =	sfence.sel $0x180000  }
0x294: {  	[bflag:$0x0] =	sbarrier.arrive $0xFFFF  }
0x295: {  	_ =	strace $0x90000047  }
0x296: {  	s0 =	stileid.u32;
	[bflag:$0x2] =	sbarrier.arrive $0xFFFF  }
0x297: {  	p0 =	sne.s32 s0, $0x0;
	s0 =	rddreg [dreg:$0x6]  }
0x298: {  	s0 =	sadd.s32 @!p0 $0x100000, s0  }
0x299: {  	[sflag:s0] =	ssyncadd.tile.s32 @!p0 $0x1;
	_ =	shalt  }
.Lfunc_end2:
_tile_overlayer_lowered:
.L_overlay_start_2:
0x29a: {  	(tag) =	ssettag $0x2  }
0x29b: {  	s0 =	rddreg [dreg:$0x0];
	s2 =	stileid.u32  }
0x29c: {  	s1 =	rddreg [dreg:$0x1];
	p0 =	sne.s32 s2, $0x0  }
0x29d: {  	s3 =	rddreg [dreg:$0x2];
	[bflag:$0x3] =	sbarrier.arrive $0xFFFF;
	s2 =	simm.s32 @!p0 $0x1C09  }
0x29e: {  	[timem:s3], [sflag:s2] =	dma.local @!p0 [hbm:s0], s1  }
0x29f: {  	s0 =	simm.s32 @!p0 $0x9  }
0x2a0: {  	_ =	swait.ge @!p0 [sflag:s0], s1  }
0x2a1: {  	s1 =	ssub.s32 @!p0 $0x0, s1;
	[sflag:s0] =	ssyncset.done @!p0 $0x0  }
0x2a2: {  	[sflag:s0] =	ssyncadd.s32 @!p0 s1  }
0x2a3: {  	[bflag:$0x3] =	sbarrier.arrive $0xFFFF  }
0x2a4: {  	_ =	shalt  }

</sc_bundles>
